<compile_context>
chip_gen: v7x
topology: tpu7x:2x2x1
jax: 0.10.2.dev20260603
libtpu: 0.0.44.dev20260713+nightly
codegen_flags: <defaults>
</compile_context>

<pallas_src>
import functools

import jax
import jax.numpy as jnp
import numpy as np
from jax import lax
from jax.experimental import pallas as pl
from jax.experimental.pallas import tpu as pltpu
from jax.experimental.pallas import tpu_sc as plsc

NCLS = 64
NSAMP = 16
DOWN = 32
NB = 8
HW = 512
GB = HW // DOWN
D = GB * GB


def _z_consts():
    k1, k2 = jax.random.split(jax.random.key(42))
    zex, zne = [], []
    for k in (k1, k2):
        u = jax.random.uniform(k, (NB, NCLS), minval=1e-20, maxval=1.0)
        g = -jnp.log(-jnp.log(u))
        zex.append(jnp.log(jnp.float32(1.0) + 1e-11) + g)
        zne.append(jnp.log(jnp.float32(0.0) + 1e-11) + g)
    return jnp.stack(zex), jnp.stack(zne)


_INV_TABLE = np.ones((272,), np.float32)
_INV_TABLE[1:257] = (np.float32(1.0) / np.arange(1, 257)).astype(np.float32)


def _body(m1_hbm, m2_hbm, zex_hbm, zne_hbm, inv_hbm,
          sm_hbm, ids_hbm,
          pixa, pixb, sem0, sem1, hist, area16, areaout, winners, winhi,
          areanb, zexv, znev, cls2slot, clsinv, idxbuf, outbuf, areamg,
          invtab, shared):
    c = lax.axis_index("c")
    s = lax.axis_index("s")
    b = s // 2
    h = s % 2
    iota = lax.iota(jnp.int32, 16)
    iota64 = iota * 64
    ones_i = jnp.ones((16,), jnp.int32)
    zero16i = jnp.zeros((16,), jnp.int32)
    zero16f = jnp.zeros((16,), jnp.float32)

    @plsc.parallel_loop(0, 64, unroll=4)
    def _zero(k):
        hist[pl.ds(k * 16, 16)] = zero16i
        area16[pl.ds(k * 16, 16)] = zero16i

    @plsc.parallel_loop(0, 256, unroll=4)
    def _zero_out(q):
        outbuf[pl.ds(q * 16, 16)] = zero16f

    pltpu.sync_copy(zex_hbm.at[c, b], zexv)
    pltpu.sync_copy(zne_hbm.at[c, b], znev)

    bh0 = h * 8

    iota32 = iota * 32
    RBW = 32 * HW
    cbase = c * RBW

    def _start(rb, buf, sem):
        row0 = (bh0 + rb) * 32
        cp1 = pltpu.async_copy(m1_hbm.at[b, pl.ds(row0 * HW, RBW)],
                               buf.at[pl.ds(0, RBW)], sem)
        cp2 = pltpu.async_copy(m2_hbm.at[b, pl.ds(row0 * HW, RBW)],
                               buf.at[pl.ds(RBW, RBW)], sem)
        return cp1, cp2

    bufs = (pixa, pixb)
    sems = (sem0, sem1)
    pending = _start(0, pixa, sem0)
    for rb in range(GB // 2):
        cur = bufs[rb % 2]
        nxt = None
        if rb + 1 < GB // 2:
            nxt = _start(rb + 1, bufs[(rb + 1) % 2], sems[(rb + 1) % 2])
        with jax.named_scope("dmawait"):
            pending[0].wait()
            pending[1].wait()

        with jax.named_scope("pix"):
            @plsc.parallel_loop(0, 1024, unroll=8)
            def pixloop(i, _cur=cur):
                base = cbase + i + (i >> 5) * (HW - 32)
                pv = plsc.load_gather(_cur, [iota32 + base])
                plsc.addupdate_scatter(hist, [pv * 16 + iota], ones_i)

        with jax.named_scope("amax"):
            @plsc.parallel_loop(
                0, 64, carry=(jnp.full((16,), -1, jnp.int32),
                              jnp.zeros((16,), jnp.int32)))
            def clsloop(cls, carry):
                cm, ca = carry
                hv = hist[pl.ds(cls * 16, 16)]
                hist[pl.ds(cls * 16, 16)] = zero16i
                take = hv > cm
                cm = jnp.where(take, hv, cm)
                ca = jnp.where(take, cls, ca)
                return (cm, ca)
            _, ca = clsloop

        winners[pl.ds(rb * 16, 16)] = ca
        plsc.addupdate_scatter(area16, [iota64 + ca], ones_i)
        pending = nxt

    area_chunks = []
    for k in range(4):
        def red(l, acc, _k=k):
            return acc + area16[pl.ds(l * 64 + _k * 16, 16)]
        acc = lax.fori_loop(0, 16, red, zero16i)
        areaout[pl.ds(k * 16, 16)] = acc
        area_chunks.append(acc)

    pltpu.sync_copy(winners, shared.at[pl.ds(s * 192, 128)])
    pltpu.sync_copy(areaout, shared.at[pl.ds(s * 192 + 128, 64)])
    plsc.subcore_barrier()

    @pl.when(h == 0)
    def _stage2():
        pltpu.sync_copy(shared.at[pl.ds((s + 1) * 192, 128)], winhi)
        pltpu.sync_copy(shared.at[pl.ds((s + 1) * 192 + 128, 64)], areanb)

        pltpu.sync_copy(inv_hbm, invtab)

        zs = []
        for k in range(4):
            am = area_chunks[k] + areanb[pl.ds(k * 16, 16)]
            areamg[pl.ds(k * 16, 16)] = am
            ex = am > 0
            zk = jnp.where(ex, zexv[pl.ds(k * 16, 16)], znev[pl.ds(k * 16, 16)])
            zs.append(zk)

        NEG = jnp.float32(-3.0e38)
        BIGI = jnp.int32(1 << 20)
        idxsel = zero16i
        for t in range(16):
            gm = jnp.maximum(jnp.maximum(jnp.max(zs[0]), jnp.max(zs[1])),
                             jnp.maximum(jnp.max(zs[2]), jnp.max(zs[3])))
            cands = [jnp.min(jnp.where(zs[k] == gm, iota + 16 * k, BIGI))
                     for k in range(4)]
            sel = jnp.minimum(jnp.minimum(cands[0], cands[1]),
                              jnp.minimum(cands[2], cands[3]))
            idxsel = jnp.where(iota == t, sel, idxsel)
            zs = [jnp.where(iota + 16 * k == sel, NEG, zs[k]) for k in range(4)]

        asel = plsc.load_gather(areamg, [idxsel])
        invsel = plsc.load_gather(invtab, [jnp.maximum(asel, 1)])

        neg1 = jnp.full((16,), -1, jnp.int32)
        for k in range(4):
            cls2slot[pl.ds(k * 16, 16)] = neg1
            clsinv[pl.ds(k * 16, 16)] = zero16f
        plsc.store_scatter(cls2slot, [idxsel], iota)
        plsc.store_scatter(clsinv, [idxsel], invsel)

        for j in range(16):
            if j < 8:
                wv = winners[pl.ds(j * 16, 16)]
            else:
                wv = winhi[pl.ds((j - 8) * 16, 16)]
            slot = plsc.load_gather(cls2slot, [wv])
            val = plsc.load_gather(clsinv, [wv])
            msk = slot >= 0
            slot2 = jnp.where(msk, slot, 0)
            plsc.store_scatter(outbuf, [slot2 * D + (iota + j * 16)], val,
                               mask=msk)

        idxbuf[...] = idxsel
        pltpu.sync_copy(outbuf, sm_hbm.at[c, b])
        pltpu.sync_copy(idxbuf, ids_hbm.at[c, b])


@jax.jit
def _run(mask1, mask2):
    zex, zne = _z_consts()
    mesh = plsc.VectorSubcoreMesh(core_axis_name="c", subcore_axis_name="s",
                                  num_cores=2, num_subcores=16)
    f = pl.kernel(
        _body,
        out_type=(
            jax.ShapeDtypeStruct((2, NB, NSAMP * D), jnp.float32),
            jax.ShapeDtypeStruct((2, NB, NSAMP), jnp.int32),
        ),
        mesh=mesh,
        compiler_params=pltpu.CompilerParams(needs_layout_passes=False),
        scratch_types=[
            pltpu.VMEM((2 * 32 * HW,), jnp.int32),
            pltpu.VMEM((2 * 32 * HW,), jnp.int32),
            pltpu.SemaphoreType.DMA,
            pltpu.SemaphoreType.DMA,
            pltpu.VMEM((1024,), jnp.int32),
            pltpu.VMEM((1024,), jnp.int32),
            pltpu.VMEM((64,), jnp.int32),
            pltpu.VMEM((128,), jnp.int32),
            pltpu.VMEM((128,), jnp.int32),
            pltpu.VMEM((64,), jnp.int32),
            pltpu.VMEM((64,), jnp.float32),
            pltpu.VMEM((64,), jnp.float32),
            pltpu.VMEM((64,), jnp.int32),
            pltpu.VMEM((64,), jnp.float32),
            pltpu.VMEM((NSAMP,), jnp.int32),
            pltpu.VMEM((NSAMP * D,), jnp.float32),
            pltpu.VMEM((64,), jnp.int32),
            pltpu.VMEM((272,), jnp.float32),
            pltpu.VMEM_SHARED((16 * 192,), jnp.int32),
        ],
    )
    m1 = mask1.reshape(NB, HW * HW)
    m2 = mask2.reshape(NB, HW * HW)
    invt = jnp.asarray(_INV_TABLE)
    sm, ids = f(m1, m2, zex, zne, invt)
    sm = sm.reshape(2, NB, NSAMP, D)
    return (sm[0], sm[1], ids[0], ids[1])


def kernel(mask1, mask2):
    sm1, sm2, id1, id2 = _run(mask1, mask2)
    return sm1, sm2, id1, id2

# --- scband reference (transcript-rebuilt; emitter-appended) ---
"""Pipeline reference for scband-mask-pooling-8263517077789 (READ-ONLY COPY).

The authoritative reference and input builder live on the scoring server;
editing this copy changes nothing except your own understanding.
"""

import jax, jax.numpy as jnp
import numpy as np

NUM_CLASSES = 64
NUM_SAMPLES = 16
DOWN = 32


def setup_inputs(seed: int = 0) -> dict:
    key = jax.random.key(seed)
    k1, k2 = jax.random.split(key)
    mask1 = jax.random.randint(k1, (8, 1, 512, 512), 0, NUM_CLASSES).astype(jnp.int32)
    mask2 = jax.random.randint(k2, (8, 1, 512, 512), 0, NUM_CLASSES).astype(jnp.int32)
    return {"mask1": mask1, "mask2": mask2}


def _pool_masks(m):
    # m: (b, 1, h, w) integer class-id map
    ids = jnp.arange(NUM_CLASSES)
    bm = (m == ids[None, :, None, None]).astype(jnp.float32)  # (b, C, h, w)
    b, c, h, w = bm.shape
    # AvgPool2d(kernel=DOWN, stride=DOWN) via reshape-mean (h, w divisible by DOWN)
    bm = bm.reshape(b, c, h // DOWN, DOWN, w // DOWN, DOWN).mean(axis=(3, 5))
    d = (h // DOWN) * (w // DOWN)
    bm = bm.reshape(b, c, d)
    am = jnp.argmax(bm, axis=1)  # (b, d)
    oh = jax.nn.one_hot(am, NUM_CLASSES, dtype=jnp.float32)  # (b, d, C) == eye[argmax]
    return jnp.transpose(oh, (0, 2, 1))  # (b, C, d)


def _sample_masks(mask, key):
    # multinomial without replacement via Gumbel top-k over weights
    exists = (mask.sum(axis=-1) > 0.001).astype(jnp.float32) + 1e-11  # (b, C)
    u = jax.random.uniform(key, exists.shape, minval=1e-20, maxval=1.0)
    g = -jnp.log(-jnp.log(u))
    z = jnp.log(exists) + g
    _, idx = jax.lax.top_k(z, NUM_SAMPLES)  # (b, num_samples)
    sm = jnp.take_along_axis(mask, idx[:, :, None], axis=1)  # (b, num_samples, d)
    return sm, idx


def _norm(sm):
    area = sm.sum(axis=-1, keepdims=True)
    return sm / jnp.maximum(area, 1.0)


def reference(mask1, mask2):
    bm1 = _pool_masks(mask1)
    bm2 = _pool_masks(mask2)
    k1, k2 = jax.random.split(jax.random.key(42))
    sm1, id1 = _sample_masks(bm1, k1)
    sm2, id2 = _sample_masks(bm2, k2)
    return (_norm(sm1), _norm(sm2), id1, id2)

if __name__ == "__main__":
    import jax
    _d = setup_inputs()
    print(jax.jit(kernel)(*tuple(_d.values())))

</pallas_src>

<mosaic_0001>
#map = affine_map<(d0, d1) -> (0, 0)>
#map1 = affine_map<(d0, d1) -> (0, 0, 0)>
#map2 = affine_map<(d0, d1) -> (0)>
module attributes {stable_mosaic.version = 14 : i64} {
  func.func @_body(%arg0: i32, %arg1: i32, %arg2: memref<8x262144xi32, #tpu.memory_space<hbm>>, %arg3: memref<8x262144xi32, #tpu.memory_space<hbm>>, %arg4: memref<2x8x64xf32, #tpu.memory_space<hbm>>, %arg5: memref<2x8x64xf32, #tpu.memory_space<hbm>>, %arg6: memref<272xf32, #tpu.memory_space<hbm>>, %arg7: memref<2x8x4096xf32, #tpu.memory_space<hbm>>, %arg8: memref<2x8x16xi32, #tpu.memory_space<hbm>>, %arg9: memref<32768xi32, #tpu.memory_space<vmem>>, %arg10: memref<32768xi32, #tpu.memory_space<vmem>>, %arg11: memref<!tpu.dma_semaphore, #tpu.memory_space<semaphore_mem>>, %arg12: memref<!tpu.dma_semaphore, #tpu.memory_space<semaphore_mem>>, %arg13: memref<1024xi32, #tpu.memory_space<vmem>>, %arg14: memref<1024xi32, #tpu.memory_space<vmem>>, %arg15: memref<64xi32, #tpu.memory_space<vmem>>, %arg16: memref<128xi32, #tpu.memory_space<vmem>>, %arg17: memref<128xi32, #tpu.memory_space<vmem>>, %arg18: memref<64xi32, #tpu.memory_space<vmem>>, %arg19: memref<64xf32, #tpu.memory_space<vmem>>, %arg20: memref<64xf32, #tpu.memory_space<vmem>>, %arg21: memref<64xi32, #tpu.memory_space<vmem>>, %arg22: memref<64xf32, #tpu.memory_space<vmem>>, %arg23: memref<16xi32, #tpu.memory_space<vmem>>, %arg24: memref<4096xf32, #tpu.memory_space<vmem>>, %arg25: memref<64xi32, #tpu.memory_space<vmem>>, %arg26: memref<272xf32, #tpu.memory_space<vmem>>, %arg27: memref<3072xi32, #tpu.memory_space<vmem_shared>>) attributes {dimension_semantics = [#tpu.dimension_semantics<core_parallel>, #tpu.dimension_semantics<subcore_parallel>], iteration_bounds = array<i64: 2, 16>, scalar_prefetch = 0 : i64, scratch_operands = 19 : i64, tpu.core_type = #tpu.core_type<sc_vector_subcore>, window_params = [{transform_indices = #map}, {transform_indices = #map}, {transform_indices = #map1}, {transform_indices = #map1}, {transform_indices = #map2}, {transform_indices = #map1}, {transform_indices = #map1}]} {
    %jit3A = arith.constant 2 : i32
    %div3A = arith.divsi %arg1, %jit3A : i32
    %sign3A = arith.constant 0 : i32
    %sign3A_0 = arith.cmpi sgt, %arg1, %sign3A : i32
    %sign3A_1 = arith.extui %sign3A_0 : i1 to i32
    %sign3A_2 = arith.constant 0 : i32
    %sign3A_3 = arith.cmpi slt, %arg1, %sign3A_2 : i32
    %sign3A_4 = arith.extui %sign3A_3 : i1 to i32
    %sign3A_5 = arith.subi %sign3A_1, %sign3A_4 : i32
    %sign3A_6 = arith.constant 0 : i32
    %sign3A_7 = arith.cmpi sgt, %jit3A, %sign3A_6 : i32
    %sign3A_8 = arith.extui %sign3A_7 : i1 to i32
    %sign3A_9 = arith.constant 0 : i32
    %sign3A_10 = arith.cmpi slt, %jit3A, %sign3A_9 : i32
    %sign3A_11 = arith.extui %sign3A_10 : i1 to i32
    %sign3A_12 = arith.subi %sign3A_8, %sign3A_11 : i32
    %ne3A = arith.cmpi ne, %sign3A_5, %sign3A_12 : i32
    %rem3A = arith.remsi %arg1, %jit3A : i32
    %ne3A_13 = arith.constant 0 : i32
    %ne3A_14 = arith.cmpi ne, %rem3A, %ne3A_13 : i32
    %and3A = arith.andi %ne3A, %ne3A_14 : i1
    %sub3A = arith.constant 1 : i32
    %sub3A_15 = arith.subi %div3A, %sub3A : i32
    %select_n3A = arith.select %and3A, %sub3A_15, %div3A : i32
    %jit3A_16 = arith.constant 2 : i32
    %eq3A = arith.constant 0 : i32
    %eq3A_17 = arith.cmpi eq, %jit3A_16, %eq3A : i32
    %jit3A_18 = arith.constant 1 : i32
    %select_n3A_19 = arith.select %eq3A_17, %jit3A_18, %jit3A_16 : i32
    %rem3A_20 = arith.remsi %arg1, %select_n3A_19 : i32
    %ne3A_21 = arith.constant 0 : i32
    %ne3A_22 = arith.cmpi ne, %rem3A_20, %ne3A_21 : i32
    %lt3A = arith.constant 0 : i32
    %lt3A_23 = arith.cmpi slt, %rem3A_20, %lt3A : i32
    %lt3A_24 = arith.constant 0 : i32
    %lt3A_25 = arith.cmpi slt, %select_n3A_19, %lt3A_24 : i32
    %ne3A_26 = arith.xori %lt3A_23, %lt3A_25 : i1
    %and3A_27 = arith.andi %ne3A_26, %ne3A_22 : i1
    %add3A = arith.addi %rem3A_20, %select_n3A_19 : i32
    %select_n3A_28 = arith.select %and3A_27, %add3A, %rem3A_20 : i32
    %iota3A = tpu.iota {dimensions = array<i32: 0>} : vector<16xi32>
    %mul3A = arith.constant 64 : i32
    %mul3A_29 = vector.broadcast %mul3A : i32 to vector<16xi32>
    %mul3A_30 = arith.muli %iota3A, %mul3A_29 : vector<16xi32>
    %broadcast_in_dim3A = arith.constant 1 : i32
    %broadcast_in_dim3A_31 = vector.broadcast %broadcast_in_dim3A : i32 to vector<16xi32>
    %broadcast_in_dim3A_32 = arith.constant 0 : i32
    %broadcast_in_dim3A_33 = vector.broadcast %broadcast_in_dim3A_32 : i32 to vector<16xi32>
    %broadcast_in_dim3A_34 = arith.constant 0.000000e+00 : f32
    %broadcast_in_dim3A_35 = vector.broadcast %broadcast_in_dim3A_34 : f32 to vector<16xf32>
    %parallel_loop3A = arith.constant 0 : i32
    %parallel_loop3A_36 = arith.constant 64 : i32
    %parallel_loop3A_37 = arith.constant 1 : i32
    scf.for %parallel_loop3A_517 = %parallel_loop3A to %parallel_loop3A_36 step %parallel_loop3A_37  : i32 {
      %parallel_loop3A_518 = arith.constant 16 : i32
      %parallel_loop3A_519 = arith.muli %parallel_loop3A_517, %parallel_loop3A_518 : i32
      %parallel_loop3A_520 = arith.index_cast %parallel_loop3A_519 : i32 to index
      %parallel_loop3A_521 = tpu.vector_load %arg13[%parallel_loop3A_520] {strides = array<i32>} : memref<1024xi32, #tpu.memory_space<vmem>>, vector<16xi32>,
      tpu.vector_store %arg13[%parallel_loop3A_520], %broadcast_in_dim3A_33 {strides = array<i32>} : memref<1024xi32, #tpu.memory_space<vmem>>, vector<16xi32>,
      %parallel_loop3A_522 = arith.constant 16 : i32
      %parallel_loop3A_523 = arith.muli %parallel_loop3A_517, %parallel_loop3A_522 : i32
      %parallel_loop3A_524 = arith.index_cast %parallel_loop3A_523 : i32 to index
      %parallel_loop3A_525 = tpu.vector_load %arg14[%parallel_loop3A_524] {strides = array<i32>} : memref<1024xi32, #tpu.memory_space<vmem>>, vector<16xi32>,
      tpu.vector_store %arg14[%parallel_loop3A_524], %broadcast_in_dim3A_33 {strides = array<i32>} : memref<1024xi32, #tpu.memory_space<vmem>>, vector<16xi32>,
    } {sc.loop_unroll_factor = 4 : i64, sc.parallel_access}
    %parallel_loop3A_38 = arith.constant 0 : i32
    %parallel_loop3A_39 = arith.constant 256 : i32
    %parallel_loop3A_40 = arith.constant 1 : i32
    scf.for %parallel_loop3A_517 = %parallel_loop3A_38 to %parallel_loop3A_39 step %parallel_loop3A_40  : i32 {
      %parallel_loop3A_518 = arith.constant 16 : i32
      %parallel_loop3A_519 = arith.muli %parallel_loop3A_517, %parallel_loop3A_518 : i32
      %parallel_loop3A_520 = arith.index_cast %parallel_loop3A_519 : i32 to index
      %parallel_loop3A_521 = tpu.vector_load %arg24[%parallel_loop3A_520] {strides = array<i32>} : memref<4096xf32, #tpu.memory_space<vmem>>, vector<16xf32>,
      tpu.vector_store %arg24[%parallel_loop3A_520], %broadcast_in_dim3A_35 {strides = array<i32>} : memref<4096xf32, #tpu.memory_space<vmem>>, vector<16xf32>,
    } {sc.loop_unroll_factor = 4 : i64, sc.parallel_access}
    "tpu.region"() ({
      %run_scoped3A = tpu.sem_alloc : memref<!tpu.dma_semaphore, #tpu.memory_space<semaphore_mem>>
      %dma_start3A_517 = arith.constant 0 : i32
      %dma_start3A_518 = tpu.memref_slice %arg4[%arg0, %select_n3A, %dma_start3A_517] : memref<2x8x64xf32, #tpu.memory_space<hbm>> -> memref<1x1x64xf32, #tpu.memory_space<hbm>>
      %dma_start3A_519 = tpu.memref_squeeze %dma_start3A_518 : memref<1x1x64xf32, #tpu.memory_space<hbm>> -> memref<64xf32, #tpu.memory_space<hbm>>
      %dma_start3A_520 = arith.constant 0 : i32
      %dma_start3A_521 = tpu.memref_slice %arg4[%arg0, %select_n3A, %dma_start3A_520] : memref<2x8x64xf32, #tpu.memory_space<hbm>> -> memref<1x1x64xf32, #tpu.memory_space<hbm>>
      %dma_start3A_522 = tpu.memref_squeeze %dma_start3A_521 : memref<1x1x64xf32, #tpu.memory_space<hbm>> -> memref<64xf32, #tpu.memory_space<hbm>>
      tpu.enqueue_dma source(%dma_start3A_522 : memref<64xf32, #tpu.memory_space<hbm>>) target(%arg19 : memref<64xf32, #tpu.memory_space<vmem>>) target_semaphore(%run_scoped3A : memref<!tpu.dma_semaphore, #tpu.memory_space<semaphore_mem>>)
      %dma_wait3A_523 = arith.constant 0 : i32
      %dma_wait3A_524 = tpu.memref_slice %arg4[%arg0, %select_n3A, %dma_wait3A_523] : memref<2x8x64xf32, #tpu.memory_space<hbm>> -> memref<1x1x64xf32, #tpu.memory_space<hbm>>
      %dma_wait3A_525 = tpu.memref_squeeze %dma_wait3A_524 : memref<1x1x64xf32, #tpu.memory_space<hbm>> -> memref<64xf32, #tpu.memory_space<hbm>>
      %dma_wait3A_526 = arith.constant 0 : i32
      %dma_wait3A_527 = tpu.memref_slice %arg4[%arg0, %select_n3A, %dma_wait3A_526] : memref<2x8x64xf32, #tpu.memory_space<hbm>> -> memref<1x1x64xf32, #tpu.memory_space<hbm>>
      %dma_wait3A_528 = tpu.memref_squeeze %dma_wait3A_527 : memref<1x1x64xf32, #tpu.memory_space<hbm>> -> memref<64xf32, #tpu.memory_space<hbm>>
      tpu.wait_dma2 semaphore(%run_scoped3A : memref<!tpu.dma_semaphore, #tpu.memory_space<semaphore_mem>>) src(%dma_wait3A_528 : memref<64xf32, #tpu.memory_space<hbm>>) dst(%arg19 : memref<64xf32, #tpu.memory_space<vmem>>)
      tpu.yield
    }) : () -> ()
    "tpu.region"() ({
      %run_scoped3A = tpu.sem_alloc : memref<!tpu.dma_semaphore, #tpu.memory_space<semaphore_mem>>
      %dma_start3A_517 = arith.constant 0 : i32
      %dma_start3A_518 = tpu.memref_slice %arg5[%arg0, %select_n3A, %dma_start3A_517] : memref<2x8x64xf32, #tpu.memory_space<hbm>> -> memref<1x1x64xf32, #tpu.memory_space<hbm>>
      %dma_start3A_519 = tpu.memref_squeeze %dma_start3A_518 : memref<1x1x64xf32, #tpu.memory_space<hbm>> -> memref<64xf32, #tpu.memory_space<hbm>>
      %dma_start3A_520 = arith.constant 0 : i32
      %dma_start3A_521 = tpu.memref_slice %arg5[%arg0, %select_n3A, %dma_start3A_520] : memref<2x8x64xf32, #tpu.memory_space<hbm>> -> memref<1x1x64xf32, #tpu.memory_space<hbm>>
      %dma_start3A_522 = tpu.memref_squeeze %dma_start3A_521 : memref<1x1x64xf32, #tpu.memory_space<hbm>> -> memref<64xf32, #tpu.memory_space<hbm>>
      tpu.enqueue_dma source(%dma_start3A_522 : memref<64xf32, #tpu.memory_space<hbm>>) target(%arg20 : memref<64xf32, #tpu.memory_space<vmem>>) target_semaphore(%run_scoped3A : memref<!tpu.dma_semaphore, #tpu.memory_space<semaphore_mem>>)
      %dma_wait3A_523 = arith.constant 0 : i32
      %dma_wait3A_524 = tpu.memref_slice %arg5[%arg0, %select_n3A, %dma_wait3A_523] : memref<2x8x64xf32, #tpu.memory_space<hbm>> -> memref<1x1x64xf32, #tpu.memory_space<hbm>>
      %dma_wait3A_525 = tpu.memref_squeeze %dma_wait3A_524 : memref<1x1x64xf32, #tpu.memory_space<hbm>> -> memref<64xf32, #tpu.memory_space<hbm>>
      %dma_wait3A_526 = arith.constant 0 : i32
      %dma_wait3A_527 = tpu.memref_slice %arg5[%arg0, %select_n3A, %dma_wait3A_526] : memref<2x8x64xf32, #tpu.memory_space<hbm>> -> memref<1x1x64xf32, #tpu.memory_space<hbm>>
      %dma_wait3A_528 = tpu.memref_squeeze %dma_wait3A_527 : memref<1x1x64xf32, #tpu.memory_space<hbm>> -> memref<64xf32, #tpu.memory_space<hbm>>
      tpu.wait_dma2 semaphore(%run_scoped3A : memref<!tpu.dma_semaphore, #tpu.memory_space<semaphore_mem>>) src(%dma_wait3A_528 : memref<64xf32, #tpu.memory_space<hbm>>) dst(%arg20 : memref<64xf32, #tpu.memory_space<vmem>>)
      tpu.yield
    }) : () -> ()
    %mul3A_41 = arith.constant 8 : i32
    %mul3A_42 = arith.muli %select_n3A_28, %mul3A_41 : i32
    %mul3A_43 = arith.constant 32 : i32
    %mul3A_44 = vector.broadcast %mul3A_43 : i32 to vector<16xi32>
    %mul3A_45 = arith.muli %iota3A, %mul3A_44 : vector<16xi32>
    %mul3A_46 = arith.constant 16384 : i32
    %mul3A_47 = arith.muli %arg0, %mul3A_46 : i32
    %add3A_48 = arith.constant 0 : i32
    %add3A_49 = arith.addi %mul3A_42, %add3A_48 : i32
    %mul3A_50 = arith.constant 32 : i32
    %mul3A_51 = arith.muli %add3A_49, %mul3A_50 : i32
    %mul3A_52 = arith.constant 512 : i32
    %mul3A_53 = arith.muli %mul3A_51, %mul3A_52 : i32
    %dma_start3A = arith.constant 0 : i32
    %dma_start3A_54 = tpu.memref_slice %arg9[%dma_start3A] : memref<32768xi32, #tpu.memory_space<vmem>> -> memref<16384xi32, #tpu.memory_space<vmem>>
    %dma_start3A_55 = tpu.memref_slice %arg2[%select_n3A, %mul3A_53] : memref<8x262144xi32, #tpu.memory_space<hbm>> -> memref<1x16384xi32, #tpu.memory_space<hbm>>
    %dma_start3A_56 = tpu.memref_squeeze %dma_start3A_55 : memref<1x16384xi32, #tpu.memory_space<hbm>> -> memref<16384xi32, #tpu.memory_space<hbm>>
    %dma_start3A_57 = arith.constant 0 : i32
    %dma_start3A_58 = tpu.memref_slice %arg9[%dma_start3A_57] : memref<32768xi32, #tpu.memory_space<vmem>> -> memref<16384xi32, #tpu.memory_space<vmem>>
    %dma_start3A_59 = tpu.memref_slice %arg2[%select_n3A, %mul3A_53] : memref<8x262144xi32, #tpu.memory_space<hbm>> -> memref<1x16384xi32, #tpu.memory_space<hbm>>
    %dma_start3A_60 = tpu.memref_squeeze %dma_start3A_59 : memref<1x16384xi32, #tpu.memory_space<hbm>> -> memref<16384xi32, #tpu.memory_space<hbm>>
    tpu.enqueue_dma source(%dma_start3A_60 : memref<16384xi32, #tpu.memory_space<hbm>>) target(%dma_start3A_58 : memref<16384xi32, #tpu.memory_space<vmem>>) target_semaphore(%arg11 : memref<!tpu.dma_semaphore, #tpu.memory_space<semaphore_mem>>)
    %mul3A_61 = arith.constant 512 : i32
    %mul3A_62 = arith.muli %mul3A_51, %mul3A_61 : i32
    %dma_start3A_63 = arith.constant 16384 : i32
    %dma_start3A_64 = tpu.memref_slice %arg9[%dma_start3A_63] : memref<32768xi32, #tpu.memory_space<vmem>> -> memref<16384xi32, #tpu.memory_space<vmem>>
    %dma_start3A_65 = tpu.memref_slice %arg3[%select_n3A, %mul3A_62] : memref<8x262144xi32, #tpu.memory_space<hbm>> -> memref<1x16384xi32, #tpu.memory_space<hbm>>
    %dma_start3A_66 = tpu.memref_squeeze %dma_start3A_65 : memref<1x16384xi32, #tpu.memory_space<hbm>> -> memref<16384xi32, #tpu.memory_space<hbm>>
    %dma_start3A_67 = arith.constant 16384 : i32
    %dma_start3A_68 = tpu.memref_slice %arg9[%dma_start3A_67] : memref<32768xi32, #tpu.memory_space<vmem>> -> memref<16384xi32, #tpu.memory_space<vmem>>
    %dma_start3A_69 = tpu.memref_slice %arg3[%select_n3A, %mul3A_62] : memref<8x262144xi32, #tpu.memory_space<hbm>> -> memref<1x16384xi32, #tpu.memory_space<hbm>>
    %dma_start3A_70 = tpu.memref_squeeze %dma_start3A_69 : memref<1x16384xi32, #tpu.memory_space<hbm>> -> memref<16384xi32, #tpu.memory_space<hbm>>
    tpu.enqueue_dma source(%dma_start3A_70 : memref<16384xi32, #tpu.memory_space<hbm>>) target(%dma_start3A_68 : memref<16384xi32, #tpu.memory_space<vmem>>) target_semaphore(%arg11 : memref<!tpu.dma_semaphore, #tpu.memory_space<semaphore_mem>>)
    %add3A_71 = arith.constant 1 : i32
    %add3A_72 = arith.addi %mul3A_42, %add3A_71 : i32
    %mul3A_73 = arith.constant 32 : i32
    %mul3A_74 = arith.muli %add3A_72, %mul3A_73 : i32
    %mul3A_75 = arith.constant 512 : i32
    %mul3A_76 = arith.muli %mul3A_74, %mul3A_75 : i32
    %dma_start3A_77 = arith.constant 0 : i32
    %dma_start3A_78 = tpu.memref_slice %arg10[%dma_start3A_77] : memref<32768xi32, #tpu.memory_space<vmem>> -> memref<16384xi32, #tpu.memory_space<vmem>>
    %dma_start3A_79 = tpu.memref_slice %arg2[%select_n3A, %mul3A_76] : memref<8x262144xi32, #tpu.memory_space<hbm>> -> memref<1x16384xi32, #tpu.memory_space<hbm>>
    %dma_start3A_80 = tpu.memref_squeeze %dma_start3A_79 : memref<1x16384xi32, #tpu.memory_space<hbm>> -> memref<16384xi32, #tpu.memory_space<hbm>>
    %dma_start3A_81 = arith.constant 0 : i32
    %dma_start3A_82 = tpu.memref_slice %arg10[%dma_start3A_81] : memref<32768xi32, #tpu.memory_space<vmem>> -> memref<16384xi32, #tpu.memory_space<vmem>>
    %dma_start3A_83 = tpu.memref_slice %arg2[%select_n3A, %mul3A_76] : memref<8x262144xi32, #tpu.memory_space<hbm>> -> memref<1x16384xi32, #tpu.memory_space<hbm>>
    %dma_start3A_84 = tpu.memref_squeeze %dma_start3A_83 : memref<1x16384xi32, #tpu.memory_space<hbm>> -> memref<16384xi32, #tpu.memory_space<hbm>>
    tpu.enqueue_dma source(%dma_start3A_84 : memref<16384xi32, #tpu.memory_space<hbm>>) target(%dma_start3A_82 : memref<16384xi32, #tpu.memory_space<vmem>>) target_semaphore(%arg12 : memref<!tpu.dma_semaphore, #tpu.memory_space<semaphore_mem>>)
    %mul3A_85 = arith.constant 512 : i32
    %mul3A_86 = arith.muli %mul3A_74, %mul3A_85 : i32
    %dma_start3A_87 = arith.constant 16384 : i32
    %dma_start3A_88 = tpu.memref_slice %arg10[%dma_start3A_87] : memref<32768xi32, #tpu.memory_space<vmem>> -> memref<16384xi32, #tpu.memory_space<vmem>>
    %dma_start3A_89 = tpu.memref_slice %arg3[%select_n3A, %mul3A_86] : memref<8x262144xi32, #tpu.memory_space<hbm>> -> memref<1x16384xi32, #tpu.memory_space<hbm>>
    %dma_start3A_90 = tpu.memref_squeeze %dma_start3A_89 : memref<1x16384xi32, #tpu.memory_space<hbm>> -> memref<16384xi32, #tpu.memory_space<hbm>>
    %dma_start3A_91 = arith.constant 16384 : i32
    %dma_start3A_92 = tpu.memref_slice %arg10[%dma_start3A_91] : memref<32768xi32, #tpu.memory_space<vmem>> -> memref<16384xi32, #tpu.memory_space<vmem>>
    %dma_start3A_93 = tpu.memref_slice %arg3[%select_n3A, %mul3A_86] : memref<8x262144xi32, #tpu.memory_space<hbm>> -> memref<1x16384xi32, #tpu.memory_space<hbm>>
    %dma_start3A_94 = tpu.memref_squeeze %dma_start3A_93 : memref<1x16384xi32, #tpu.memory_space<hbm>> -> memref<16384xi32, #tpu.memory_space<hbm>>
    tpu.enqueue_dma source(%dma_start3A_94 : memref<16384xi32, #tpu.memory_space<hbm>>) target(%dma_start3A_92 : memref<16384xi32, #tpu.memory_space<vmem>>) target_semaphore(%arg12 : memref<!tpu.dma_semaphore, #tpu.memory_space<semaphore_mem>>)
    "tpu.trace_start"() <{level = 10 : i32, message = "dmawait"}> : () -> ()
    %dma_wait3A = arith.constant 0 : i32
    %dma_wait3A_95 = tpu.memref_slice %arg9[%dma_wait3A] : memref<32768xi32, #tpu.memory_space<vmem>> -> memref<16384xi32, #tpu.memory_space<vmem>>
    %dma_wait3A_96 = tpu.memref_slice %arg2[%select_n3A, %mul3A_53] : memref<8x262144xi32, #tpu.memory_space<hbm>> -> memref<1x16384xi32, #tpu.memory_space<hbm>>
    %dma_wait3A_97 = tpu.memref_squeeze %dma_wait3A_96 : memref<1x16384xi32, #tpu.memory_space<hbm>> -> memref<16384xi32, #tpu.memory_space<hbm>>
    %dma_wait3A_98 = arith.constant 0 : i32
    %dma_wait3A_99 = tpu.memref_slice %arg9[%dma_wait3A_98] : memref<32768xi32, #tpu.memory_space<vmem>> -> memref<16384xi32, #tpu.memory_space<vmem>>
    %dma_wait3A_100 = tpu.memref_slice %arg2[%select_n3A, %mul3A_53] : memref<8x262144xi32, #tpu.memory_space<hbm>> -> memref<1x16384xi32, #tpu.memory_space<hbm>>
    %dma_wait3A_101 = tpu.memref_squeeze %dma_wait3A_100 : memref<1x16384xi32, #tpu.memory_space<hbm>> -> memref<16384xi32, #tpu.memory_space<hbm>>
    tpu.wait_dma2 semaphore(%arg11 : memref<!tpu.dma_semaphore, #tpu.memory_space<semaphore_mem>>) src(%dma_wait3A_101 : memref<16384xi32, #tpu.memory_space<hbm>>) dst(%dma_wait3A_99 : memref<16384xi32, #tpu.memory_space<vmem>>)
    %dma_wait3A_102 = arith.constant 16384 : i32
    %dma_wait3A_103 = tpu.memref_slice %arg9[%dma_wait3A_102] : memref<32768xi32, #tpu.memory_space<vmem>> -> memref<16384xi32, #tpu.memory_space<vmem>>
    %dma_wait3A_104 = tpu.memref_slice %arg3[%select_n3A, %mul3A_62] : memref<8x262144xi32, #tpu.memory_space<hbm>> -> memref<1x16384xi32, #tpu.memory_space<hbm>>
    %dma_wait3A_105 = tpu.memref_squeeze %dma_wait3A_104 : memref<1x16384xi32, #tpu.memory_space<hbm>> -> memref<16384xi32, #tpu.memory_space<hbm>>
    %dma_wait3A_106 = arith.constant 16384 : i32
    %dma_wait3A_107 = tpu.memref_slice %arg9[%dma_wait3A_106] : memref<32768xi32, #tpu.memory_space<vmem>> -> memref<16384xi32, #tpu.memory_space<vmem>>
    %dma_wait3A_108 = tpu.memref_slice %arg3[%select_n3A, %mul3A_62] : memref<8x262144xi32, #tpu.memory_space<hbm>> -> memref<1x16384xi32, #tpu.memory_space<hbm>>
    %dma_wait3A_109 = tpu.memref_squeeze %dma_wait3A_108 : memref<1x16384xi32, #tpu.memory_space<hbm>> -> memref<16384xi32, #tpu.memory_space<hbm>>
    tpu.wait_dma2 semaphore(%arg11 : memref<!tpu.dma_semaphore, #tpu.memory_space<semaphore_mem>>) src(%dma_wait3A_109 : memref<16384xi32, #tpu.memory_space<hbm>>) dst(%dma_wait3A_107 : memref<16384xi32, #tpu.memory_space<vmem>>)
    %parallel_loop3A_110 = arith.constant 0 : i32
    %parallel_loop3A_111 = arith.constant 1024 : i32
    %parallel_loop3A_112 = arith.constant 1 : i32
    "tpu.trace_stop"() : () -> ()
    "tpu.trace_start"() <{level = 10 : i32, message = "pix"}> : () -> ()
    scf.for %parallel_loop3A_517 = %parallel_loop3A_110 to %parallel_loop3A_111 step %parallel_loop3A_112  : i32 {
      %parallel_loop3A_518 = arith.addi %mul3A_47, %parallel_loop3A_517 : i32
      %parallel_loop3A_519 = arith.constant 5 : i32
      %parallel_loop3A_520 = arith.shrsi %parallel_loop3A_517, %parallel_loop3A_519 : i32
      %parallel_loop3A_521 = arith.constant 480 : i32
      %parallel_loop3A_522 = arith.muli %parallel_loop3A_520, %parallel_loop3A_521 : i32
      %parallel_loop3A_523 = arith.addi %parallel_loop3A_518, %parallel_loop3A_522 : i32
      %parallel_loop3A_524 = vector.broadcast %parallel_loop3A_523 : i32 to vector<16xi32>
      %parallel_loop3A_525 = arith.addi %mul3A_45, %parallel_loop3A_524 : vector<16xi32>
      %parallel_loop3A_526 = tpu.vector_load_idx %arg9[%parallel_loop3A_525] : memref<32768xi32, #tpu.memory_space<vmem>>[vector<16xi32>], vector<16xi32>,
      %parallel_loop3A_527 = arith.constant 16 : i32
      %parallel_loop3A_528 = vector.broadcast %parallel_loop3A_527 : i32 to vector<16xi32>
      %parallel_loop3A_529 = arith.muli %parallel_loop3A_526, %parallel_loop3A_528 : vector<16xi32>
      %parallel_loop3A_530 = arith.addi %parallel_loop3A_529, %iota3A : vector<16xi32>
      tpu.vector_store_idx %arg13[%parallel_loop3A_530], %broadcast_in_dim3A_31 {add = true} : memref<1024xi32, #tpu.memory_space<vmem>>[vector<16xi32>], vector<16xi32>,
    } {sc.loop_unroll_factor = 8 : i64, sc.parallel_access}
    %broadcast_in_dim3A_113 = arith.constant -1 : i32
    "tpu.trace_stop"() : () -> ()
    "tpu.trace_start"() <{level = 10 : i32, message = "amax"}> : () -> ()
    %broadcast_in_dim3A_114 = vector.broadcast %broadcast_in_dim3A_113 : i32 to vector<16xi32>
    %broadcast_in_dim3A_115 = arith.constant 0 : i32
    %broadcast_in_dim3A_116 = vector.broadcast %broadcast_in_dim3A_115 : i32 to vector<16xi32>
    %parallel_loop3A_117 = arith.constant 0 : i32
    %parallel_loop3A_118 = arith.constant 64 : i32
    %parallel_loop3A_119 = arith.constant 1 : i32
    %parallel_loop3A_120:2 = scf.for %parallel_loop3A_517 = %parallel_loop3A_117 to %parallel_loop3A_118 step %parallel_loop3A_119 iter_args(%parallel_loop3A_518 = %broadcast_in_dim3A_114, %parallel_loop3A_519 = %broadcast_in_dim3A_116) -> (vector<16xi32>, vector<16xi32>)  : i32 {
      %parallel_loop3A_520 = arith.constant 16 : i32
      %parallel_loop3A_521 = arith.muli %parallel_loop3A_517, %parallel_loop3A_520 : i32
      %parallel_loop3A_522 = arith.index_cast %parallel_loop3A_521 : i32 to index
      %parallel_loop3A_523 = tpu.vector_load %arg13[%parallel_loop3A_522] {strides = array<i32>} : memref<1024xi32, #tpu.memory_space<vmem>>, vector<16xi32>,
      %parallel_loop3A_524 = arith.constant 16 : i32
      %parallel_loop3A_525 = arith.muli %parallel_loop3A_517, %parallel_loop3A_524 : i32
      %parallel_loop3A_526 = arith.index_cast %parallel_loop3A_525 : i32 to index
      %parallel_loop3A_527 = tpu.vector_load %arg13[%parallel_loop3A_526] {strides = array<i32>} : memref<1024xi32, #tpu.memory_space<vmem>>, vector<16xi32>,
      tpu.vector_store %arg13[%parallel_loop3A_526], %broadcast_in_dim3A_33 {strides = array<i32>} : memref<1024xi32, #tpu.memory_space<vmem>>, vector<16xi32>,
      %parallel_loop3A_528 = arith.cmpi sgt, %parallel_loop3A_523, %parallel_loop3A_518 : vector<16xi32>
      %parallel_loop3A_529 = arith.select %parallel_loop3A_528, %parallel_loop3A_523, %parallel_loop3A_518 : vector<16xi1>, vector<16xi32>
      %parallel_loop3A_530 = vector.broadcast %parallel_loop3A_517 : i32 to vector<16xi32>
      %parallel_loop3A_531 = arith.select %parallel_loop3A_528, %parallel_loop3A_530, %parallel_loop3A_519 : vector<16xi1>, vector<16xi32>
      scf.yield %parallel_loop3A_529, %parallel_loop3A_531 : vector<16xi32>, vector<16xi32>
    } {sc.loop_unroll_factor = 1 : i64, sc.parallel_access}
    "tpu.trace_stop"() : () -> ()
    %swap3A = arith.constant 0 : index
    %swap3A_121 = tpu.vector_load %arg16[%swap3A] {strides = array<i32>} : memref<128xi32, #tpu.memory_space<vmem>>, vector<16xi32>,
    tpu.vector_store %arg16[%swap3A], %parallel_loop3A_120#1 {strides = array<i32>} : memref<128xi32, #tpu.memory_space<vmem>>, vector<16xi32>,
    %add3A_122 = arith.addi %mul3A_30, %parallel_loop3A_120#1 : vector<16xi32>
    tpu.vector_store_idx %arg14[%add3A_122], %broadcast_in_dim3A_31 {add = true} : memref<1024xi32, #tpu.memory_space<vmem>>[vector<16xi32>], vector<16xi32>,
    %add3A_123 = arith.constant 2 : i32
    %add3A_124 = arith.addi %mul3A_42, %add3A_123 : i32
    %mul3A_125 = arith.constant 32 : i32
    %mul3A_126 = arith.muli %add3A_124, %mul3A_125 : i32
    %mul3A_127 = arith.constant 512 : i32
    %mul3A_128 = arith.muli %mul3A_126, %mul3A_127 : i32
    %dma_start3A_129 = arith.constant 0 : i32
    %dma_start3A_130 = tpu.memref_slice %arg9[%dma_start3A_129] : memref<32768xi32, #tpu.memory_space<vmem>> -> memref<16384xi32, #tpu.memory_space<vmem>>
    %dma_start3A_131 = tpu.memref_slice %arg2[%select_n3A, %mul3A_128] : memref<8x262144xi32, #tpu.memory_space<hbm>> -> memref<1x16384xi32, #tpu.memory_space<hbm>>
    %dma_start3A_132 = tpu.memref_squeeze %dma_start3A_131 : memref<1x16384xi32, #tpu.memory_space<hbm>> -> memref<16384xi32, #tpu.memory_space<hbm>>
    %dma_start3A_133 = arith.constant 0 : i32
    %dma_start3A_134 = tpu.memref_slice %arg9[%dma_start3A_133] : memref<32768xi32, #tpu.memory_space<vmem>> -> memref<16384xi32, #tpu.memory_space<vmem>>
    %dma_start3A_135 = tpu.memref_slice %arg2[%select_n3A, %mul3A_128] : memref<8x262144xi32, #tpu.memory_space<hbm>> -> memref<1x16384xi32, #tpu.memory_space<hbm>>
    %dma_start3A_136 = tpu.memref_squeeze %dma_start3A_135 : memref<1x16384xi32, #tpu.memory_space<hbm>> -> memref<16384xi32, #tpu.memory_space<hbm>>
    tpu.enqueue_dma source(%dma_start3A_136 : memref<16384xi32, #tpu.memory_space<hbm>>) target(%dma_start3A_134 : memref<16384xi32, #tpu.memory_space<vmem>>) target_semaphore(%arg11 : memref<!tpu.dma_semaphore, #tpu.memory_space<semaphore_mem>>)
    %mul3A_137 = arith.constant 512 : i32
    %mul3A_138 = arith.muli %mul3A_126, %mul3A_137 : i32
    %dma_start3A_139 = arith.constant 16384 : i32
    %dma_start3A_140 = tpu.memref_slice %arg9[%dma_start3A_139] : memref<32768xi32, #tpu.memory_space<vmem>> -> memref<16384xi32, #tpu.memory_space<vmem>>
    %dma_start3A_141 = tpu.memref_slice %arg3[%select_n3A, %mul3A_138] : memref<8x262144xi32, #tpu.memory_space<hbm>> -> memref<1x16384xi32, #tpu.memory_space<hbm>>
    %dma_start3A_142 = tpu.memref_squeeze %dma_start3A_141 : memref<1x16384xi32, #tpu.memory_space<hbm>> -> memref<16384xi32, #tpu.memory_space<hbm>>
    %dma_start3A_143 = arith.constant 16384 : i32
    %dma_start3A_144 = tpu.memref_slice %arg9[%dma_start3A_143] : memref<32768xi32, #tpu.memory_space<vmem>> -> memref<16384xi32, #tpu.memory_space<vmem>>
    %dma_start3A_145 = tpu.memref_slice %arg3[%select_n3A, %mul3A_138] : memref<8x262144xi32, #tpu.memory_space<hbm>> -> memref<1x16384xi32, #tpu.memory_space<hbm>>
    %dma_start3A_146 = tpu.memref_squeeze %dma_start3A_145 : memref<1x16384xi32, #tpu.memory_space<hbm>> -> memref<16384xi32, #tpu.memory_space<hbm>>
    tpu.enqueue_dma source(%dma_start3A_146 : memref<16384xi32, #tpu.memory_space<hbm>>) target(%dma_start3A_144 : memref<16384xi32, #tpu.memory_space<vmem>>) target_semaphore(%arg11 : memref<!tpu.dma_semaphore, #tpu.memory_space<semaphore_mem>>)
    "tpu.trace_start"() <{level = 10 : i32, message = "dmawait"}> : () -> ()
    %dma_wait3A_147 = arith.constant 0 : i32
    %dma_wait3A_148 = tpu.memref_slice %arg10[%dma_wait3A_147] : memref<32768xi32, #tpu.memory_space<vmem>> -> memref<16384xi32, #tpu.memory_space<vmem>>
    %dma_wait3A_149 = tpu.memref_slice %arg2[%select_n3A, %mul3A_76] : memref<8x262144xi32, #tpu.memory_space<hbm>> -> memref<1x16384xi32, #tpu.memory_space<hbm>>
    %dma_wait3A_150 = tpu.memref_squeeze %dma_wait3A_149 : memref<1x16384xi32, #tpu.memory_space<hbm>> -> memref<16384xi32, #tpu.memory_space<hbm>>
    %dma_wait3A_151 = arith.constant 0 : i32
    %dma_wait3A_152 = tpu.memref_slice %arg10[%dma_wait3A_151] : memref<32768xi32, #tpu.memory_space<vmem>> -> memref<16384xi32, #tpu.memory_space<vmem>>
    %dma_wait3A_153 = tpu.memref_slice %arg2[%select_n3A, %mul3A_76] : memref<8x262144xi32, #tpu.memory_space<hbm>> -> memref<1x16384xi32, #tpu.memory_space<hbm>>
    %dma_wait3A_154 = tpu.memref_squeeze %dma_wait3A_153 : memref<1x16384xi32, #tpu.memory_space<hbm>> -> memref<16384xi32, #tpu.memory_space<hbm>>
    tpu.wait_dma2 semaphore(%arg12 : memref<!tpu.dma_semaphore, #tpu.memory_space<semaphore_mem>>) src(%dma_wait3A_154 : memref<16384xi32, #tpu.memory_space<hbm>>) dst(%dma_wait3A_152 : memref<16384xi32, #tpu.memory_space<vmem>>)
    %dma_wait3A_155 = arith.constant 16384 : i32
    %dma_wait3A_156 = tpu.memref_slice %arg10[%dma_wait3A_155] : memref<32768xi32, #tpu.memory_space<vmem>> -> memref<16384xi32, #tpu.memory_space<vmem>>
    %dma_wait3A_157 = tpu.memref_slice %arg3[%select_n3A, %mul3A_86] : memref<8x262144xi32, #tpu.memory_space<hbm>> -> memref<1x16384xi32, #tpu.memory_space<hbm>>
    %dma_wait3A_158 = tpu.memref_squeeze %dma_wait3A_157 : memref<1x16384xi32, #tpu.memory_space<hbm>> -> memref<16384xi32, #tpu.memory_space<hbm>>
    %dma_wait3A_159 = arith.constant 16384 : i32
    %dma_wait3A_160 = tpu.memref_slice %arg10[%dma_wait3A_159] : memref<32768xi32, #tpu.memory_space<vmem>> -> memref<16384xi32, #tpu.memory_space<vmem>>
    %dma_wait3A_161 = tpu.memref_slice %arg3[%select_n3A, %mul3A_86] : memref<8x262144xi32, #tpu.memory_space<hbm>> -> memref<1x16384xi32, #tpu.memory_space<hbm>>
    %dma_wait3A_162 = tpu.memref_squeeze %dma_wait3A_161 : memref<1x16384xi32, #tpu.memory_space<hbm>> -> memref<16384xi32, #tpu.memory_space<hbm>>
    tpu.wait_dma2 semaphore(%arg12 : memref<!tpu.dma_semaphore, #tpu.memory_space<semaphore_mem>>) src(%dma_wait3A_162 : memref<16384xi32, #tpu.memory_space<hbm>>) dst(%dma_wait3A_160 : memref<16384xi32, #tpu.memory_space<vmem>>)
    %parallel_loop3A_163 = arith.constant 0 : i32
    %parallel_loop3A_164 = arith.constant 1024 : i32
    %parallel_loop3A_165 = arith.constant 1 : i32
    "tpu.trace_stop"() : () -> ()
    "tpu.trace_start"() <{level = 10 : i32, message = "pix"}> : () -> ()
    scf.for %parallel_loop3A_517 = %parallel_loop3A_163 to %parallel_loop3A_164 step %parallel_loop3A_165  : i32 {
      %parallel_loop3A_518 = arith.addi %mul3A_47, %parallel_loop3A_517 : i32
      %parallel_loop3A_519 = arith.constant 5 : i32
      %parallel_loop3A_520 = arith.shrsi %parallel_loop3A_517, %parallel_loop3A_519 : i32
      %parallel_loop3A_521 = arith.constant 480 : i32
      %parallel_loop3A_522 = arith.muli %parallel_loop3A_520, %parallel_loop3A_521 : i32
      %parallel_loop3A_523 = arith.addi %parallel_loop3A_518, %parallel_loop3A_522 : i32
      %parallel_loop3A_524 = vector.broadcast %parallel_loop3A_523 : i32 to vector<16xi32>
      %parallel_loop3A_525 = arith.addi %mul3A_45, %parallel_loop3A_524 : vector<16xi32>
      %parallel_loop3A_526 = tpu.vector_load_idx %arg10[%parallel_loop3A_525] : memref<32768xi32, #tpu.memory_space<vmem>>[vector<16xi32>], vector<16xi32>,
      %parallel_loop3A_527 = arith.constant 16 : i32
      %parallel_loop3A_528 = vector.broadcast %parallel_loop3A_527 : i32 to vector<16xi32>
      %parallel_loop3A_529 = arith.muli %parallel_loop3A_526, %parallel_loop3A_528 : vector<16xi32>
      %parallel_loop3A_530 = arith.addi %parallel_loop3A_529, %iota3A : vector<16xi32>
      tpu.vector_store_idx %arg13[%parallel_loop3A_530], %broadcast_in_dim3A_31 {add = true} : memref<1024xi32, #tpu.memory_space<vmem>>[vector<16xi32>], vector<16xi32>,
    } {sc.loop_unroll_factor = 8 : i64, sc.parallel_access}
    %broadcast_in_dim3A_166 = arith.constant -1 : i32
    "tpu.trace_stop"() : () -> ()
    "tpu.trace_start"() <{level = 10 : i32, message = "amax"}> : () -> ()
    %broadcast_in_dim3A_167 = vector.broadcast %broadcast_in_dim3A_166 : i32 to vector<16xi32>
    %broadcast_in_dim3A_168 = arith.constant 0 : i32
    %broadcast_in_dim3A_169 = vector.broadcast %broadcast_in_dim3A_168 : i32 to vector<16xi32>
    %parallel_loop3A_170 = arith.constant 0 : i32
    %parallel_loop3A_171 = arith.constant 64 : i32
    %parallel_loop3A_172 = arith.constant 1 : i32
    %parallel_loop3A_173:2 = scf.for %parallel_loop3A_517 = %parallel_loop3A_170 to %parallel_loop3A_171 step %parallel_loop3A_172 iter_args(%parallel_loop3A_518 = %broadcast_in_dim3A_167, %parallel_loop3A_519 = %broadcast_in_dim3A_169) -> (vector<16xi32>, vector<16xi32>)  : i32 {
      %parallel_loop3A_520 = arith.constant 16 : i32
      %parallel_loop3A_521 = arith.muli %parallel_loop3A_517, %parallel_loop3A_520 : i32
      %parallel_loop3A_522 = arith.index_cast %parallel_loop3A_521 : i32 to index
      %parallel_loop3A_523 = tpu.vector_load %arg13[%parallel_loop3A_522] {strides = array<i32>} : memref<1024xi32, #tpu.memory_space<vmem>>, vector<16xi32>,
      %parallel_loop3A_524 = arith.constant 16 : i32
      %parallel_loop3A_525 = arith.muli %parallel_loop3A_517, %parallel_loop3A_524 : i32
      %parallel_loop3A_526 = arith.index_cast %parallel_loop3A_525 : i32 to index
      %parallel_loop3A_527 = tpu.vector_load %arg13[%parallel_loop3A_526] {strides = array<i32>} : memref<1024xi32, #tpu.memory_space<vmem>>, vector<16xi32>,
      tpu.vector_store %arg13[%parallel_loop3A_526], %broadcast_in_dim3A_33 {strides = array<i32>} : memref<1024xi32, #tpu.memory_space<vmem>>, vector<16xi32>,
      %parallel_loop3A_528 = arith.cmpi sgt, %parallel_loop3A_523, %parallel_loop3A_518 : vector<16xi32>
      %parallel_loop3A_529 = arith.select %parallel_loop3A_528, %parallel_loop3A_523, %parallel_loop3A_518 : vector<16xi1>, vector<16xi32>
      %parallel_loop3A_530 = vector.broadcast %parallel_loop3A_517 : i32 to vector<16xi32>
      %parallel_loop3A_531 = arith.select %parallel_loop3A_528, %parallel_loop3A_530, %parallel_loop3A_519 : vector<16xi1>, vector<16xi32>
      scf.yield %parallel_loop3A_529, %parallel_loop3A_531 : vector<16xi32>, vector<16xi32>
    } {sc.loop_unroll_factor = 1 : i64, sc.parallel_access}
    "tpu.trace_stop"() : () -> ()
    %swap3A_174 = arith.constant 16 : index
    %swap3A_175 = tpu.vector_load %arg16[%swap3A_174] {strides = array<i32>} : memref<128xi32, #tpu.memory_space<vmem>>, vector<16xi32>,
    tpu.vector_store %arg16[%swap3A_174], %parallel_loop3A_173#1 {strides = array<i32>} : memref<128xi32, #tpu.memory_space<vmem>>, vector<16xi32>,
    %add3A_176 = arith.addi %mul3A_30, %parallel_loop3A_173#1 : vector<16xi32>
    tpu.vector_store_idx %arg14[%add3A_176], %broadcast_in_dim3A_31 {add = true} : memref<1024xi32, #tpu.memory_space<vmem>>[vector<16xi32>], vector<16xi32>,
    %add3A_177 = arith.constant 3 : i32
    %add3A_178 = arith.addi %mul3A_42, %add3A_177 : i32
    %mul3A_179 = arith.constant 32 : i32
    %mul3A_180 = arith.muli %add3A_178, %mul3A_179 : i32
    %mul3A_181 = arith.constant 512 : i32
    %mul3A_182 = arith.muli %mul3A_180, %mul3A_181 : i32
    %dma_start3A_183 = arith.constant 0 : i32
    %dma_start3A_184 = tpu.memref_slice %arg10[%dma_start3A_183] : memref<32768xi32, #tpu.memory_space<vmem>> -> memref<16384xi32, #tpu.memory_space<vmem>>
    %dma_start3A_185 = tpu.memref_slice %arg2[%select_n3A, %mul3A_182] : memref<8x262144xi32, #tpu.memory_space<hbm>> -> memref<1x16384xi32, #tpu.memory_space<hbm>>
    %dma_start3A_186 = tpu.memref_squeeze %dma_start3A_185 : memref<1x16384xi32, #tpu.memory_space<hbm>> -> memref<16384xi32, #tpu.memory_space<hbm>>
    %dma_start3A_187 = arith.constant 0 : i32
    %dma_start3A_188 = tpu.memref_slice %arg10[%dma_start3A_187] : memref<32768xi32, #tpu.memory_space<vmem>> -> memref<16384xi32, #tpu.memory_space<vmem>>
    %dma_start3A_189 = tpu.memref_slice %arg2[%select_n3A, %mul3A_182] : memref<8x262144xi32, #tpu.memory_space<hbm>> -> memref<1x16384xi32, #tpu.memory_space<hbm>>
    %dma_start3A_190 = tpu.memref_squeeze %dma_start3A_189 : memref<1x16384xi32, #tpu.memory_space<hbm>> -> memref<16384xi32, #tpu.memory_space<hbm>>
    tpu.enqueue_dma source(%dma_start3A_190 : memref<16384xi32, #tpu.memory_space<hbm>>) target(%dma_start3A_188 : memref<16384xi32, #tpu.memory_space<vmem>>) target_semaphore(%arg12 : memref<!tpu.dma_semaphore, #tpu.memory_space<semaphore_mem>>)
    %mul3A_191 = arith.constant 512 : i32
    %mul3A_192 = arith.muli %mul3A_180, %mul3A_191 : i32
    %dma_start3A_193 = arith.constant 16384 : i32
    %dma_start3A_194 = tpu.memref_slice %arg10[%dma_start3A_193] : memref<32768xi32, #tpu.memory_space<vmem>> -> memref<16384xi32, #tpu.memory_space<vmem>>
    %dma_start3A_195 = tpu.memref_slice %arg3[%select_n3A, %mul3A_192] : memref<8x262144xi32, #tpu.memory_space<hbm>> -> memref<1x16384xi32, #tpu.memory_space<hbm>>
    %dma_start3A_196 = tpu.memref_squeeze %dma_start3A_195 : memref<1x16384xi32, #tpu.memory_space<hbm>> -> memref<16384xi32, #tpu.memory_space<hbm>>
    %dma_start3A_197 = arith.constant 16384 : i32
    %dma_start3A_198 = tpu.memref_slice %arg10[%dma_start3A_197] : memref<32768xi32, #tpu.memory_space<vmem>> -> memref<16384xi32, #tpu.memory_space<vmem>>
    %dma_start3A_199 = tpu.memref_slice %arg3[%select_n3A, %mul3A_192] : memref<8x262144xi32, #tpu.memory_space<hbm>> -> memref<1x16384xi32, #tpu.memory_space<hbm>>
    %dma_start3A_200 = tpu.memref_squeeze %dma_start3A_199 : memref<1x16384xi32, #tpu.memory_space<hbm>> -> memref<16384xi32, #tpu.memory_space<hbm>>
    tpu.enqueue_dma source(%dma_start3A_200 : memref<16384xi32, #tpu.memory_space<hbm>>) target(%dma_start3A_198 : memref<16384xi32, #tpu.memory_space<vmem>>) target_semaphore(%arg12 : memref<!tpu.dma_semaphore, #tpu.memory_space<semaphore_mem>>)
    "tpu.trace_start"() <{level = 10 : i32, message = "dmawait"}> : () -> ()
    %dma_wait3A_201 = arith.constant 0 : i32
    %dma_wait3A_202 = tpu.memref_slice %arg9[%dma_wait3A_201] : memref<32768xi32, #tpu.memory_space<vmem>> -> memref<16384xi32, #tpu.memory_space<vmem>>
    %dma_wait3A_203 = tpu.memref_slice %arg2[%select_n3A, %mul3A_128] : memref<8x262144xi32, #tpu.memory_space<hbm>> -> memref<1x16384xi32, #tpu.memory_space<hbm>>
    %dma_wait3A_204 = tpu.memref_squeeze %dma_wait3A_203 : memref<1x16384xi32, #tpu.memory_space<hbm>> -> memref<16384xi32, #tpu.memory_space<hbm>>
    %dma_wait3A_205 = arith.constant 0 : i32
    %dma_wait3A_206 = tpu.memref_slice %arg9[%dma_wait3A_205] : memref<32768xi32, #tpu.memory_space<vmem>> -> memref<16384xi32, #tpu.memory_space<vmem>>
    %dma_wait3A_207 = tpu.memref_slice %arg2[%select_n3A, %mul3A_128] : memref<8x262144xi32, #tpu.memory_space<hbm>> -> memref<1x16384xi32, #tpu.memory_space<hbm>>
    %dma_wait3A_208 = tpu.memref_squeeze %dma_wait3A_207 : memref<1x16384xi32, #tpu.memory_space<hbm>> -> memref<16384xi32, #tpu.memory_space<hbm>>
    tpu.wait_dma2 semaphore(%arg11 : memref<!tpu.dma_semaphore, #tpu.memory_space<semaphore_mem>>) src(%dma_wait3A_208 : memref<16384xi32, #tpu.memory_space<hbm>>) dst(%dma_wait3A_206 : memref<16384xi32, #tpu.memory_space<vmem>>)
    %dma_wait3A_209 = arith.constant 16384 : i32
    %dma_wait3A_210 = tpu.memref_slice %arg9[%dma_wait3A_209] : memref<32768xi32, #tpu.memory_space<vmem>> -> memref<16384xi32, #tpu.memory_space<vmem>>
    %dma_wait3A_211 = tpu.memref_slice %arg3[%select_n3A, %mul3A_138] : memref<8x262144xi32, #tpu.memory_space<hbm>> -> memref<1x16384xi32, #tpu.memory_space<hbm>>
    %dma_wait3A_212 = tpu.memref_squeeze %dma_wait3A_211 : memref<1x16384xi32, #tpu.memory_space<hbm>> -> memref<16384xi32, #tpu.memory_space<hbm>>
    %dma_wait3A_213 = arith.constant 16384 : i32
    %dma_wait3A_214 = tpu.memref_slice %arg9[%dma_wait3A_213] : memref<32768xi32, #tpu.memory_space<vmem>> -> memref<16384xi32, #tpu.memory_space<vmem>>
    %dma_wait3A_215 = tpu.memref_slice %arg3[%select_n3A, %mul3A_138] : memref<8x262144xi32, #tpu.memory_space<hbm>> -> memref<1x16384xi32, #tpu.memory_space<hbm>>
    %dma_wait3A_216 = tpu.memref_squeeze %dma_wait3A_215 : memref<1x16384xi32, #tpu.memory_space<hbm>> -> memref<16384xi32, #tpu.memory_space<hbm>>
    tpu.wait_dma2 semaphore(%arg11 : memref<!tpu.dma_semaphore, #tpu.memory_space<semaphore_mem>>) src(%dma_wait3A_216 : memref<16384xi32, #tpu.memory_space<hbm>>) dst(%dma_wait3A_214 : memref<16384xi32, #tpu.memory_space<vmem>>)
    %parallel_loop3A_217 = arith.constant 0 : i32
    %parallel_loop3A_218 = arith.constant 1024 : i32
    %parallel_loop3A_219 = arith.constant 1 : i32
    "tpu.trace_stop"() : () -> ()
    "tpu.trace_start"() <{level = 10 : i32, message = "pix"}> : () -> ()
    scf.for %parallel_loop3A_517 = %parallel_loop3A_217 to %parallel_loop3A_218 step %parallel_loop3A_219  : i32 {
      %parallel_loop3A_518 = arith.addi %mul3A_47, %parallel_loop3A_517 : i32
      %parallel_loop3A_519 = arith.constant 5 : i32
      %parallel_loop3A_520 = arith.shrsi %parallel_loop3A_517, %parallel_loop3A_519 : i32
      %parallel_loop3A_521 = arith.constant 480 : i32
      %parallel_loop3A_522 = arith.muli %parallel_loop3A_520, %parallel_loop3A_521 : i32
      %parallel_loop3A_523 = arith.addi %parallel_loop3A_518, %parallel_loop3A_522 : i32
      %parallel_loop3A_524 = vector.broadcast %parallel_loop3A_523 : i32 to vector<16xi32>
      %parallel_loop3A_525 = arith.addi %mul3A_45, %parallel_loop3A_524 : vector<16xi32>
      %parallel_loop3A_526 = tpu.vector_load_idx %arg9[%parallel_loop3A_525] : memref<32768xi32, #tpu.memory_space<vmem>>[vector<16xi32>], vector<16xi32>,
      %parallel_loop3A_527 = arith.constant 16 : i32
      %parallel_loop3A_528 = vector.broadcast %parallel_loop3A_527 : i32 to vector<16xi32>
      %parallel_loop3A_529 = arith.muli %parallel_loop3A_526, %parallel_loop3A_528 : vector<16xi32>
      %parallel_loop3A_530 = arith.addi %parallel_loop3A_529, %iota3A : vector<16xi32>
      tpu.vector_store_idx %arg13[%parallel_loop3A_530], %broadcast_in_dim3A_31 {add = true} : memref<1024xi32, #tpu.memory_space<vmem>>[vector<16xi32>], vector<16xi32>,
    } {sc.loop_unroll_factor = 8 : i64, sc.parallel_access}
    %broadcast_in_dim3A_220 = arith.constant -1 : i32
    "tpu.trace_stop"() : () -> ()
    "tpu.trace_start"() <{level = 10 : i32, message = "amax"}> : () -> ()
    %broadcast_in_dim3A_221 = vector.broadcast %broadcast_in_dim3A_220 : i32 to vector<16xi32>
    %broadcast_in_dim3A_222 = arith.constant 0 : i32
    %broadcast_in_dim3A_223 = vector.broadcast %broadcast_in_dim3A_222 : i32 to vector<16xi32>
    %parallel_loop3A_224 = arith.constant 0 : i32
    %parallel_loop3A_225 = arith.constant 64 : i32
    %parallel_loop3A_226 = arith.constant 1 : i32
    %parallel_loop3A_227:2 = scf.for %parallel_loop3A_517 = %parallel_loop3A_224 to %parallel_loop3A_225 step %parallel_loop3A_226 iter_args(%parallel_loop3A_518 = %broadcast_in_dim3A_221, %parallel_loop3A_519 = %broadcast_in_dim3A_223) -> (vector<16xi32>, vector<16xi32>)  : i32 {
      %parallel_loop3A_520 = arith.constant 16 : i32
      %parallel_loop3A_521 = arith.muli %parallel_loop3A_517, %parallel_loop3A_520 : i32
      %parallel_loop3A_522 = arith.index_cast %parallel_loop3A_521 : i32 to index
      %parallel_loop3A_523 = tpu.vector_load %arg13[%parallel_loop3A_522] {strides = array<i32>} : memref<1024xi32, #tpu.memory_space<vmem>>, vector<16xi32>,
      %parallel_loop3A_524 = arith.constant 16 : i32
      %parallel_loop3A_525 = arith.muli %parallel_loop3A_517, %parallel_loop3A_524 : i32
      %parallel_loop3A_526 = arith.index_cast %parallel_loop3A_525 : i32 to index
      %parallel_loop3A_527 = tpu.vector_load %arg13[%parallel_loop3A_526] {strides = array<i32>} : memref<1024xi32, #tpu.memory_space<vmem>>, vector<16xi32>,
      tpu.vector_store %arg13[%parallel_loop3A_526], %broadcast_in_dim3A_33 {strides = array<i32>} : memref<1024xi32, #tpu.memory_space<vmem>>, vector<16xi32>,
      %parallel_loop3A_528 = arith.cmpi sgt, %parallel_loop3A_523, %parallel_loop3A_518 : vector<16xi32>
      %parallel_loop3A_529 = arith.select %parallel_loop3A_528, %parallel_loop3A_523, %parallel_loop3A_518 : vector<16xi1>, vector<16xi32>
      %parallel_loop3A_530 = vector.broadcast %parallel_loop3A_517 : i32 to vector<16xi32>
      %parallel_loop3A_531 = arith.select %parallel_loop3A_528, %parallel_loop3A_530, %parallel_loop3A_519 : vector<16xi1>, vector<16xi32>
      scf.yield %parallel_loop3A_529, %parallel_loop3A_531 : vector<16xi32>, vector<16xi32>
    } {sc.loop_unroll_factor = 1 : i64, sc.parallel_access}
    "tpu.trace_stop"() : () -> ()
    %swap3A_228 = arith.constant 32 : index
    %swap3A_229 = tpu.vector_load %arg16[%swap3A_228] {strides = array<i32>} : memref<128xi32, #tpu.memory_space<vmem>>, vector<16xi32>,
    tpu.vector_store %arg16[%swap3A_228], %parallel_loop3A_227#1 {strides = array<i32>} : memref<128xi32, #tpu.memory_space<vmem>>, vector<16xi32>,
    %add3A_230 = arith.addi %mul3A_30, %parallel_loop3A_227#1 : vector<16xi32>
    tpu.vector_store_idx %arg14[%add3A_230], %broadcast_in_dim3A_31 {add = true} : memref<1024xi32, #tpu.memory_space<vmem>>[vector<16xi32>], vector<16xi32>,
    %add3A_231 = arith.constant 4 : i32
    %add3A_232 = arith.addi %mul3A_42, %add3A_231 : i32
    %mul3A_233 = arith.constant 32 : i32
    %mul3A_234 = arith.muli %add3A_232, %mul3A_233 : i32
    %mul3A_235 = arith.constant 512 : i32
    %mul3A_236 = arith.muli %mul3A_234, %mul3A_235 : i32
    %dma_start3A_237 = arith.constant 0 : i32
    %dma_start3A_238 = tpu.memref_slice %arg9[%dma_start3A_237] : memref<32768xi32, #tpu.memory_space<vmem>> -> memref<16384xi32, #tpu.memory_space<vmem>>
    %dma_start3A_239 = tpu.memref_slice %arg2[%select_n3A, %mul3A_236] : memref<8x262144xi32, #tpu.memory_space<hbm>> -> memref<1x16384xi32, #tpu.memory_space<hbm>>
    %dma_start3A_240 = tpu.memref_squeeze %dma_start3A_239 : memref<1x16384xi32, #tpu.memory_space<hbm>> -> memref<16384xi32, #tpu.memory_space<hbm>>
    %dma_start3A_241 = arith.constant 0 : i32
    %dma_start3A_242 = tpu.memref_slice %arg9[%dma_start3A_241] : memref<32768xi32, #tpu.memory_space<vmem>> -> memref<16384xi32, #tpu.memory_space<vmem>>
    %dma_start3A_243 = tpu.memref_slice %arg2[%select_n3A, %mul3A_236] : memref<8x262144xi32, #tpu.memory_space<hbm>> -> memref<1x16384xi32, #tpu.memory_space<hbm>>
    %dma_start3A_244 = tpu.memref_squeeze %dma_start3A_243 : memref<1x16384xi32, #tpu.memory_space<hbm>> -> memref<16384xi32, #tpu.memory_space<hbm>>
    tpu.enqueue_dma source(%dma_start3A_244 : memref<16384xi32, #tpu.memory_space<hbm>>) target(%dma_start3A_242 : memref<16384xi32, #tpu.memory_space<vmem>>) target_semaphore(%arg11 : memref<!tpu.dma_semaphore, #tpu.memory_space<semaphore_mem>>)
    %mul3A_245 = arith.constant 512 : i32
    %mul3A_246 = arith.muli %mul3A_234, %mul3A_245 : i32
    %dma_start3A_247 = arith.constant 16384 : i32
    %dma_start3A_248 = tpu.memref_slice %arg9[%dma_start3A_247] : memref<32768xi32, #tpu.memory_space<vmem>> -> memref<16384xi32, #tpu.memory_space<vmem>>
    %dma_start3A_249 = tpu.memref_slice %arg3[%select_n3A, %mul3A_246] : memref<8x262144xi32, #tpu.memory_space<hbm>> -> memref<1x16384xi32, #tpu.memory_space<hbm>>
    %dma_start3A_250 = tpu.memref_squeeze %dma_start3A_249 : memref<1x16384xi32, #tpu.memory_space<hbm>> -> memref<16384xi32, #tpu.memory_space<hbm>>
    %dma_start3A_251 = arith.constant 16384 : i32
    %dma_start3A_252 = tpu.memref_slice %arg9[%dma_start3A_251] : memref<32768xi32, #tpu.memory_space<vmem>> -> memref<16384xi32, #tpu.memory_space<vmem>>
    %dma_start3A_253 = tpu.memref_slice %arg3[%select_n3A, %mul3A_246] : memref<8x262144xi32, #tpu.memory_space<hbm>> -> memref<1x16384xi32, #tpu.memory_space<hbm>>
    %dma_start3A_254 = tpu.memref_squeeze %dma_start3A_253 : memref<1x16384xi32, #tpu.memory_space<hbm>> -> memref<16384xi32, #tpu.memory_space<hbm>>
    tpu.enqueue_dma source(%dma_start3A_254 : memref<16384xi32, #tpu.memory_space<hbm>>) target(%dma_start3A_252 : memref<16384xi32, #tpu.memory_space<vmem>>) target_semaphore(%arg11 : memref<!tpu.dma_semaphore, #tpu.memory_space<semaphore_mem>>)
    "tpu.trace_start"() <{level = 10 : i32, message = "dmawait"}> : () -> ()
    %dma_wait3A_255 = arith.constant 0 : i32
    %dma_wait3A_256 = tpu.memref_slice %arg10[%dma_wait3A_255] : memref<32768xi32, #tpu.memory_space<vmem>> -> memref<16384xi32, #tpu.memory_space<vmem>>
    %dma_wait3A_257 = tpu.memref_slice %arg2[%select_n3A, %mul3A_182] : memref<8x262144xi32, #tpu.memory_space<hbm>> -> memref<1x16384xi32, #tpu.memory_space<hbm>>
    %dma_wait3A_258 = tpu.memref_squeeze %dma_wait3A_257 : memref<1x16384xi32, #tpu.memory_space<hbm>> -> memref<16384xi32, #tpu.memory_space<hbm>>
    %dma_wait3A_259 = arith.constant 0 : i32
    %dma_wait3A_260 = tpu.memref_slice %arg10[%dma_wait3A_259] : memref<32768xi32, #tpu.memory_space<vmem>> -> memref<16384xi32, #tpu.memory_space<vmem>>
    %dma_wait3A_261 = tpu.memref_slice %arg2[%select_n3A, %mul3A_182] : memref<8x262144xi32, #tpu.memory_space<hbm>> -> memref<1x16384xi32, #tpu.memory_space<hbm>>
    %dma_wait3A_262 = tpu.memref_squeeze %dma_wait3A_261 : memref<1x16384xi32, #tpu.memory_space<hbm>> -> memref<16384xi32, #tpu.memory_space<hbm>>
    tpu.wait_dma2 semaphore(%arg12 : memref<!tpu.dma_semaphore, #tpu.memory_space<semaphore_mem>>) src(%dma_wait3A_262 : memref<16384xi32, #tpu.memory_space<hbm>>) dst(%dma_wait3A_260 : memref<16384xi32, #tpu.memory_space<vmem>>)
    %dma_wait3A_263 = arith.constant 16384 : i32
    %dma_wait3A_264 = tpu.memref_slice %arg10[%dma_wait3A_263] : memref<32768xi32, #tpu.memory_space<vmem>> -> memref<16384xi32, #tpu.memory_space<vmem>>
    %dma_wait3A_265 = tpu.memref_slice %arg3[%select_n3A, %mul3A_192] : memref<8x262144xi32, #tpu.memory_space<hbm>> -> memref<1x16384xi32, #tpu.memory_space<hbm>>
    %dma_wait3A_266 = tpu.memref_squeeze %dma_wait3A_265 : memref<1x16384xi32, #tpu.memory_space<hbm>> -> memref<16384xi32, #tpu.memory_space<hbm>>
    %dma_wait3A_267 = arith.constant 16384 : i32
    %dma_wait3A_268 = tpu.memref_slice %arg10[%dma_wait3A_267] : memref<32768xi32, #tpu.memory_space<vmem>> -> memref<16384xi32, #tpu.memory_space<vmem>>
    %dma_wait3A_269 = tpu.memref_slice %arg3[%select_n3A, %mul3A_192] : memref<8x262144xi32, #tpu.memory_space<hbm>> -> memref<1x16384xi32, #tpu.memory_space<hbm>>
    %dma_wait3A_270 = tpu.memref_squeeze %dma_wait3A_269 : memref<1x16384xi32, #tpu.memory_space<hbm>> -> memref<16384xi32, #tpu.memory_space<hbm>>
    tpu.wait_dma2 semaphore(%arg12 : memref<!tpu.dma_semaphore, #tpu.memory_space<semaphore_mem>>) src(%dma_wait3A_270 : memref<16384xi32, #tpu.memory_space<hbm>>) dst(%dma_wait3A_268 : memref<16384xi32, #tpu.memory_space<vmem>>)
    %parallel_loop3A_271 = arith.constant 0 : i32
    %parallel_loop3A_272 = arith.constant 1024 : i32
    %parallel_loop3A_273 = arith.constant 1 : i32
    "tpu.trace_stop"() : () -> ()
    "tpu.trace_start"() <{level = 10 : i32, message = "pix"}> : () -> ()
    scf.for %parallel_loop3A_517 = %parallel_loop3A_271 to %parallel_loop3A_272 step %parallel_loop3A_273  : i32 {
      %parallel_loop3A_518 = arith.addi %mul3A_47, %parallel_loop3A_517 : i32
      %parallel_loop3A_519 = arith.constant 5 : i32
      %parallel_loop3A_520 = arith.shrsi %parallel_loop3A_517, %parallel_loop3A_519 : i32
      %parallel_loop3A_521 = arith.constant 480 : i32
      %parallel_loop3A_522 = arith.muli %parallel_loop3A_520, %parallel_loop3A_521 : i32
      %parallel_loop3A_523 = arith.addi %parallel_loop3A_518, %parallel_loop3A_522 : i32
      %parallel_loop3A_524 = vector.broadcast %parallel_loop3A_523 : i32 to vector<16xi32>
      %parallel_loop3A_525 = arith.addi %mul3A_45, %parallel_loop3A_524 : vector<16xi32>
      %parallel_loop3A_526 = tpu.vector_load_idx %arg10[%parallel_loop3A_525] : memref<32768xi32, #tpu.memory_space<vmem>>[vector<16xi32>], vector<16xi32>,
      %parallel_loop3A_527 = arith.constant 16 : i32
      %parallel_loop3A_528 = vector.broadcast %parallel_loop3A_527 : i32 to vector<16xi32>
      %parallel_loop3A_529 = arith.muli %parallel_loop3A_526, %parallel_loop3A_528 : vector<16xi32>
      %parallel_loop3A_530 = arith.addi %parallel_loop3A_529, %iota3A : vector<16xi32>
      tpu.vector_store_idx %arg13[%parallel_loop3A_530], %broadcast_in_dim3A_31 {add = true} : memref<1024xi32, #tpu.memory_space<vmem>>[vector<16xi32>], vector<16xi32>,
    } {sc.loop_unroll_factor = 8 : i64, sc.parallel_access}
    %broadcast_in_dim3A_274 = arith.constant -1 : i32
    "tpu.trace_stop"() : () -> ()
    "tpu.trace_start"() <{level = 10 : i32, message = "amax"}> : () -> ()
    %broadcast_in_dim3A_275 = vector.broadcast %broadcast_in_dim3A_274 : i32 to vector<16xi32>
    %broadcast_in_dim3A_276 = arith.constant 0 : i32
    %broadcast_in_dim3A_277 = vector.broadcast %broadcast_in_dim3A_276 : i32 to vector<16xi32>
    %parallel_loop3A_278 = arith.constant 0 : i32
    %parallel_loop3A_279 = arith.constant 64 : i32
    %parallel_loop3A_280 = arith.constant 1 : i32
    %parallel_loop3A_281:2 = scf.for %parallel_loop3A_517 = %parallel_loop3A_278 to %parallel_loop3A_279 step %parallel_loop3A_280 iter_args(%parallel_loop3A_518 = %broadcast_in_dim3A_275, %parallel_loop3A_519 = %broadcast_in_dim3A_277) -> (vector<16xi32>, vector<16xi32>)  : i32 {
      %parallel_loop3A_520 = arith.constant 16 : i32
      %parallel_loop3A_521 = arith.muli %parallel_loop3A_517, %parallel_loop3A_520 : i32
      %parallel_loop3A_522 = arith.index_cast %parallel_loop3A_521 : i32 to index
      %parallel_loop3A_523 = tpu.vector_load %arg13[%parallel_loop3A_522] {strides = array<i32>} : memref<1024xi32, #tpu.memory_space<vmem>>, vector<16xi32>,
      %parallel_loop3A_524 = arith.constant 16 : i32
      %parallel_loop3A_525 = arith.muli %parallel_loop3A_517, %parallel_loop3A_524 : i32
      %parallel_loop3A_526 = arith.index_cast %parallel_loop3A_525 : i32 to index
      %parallel_loop3A_527 = tpu.vector_load %arg13[%parallel_loop3A_526] {strides = array<i32>} : memref<1024xi32, #tpu.memory_space<vmem>>, vector<16xi32>,
      tpu.vector_store %arg13[%parallel_loop3A_526], %broadcast_in_dim3A_33 {strides = array<i32>} : memref<1024xi32, #tpu.memory_space<vmem>>, vector<16xi32>,
      %parallel_loop3A_528 = arith.cmpi sgt, %parallel_loop3A_523, %parallel_loop3A_518 : vector<16xi32>
      %parallel_loop3A_529 = arith.select %parallel_loop3A_528, %parallel_loop3A_523, %parallel_loop3A_518 : vector<16xi1>, vector<16xi32>
      %parallel_loop3A_530 = vector.broadcast %parallel_loop3A_517 : i32 to vector<16xi32>
      %parallel_loop3A_531 = arith.select %parallel_loop3A_528, %parallel_loop3A_530, %parallel_loop3A_519 : vector<16xi1>, vector<16xi32>
      scf.yield %parallel_loop3A_529, %parallel_loop3A_531 : vector<16xi32>, vector<16xi32>
    } {sc.loop_unroll_factor = 1 : i64, sc.parallel_access}
    "tpu.trace_stop"() : () -> ()
    %swap3A_282 = arith.constant 48 : index
    %swap3A_283 = tpu.vector_load %arg16[%swap3A_282] {strides = array<i32>} : memref<128xi32, #tpu.memory_space<vmem>>, vector<16xi32>,
    tpu.vector_store %arg16[%swap3A_282], %parallel_loop3A_281#1 {strides = array<i32>} : memref<128xi32, #tpu.memory_space<vmem>>, vector<16xi32>,
    %add3A_284 = arith.addi %mul3A_30, %parallel_loop3A_281#1 : vector<16xi32>
    tpu.vector_store_idx %arg14[%add3A_284], %broadcast_in_dim3A_31 {add = true} : memref<1024xi32, #tpu.memory_space<vmem>>[vector<16xi32>], vector<16xi32>,
    %add3A_285 = arith.constant 5 : i32
    %add3A_286 = arith.addi %mul3A_42, %add3A_285 : i32
    %mul3A_287 = arith.constant 32 : i32
    %mul3A_288 = arith.muli %add3A_286, %mul3A_287 : i32
    %mul3A_289 = arith.constant 512 : i32
    %mul3A_290 = arith.muli %mul3A_288, %mul3A_289 : i32
    %dma_start3A_291 = arith.constant 0 : i32
    %dma_start3A_292 = tpu.memref_slice %arg10[%dma_start3A_291] : memref<32768xi32, #tpu.memory_space<vmem>> -> memref<16384xi32, #tpu.memory_space<vmem>>
    %dma_start3A_293 = tpu.memref_slice %arg2[%select_n3A, %mul3A_290] : memref<8x262144xi32, #tpu.memory_space<hbm>> -> memref<1x16384xi32, #tpu.memory_space<hbm>>
    %dma_start3A_294 = tpu.memref_squeeze %dma_start3A_293 : memref<1x16384xi32, #tpu.memory_space<hbm>> -> memref<16384xi32, #tpu.memory_space<hbm>>
    %dma_start3A_295 = arith.constant 0 : i32
    %dma_start3A_296 = tpu.memref_slice %arg10[%dma_start3A_295] : memref<32768xi32, #tpu.memory_space<vmem>> -> memref<16384xi32, #tpu.memory_space<vmem>>
    %dma_start3A_297 = tpu.memref_slice %arg2[%select_n3A, %mul3A_290] : memref<8x262144xi32, #tpu.memory_space<hbm>> -> memref<1x16384xi32, #tpu.memory_space<hbm>>
    %dma_start3A_298 = tpu.memref_squeeze %dma_start3A_297 : memref<1x16384xi32, #tpu.memory_space<hbm>> -> memref<16384xi32, #tpu.memory_space<hbm>>
    tpu.enqueue_dma source(%dma_start3A_298 : memref<16384xi32, #tpu.memory_space<hbm>>) target(%dma_start3A_296 : memref<16384xi32, #tpu.memory_space<vmem>>) target_semaphore(%arg12 : memref<!tpu.dma_semaphore, #tpu.memory_space<semaphore_mem>>)
    %mul3A_299 = arith.constant 512 : i32
    %mul3A_300 = arith.muli %mul3A_288, %mul3A_299 : i32
    %dma_start3A_301 = arith.constant 16384 : i32
    %dma_start3A_302 = tpu.memref_slice %arg10[%dma_start3A_301] : memref<32768xi32, #tpu.memory_space<vmem>> -> memref<16384xi32, #tpu.memory_space<vmem>>
    %dma_start3A_303 = tpu.memref_slice %arg3[%select_n3A, %mul3A_300] : memref<8x262144xi32, #tpu.memory_space<hbm>> -> memref<1x16384xi32, #tpu.memory_space<hbm>>
    %dma_start3A_304 = tpu.memref_squeeze %dma_start3A_303 : memref<1x16384xi32, #tpu.memory_space<hbm>> -> memref<16384xi32, #tpu.memory_space<hbm>>
    %dma_start3A_305 = arith.constant 16384 : i32
    %dma_start3A_306 = tpu.memref_slice %arg10[%dma_start3A_305] : memref<32768xi32, #tpu.memory_space<vmem>> -> memref<16384xi32, #tpu.memory_space<vmem>>
    %dma_start3A_307 = tpu.memref_slice %arg3[%select_n3A, %mul3A_300] : memref<8x262144xi32, #tpu.memory_space<hbm>> -> memref<1x16384xi32, #tpu.memory_space<hbm>>
    %dma_start3A_308 = tpu.memref_squeeze %dma_start3A_307 : memref<1x16384xi32, #tpu.memory_space<hbm>> -> memref<16384xi32, #tpu.memory_space<hbm>>
    tpu.enqueue_dma source(%dma_start3A_308 : memref<16384xi32, #tpu.memory_space<hbm>>) target(%dma_start3A_306 : memref<16384xi32, #tpu.memory_space<vmem>>) target_semaphore(%arg12 : memref<!tpu.dma_semaphore, #tpu.memory_space<semaphore_mem>>)
    "tpu.trace_start"() <{level = 10 : i32, message = "dmawait"}> : () -> ()
    %dma_wait3A_309 = arith.constant 0 : i32
    %dma_wait3A_310 = tpu.memref_slice %arg9[%dma_wait3A_309] : memref<32768xi32, #tpu.memory_space<vmem>> -> memref<16384xi32, #tpu.memory_space<vmem>>
    %dma_wait3A_311 = tpu.memref_slice %arg2[%select_n3A, %mul3A_236] : memref<8x262144xi32, #tpu.memory_space<hbm>> -> memref<1x16384xi32, #tpu.memory_space<hbm>>
    %dma_wait3A_312 = tpu.memref_squeeze %dma_wait3A_311 : memref<1x16384xi32, #tpu.memory_space<hbm>> -> memref<16384xi32, #tpu.memory_space<hbm>>
    %dma_wait3A_313 = arith.constant 0 : i32
    %dma_wait3A_314 = tpu.memref_slice %arg9[%dma_wait3A_313] : memref<32768xi32, #tpu.memory_space<vmem>> -> memref<16384xi32, #tpu.memory_space<vmem>>
    %dma_wait3A_315 = tpu.memref_slice %arg2[%select_n3A, %mul3A_236] : memref<8x262144xi32, #tpu.memory_space<hbm>> -> memref<1x16384xi32, #tpu.memory_space<hbm>>
    %dma_wait3A_316 = tpu.memref_squeeze %dma_wait3A_315 : memref<1x16384xi32, #tpu.memory_space<hbm>> -> memref<16384xi32, #tpu.memory_space<hbm>>
    tpu.wait_dma2 semaphore(%arg11 : memref<!tpu.dma_semaphore, #tpu.memory_space<semaphore_mem>>) src(%dma_wait3A_316 : memref<16384xi32, #tpu.memory_space<hbm>>) dst(%dma_wait3A_314 : memref<16384xi32, #tpu.memory_space<vmem>>)
    %dma_wait3A_317 = arith.constant 16384 : i32
    %dma_wait3A_318 = tpu.memref_slice %arg9[%dma_wait3A_317] : memref<32768xi32, #tpu.memory_space<vmem>> -> memref<16384xi32, #tpu.memory_space<vmem>>
    %dma_wait3A_319 = tpu.memref_slice %arg3[%select_n3A, %mul3A_246] : memref<8x262144xi32, #tpu.memory_space<hbm>> -> memref<1x16384xi32, #tpu.memory_space<hbm>>
    %dma_wait3A_320 = tpu.memref_squeeze %dma_wait3A_319 : memref<1x16384xi32, #tpu.memory_space<hbm>> -> memref<16384xi32, #tpu.memory_space<hbm>>
    %dma_wait3A_321 = arith.constant 16384 : i32
    %dma_wait3A_322 = tpu.memref_slice %arg9[%dma_wait3A_321] : memref<32768xi32, #tpu.memory_space<vmem>> -> memref<16384xi32, #tpu.memory_space<vmem>>
    %dma_wait3A_323 = tpu.memref_slice %arg3[%select_n3A, %mul3A_246] : memref<8x262144xi32, #tpu.memory_space<hbm>> -> memref<1x16384xi32, #tpu.memory_space<hbm>>
    %dma_wait3A_324 = tpu.memref_squeeze %dma_wait3A_323 : memref<1x16384xi32, #tpu.memory_space<hbm>> -> memref<16384xi32, #tpu.memory_space<hbm>>
    tpu.wait_dma2 semaphore(%arg11 : memref<!tpu.dma_semaphore, #tpu.memory_space<semaphore_mem>>) src(%dma_wait3A_324 : memref<16384xi32, #tpu.memory_space<hbm>>) dst(%dma_wait3A_322 : memref<16384xi32, #tpu.memory_space<vmem>>)
    %parallel_loop3A_325 = arith.constant 0 : i32
    %parallel_loop3A_326 = arith.constant 1024 : i32
    %parallel_loop3A_327 = arith.constant 1 : i32
    "tpu.trace_stop"() : () -> ()
    "tpu.trace_start"() <{level = 10 : i32, message = "pix"}> : () -> ()
    scf.for %parallel_loop3A_517 = %parallel_loop3A_325 to %parallel_loop3A_326 step %parallel_loop3A_327  : i32 {
      %parallel_loop3A_518 = arith.addi %mul3A_47, %parallel_loop3A_517 : i32
      %parallel_loop3A_519 = arith.constant 5 : i32
      %parallel_loop3A_520 = arith.shrsi %parallel_loop3A_517, %parallel_loop3A_519 : i32
      %parallel_loop3A_521 = arith.constant 480 : i32
      %parallel_loop3A_522 = arith.muli %parallel_loop3A_520, %parallel_loop3A_521 : i32
      %parallel_loop3A_523 = arith.addi %parallel_loop3A_518, %parallel_loop3A_522 : i32
      %parallel_loop3A_524 = vector.broadcast %parallel_loop3A_523 : i32 to vector<16xi32>
      %parallel_loop3A_525 = arith.addi %mul3A_45, %parallel_loop3A_524 : vector<16xi32>
      %parallel_loop3A_526 = tpu.vector_load_idx %arg9[%parallel_loop3A_525] : memref<32768xi32, #tpu.memory_space<vmem>>[vector<16xi32>], vector<16xi32>,
      %parallel_loop3A_527 = arith.constant 16 : i32
      %parallel_loop3A_528 = vector.broadcast %parallel_loop3A_527 : i32 to vector<16xi32>
      %parallel_loop3A_529 = arith.muli %parallel_loop3A_526, %parallel_loop3A_528 : vector<16xi32>
      %parallel_loop3A_530 = arith.addi %parallel_loop3A_529, %iota3A : vector<16xi32>
      tpu.vector_store_idx %arg13[%parallel_loop3A_530], %broadcast_in_dim3A_31 {add = true} : memref<1024xi32, #tpu.memory_space<vmem>>[vector<16xi32>], vector<16xi32>,
    } {sc.loop_unroll_factor = 8 : i64, sc.parallel_access}
    %broadcast_in_dim3A_328 = arith.constant -1 : i32
    "tpu.trace_stop"() : () -> ()
    "tpu.trace_start"() <{level = 10 : i32, message = "amax"}> : () -> ()
    %broadcast_in_dim3A_329 = vector.broadcast %broadcast_in_dim3A_328 : i32 to vector<16xi32>
    %broadcast_in_dim3A_330 = arith.constant 0 : i32
    %broadcast_in_dim3A_331 = vector.broadcast %broadcast_in_dim3A_330 : i32 to vector<16xi32>
    %parallel_loop3A_332 = arith.constant 0 : i32
    %parallel_loop3A_333 = arith.constant 64 : i32
    %parallel_loop3A_334 = arith.constant 1 : i32
    %parallel_loop3A_335:2 = scf.for %parallel_loop3A_517 = %parallel_loop3A_332 to %parallel_loop3A_333 step %parallel_loop3A_334 iter_args(%parallel_loop3A_518 = %broadcast_in_dim3A_329, %parallel_loop3A_519 = %broadcast_in_dim3A_331) -> (vector<16xi32>, vector<16xi32>)  : i32 {
      %parallel_loop3A_520 = arith.constant 16 : i32
      %parallel_loop3A_521 = arith.muli %parallel_loop3A_517, %parallel_loop3A_520 : i32
      %parallel_loop3A_522 = arith.index_cast %parallel_loop3A_521 : i32 to index
      %parallel_loop3A_523 = tpu.vector_load %arg13[%parallel_loop3A_522] {strides = array<i32>} : memref<1024xi32, #tpu.memory_space<vmem>>, vector<16xi32>,
      %parallel_loop3A_524 = arith.constant 16 : i32
      %parallel_loop3A_525 = arith.muli %parallel_loop3A_517, %parallel_loop3A_524 : i32
      %parallel_loop3A_526 = arith.index_cast %parallel_loop3A_525 : i32 to index
      %parallel_loop3A_527 = tpu.vector_load %arg13[%parallel_loop3A_526] {strides = array<i32>} : memref<1024xi32, #tpu.memory_space<vmem>>, vector<16xi32>,
      tpu.vector_store %arg13[%parallel_loop3A_526], %broadcast_in_dim3A_33 {strides = array<i32>} : memref<1024xi32, #tpu.memory_space<vmem>>, vector<16xi32>,
      %parallel_loop3A_528 = arith.cmpi sgt, %parallel_loop3A_523, %parallel_loop3A_518 : vector<16xi32>
      %parallel_loop3A_529 = arith.select %parallel_loop3A_528, %parallel_loop3A_523, %parallel_loop3A_518 : vector<16xi1>, vector<16xi32>
      %parallel_loop3A_530 = vector.broadcast %parallel_loop3A_517 : i32 to vector<16xi32>
      %parallel_loop3A_531 = arith.select %parallel_loop3A_528, %parallel_loop3A_530, %parallel_loop3A_519 : vector<16xi1>, vector<16xi32>
      scf.yield %parallel_loop3A_529, %parallel_loop3A_531 : vector<16xi32>, vector<16xi32>
    } {sc.loop_unroll_factor = 1 : i64, sc.parallel_access}
    "tpu.trace_stop"() : () -> ()
    %swap3A_336 = arith.constant 64 : index
    %swap3A_337 = tpu.vector_load %arg16[%swap3A_336] {strides = array<i32>} : memref<128xi32, #tpu.memory_space<vmem>>, vector<16xi32>,
    tpu.vector_store %arg16[%swap3A_336], %parallel_loop3A_335#1 {strides = array<i32>} : memref<128xi32, #tpu.memory_space<vmem>>, vector<16xi32>,
    %add3A_338 = arith.addi %mul3A_30, %parallel_loop3A_335#1 : vector<16xi32>
    tpu.vector_store_idx %arg14[%add3A_338], %broadcast_in_dim3A_31 {add = true} : memref<1024xi32, #tpu.memory_space<vmem>>[vector<16xi32>], vector<16xi32>,
    %add3A_339 = arith.constant 6 : i32
    %add3A_340 = arith.addi %mul3A_42, %add3A_339 : i32
    %mul3A_341 = arith.constant 32 : i32
    %mul3A_342 = arith.muli %add3A_340, %mul3A_341 : i32
    %mul3A_343 = arith.constant 512 : i32
    %mul3A_344 = arith.muli %mul3A_342, %mul3A_343 : i32
    %dma_start3A_345 = arith.constant 0 : i32
    %dma_start3A_346 = tpu.memref_slice %arg9[%dma_start3A_345] : memref<32768xi32, #tpu.memory_space<vmem>> -> memref<16384xi32, #tpu.memory_space<vmem>>
    %dma_start3A_347 = tpu.memref_slice %arg2[%select_n3A, %mul3A_344] : memref<8x262144xi32, #tpu.memory_space<hbm>> -> memref<1x16384xi32, #tpu.memory_space<hbm>>
    %dma_start3A_348 = tpu.memref_squeeze %dma_start3A_347 : memref<1x16384xi32, #tpu.memory_space<hbm>> -> memref<16384xi32, #tpu.memory_space<hbm>>
    %dma_start3A_349 = arith.constant 0 : i32
    %dma_start3A_350 = tpu.memref_slice %arg9[%dma_start3A_349] : memref<32768xi32, #tpu.memory_space<vmem>> -> memref<16384xi32, #tpu.memory_space<vmem>>
    %dma_start3A_351 = tpu.memref_slice %arg2[%select_n3A, %mul3A_344] : memref<8x262144xi32, #tpu.memory_space<hbm>> -> memref<1x16384xi32, #tpu.memory_space<hbm>>
    %dma_start3A_352 = tpu.memref_squeeze %dma_start3A_351 : memref<1x16384xi32, #tpu.memory_space<hbm>> -> memref<16384xi32, #tpu.memory_space<hbm>>
    tpu.enqueue_dma source(%dma_start3A_352 : memref<16384xi32, #tpu.memory_space<hbm>>) target(%dma_start3A_350 : memref<16384xi32, #tpu.memory_space<vmem>>) target_semaphore(%arg11 : memref<!tpu.dma_semaphore, #tpu.memory_space<semaphore_mem>>)
    %mul3A_353 = arith.constant 512 : i32
    %mul3A_354 = arith.muli %mul3A_342, %mul3A_353 : i32
    %dma_start3A_355 = arith.constant 16384 : i32
    %dma_start3A_356 = tpu.memref_slice %arg9[%dma_start3A_355] : memref<32768xi32, #tpu.memory_space<vmem>> -> memref<16384xi32, #tpu.memory_space<vmem>>
    %dma_start3A_357 = tpu.memref_slice %arg3[%select_n3A, %mul3A_354] : memref<8x262144xi32, #tpu.memory_space<hbm>> -> memref<1x16384xi32, #tpu.memory_space<hbm>>
    %dma_start3A_358 = tpu.memref_squeeze %dma_start3A_357 : memref<1x16384xi32, #tpu.memory_space<hbm>> -> memref<16384xi32, #tpu.memory_space<hbm>>
    %dma_start3A_359 = arith.constant 16384 : i32
    %dma_start3A_360 = tpu.memref_slice %arg9[%dma_start3A_359] : memref<32768xi32, #tpu.memory_space<vmem>> -> memref<16384xi32, #tpu.memory_space<vmem>>
    %dma_start3A_361 = tpu.memref_slice %arg3[%select_n3A, %mul3A_354] : memref<8x262144xi32, #tpu.memory_space<hbm>> -> memref<1x16384xi32, #tpu.memory_space<hbm>>
    %dma_start3A_362 = tpu.memref_squeeze %dma_start3A_361 : memref<1x16384xi32, #tpu.memory_space<hbm>> -> memref<16384xi32, #tpu.memory_space<hbm>>
    tpu.enqueue_dma source(%dma_start3A_362 : memref<16384xi32, #tpu.memory_space<hbm>>) target(%dma_start3A_360 : memref<16384xi32, #tpu.memory_space<vmem>>) target_semaphore(%arg11 : memref<!tpu.dma_semaphore, #tpu.memory_space<semaphore_mem>>)
    "tpu.trace_start"() <{level = 10 : i32, message = "dmawait"}> : () -> ()
    %dma_wait3A_363 = arith.constant 0 : i32
    %dma_wait3A_364 = tpu.memref_slice %arg10[%dma_wait3A_363] : memref<32768xi32, #tpu.memory_space<vmem>> -> memref<16384xi32, #tpu.memory_space<vmem>>
    %dma_wait3A_365 = tpu.memref_slice %arg2[%select_n3A, %mul3A_290] : memref<8x262144xi32, #tpu.memory_space<hbm>> -> memref<1x16384xi32, #tpu.memory_space<hbm>>
    %dma_wait3A_366 = tpu.memref_squeeze %dma_wait3A_365 : memref<1x16384xi32, #tpu.memory_space<hbm>> -> memref<16384xi32, #tpu.memory_space<hbm>>
    %dma_wait3A_367 = arith.constant 0 : i32
    %dma_wait3A_368 = tpu.memref_slice %arg10[%dma_wait3A_367] : memref<32768xi32, #tpu.memory_space<vmem>> -> memref<16384xi32, #tpu.memory_space<vmem>>
    %dma_wait3A_369 = tpu.memref_slice %arg2[%select_n3A, %mul3A_290] : memref<8x262144xi32, #tpu.memory_space<hbm>> -> memref<1x16384xi32, #tpu.memory_space<hbm>>
    %dma_wait3A_370 = tpu.memref_squeeze %dma_wait3A_369 : memref<1x16384xi32, #tpu.memory_space<hbm>> -> memref<16384xi32, #tpu.memory_space<hbm>>
    tpu.wait_dma2 semaphore(%arg12 : memref<!tpu.dma_semaphore, #tpu.memory_space<semaphore_mem>>) src(%dma_wait3A_370 : memref<16384xi32, #tpu.memory_space<hbm>>) dst(%dma_wait3A_368 : memref<16384xi32, #tpu.memory_space<vmem>>)
    %dma_wait3A_371 = arith.constant 16384 : i32
    %dma_wait3A_372 = tpu.memref_slice %arg10[%dma_wait3A_371] : memref<32768xi32, #tpu.memory_space<vmem>> -> memref<16384xi32, #tpu.memory_space<vmem>>
    %dma_wait3A_373 = tpu.memref_slice %arg3[%select_n3A, %mul3A_300] : memref<8x262144xi32, #tpu.memory_space<hbm>> -> memref<1x16384xi32, #tpu.memory_space<hbm>>
    %dma_wait3A_374 = tpu.memref_squeeze %dma_wait3A_373 : memref<1x16384xi32, #tpu.memory_space<hbm>> -> memref<16384xi32, #tpu.memory_space<hbm>>
    %dma_wait3A_375 = arith.constant 16384 : i32
    %dma_wait3A_376 = tpu.memref_slice %arg10[%dma_wait3A_375] : memref<32768xi32, #tpu.memory_space<vmem>> -> memref<16384xi32, #tpu.memory_space<vmem>>
    %dma_wait3A_377 = tpu.memref_slice %arg3[%select_n3A, %mul3A_300] : memref<8x262144xi32, #tpu.memory_space<hbm>> -> memref<1x16384xi32, #tpu.memory_space<hbm>>
    %dma_wait3A_378 = tpu.memref_squeeze %dma_wait3A_377 : memref<1x16384xi32, #tpu.memory_space<hbm>> -> memref<16384xi32, #tpu.memory_space<hbm>>
    tpu.wait_dma2 semaphore(%arg12 : memref<!tpu.dma_semaphore, #tpu.memory_space<semaphore_mem>>) src(%dma_wait3A_378 : memref<16384xi32, #tpu.memory_space<hbm>>) dst(%dma_wait3A_376 : memref<16384xi32, #tpu.memory_space<vmem>>)
    %parallel_loop3A_379 = arith.constant 0 : i32
    %parallel_loop3A_380 = arith.constant 1024 : i32
    %parallel_loop3A_381 = arith.constant 1 : i32
    "tpu.trace_stop"() : () -> ()
    "tpu.trace_start"() <{level = 10 : i32, message = "pix"}> : () -> ()
    scf.for %parallel_loop3A_517 = %parallel_loop3A_379 to %parallel_loop3A_380 step %parallel_loop3A_381  : i32 {
      %parallel_loop3A_518 = arith.addi %mul3A_47, %parallel_loop3A_517 : i32
      %parallel_loop3A_519 = arith.constant 5 : i32
      %parallel_loop3A_520 = arith.shrsi %parallel_loop3A_517, %parallel_loop3A_519 : i32
      %parallel_loop3A_521 = arith.constant 480 : i32
      %parallel_loop3A_522 = arith.muli %parallel_loop3A_520, %parallel_loop3A_521 : i32
      %parallel_loop3A_523 = arith.addi %parallel_loop3A_518, %parallel_loop3A_522 : i32
      %parallel_loop3A_524 = vector.broadcast %parallel_loop3A_523 : i32 to vector<16xi32>
      %parallel_loop3A_525 = arith.addi %mul3A_45, %parallel_loop3A_524 : vector<16xi32>
      %parallel_loop3A_526 = tpu.vector_load_idx %arg10[%parallel_loop3A_525] : memref<32768xi32, #tpu.memory_space<vmem>>[vector<16xi32>], vector<16xi32>,
      %parallel_loop3A_527 = arith.constant 16 : i32
      %parallel_loop3A_528 = vector.broadcast %parallel_loop3A_527 : i32 to vector<16xi32>
      %parallel_loop3A_529 = arith.muli %parallel_loop3A_526, %parallel_loop3A_528 : vector<16xi32>
      %parallel_loop3A_530 = arith.addi %parallel_loop3A_529, %iota3A : vector<16xi32>
      tpu.vector_store_idx %arg13[%parallel_loop3A_530], %broadcast_in_dim3A_31 {add = true} : memref<1024xi32, #tpu.memory_space<vmem>>[vector<16xi32>], vector<16xi32>,
    } {sc.loop_unroll_factor = 8 : i64, sc.parallel_access}
    %broadcast_in_dim3A_382 = arith.constant -1 : i32
    "tpu.trace_stop"() : () -> ()
    "tpu.trace_start"() <{level = 10 : i32, message = "amax"}> : () -> ()
    %broadcast_in_dim3A_383 = vector.broadcast %broadcast_in_dim3A_382 : i32 to vector<16xi32>
    %broadcast_in_dim3A_384 = arith.constant 0 : i32
    %broadcast_in_dim3A_385 = vector.broadcast %broadcast_in_dim3A_384 : i32 to vector<16xi32>
    %parallel_loop3A_386 = arith.constant 0 : i32
    %parallel_loop3A_387 = arith.constant 64 : i32
    %parallel_loop3A_388 = arith.constant 1 : i32
    %parallel_loop3A_389:2 = scf.for %parallel_loop3A_517 = %parallel_loop3A_386 to %parallel_loop3A_387 step %parallel_loop3A_388 iter_args(%parallel_loop3A_518 = %broadcast_in_dim3A_383, %parallel_loop3A_519 = %broadcast_in_dim3A_385) -> (vector<16xi32>, vector<16xi32>)  : i32 {
      %parallel_loop3A_520 = arith.constant 16 : i32
      %parallel_loop3A_521 = arith.muli %parallel_loop3A_517, %parallel_loop3A_520 : i32
      %parallel_loop3A_522 = arith.index_cast %parallel_loop3A_521 : i32 to index
      %parallel_loop3A_523 = tpu.vector_load %arg13[%parallel_loop3A_522] {strides = array<i32>} : memref<1024xi32, #tpu.memory_space<vmem>>, vector<16xi32>,
      %parallel_loop3A_524 = arith.constant 16 : i32
      %parallel_loop3A_525 = arith.muli %parallel_loop3A_517, %parallel_loop3A_524 : i32
      %parallel_loop3A_526 = arith.index_cast %parallel_loop3A_525 : i32 to index
      %parallel_loop3A_527 = tpu.vector_load %arg13[%parallel_loop3A_526] {strides = array<i32>} : memref<1024xi32, #tpu.memory_space<vmem>>, vector<16xi32>,
      tpu.vector_store %arg13[%parallel_loop3A_526], %broadcast_in_dim3A_33 {strides = array<i32>} : memref<1024xi32, #tpu.memory_space<vmem>>, vector<16xi32>,
      %parallel_loop3A_528 = arith.cmpi sgt, %parallel_loop3A_523, %parallel_loop3A_518 : vector<16xi32>
      %parallel_loop3A_529 = arith.select %parallel_loop3A_528, %parallel_loop3A_523, %parallel_loop3A_518 : vector<16xi1>, vector<16xi32>
      %parallel_loop3A_530 = vector.broadcast %parallel_loop3A_517 : i32 to vector<16xi32>
      %parallel_loop3A_531 = arith.select %parallel_loop3A_528, %parallel_loop3A_530, %parallel_loop3A_519 : vector<16xi1>, vector<16xi32>
      scf.yield %parallel_loop3A_529, %parallel_loop3A_531 : vector<16xi32>, vector<16xi32>
    } {sc.loop_unroll_factor = 1 : i64, sc.parallel_access}
    "tpu.trace_stop"() : () -> ()
    %swap3A_390 = arith.constant 80 : index
    %swap3A_391 = tpu.vector_load %arg16[%swap3A_390] {strides = array<i32>} : memref<128xi32, #tpu.memory_space<vmem>>, vector<16xi32>,
    tpu.vector_store %arg16[%swap3A_390], %parallel_loop3A_389#1 {strides = array<i32>} : memref<128xi32, #tpu.memory_space<vmem>>, vector<16xi32>,
    %add3A_392 = arith.addi %mul3A_30, %parallel_loop3A_389#1 : vector<16xi32>
    tpu.vector_store_idx %arg14[%add3A_392], %broadcast_in_dim3A_31 {add = true} : memref<1024xi32, #tpu.memory_space<vmem>>[vector<16xi32>], vector<16xi32>,
    %add3A_393 = arith.constant 7 : i32
    %add3A_394 = arith.addi %mul3A_42, %add3A_393 : i32
    %mul3A_395 = arith.constant 32 : i32
    %mul3A_396 = arith.muli %add3A_394, %mul3A_395 : i32
    %mul3A_397 = arith.constant 512 : i32
    %mul3A_398 = arith.muli %mul3A_396, %mul3A_397 : i32
    %dma_start3A_399 = arith.constant 0 : i32
    %dma_start3A_400 = tpu.memref_slice %arg10[%dma_start3A_399] : memref<32768xi32, #tpu.memory_space<vmem>> -> memref<16384xi32, #tpu.memory_space<vmem>>
    %dma_start3A_401 = tpu.memref_slice %arg2[%select_n3A, %mul3A_398] : memref<8x262144xi32, #tpu.memory_space<hbm>> -> memref<1x16384xi32, #tpu.memory_space<hbm>>
    %dma_start3A_402 = tpu.memref_squeeze %dma_start3A_401 : memref<1x16384xi32, #tpu.memory_space<hbm>> -> memref<16384xi32, #tpu.memory_space<hbm>>
    %dma_start3A_403 = arith.constant 0 : i32
    %dma_start3A_404 = tpu.memref_slice %arg10[%dma_start3A_403] : memref<32768xi32, #tpu.memory_space<vmem>> -> memref<16384xi32, #tpu.memory_space<vmem>>
    %dma_start3A_405 = tpu.memref_slice %arg2[%select_n3A, %mul3A_398] : memref<8x262144xi32, #tpu.memory_space<hbm>> -> memref<1x16384xi32, #tpu.memory_space<hbm>>
    %dma_start3A_406 = tpu.memref_squeeze %dma_start3A_405 : memref<1x16384xi32, #tpu.memory_space<hbm>> -> memref<16384xi32, #tpu.memory_space<hbm>>
    tpu.enqueue_dma source(%dma_start3A_406 : memref<16384xi32, #tpu.memory_space<hbm>>) target(%dma_start3A_404 : memref<16384xi32, #tpu.memory_space<vmem>>) target_semaphore(%arg12 : memref<!tpu.dma_semaphore, #tpu.memory_space<semaphore_mem>>)
    %mul3A_407 = arith.constant 512 : i32
    %mul3A_408 = arith.muli %mul3A_396, %mul3A_407 : i32
    %dma_start3A_409 = arith.constant 16384 : i32
    %dma_start3A_410 = tpu.memref_slice %arg10[%dma_start3A_409] : memref<32768xi32, #tpu.memory_space<vmem>> -> memref<16384xi32, #tpu.memory_space<vmem>>
    %dma_start3A_411 = tpu.memref_slice %arg3[%select_n3A, %mul3A_408] : memref<8x262144xi32, #tpu.memory_space<hbm>> -> memref<1x16384xi32, #tpu.memory_space<hbm>>
    %dma_start3A_412 = tpu.memref_squeeze %dma_start3A_411 : memref<1x16384xi32, #tpu.memory_space<hbm>> -> memref<16384xi32, #tpu.memory_space<hbm>>
    %dma_start3A_413 = arith.constant 16384 : i32
    %dma_start3A_414 = tpu.memref_slice %arg10[%dma_start3A_413] : memref<32768xi32, #tpu.memory_space<vmem>> -> memref<16384xi32, #tpu.memory_space<vmem>>
    %dma_start3A_415 = tpu.memref_slice %arg3[%select_n3A, %mul3A_408] : memref<8x262144xi32, #tpu.memory_space<hbm>> -> memref<1x16384xi32, #tpu.memory_space<hbm>>
    %dma_start3A_416 = tpu.memref_squeeze %dma_start3A_415 : memref<1x16384xi32, #tpu.memory_space<hbm>> -> memref<16384xi32, #tpu.memory_space<hbm>>
    tpu.enqueue_dma source(%dma_start3A_416 : memref<16384xi32, #tpu.memory_space<hbm>>) target(%dma_start3A_414 : memref<16384xi32, #tpu.memory_space<vmem>>) target_semaphore(%arg12 : memref<!tpu.dma_semaphore, #tpu.memory_space<semaphore_mem>>)
    "tpu.trace_start"() <{level = 10 : i32, message = "dmawait"}> : () -> ()
    %dma_wait3A_417 = arith.constant 0 : i32
    %dma_wait3A_418 = tpu.memref_slice %arg9[%dma_wait3A_417] : memref<32768xi32, #tpu.memory_space<vmem>> -> memref<16384xi32, #tpu.memory_space<vmem>>
    %dma_wait3A_419 = tpu.memref_slice %arg2[%select_n3A, %mul3A_344] : memref<8x262144xi32, #tpu.memory_space<hbm>> -> memref<1x16384xi32, #tpu.memory_space<hbm>>
    %dma_wait3A_420 = tpu.memref_squeeze %dma_wait3A_419 : memref<1x16384xi32, #tpu.memory_space<hbm>> -> memref<16384xi32, #tpu.memory_space<hbm>>
    %dma_wait3A_421 = arith.constant 0 : i32
    %dma_wait3A_422 = tpu.memref_slice %arg9[%dma_wait3A_421] : memref<32768xi32, #tpu.memory_space<vmem>> -> memref<16384xi32, #tpu.memory_space<vmem>>
    %dma_wait3A_423 = tpu.memref_slice %arg2[%select_n3A, %mul3A_344] : memref<8x262144xi32, #tpu.memory_space<hbm>> -> memref<1x16384xi32, #tpu.memory_space<hbm>>
    %dma_wait3A_424 = tpu.memref_squeeze %dma_wait3A_423 : memref<1x16384xi32, #tpu.memory_space<hbm>> -> memref<16384xi32, #tpu.memory_space<hbm>>
    tpu.wait_dma2 semaphore(%arg11 : memref<!tpu.dma_semaphore, #tpu.memory_space<semaphore_mem>>) src(%dma_wait3A_424 : memref<16384xi32, #tpu.memory_space<hbm>>) dst(%dma_wait3A_422 : memref<16384xi32, #tpu.memory_space<vmem>>)
    %dma_wait3A_425 = arith.constant 16384 : i32
    %dma_wait3A_426 = tpu.memref_slice %arg9[%dma_wait3A_425] : memref<32768xi32, #tpu.memory_space<vmem>> -> memref<16384xi32, #tpu.memory_space<vmem>>
    %dma_wait3A_427 = tpu.memref_slice %arg3[%select_n3A, %mul3A_354] : memref<8x262144xi32, #tpu.memory_space<hbm>> -> memref<1x16384xi32, #tpu.memory_space<hbm>>
    %dma_wait3A_428 = tpu.memref_squeeze %dma_wait3A_427 : memref<1x16384xi32, #tpu.memory_space<hbm>> -> memref<16384xi32, #tpu.memory_space<hbm>>
    %dma_wait3A_429 = arith.constant 16384 : i32
    %dma_wait3A_430 = tpu.memref_slice %arg9[%dma_wait3A_429] : memref<32768xi32, #tpu.memory_space<vmem>> -> memref<16384xi32, #tpu.memory_space<vmem>>
    %dma_wait3A_431 = tpu.memref_slice %arg3[%select_n3A, %mul3A_354] : memref<8x262144xi32, #tpu.memory_space<hbm>> -> memref<1x16384xi32, #tpu.memory_space<hbm>>
    %dma_wait3A_432 = tpu.memref_squeeze %dma_wait3A_431 : memref<1x16384xi32, #tpu.memory_space<hbm>> -> memref<16384xi32, #tpu.memory_space<hbm>>
    tpu.wait_dma2 semaphore(%arg11 : memref<!tpu.dma_semaphore, #tpu.memory_space<semaphore_mem>>) src(%dma_wait3A_432 : memref<16384xi32, #tpu.memory_space<hbm>>) dst(%dma_wait3A_430 : memref<16384xi32, #tpu.memory_space<vmem>>)
    %parallel_loop3A_433 = arith.constant 0 : i32
    %parallel_loop3A_434 = arith.constant 1024 : i32
    %parallel_loop3A_435 = arith.constant 1 : i32
    "tpu.trace_stop"() : () -> ()
    "tpu.trace_start"() <{level = 10 : i32, message = "pix"}> : () -> ()
    scf.for %parallel_loop3A_517 = %parallel_loop3A_433 to %parallel_loop3A_434 step %parallel_loop3A_435  : i32 {
      %parallel_loop3A_518 = arith.addi %mul3A_47, %parallel_loop3A_517 : i32
      %parallel_loop3A_519 = arith.constant 5 : i32
      %parallel_loop3A_520 = arith.shrsi %parallel_loop3A_517, %parallel_loop3A_519 : i32
      %parallel_loop3A_521 = arith.constant 480 : i32
      %parallel_loop3A_522 = arith.muli %parallel_loop3A_520, %parallel_loop3A_521 : i32
      %parallel_loop3A_523 = arith.addi %parallel_loop3A_518, %parallel_loop3A_522 : i32
      %parallel_loop3A_524 = vector.broadcast %parallel_loop3A_523 : i32 to vector<16xi32>
      %parallel_loop3A_525 = arith.addi %mul3A_45, %parallel_loop3A_524 : vector<16xi32>
      %parallel_loop3A_526 = tpu.vector_load_idx %arg9[%parallel_loop3A_525] : memref<32768xi32, #tpu.memory_space<vmem>>[vector<16xi32>], vector<16xi32>,
      %parallel_loop3A_527 = arith.constant 16 : i32
      %parallel_loop3A_528 = vector.broadcast %parallel_loop3A_527 : i32 to vector<16xi32>
      %parallel_loop3A_529 = arith.muli %parallel_loop3A_526, %parallel_loop3A_528 : vector<16xi32>
      %parallel_loop3A_530 = arith.addi %parallel_loop3A_529, %iota3A : vector<16xi32>
      tpu.vector_store_idx %arg13[%parallel_loop3A_530], %broadcast_in_dim3A_31 {add = true} : memref<1024xi32, #tpu.memory_space<vmem>>[vector<16xi32>], vector<16xi32>,
    } {sc.loop_unroll_factor = 8 : i64, sc.parallel_access}
    %broadcast_in_dim3A_436 = arith.constant -1 : i32
    "tpu.trace_stop"() : () -> ()
    "tpu.trace_start"() <{level = 10 : i32, message = "amax"}> : () -> ()
    %broadcast_in_dim3A_437 = vector.broadcast %broadcast_in_dim3A_436 : i32 to vector<16xi32>
    %broadcast_in_dim3A_438 = arith.constant 0 : i32
    %broadcast_in_dim3A_439 = vector.broadcast %broadcast_in_dim3A_438 : i32 to vector<16xi32>
    %parallel_loop3A_440 = arith.constant 0 : i32
    %parallel_loop3A_441 = arith.constant 64 : i32
    %parallel_loop3A_442 = arith.constant 1 : i32
    %parallel_loop3A_443:2 = scf.for %parallel_loop3A_517 = %parallel_loop3A_440 to %parallel_loop3A_441 step %parallel_loop3A_442 iter_args(%parallel_loop3A_518 = %broadcast_in_dim3A_437, %parallel_loop3A_519 = %broadcast_in_dim3A_439) -> (vector<16xi32>, vector<16xi32>)  : i32 {
      %parallel_loop3A_520 = arith.constant 16 : i32
      %parallel_loop3A_521 = arith.muli %parallel_loop3A_517, %parallel_loop3A_520 : i32
      %parallel_loop3A_522 = arith.index_cast %parallel_loop3A_521 : i32 to index
      %parallel_loop3A_523 = tpu.vector_load %arg13[%parallel_loop3A_522] {strides = array<i32>} : memref<1024xi32, #tpu.memory_space<vmem>>, vector<16xi32>,
      %parallel_loop3A_524 = arith.constant 16 : i32
      %parallel_loop3A_525 = arith.muli %parallel_loop3A_517, %parallel_loop3A_524 : i32
      %parallel_loop3A_526 = arith.index_cast %parallel_loop3A_525 : i32 to index
      %parallel_loop3A_527 = tpu.vector_load %arg13[%parallel_loop3A_526] {strides = array<i32>} : memref<1024xi32, #tpu.memory_space<vmem>>, vector<16xi32>,
      tpu.vector_store %arg13[%parallel_loop3A_526], %broadcast_in_dim3A_33 {strides = array<i32>} : memref<1024xi32, #tpu.memory_space<vmem>>, vector<16xi32>,
      %parallel_loop3A_528 = arith.cmpi sgt, %parallel_loop3A_523, %parallel_loop3A_518 : vector<16xi32>
      %parallel_loop3A_529 = arith.select %parallel_loop3A_528, %parallel_loop3A_523, %parallel_loop3A_518 : vector<16xi1>, vector<16xi32>
      %parallel_loop3A_530 = vector.broadcast %parallel_loop3A_517 : i32 to vector<16xi32>
      %parallel_loop3A_531 = arith.select %parallel_loop3A_528, %parallel_loop3A_530, %parallel_loop3A_519 : vector<16xi1>, vector<16xi32>
      scf.yield %parallel_loop3A_529, %parallel_loop3A_531 : vector<16xi32>, vector<16xi32>
    } {sc.loop_unroll_factor = 1 : i64, sc.parallel_access}
    "tpu.trace_stop"() : () -> ()
    %swap3A_444 = arith.constant 96 : index
    %swap3A_445 = tpu.vector_load %arg16[%swap3A_444] {strides = array<i32>} : memref<128xi32, #tpu.memory_space<vmem>>, vector<16xi32>,
    tpu.vector_store %arg16[%swap3A_444], %parallel_loop3A_443#1 {strides = array<i32>} : memref<128xi32, #tpu.memory_space<vmem>>, vector<16xi32>,
    %add3A_446 = arith.addi %mul3A_30, %parallel_loop3A_443#1 : vector<16xi32>
    tpu.vector_store_idx %arg14[%add3A_446], %broadcast_in_dim3A_31 {add = true} : memref<1024xi32, #tpu.memory_space<vmem>>[vector<16xi32>], vector<16xi32>,
    "tpu.trace_start"() <{level = 10 : i32, message = "dmawait"}> : () -> ()
    %dma_wait3A_447 = arith.constant 0 : i32
    %dma_wait3A_448 = tpu.memref_slice %arg10[%dma_wait3A_447] : memref<32768xi32, #tpu.memory_space<vmem>> -> memref<16384xi32, #tpu.memory_space<vmem>>
    %dma_wait3A_449 = tpu.memref_slice %arg2[%select_n3A, %mul3A_398] : memref<8x262144xi32, #tpu.memory_space<hbm>> -> memref<1x16384xi32, #tpu.memory_space<hbm>>
    %dma_wait3A_450 = tpu.memref_squeeze %dma_wait3A_449 : memref<1x16384xi32, #tpu.memory_space<hbm>> -> memref<16384xi32, #tpu.memory_space<hbm>>
    %dma_wait3A_451 = arith.constant 0 : i32
    %dma_wait3A_452 = tpu.memref_slice %arg10[%dma_wait3A_451] : memref<32768xi32, #tpu.memory_space<vmem>> -> memref<16384xi32, #tpu.memory_space<vmem>>
    %dma_wait3A_453 = tpu.memref_slice %arg2[%select_n3A, %mul3A_398] : memref<8x262144xi32, #tpu.memory_space<hbm>> -> memref<1x16384xi32, #tpu.memory_space<hbm>>
    %dma_wait3A_454 = tpu.memref_squeeze %dma_wait3A_453 : memref<1x16384xi32, #tpu.memory_space<hbm>> -> memref<16384xi32, #tpu.memory_space<hbm>>
    tpu.wait_dma2 semaphore(%arg12 : memref<!tpu.dma_semaphore, #tpu.memory_space<semaphore_mem>>) src(%dma_wait3A_454 : memref<16384xi32, #tpu.memory_space<hbm>>) dst(%dma_wait3A_452 : memref<16384xi32, #tpu.memory_space<vmem>>)
    %dma_wait3A_455 = arith.constant 16384 : i32
    %dma_wait3A_456 = tpu.memref_slice %arg10[%dma_wait3A_455] : memref<32768xi32, #tpu.memory_space<vmem>> -> memref<16384xi32, #tpu.memory_space<vmem>>
    %dma_wait3A_457 = tpu.memref_slice %arg3[%select_n3A, %mul3A_408] : memref<8x262144xi32, #tpu.memory_space<hbm>> -> memref<1x16384xi32, #tpu.memory_space<hbm>>
    %dma_wait3A_458 = tpu.memref_squeeze %dma_wait3A_457 : memref<1x16384xi32, #tpu.memory_space<hbm>> -> memref<16384xi32, #tpu.memory_space<hbm>>
    %dma_wait3A_459 = arith.constant 16384 : i32
    %dma_wait3A_460 = tpu.memref_slice %arg10[%dma_wait3A_459] : memref<32768xi32, #tpu.memory_space<vmem>> -> memref<16384xi32, #tpu.memory_space<vmem>>
    %dma_wait3A_461 = tpu.memref_slice %arg3[%select_n3A, %mul3A_408] : memref<8x262144xi32, #tpu.memory_space<hbm>> -> memref<1x16384xi32, #tpu.memory_space<hbm>>
    %dma_wait3A_462 = tpu.memref_squeeze %dma_wait3A_461 : memref<1x16384xi32, #tpu.memory_space<hbm>> -> memref<16384xi32, #tpu.memory_space<hbm>>
    tpu.wait_dma2 semaphore(%arg12 : memref<!tpu.dma_semaphore, #tpu.memory_space<semaphore_mem>>) src(%dma_wait3A_462 : memref<16384xi32, #tpu.memory_space<hbm>>) dst(%dma_wait3A_460 : memref<16384xi32, #tpu.memory_space<vmem>>)
    %parallel_loop3A_463 = arith.constant 0 : i32
    %parallel_loop3A_464 = arith.constant 1024 : i32
    %parallel_loop3A_465 = arith.constant 1 : i32
    "tpu.trace_stop"() : () -> ()
    "tpu.trace_start"() <{level = 10 : i32, message = "pix"}> : () -> ()
    scf.for %parallel_loop3A_517 = %parallel_loop3A_463 to %parallel_loop3A_464 step %parallel_loop3A_465  : i32 {
      %parallel_loop3A_518 = arith.addi %mul3A_47, %parallel_loop3A_517 : i32
      %parallel_loop3A_519 = arith.constant 5 : i32
      %parallel_loop3A_520 = arith.shrsi %parallel_loop3A_517, %parallel_loop3A_519 : i32
      %parallel_loop3A_521 = arith.constant 480 : i32
      %parallel_loop3A_522 = arith.muli %parallel_loop3A_520, %parallel_loop3A_521 : i32
      %parallel_loop3A_523 = arith.addi %parallel_loop3A_518, %parallel_loop3A_522 : i32
      %parallel_loop3A_524 = vector.broadcast %parallel_loop3A_523 : i32 to vector<16xi32>
      %parallel_loop3A_525 = arith.addi %mul3A_45, %parallel_loop3A_524 : vector<16xi32>
      %parallel_loop3A_526 = tpu.vector_load_idx %arg10[%parallel_loop3A_525] : memref<32768xi32, #tpu.memory_space<vmem>>[vector<16xi32>], vector<16xi32>,
      %parallel_loop3A_527 = arith.constant 16 : i32
      %parallel_loop3A_528 = vector.broadcast %parallel_loop3A_527 : i32 to vector<16xi32>
      %parallel_loop3A_529 = arith.muli %parallel_loop3A_526, %parallel_loop3A_528 : vector<16xi32>
      %parallel_loop3A_530 = arith.addi %parallel_loop3A_529, %iota3A : vector<16xi32>
      tpu.vector_store_idx %arg13[%parallel_loop3A_530], %broadcast_in_dim3A_31 {add = true} : memref<1024xi32, #tpu.memory_space<vmem>>[vector<16xi32>], vector<16xi32>,
    } {sc.loop_unroll_factor = 8 : i64, sc.parallel_access}
    %broadcast_in_dim3A_466 = arith.constant -1 : i32
    "tpu.trace_stop"() : () -> ()
    "tpu.trace_start"() <{level = 10 : i32, message = "amax"}> : () -> ()
    %broadcast_in_dim3A_467 = vector.broadcast %broadcast_in_dim3A_466 : i32 to vector<16xi32>
    %broadcast_in_dim3A_468 = arith.constant 0 : i32
    %broadcast_in_dim3A_469 = vector.broadcast %broadcast_in_dim3A_468 : i32 to vector<16xi32>
    %parallel_loop3A_470 = arith.constant 0 : i32
    %parallel_loop3A_471 = arith.constant 64 : i32
    %parallel_loop3A_472 = arith.constant 1 : i32
    %parallel_loop3A_473:2 = scf.for %parallel_loop3A_517 = %parallel_loop3A_470 to %parallel_loop3A_471 step %parallel_loop3A_472 iter_args(%parallel_loop3A_518 = %broadcast_in_dim3A_467, %parallel_loop3A_519 = %broadcast_in_dim3A_469) -> (vector<16xi32>, vector<16xi32>)  : i32 {
      %parallel_loop3A_520 = arith.constant 16 : i32
      %parallel_loop3A_521 = arith.muli %parallel_loop3A_517, %parallel_loop3A_520 : i32
      %parallel_loop3A_522 = arith.index_cast %parallel_loop3A_521 : i32 to index
      %parallel_loop3A_523 = tpu.vector_load %arg13[%parallel_loop3A_522] {strides = array<i32>} : memref<1024xi32, #tpu.memory_space<vmem>>, vector<16xi32>,
      %parallel_loop3A_524 = arith.constant 16 : i32
      %parallel_loop3A_525 = arith.muli %parallel_loop3A_517, %parallel_loop3A_524 : i32
      %parallel_loop3A_526 = arith.index_cast %parallel_loop3A_525 : i32 to index
      %parallel_loop3A_527 = tpu.vector_load %arg13[%parallel_loop3A_526] {strides = array<i32>} : memref<1024xi32, #tpu.memory_space<vmem>>, vector<16xi32>,
      tpu.vector_store %arg13[%parallel_loop3A_526], %broadcast_in_dim3A_33 {strides = array<i32>} : memref<1024xi32, #tpu.memory_space<vmem>>, vector<16xi32>,
      %parallel_loop3A_528 = arith.cmpi sgt, %parallel_loop3A_523, %parallel_loop3A_518 : vector<16xi32>
      %parallel_loop3A_529 = arith.select %parallel_loop3A_528, %parallel_loop3A_523, %parallel_loop3A_518 : vector<16xi1>, vector<16xi32>
      %parallel_loop3A_530 = vector.broadcast %parallel_loop3A_517 : i32 to vector<16xi32>
      %parallel_loop3A_531 = arith.select %parallel_loop3A_528, %parallel_loop3A_530, %parallel_loop3A_519 : vector<16xi1>, vector<16xi32>
      scf.yield %parallel_loop3A_529, %parallel_loop3A_531 : vector<16xi32>, vector<16xi32>
    } {sc.loop_unroll_factor = 1 : i64, sc.parallel_access}
    "tpu.trace_stop"() : () -> ()
    %swap3A_474 = arith.constant 112 : index
    %swap3A_475 = tpu.vector_load %arg16[%swap3A_474] {strides = array<i32>} : memref<128xi32, #tpu.memory_space<vmem>>, vector<16xi32>,
    tpu.vector_store %arg16[%swap3A_474], %parallel_loop3A_473#1 {strides = array<i32>} : memref<128xi32, #tpu.memory_space<vmem>>, vector<16xi32>,
    %add3A_476 = arith.addi %mul3A_30, %parallel_loop3A_473#1 : vector<16xi32>
    tpu.vector_store_idx %arg14[%add3A_476], %broadcast_in_dim3A_31 {add = true} : memref<1024xi32, #tpu.memory_space<vmem>>[vector<16xi32>], vector<16xi32>,
    %scan3A = arith.constant 0 : i32
    %scan3A_477 = arith.constant 16 : i32
    %scan3A_478 = arith.addi %scan3A, %scan3A_477 : i32
    %scan3A_479 = arith.constant 1 : i32
    %scan3A_480 = scf.for %scan3A_517 = %scan3A to %scan3A_478 step %scan3A_479 iter_args(%scan3A_518 = %broadcast_in_dim3A_33) -> (vector<16xi32>)  : i32 {
      %mul3A_519 = arith.constant 64 : i32
      %mul3A_520 = arith.muli %scan3A_517, %mul3A_519 : i32
      %add3A_521 = arith.constant 0 : i32
      %add3A_522 = arith.addi %mul3A_520, %add3A_521 : i32
      %get3A = arith.index_cast %add3A_522 : i32 to index
      %get3A_523 = tpu.vector_load %arg14[%get3A] {strides = array<i32>} : memref<1024xi32, #tpu.memory_space<vmem>>, vector<16xi32>,
      %add3A_524 = arith.addi %scan3A_518, %get3A_523 : vector<16xi32>
      scf.yield %add3A_524 : vector<16xi32>
    }
    %scan3A_481 = arith.constant 16 : i32
    %swap3A_482 = arith.constant 0 : index
    %swap3A_483 = tpu.vector_load %arg15[%swap3A_482] {strides = array<i32>} : memref<64xi32, #tpu.memory_space<vmem>>, vector<16xi32>,
    tpu.vector_store %arg15[%swap3A_482], %scan3A_480 {strides = array<i32>} : memref<64xi32, #tpu.memory_space<vmem>>, vector<16xi32>,
    %scan3A_484 = arith.constant 0 : i32
    %scan3A_485 = arith.constant 16 : i32
    %scan3A_486 = arith.addi %scan3A_484, %scan3A_485 : i32
    %scan3A_487 = arith.constant 1 : i32
    %scan3A_488 = scf.for %scan3A_517 = %scan3A_484 to %scan3A_486 step %scan3A_487 iter_args(%scan3A_518 = %broadcast_in_dim3A_33) -> (vector<16xi32>)  : i32 {
      %mul3A_519 = arith.constant 64 : i32
      %mul3A_520 = arith.muli %scan3A_517, %mul3A_519 : i32
      %add3A_521 = arith.constant 16 : i32
      %add3A_522 = arith.addi %mul3A_520, %add3A_521 : i32
      %get3A = arith.index_cast %add3A_522 : i32 to index
      %get3A_523 = tpu.vector_load %arg14[%get3A] {strides = array<i32>} : memref<1024xi32, #tpu.memory_space<vmem>>, vector<16xi32>,
      %add3A_524 = arith.addi %scan3A_518, %get3A_523 : vector<16xi32>
      scf.yield %add3A_524 : vector<16xi32>
    }
    %scan3A_489 = arith.constant 16 : i32
    %swap3A_490 = arith.constant 16 : index
    %swap3A_491 = tpu.vector_load %arg15[%swap3A_490] {strides = array<i32>} : memref<64xi32, #tpu.memory_space<vmem>>, vector<16xi32>,
    tpu.vector_store %arg15[%swap3A_490], %scan3A_488 {strides = array<i32>} : memref<64xi32, #tpu.memory_space<vmem>>, vector<16xi32>,
    %scan3A_492 = arith.constant 0 : i32
    %scan3A_493 = arith.constant 16 : i32
    %scan3A_494 = arith.addi %scan3A_492, %scan3A_493 : i32
    %scan3A_495 = arith.constant 1 : i32
    %scan3A_496 = scf.for %scan3A_517 = %scan3A_492 to %scan3A_494 step %scan3A_495 iter_args(%scan3A_518 = %broadcast_in_dim3A_33) -> (vector<16xi32>)  : i32 {
      %mul3A_519 = arith.constant 64 : i32
      %mul3A_520 = arith.muli %scan3A_517, %mul3A_519 : i32
      %add3A_521 = arith.constant 32 : i32
      %add3A_522 = arith.addi %mul3A_520, %add3A_521 : i32
      %get3A = arith.index_cast %add3A_522 : i32 to index
      %get3A_523 = tpu.vector_load %arg14[%get3A] {strides = array<i32>} : memref<1024xi32, #tpu.memory_space<vmem>>, vector<16xi32>,
      %add3A_524 = arith.addi %scan3A_518, %get3A_523 : vector<16xi32>
      scf.yield %add3A_524 : vector<16xi32>
    }
    %scan3A_497 = arith.constant 16 : i32
    %swap3A_498 = arith.constant 32 : index
    %swap3A_499 = tpu.vector_load %arg15[%swap3A_498] {strides = array<i32>} : memref<64xi32, #tpu.memory_space<vmem>>, vector<16xi32>,
    tpu.vector_store %arg15[%swap3A_498], %scan3A_496 {strides = array<i32>} : memref<64xi32, #tpu.memory_space<vmem>>, vector<16xi32>,
    %scan3A_500 = arith.constant 0 : i32
    %scan3A_501 = arith.constant 16 : i32
    %scan3A_502 = arith.addi %scan3A_500, %scan3A_501 : i32
    %scan3A_503 = arith.constant 1 : i32
    %scan3A_504 = scf.for %scan3A_517 = %scan3A_500 to %scan3A_502 step %scan3A_503 iter_args(%scan3A_518 = %broadcast_in_dim3A_33) -> (vector<16xi32>)  : i32 {
      %mul3A_519 = arith.constant 64 : i32
      %mul3A_520 = arith.muli %scan3A_517, %mul3A_519 : i32
      %add3A_521 = arith.constant 48 : i32
      %add3A_522 = arith.addi %mul3A_520, %add3A_521 : i32
      %get3A = arith.index_cast %add3A_522 : i32 to index
      %get3A_523 = tpu.vector_load %arg14[%get3A] {strides = array<i32>} : memref<1024xi32, #tpu.memory_space<vmem>>, vector<16xi32>,
      %add3A_524 = arith.addi %scan3A_518, %get3A_523 : vector<16xi32>
      scf.yield %add3A_524 : vector<16xi32>
    }
    %scan3A_505 = arith.constant 16 : i32
    %swap3A_506 = arith.constant 48 : index
    %swap3A_507 = tpu.vector_load %arg15[%swap3A_506] {strides = array<i32>} : memref<64xi32, #tpu.memory_space<vmem>>, vector<16xi32>,
    tpu.vector_store %arg15[%swap3A_506], %scan3A_504 {strides = array<i32>} : memref<64xi32, #tpu.memory_space<vmem>>, vector<16xi32>,
    %mul3A_508 = arith.constant 192 : i32
    %mul3A_509 = arith.muli %arg1, %mul3A_508 : i32
    "tpu.region"() ({
      %run_scoped3A = tpu.sem_alloc : memref<!tpu.dma_semaphore, #tpu.memory_space<semaphore_mem>>
      %dma_start3A_517 = tpu.memref_slice %arg27[%mul3A_509] : memref<3072xi32, #tpu.memory_space<vmem_shared>> -> memref<128xi32, #tpu.memory_space<vmem_shared>>
      %dma_start3A_518 = tpu.memref_slice %arg27[%mul3A_509] : memref<3072xi32, #tpu.memory_space<vmem_shared>> -> memref<128xi32, #tpu.memory_space<vmem_shared>>
      tpu.enqueue_dma source(%arg16 : memref<128xi32, #tpu.memory_space<vmem>>) target(%dma_start3A_518 : memref<128xi32, #tpu.memory_space<vmem_shared>>) target_semaphore(%run_scoped3A : memref<!tpu.dma_semaphore, #tpu.memory_space<semaphore_mem>>)
      %dma_wait3A_519 = tpu.memref_slice %arg27[%mul3A_509] : memref<3072xi32, #tpu.memory_space<vmem_shared>> -> memref<128xi32, #tpu.memory_space<vmem_shared>>
      %dma_wait3A_520 = tpu.memref_slice %arg27[%mul3A_509] : memref<3072xi32, #tpu.memory_space<vmem_shared>> -> memref<128xi32, #tpu.memory_space<vmem_shared>>
      tpu.wait_dma2 semaphore(%run_scoped3A : memref<!tpu.dma_semaphore, #tpu.memory_space<semaphore_mem>>) src(%arg16 : memref<128xi32, #tpu.memory_space<vmem>>) dst(%dma_wait3A_520 : memref<128xi32, #tpu.memory_space<vmem_shared>>)
      tpu.yield
    }) : () -> ()
    %mul3A_510 = arith.constant 192 : i32
    %mul3A_511 = arith.muli %arg1, %mul3A_510 : i32
    %add3A_512 = arith.constant 128 : i32
    %add3A_513 = arith.addi %mul3A_511, %add3A_512 : i32
    "tpu.region"() ({
      %run_scoped3A = tpu.sem_alloc : memref<!tpu.dma_semaphore, #tpu.memory_space<semaphore_mem>>
      %dma_start3A_517 = tpu.memref_slice %arg27[%add3A_513] : memref<3072xi32, #tpu.memory_space<vmem_shared>> -> memref<64xi32, #tpu.memory_space<vmem_shared>>
      %dma_start3A_518 = tpu.memref_slice %arg27[%add3A_513] : memref<3072xi32, #tpu.memory_space<vmem_shared>> -> memref<64xi32, #tpu.memory_space<vmem_shared>>
      tpu.enqueue_dma source(%arg15 : memref<64xi32, #tpu.memory_space<vmem>>) target(%dma_start3A_518 : memref<64xi32, #tpu.memory_space<vmem_shared>>) target_semaphore(%run_scoped3A : memref<!tpu.dma_semaphore, #tpu.memory_space<semaphore_mem>>)
      %dma_wait3A_519 = tpu.memref_slice %arg27[%add3A_513] : memref<3072xi32, #tpu.memory_space<vmem_shared>> -> memref<64xi32, #tpu.memory_space<vmem_shared>>
      %dma_wait3A_520 = tpu.memref_slice %arg27[%add3A_513] : memref<3072xi32, #tpu.memory_space<vmem_shared>> -> memref<64xi32, #tpu.memory_space<vmem_shared>>
      tpu.wait_dma2 semaphore(%run_scoped3A : memref<!tpu.dma_semaphore, #tpu.memory_space<semaphore_mem>>) src(%arg15 : memref<64xi32, #tpu.memory_space<vmem>>) dst(%dma_wait3A_520 : memref<64xi32, #tpu.memory_space<vmem_shared>>)
      tpu.yield
    }) : () -> ()
    %barrier3A = arith.constant 0 : index
    tpu.barrier barrier_id(%barrier3A)
    %eq3A_514 = arith.constant 0 : i32
    %eq3A_515 = arith.cmpi eq, %select_n3A_28, %eq3A_514 : i32
    %convert_element_type3A = arith.extui %eq3A_515 : i1 to i32
    %cond3A = arith.constant 0 : i32
    %cond3A_516 = arith.cmpi ne, %convert_element_type3A, %cond3A : i32
    scf.if %cond3A_516 {
      %add3A_517 = arith.constant 1 : i32
      %add3A_518 = arith.addi %arg1, %add3A_517 : i32
      %mul3A_519 = arith.constant 192 : i32
      %mul3A_520 = arith.muli %add3A_518, %mul3A_519 : i32
      "tpu.region"() ({
        %run_scoped3A = tpu.sem_alloc : memref<!tpu.dma_semaphore, #tpu.memory_space<semaphore_mem>>
        %dma_start3A_2836 = tpu.memref_slice %arg27[%mul3A_520] : memref<3072xi32, #tpu.memory_space<vmem_shared>> -> memref<128xi32, #tpu.memory_space<vmem_shared>>
        %dma_start3A_2837 = tpu.memref_slice %arg27[%mul3A_520] : memref<3072xi32, #tpu.memory_space<vmem_shared>> -> memref<128xi32, #tpu.memory_space<vmem_shared>>
        tpu.enqueue_dma source(%dma_start3A_2837 : memref<128xi32, #tpu.memory_space<vmem_shared>>) target(%arg17 : memref<128xi32, #tpu.memory_space<vmem>>) target_semaphore(%run_scoped3A : memref<!tpu.dma_semaphore, #tpu.memory_space<semaphore_mem>>)
        %dma_wait3A_2838 = tpu.memref_slice %arg27[%mul3A_520] : memref<3072xi32, #tpu.memory_space<vmem_shared>> -> memref<128xi32, #tpu.memory_space<vmem_shared>>
        %dma_wait3A_2839 = tpu.memref_slice %arg27[%mul3A_520] : memref<3072xi32, #tpu.memory_space<vmem_shared>> -> memref<128xi32, #tpu.memory_space<vmem_shared>>
        tpu.wait_dma2 semaphore(%run_scoped3A : memref<!tpu.dma_semaphore, #tpu.memory_space<semaphore_mem>>) src(%dma_wait3A_2839 : memref<128xi32, #tpu.memory_space<vmem_shared>>) dst(%arg17 : memref<128xi32, #tpu.memory_space<vmem>>)
        tpu.yield
      }) : () -> ()
      %add3A_521 = arith.constant 1 : i32
      %add3A_522 = arith.addi %arg1, %add3A_521 : i32
      %mul3A_523 = arith.constant 192 : i32
      %mul3A_524 = arith.muli %add3A_522, %mul3A_523 : i32
      %add3A_525 = arith.constant 128 : i32
      %add3A_526 = arith.addi %mul3A_524, %add3A_525 : i32
      "tpu.region"() ({
        %run_scoped3A = tpu.sem_alloc : memref<!tpu.dma_semaphore, #tpu.memory_space<semaphore_mem>>
        %dma_start3A_2836 = tpu.memref_slice %arg27[%add3A_526] : memref<3072xi32, #tpu.memory_space<vmem_shared>> -> memref<64xi32, #tpu.memory_space<vmem_shared>>
        %dma_start3A_2837 = tpu.memref_slice %arg27[%add3A_526] : memref<3072xi32, #tpu.memory_space<vmem_shared>> -> memref<64xi32, #tpu.memory_space<vmem_shared>>
        tpu.enqueue_dma source(%dma_start3A_2837 : memref<64xi32, #tpu.memory_space<vmem_shared>>) target(%arg18 : memref<64xi32, #tpu.memory_space<vmem>>) target_semaphore(%run_scoped3A : memref<!tpu.dma_semaphore, #tpu.memory_space<semaphore_mem>>)
        %dma_wait3A_2838 = tpu.memref_slice %arg27[%add3A_526] : memref<3072xi32, #tpu.memory_space<vmem_shared>> -> memref<64xi32, #tpu.memory_space<vmem_shared>>
        %dma_wait3A_2839 = tpu.memref_slice %arg27[%add3A_526] : memref<3072xi32, #tpu.memory_space<vmem_shared>> -> memref<64xi32, #tpu.memory_space<vmem_shared>>
        tpu.wait_dma2 semaphore(%run_scoped3A : memref<!tpu.dma_semaphore, #tpu.memory_space<semaphore_mem>>) src(%dma_wait3A_2839 : memref<64xi32, #tpu.memory_space<vmem_shared>>) dst(%arg18 : memref<64xi32, #tpu.memory_space<vmem>>)
        tpu.yield
      }) : () -> ()
      "tpu.region"() ({
        %run_scoped3A = tpu.sem_alloc : memref<!tpu.dma_semaphore, #tpu.memory_space<semaphore_mem>>
        tpu.enqueue_dma source(%arg6 : memref<272xf32, #tpu.memory_space<hbm>>) target(%arg26 : memref<272xf32, #tpu.memory_space<vmem>>) target_semaphore(%run_scoped3A : memref<!tpu.dma_semaphore, #tpu.memory_space<semaphore_mem>>)
        tpu.wait_dma2 semaphore(%run_scoped3A : memref<!tpu.dma_semaphore, #tpu.memory_space<semaphore_mem>>) src(%arg6 : memref<272xf32, #tpu.memory_space<hbm>>) dst(%arg26 : memref<272xf32, #tpu.memory_space<vmem>>)
        tpu.yield
      }) : () -> ()
      %get3A = arith.constant 0 : index
      %get3A_527 = tpu.vector_load %arg18[%get3A] {strides = array<i32>} : memref<64xi32, #tpu.memory_space<vmem>>, vector<16xi32>,
      %add3A_528 = arith.addi %scan3A_480, %get3A_527 : vector<16xi32>
      %swap3A_529 = arith.constant 0 : index
      %swap3A_530 = tpu.vector_load %arg25[%swap3A_529] {strides = array<i32>} : memref<64xi32, #tpu.memory_space<vmem>>, vector<16xi32>,
      tpu.vector_store %arg25[%swap3A_529], %add3A_528 {strides = array<i32>} : memref<64xi32, #tpu.memory_space<vmem>>, vector<16xi32>,
      %gt3A = arith.constant 0 : i32
      %gt3A_531 = vector.broadcast %gt3A : i32 to vector<16xi32>
      %gt3A_532 = arith.cmpi sgt, %add3A_528, %gt3A_531 : vector<16xi32>
      %get3A_533 = arith.constant 0 : index
      %get3A_534 = tpu.vector_load %arg19[%get3A_533] {strides = array<i32>} : memref<64xf32, #tpu.memory_space<vmem>>, vector<16xf32>,
      %get3A_535 = arith.constant 0 : index
      %get3A_536 = tpu.vector_load %arg20[%get3A_535] {strides = array<i32>} : memref<64xf32, #tpu.memory_space<vmem>>, vector<16xf32>,
      %select_n3A_537 = arith.select %gt3A_532, %get3A_534, %get3A_536 : vector<16xi1>, vector<16xf32>
      %get3A_538 = arith.constant 16 : index
      %get3A_539 = tpu.vector_load %arg18[%get3A_538] {strides = array<i32>} : memref<64xi32, #tpu.memory_space<vmem>>, vector<16xi32>,
      %add3A_540 = arith.addi %scan3A_488, %get3A_539 : vector<16xi32>
      %swap3A_541 = arith.constant 16 : index
      %swap3A_542 = tpu.vector_load %arg25[%swap3A_541] {strides = array<i32>} : memref<64xi32, #tpu.memory_space<vmem>>, vector<16xi32>,
      tpu.vector_store %arg25[%swap3A_541], %add3A_540 {strides = array<i32>} : memref<64xi32, #tpu.memory_space<vmem>>, vector<16xi32>,
      %gt3A_543 = arith.constant 0 : i32
      %gt3A_544 = vector.broadcast %gt3A_543 : i32 to vector<16xi32>
      %gt3A_545 = arith.cmpi sgt, %add3A_540, %gt3A_544 : vector<16xi32>
      %get3A_546 = arith.constant 16 : index
      %get3A_547 = tpu.vector_load %arg19[%get3A_546] {strides = array<i32>} : memref<64xf32, #tpu.memory_space<vmem>>, vector<16xf32>,
      %get3A_548 = arith.constant 16 : index
      %get3A_549 = tpu.vector_load %arg20[%get3A_548] {strides = array<i32>} : memref<64xf32, #tpu.memory_space<vmem>>, vector<16xf32>,
      %select_n3A_550 = arith.select %gt3A_545, %get3A_547, %get3A_549 : vector<16xi1>, vector<16xf32>
      %get3A_551 = arith.constant 32 : index
      %get3A_552 = tpu.vector_load %arg18[%get3A_551] {strides = array<i32>} : memref<64xi32, #tpu.memory_space<vmem>>, vector<16xi32>,
      %add3A_553 = arith.addi %scan3A_496, %get3A_552 : vector<16xi32>
      %swap3A_554 = arith.constant 32 : index
      %swap3A_555 = tpu.vector_load %arg25[%swap3A_554] {strides = array<i32>} : memref<64xi32, #tpu.memory_space<vmem>>, vector<16xi32>,
      tpu.vector_store %arg25[%swap3A_554], %add3A_553 {strides = array<i32>} : memref<64xi32, #tpu.memory_space<vmem>>, vector<16xi32>,
      %gt3A_556 = arith.constant 0 : i32
      %gt3A_557 = vector.broadcast %gt3A_556 : i32 to vector<16xi32>
      %gt3A_558 = arith.cmpi sgt, %add3A_553, %gt3A_557 : vector<16xi32>
      %get3A_559 = arith.constant 32 : index
      %get3A_560 = tpu.vector_load %arg19[%get3A_559] {strides = array<i32>} : memref<64xf32, #tpu.memory_space<vmem>>, vector<16xf32>,
      %get3A_561 = arith.constant 32 : index
      %get3A_562 = tpu.vector_load %arg20[%get3A_561] {strides = array<i32>} : memref<64xf32, #tpu.memory_space<vmem>>, vector<16xf32>,
      %select_n3A_563 = arith.select %gt3A_558, %get3A_560, %get3A_562 : vector<16xi1>, vector<16xf32>
      %get3A_564 = arith.constant 48 : index
      %get3A_565 = tpu.vector_load %arg18[%get3A_564] {strides = array<i32>} : memref<64xi32, #tpu.memory_space<vmem>>, vector<16xi32>,
      %add3A_566 = arith.addi %scan3A_504, %get3A_565 : vector<16xi32>
      %swap3A_567 = arith.constant 48 : index
      %swap3A_568 = tpu.vector_load %arg25[%swap3A_567] {strides = array<i32>} : memref<64xi32, #tpu.memory_space<vmem>>, vector<16xi32>,
      tpu.vector_store %arg25[%swap3A_567], %add3A_566 {strides = array<i32>} : memref<64xi32, #tpu.memory_space<vmem>>, vector<16xi32>,
      %gt3A_569 = arith.constant 0 : i32
      %gt3A_570 = vector.broadcast %gt3A_569 : i32 to vector<16xi32>
      %gt3A_571 = arith.cmpi sgt, %add3A_566, %gt3A_570 : vector<16xi32>
      %get3A_572 = arith.constant 48 : index
      %get3A_573 = tpu.vector_load %arg19[%get3A_572] {strides = array<i32>} : memref<64xf32, #tpu.memory_space<vmem>>, vector<16xf32>,
      %get3A_574 = arith.constant 48 : index
      %get3A_575 = tpu.vector_load %arg20[%get3A_574] {strides = array<i32>} : memref<64xf32, #tpu.memory_space<vmem>>, vector<16xf32>,
      %select_n3A_576 = arith.select %gt3A_571, %get3A_573, %get3A_575 : vector<16xi1>, vector<16xf32>
      %reduce_max3A = arith.constant true
      %reduce_max3A_577 = vector.broadcast %reduce_max3A : i1 to vector<16xi1>
      %reduce_max3A_578 = tpu.scan <max>, %select_n3A_537 masked %reduce_max3A_577 : vector<16xf32>, vector<16xi1> -> vector<16xf32>
      %reduce_max3A_579 = vector.extract %reduce_max3A_578[15] : f32 from vector<16xf32>
      %reduce_max3A_580 = arith.constant true
      %reduce_max3A_581 = vector.broadcast %reduce_max3A_580 : i1 to vector<16xi1>
      %reduce_max3A_582 = tpu.scan <max>, %select_n3A_550 masked %reduce_max3A_581 : vector<16xf32>, vector<16xi1> -> vector<16xf32>
      %reduce_max3A_583 = vector.extract %reduce_max3A_582[15] : f32 from vector<16xf32>
      %max3A = arith.maximumf %reduce_max3A_579, %reduce_max3A_583 : f32
      %reduce_max3A_584 = arith.constant true
      %reduce_max3A_585 = vector.broadcast %reduce_max3A_584 : i1 to vector<16xi1>
      %reduce_max3A_586 = tpu.scan <max>, %select_n3A_563 masked %reduce_max3A_585 : vector<16xf32>, vector<16xi1> -> vector<16xf32>
      %reduce_max3A_587 = vector.extract %reduce_max3A_586[15] : f32 from vector<16xf32>
      %reduce_max3A_588 = arith.constant true
      %reduce_max3A_589 = vector.broadcast %reduce_max3A_588 : i1 to vector<16xi1>
      %reduce_max3A_590 = tpu.scan <max>, %select_n3A_576 masked %reduce_max3A_589 : vector<16xf32>, vector<16xi1> -> vector<16xf32>
      %reduce_max3A_591 = vector.extract %reduce_max3A_590[15] : f32 from vector<16xf32>
      %max3A_592 = arith.maximumf %reduce_max3A_587, %reduce_max3A_591 : f32
      %max3A_593 = arith.maximumf %max3A, %max3A_592 : f32
      %eq3A_594 = vector.broadcast %max3A_593 : f32 to vector<16xf32>
      %eq3A_595 = arith.cmpf oeq, %select_n3A_537, %eq3A_594 : vector<16xf32>
      %add3A_596 = arith.constant 0 : i32
      %add3A_597 = vector.broadcast %add3A_596 : i32 to vector<16xi32>
      %add3A_598 = arith.addi %iota3A, %add3A_597 : vector<16xi32>
      %jit3A_599 = arith.constant 1048576 : i32
      %broadcast_in_dim3A_600 = vector.broadcast %jit3A_599 : i32 to vector<16xi32>
      %select_n3A_601 = arith.select %eq3A_595, %add3A_598, %broadcast_in_dim3A_600 : vector<16xi1>, vector<16xi32>
      %reduce_min3A = arith.constant true
      %reduce_min3A_602 = vector.broadcast %reduce_min3A : i1 to vector<16xi1>
      %reduce_min3A_603 = arith.constant -2147483648 : i32
      %reduce_min3A_604 = vector.broadcast %reduce_min3A_603 : i32 to vector<16xi32>
      %reduce_min3A_605 = arith.xori %select_n3A_601, %reduce_min3A_604 : vector<16xi32>
      %reduce_min3A_606 = tpu.scan <min>, %reduce_min3A_605 masked %reduce_min3A_602 : vector<16xi32>, vector<16xi1> -> vector<16xi32>
      %reduce_min3A_607 = arith.xori %reduce_min3A_606, %reduce_min3A_604 : vector<16xi32>
      %reduce_min3A_608 = vector.extract %reduce_min3A_607[15] : i32 from vector<16xi32>
      %eq3A_609 = vector.broadcast %max3A_593 : f32 to vector<16xf32>
      %eq3A_610 = arith.cmpf oeq, %select_n3A_550, %eq3A_609 : vector<16xf32>
      %add3A_611 = arith.constant 16 : i32
      %add3A_612 = vector.broadcast %add3A_611 : i32 to vector<16xi32>
      %add3A_613 = arith.addi %iota3A, %add3A_612 : vector<16xi32>
      %jit3A_614 = arith.constant 1048576 : i32
      %broadcast_in_dim3A_615 = vector.broadcast %jit3A_614 : i32 to vector<16xi32>
      %select_n3A_616 = arith.select %eq3A_610, %add3A_613, %broadcast_in_dim3A_615 : vector<16xi1>, vector<16xi32>
      %reduce_min3A_617 = arith.constant true
      %reduce_min3A_618 = vector.broadcast %reduce_min3A_617 : i1 to vector<16xi1>
      %reduce_min3A_619 = arith.constant -2147483648 : i32
      %reduce_min3A_620 = vector.broadcast %reduce_min3A_619 : i32 to vector<16xi32>
      %reduce_min3A_621 = arith.xori %select_n3A_616, %reduce_min3A_620 : vector<16xi32>
      %reduce_min3A_622 = tpu.scan <min>, %reduce_min3A_621 masked %reduce_min3A_618 : vector<16xi32>, vector<16xi1> -> vector<16xi32>
      %reduce_min3A_623 = arith.xori %reduce_min3A_622, %reduce_min3A_620 : vector<16xi32>
      %reduce_min3A_624 = vector.extract %reduce_min3A_623[15] : i32 from vector<16xi32>
      %eq3A_625 = vector.broadcast %max3A_593 : f32 to vector<16xf32>
      %eq3A_626 = arith.cmpf oeq, %select_n3A_563, %eq3A_625 : vector<16xf32>
      %add3A_627 = arith.constant 32 : i32
      %add3A_628 = vector.broadcast %add3A_627 : i32 to vector<16xi32>
      %add3A_629 = arith.addi %iota3A, %add3A_628 : vector<16xi32>
      %jit3A_630 = arith.constant 1048576 : i32
      %broadcast_in_dim3A_631 = vector.broadcast %jit3A_630 : i32 to vector<16xi32>
      %select_n3A_632 = arith.select %eq3A_626, %add3A_629, %broadcast_in_dim3A_631 : vector<16xi1>, vector<16xi32>
      %reduce_min3A_633 = arith.constant true
      %reduce_min3A_634 = vector.broadcast %reduce_min3A_633 : i1 to vector<16xi1>
      %reduce_min3A_635 = arith.constant -2147483648 : i32
      %reduce_min3A_636 = vector.broadcast %reduce_min3A_635 : i32 to vector<16xi32>
      %reduce_min3A_637 = arith.xori %select_n3A_632, %reduce_min3A_636 : vector<16xi32>
      %reduce_min3A_638 = tpu.scan <min>, %reduce_min3A_637 masked %reduce_min3A_634 : vector<16xi32>, vector<16xi1> -> vector<16xi32>
      %reduce_min3A_639 = arith.xori %reduce_min3A_638, %reduce_min3A_636 : vector<16xi32>
      %reduce_min3A_640 = vector.extract %reduce_min3A_639[15] : i32 from vector<16xi32>
      %eq3A_641 = vector.broadcast %max3A_593 : f32 to vector<16xf32>
      %eq3A_642 = arith.cmpf oeq, %select_n3A_576, %eq3A_641 : vector<16xf32>
      %add3A_643 = arith.constant 48 : i32
      %add3A_644 = vector.broadcast %add3A_643 : i32 to vector<16xi32>
      %add3A_645 = arith.addi %iota3A, %add3A_644 : vector<16xi32>
      %jit3A_646 = arith.constant 1048576 : i32
      %broadcast_in_dim3A_647 = vector.broadcast %jit3A_646 : i32 to vector<16xi32>
      %select_n3A_648 = arith.select %eq3A_642, %add3A_645, %broadcast_in_dim3A_647 : vector<16xi1>, vector<16xi32>
      %reduce_min3A_649 = arith.constant true
      %reduce_min3A_650 = vector.broadcast %reduce_min3A_649 : i1 to vector<16xi1>
      %reduce_min3A_651 = arith.constant -2147483648 : i32
      %reduce_min3A_652 = vector.broadcast %reduce_min3A_651 : i32 to vector<16xi32>
      %reduce_min3A_653 = arith.xori %select_n3A_648, %reduce_min3A_652 : vector<16xi32>
      %reduce_min3A_654 = tpu.scan <min>, %reduce_min3A_653 masked %reduce_min3A_650 : vector<16xi32>, vector<16xi1> -> vector<16xi32>
      %reduce_min3A_655 = arith.xori %reduce_min3A_654, %reduce_min3A_652 : vector<16xi32>
      %reduce_min3A_656 = vector.extract %reduce_min3A_655[15] : i32 from vector<16xi32>
      %min3A = arith.minsi %reduce_min3A_608, %reduce_min3A_624 : i32
      %min3A_657 = arith.minsi %reduce_min3A_640, %reduce_min3A_656 : i32
      %min3A_658 = arith.minsi %min3A, %min3A_657 : i32
      %eq3A_659 = arith.constant 0 : i32
      %eq3A_660 = vector.broadcast %eq3A_659 : i32 to vector<16xi32>
      %eq3A_661 = arith.cmpi eq, %iota3A, %eq3A_660 : vector<16xi32>
      %broadcast_in_dim3A_662 = vector.broadcast %min3A_658 : i32 to vector<16xi32>
      %select_n3A_663 = arith.select %eq3A_661, %broadcast_in_dim3A_662, %broadcast_in_dim3A_33 : vector<16xi1>, vector<16xi32>
      %add3A_664 = arith.constant 0 : i32
      %add3A_665 = vector.broadcast %add3A_664 : i32 to vector<16xi32>
      %add3A_666 = arith.addi %iota3A, %add3A_665 : vector<16xi32>
      %eq3A_667 = vector.broadcast %min3A_658 : i32 to vector<16xi32>
      %eq3A_668 = arith.cmpi eq, %add3A_666, %eq3A_667 : vector<16xi32>
      %jit3A_669 = arith.constant -3.000000e+38 : f32
      %broadcast_in_dim3A_670 = vector.broadcast %jit3A_669 : f32 to vector<16xf32>
      %select_n3A_671 = arith.select %eq3A_668, %broadcast_in_dim3A_670, %select_n3A_537 : vector<16xi1>, vector<16xf32>
      %add3A_672 = arith.constant 16 : i32
      %add3A_673 = vector.broadcast %add3A_672 : i32 to vector<16xi32>
      %add3A_674 = arith.addi %iota3A, %add3A_673 : vector<16xi32>
      %eq3A_675 = vector.broadcast %min3A_658 : i32 to vector<16xi32>
      %eq3A_676 = arith.cmpi eq, %add3A_674, %eq3A_675 : vector<16xi32>
      %jit3A_677 = arith.constant -3.000000e+38 : f32
      %broadcast_in_dim3A_678 = vector.broadcast %jit3A_677 : f32 to vector<16xf32>
      %select_n3A_679 = arith.select %eq3A_676, %broadcast_in_dim3A_678, %select_n3A_550 : vector<16xi1>, vector<16xf32>
      %add3A_680 = arith.constant 32 : i32
      %add3A_681 = vector.broadcast %add3A_680 : i32 to vector<16xi32>
      %add3A_682 = arith.addi %iota3A, %add3A_681 : vector<16xi32>
      %eq3A_683 = vector.broadcast %min3A_658 : i32 to vector<16xi32>
      %eq3A_684 = arith.cmpi eq, %add3A_682, %eq3A_683 : vector<16xi32>
      %jit3A_685 = arith.constant -3.000000e+38 : f32
      %broadcast_in_dim3A_686 = vector.broadcast %jit3A_685 : f32 to vector<16xf32>
      %select_n3A_687 = arith.select %eq3A_684, %broadcast_in_dim3A_686, %select_n3A_563 : vector<16xi1>, vector<16xf32>
      %add3A_688 = arith.constant 48 : i32
      %add3A_689 = vector.broadcast %add3A_688 : i32 to vector<16xi32>
      %add3A_690 = arith.addi %iota3A, %add3A_689 : vector<16xi32>
      %eq3A_691 = vector.broadcast %min3A_658 : i32 to vector<16xi32>
      %eq3A_692 = arith.cmpi eq, %add3A_690, %eq3A_691 : vector<16xi32>
      %jit3A_693 = arith.constant -3.000000e+38 : f32
      %broadcast_in_dim3A_694 = vector.broadcast %jit3A_693 : f32 to vector<16xf32>
      %select_n3A_695 = arith.select %eq3A_692, %broadcast_in_dim3A_694, %select_n3A_576 : vector<16xi1>, vector<16xf32>
      %reduce_max3A_696 = arith.constant true
      %reduce_max3A_697 = vector.broadcast %reduce_max3A_696 : i1 to vector<16xi1>
      %reduce_max3A_698 = tpu.scan <max>, %select_n3A_671 masked %reduce_max3A_697 : vector<16xf32>, vector<16xi1> -> vector<16xf32>
      %reduce_max3A_699 = vector.extract %reduce_max3A_698[15] : f32 from vector<16xf32>
      %reduce_max3A_700 = arith.constant true
      %reduce_max3A_701 = vector.broadcast %reduce_max3A_700 : i1 to vector<16xi1>
      %reduce_max3A_702 = tpu.scan <max>, %select_n3A_679 masked %reduce_max3A_701 : vector<16xf32>, vector<16xi1> -> vector<16xf32>
      %reduce_max3A_703 = vector.extract %reduce_max3A_702[15] : f32 from vector<16xf32>
      %max3A_704 = arith.maximumf %reduce_max3A_699, %reduce_max3A_703 : f32
      %reduce_max3A_705 = arith.constant true
      %reduce_max3A_706 = vector.broadcast %reduce_max3A_705 : i1 to vector<16xi1>
      %reduce_max3A_707 = tpu.scan <max>, %select_n3A_687 masked %reduce_max3A_706 : vector<16xf32>, vector<16xi1> -> vector<16xf32>
      %reduce_max3A_708 = vector.extract %reduce_max3A_707[15] : f32 from vector<16xf32>
      %reduce_max3A_709 = arith.constant true
      %reduce_max3A_710 = vector.broadcast %reduce_max3A_709 : i1 to vector<16xi1>
      %reduce_max3A_711 = tpu.scan <max>, %select_n3A_695 masked %reduce_max3A_710 : vector<16xf32>, vector<16xi1> -> vector<16xf32>
      %reduce_max3A_712 = vector.extract %reduce_max3A_711[15] : f32 from vector<16xf32>
      %max3A_713 = arith.maximumf %reduce_max3A_708, %reduce_max3A_712 : f32
      %max3A_714 = arith.maximumf %max3A_704, %max3A_713 : f32
      %eq3A_715 = vector.broadcast %max3A_714 : f32 to vector<16xf32>
      %eq3A_716 = arith.cmpf oeq, %select_n3A_671, %eq3A_715 : vector<16xf32>
      %add3A_717 = arith.constant 0 : i32
      %add3A_718 = vector.broadcast %add3A_717 : i32 to vector<16xi32>
      %add3A_719 = arith.addi %iota3A, %add3A_718 : vector<16xi32>
      %jit3A_720 = arith.constant 1048576 : i32
      %broadcast_in_dim3A_721 = vector.broadcast %jit3A_720 : i32 to vector<16xi32>
      %select_n3A_722 = arith.select %eq3A_716, %add3A_719, %broadcast_in_dim3A_721 : vector<16xi1>, vector<16xi32>
      %reduce_min3A_723 = arith.constant true
      %reduce_min3A_724 = vector.broadcast %reduce_min3A_723 : i1 to vector<16xi1>
      %reduce_min3A_725 = arith.constant -2147483648 : i32
      %reduce_min3A_726 = vector.broadcast %reduce_min3A_725 : i32 to vector<16xi32>
      %reduce_min3A_727 = arith.xori %select_n3A_722, %reduce_min3A_726 : vector<16xi32>
      %reduce_min3A_728 = tpu.scan <min>, %reduce_min3A_727 masked %reduce_min3A_724 : vector<16xi32>, vector<16xi1> -> vector<16xi32>
      %reduce_min3A_729 = arith.xori %reduce_min3A_728, %reduce_min3A_726 : vector<16xi32>
      %reduce_min3A_730 = vector.extract %reduce_min3A_729[15] : i32 from vector<16xi32>
      %eq3A_731 = vector.broadcast %max3A_714 : f32 to vector<16xf32>
      %eq3A_732 = arith.cmpf oeq, %select_n3A_679, %eq3A_731 : vector<16xf32>
      %add3A_733 = arith.constant 16 : i32
      %add3A_734 = vector.broadcast %add3A_733 : i32 to vector<16xi32>
      %add3A_735 = arith.addi %iota3A, %add3A_734 : vector<16xi32>
      %jit3A_736 = arith.constant 1048576 : i32
      %broadcast_in_dim3A_737 = vector.broadcast %jit3A_736 : i32 to vector<16xi32>
      %select_n3A_738 = arith.select %eq3A_732, %add3A_735, %broadcast_in_dim3A_737 : vector<16xi1>, vector<16xi32>
      %reduce_min3A_739 = arith.constant true
      %reduce_min3A_740 = vector.broadcast %reduce_min3A_739 : i1 to vector<16xi1>
      %reduce_min3A_741 = arith.constant -2147483648 : i32
      %reduce_min3A_742 = vector.broadcast %reduce_min3A_741 : i32 to vector<16xi32>
      %reduce_min3A_743 = arith.xori %select_n3A_738, %reduce_min3A_742 : vector<16xi32>
      %reduce_min3A_744 = tpu.scan <min>, %reduce_min3A_743 masked %reduce_min3A_740 : vector<16xi32>, vector<16xi1> -> vector<16xi32>
      %reduce_min3A_745 = arith.xori %reduce_min3A_744, %reduce_min3A_742 : vector<16xi32>
      %reduce_min3A_746 = vector.extract %reduce_min3A_745[15] : i32 from vector<16xi32>
      %eq3A_747 = vector.broadcast %max3A_714 : f32 to vector<16xf32>
      %eq3A_748 = arith.cmpf oeq, %select_n3A_687, %eq3A_747 : vector<16xf32>
      %add3A_749 = arith.constant 32 : i32
      %add3A_750 = vector.broadcast %add3A_749 : i32 to vector<16xi32>
      %add3A_751 = arith.addi %iota3A, %add3A_750 : vector<16xi32>
      %jit3A_752 = arith.constant 1048576 : i32
      %broadcast_in_dim3A_753 = vector.broadcast %jit3A_752 : i32 to vector<16xi32>
      %select_n3A_754 = arith.select %eq3A_748, %add3A_751, %broadcast_in_dim3A_753 : vector<16xi1>, vector<16xi32>
      %reduce_min3A_755 = arith.constant true
      %reduce_min3A_756 = vector.broadcast %reduce_min3A_755 : i1 to vector<16xi1>
      %reduce_min3A_757 = arith.constant -2147483648 : i32
      %reduce_min3A_758 = vector.broadcast %reduce_min3A_757 : i32 to vector<16xi32>
      %reduce_min3A_759 = arith.xori %select_n3A_754, %reduce_min3A_758 : vector<16xi32>
      %reduce_min3A_760 = tpu.scan <min>, %reduce_min3A_759 masked %reduce_min3A_756 : vector<16xi32>, vector<16xi1> -> vector<16xi32>
      %reduce_min3A_761 = arith.xori %reduce_min3A_760, %reduce_min3A_758 : vector<16xi32>
      %reduce_min3A_762 = vector.extract %reduce_min3A_761[15] : i32 from vector<16xi32>
      %eq3A_763 = vector.broadcast %max3A_714 : f32 to vector<16xf32>
      %eq3A_764 = arith.cmpf oeq, %select_n3A_695, %eq3A_763 : vector<16xf32>
      %add3A_765 = arith.constant 48 : i32
      %add3A_766 = vector.broadcast %add3A_765 : i32 to vector<16xi32>
      %add3A_767 = arith.addi %iota3A, %add3A_766 : vector<16xi32>
      %jit3A_768 = arith.constant 1048576 : i32
      %broadcast_in_dim3A_769 = vector.broadcast %jit3A_768 : i32 to vector<16xi32>
      %select_n3A_770 = arith.select %eq3A_764, %add3A_767, %broadcast_in_dim3A_769 : vector<16xi1>, vector<16xi32>
      %reduce_min3A_771 = arith.constant true
      %reduce_min3A_772 = vector.broadcast %reduce_min3A_771 : i1 to vector<16xi1>
      %reduce_min3A_773 = arith.constant -2147483648 : i32
      %reduce_min3A_774 = vector.broadcast %reduce_min3A_773 : i32 to vector<16xi32>
      %reduce_min3A_775 = arith.xori %select_n3A_770, %reduce_min3A_774 : vector<16xi32>
      %reduce_min3A_776 = tpu.scan <min>, %reduce_min3A_775 masked %reduce_min3A_772 : vector<16xi32>, vector<16xi1> -> vector<16xi32>
      %reduce_min3A_777 = arith.xori %reduce_min3A_776, %reduce_min3A_774 : vector<16xi32>
      %reduce_min3A_778 = vector.extract %reduce_min3A_777[15] : i32 from vector<16xi32>
      %min3A_779 = arith.minsi %reduce_min3A_730, %reduce_min3A_746 : i32
      %min3A_780 = arith.minsi %reduce_min3A_762, %reduce_min3A_778 : i32
      %min3A_781 = arith.minsi %min3A_779, %min3A_780 : i32
      %eq3A_782 = arith.constant 1 : i32
      %eq3A_783 = vector.broadcast %eq3A_782 : i32 to vector<16xi32>
      %eq3A_784 = arith.cmpi eq, %iota3A, %eq3A_783 : vector<16xi32>
      %broadcast_in_dim3A_785 = vector.broadcast %min3A_781 : i32 to vector<16xi32>
      %select_n3A_786 = arith.select %eq3A_784, %broadcast_in_dim3A_785, %select_n3A_663 : vector<16xi1>, vector<16xi32>
      %add3A_787 = arith.constant 0 : i32
      %add3A_788 = vector.broadcast %add3A_787 : i32 to vector<16xi32>
      %add3A_789 = arith.addi %iota3A, %add3A_788 : vector<16xi32>
      %eq3A_790 = vector.broadcast %min3A_781 : i32 to vector<16xi32>
      %eq3A_791 = arith.cmpi eq, %add3A_789, %eq3A_790 : vector<16xi32>
      %jit3A_792 = arith.constant -3.000000e+38 : f32
      %broadcast_in_dim3A_793 = vector.broadcast %jit3A_792 : f32 to vector<16xf32>
      %select_n3A_794 = arith.select %eq3A_791, %broadcast_in_dim3A_793, %select_n3A_671 : vector<16xi1>, vector<16xf32>
      %add3A_795 = arith.constant 16 : i32
      %add3A_796 = vector.broadcast %add3A_795 : i32 to vector<16xi32>
      %add3A_797 = arith.addi %iota3A, %add3A_796 : vector<16xi32>
      %eq3A_798 = vector.broadcast %min3A_781 : i32 to vector<16xi32>
      %eq3A_799 = arith.cmpi eq, %add3A_797, %eq3A_798 : vector<16xi32>
      %jit3A_800 = arith.constant -3.000000e+38 : f32
      %broadcast_in_dim3A_801 = vector.broadcast %jit3A_800 : f32 to vector<16xf32>
      %select_n3A_802 = arith.select %eq3A_799, %broadcast_in_dim3A_801, %select_n3A_679 : vector<16xi1>, vector<16xf32>
      %add3A_803 = arith.constant 32 : i32
      %add3A_804 = vector.broadcast %add3A_803 : i32 to vector<16xi32>
      %add3A_805 = arith.addi %iota3A, %add3A_804 : vector<16xi32>
      %eq3A_806 = vector.broadcast %min3A_781 : i32 to vector<16xi32>
      %eq3A_807 = arith.cmpi eq, %add3A_805, %eq3A_806 : vector<16xi32>
      %jit3A_808 = arith.constant -3.000000e+38 : f32
      %broadcast_in_dim3A_809 = vector.broadcast %jit3A_808 : f32 to vector<16xf32>
      %select_n3A_810 = arith.select %eq3A_807, %broadcast_in_dim3A_809, %select_n3A_687 : vector<16xi1>, vector<16xf32>
      %add3A_811 = arith.constant 48 : i32
      %add3A_812 = vector.broadcast %add3A_811 : i32 to vector<16xi32>
      %add3A_813 = arith.addi %iota3A, %add3A_812 : vector<16xi32>
      %eq3A_814 = vector.broadcast %min3A_781 : i32 to vector<16xi32>
      %eq3A_815 = arith.cmpi eq, %add3A_813, %eq3A_814 : vector<16xi32>
      %jit3A_816 = arith.constant -3.000000e+38 : f32
      %broadcast_in_dim3A_817 = vector.broadcast %jit3A_816 : f32 to vector<16xf32>
      %select_n3A_818 = arith.select %eq3A_815, %broadcast_in_dim3A_817, %select_n3A_695 : vector<16xi1>, vector<16xf32>
      %reduce_max3A_819 = arith.constant true
      %reduce_max3A_820 = vector.broadcast %reduce_max3A_819 : i1 to vector<16xi1>
      %reduce_max3A_821 = tpu.scan <max>, %select_n3A_794 masked %reduce_max3A_820 : vector<16xf32>, vector<16xi1> -> vector<16xf32>
      %reduce_max3A_822 = vector.extract %reduce_max3A_821[15] : f32 from vector<16xf32>
      %reduce_max3A_823 = arith.constant true
      %reduce_max3A_824 = vector.broadcast %reduce_max3A_823 : i1 to vector<16xi1>
      %reduce_max3A_825 = tpu.scan <max>, %select_n3A_802 masked %reduce_max3A_824 : vector<16xf32>, vector<16xi1> -> vector<16xf32>
      %reduce_max3A_826 = vector.extract %reduce_max3A_825[15] : f32 from vector<16xf32>
      %max3A_827 = arith.maximumf %reduce_max3A_822, %reduce_max3A_826 : f32
      %reduce_max3A_828 = arith.constant true
      %reduce_max3A_829 = vector.broadcast %reduce_max3A_828 : i1 to vector<16xi1>
      %reduce_max3A_830 = tpu.scan <max>, %select_n3A_810 masked %reduce_max3A_829 : vector<16xf32>, vector<16xi1> -> vector<16xf32>
      %reduce_max3A_831 = vector.extract %reduce_max3A_830[15] : f32 from vector<16xf32>
      %reduce_max3A_832 = arith.constant true
      %reduce_max3A_833 = vector.broadcast %reduce_max3A_832 : i1 to vector<16xi1>
      %reduce_max3A_834 = tpu.scan <max>, %select_n3A_818 masked %reduce_max3A_833 : vector<16xf32>, vector<16xi1> -> vector<16xf32>
      %reduce_max3A_835 = vector.extract %reduce_max3A_834[15] : f32 from vector<16xf32>
      %max3A_836 = arith.maximumf %reduce_max3A_831, %reduce_max3A_835 : f32
      %max3A_837 = arith.maximumf %max3A_827, %max3A_836 : f32
      %eq3A_838 = vector.broadcast %max3A_837 : f32 to vector<16xf32>
      %eq3A_839 = arith.cmpf oeq, %select_n3A_794, %eq3A_838 : vector<16xf32>
      %add3A_840 = arith.constant 0 : i32
      %add3A_841 = vector.broadcast %add3A_840 : i32 to vector<16xi32>
      %add3A_842 = arith.addi %iota3A, %add3A_841 : vector<16xi32>
      %jit3A_843 = arith.constant 1048576 : i32
      %broadcast_in_dim3A_844 = vector.broadcast %jit3A_843 : i32 to vector<16xi32>
      %select_n3A_845 = arith.select %eq3A_839, %add3A_842, %broadcast_in_dim3A_844 : vector<16xi1>, vector<16xi32>
      %reduce_min3A_846 = arith.constant true
      %reduce_min3A_847 = vector.broadcast %reduce_min3A_846 : i1 to vector<16xi1>
      %reduce_min3A_848 = arith.constant -2147483648 : i32
      %reduce_min3A_849 = vector.broadcast %reduce_min3A_848 : i32 to vector<16xi32>
      %reduce_min3A_850 = arith.xori %select_n3A_845, %reduce_min3A_849 : vector<16xi32>
      %reduce_min3A_851 = tpu.scan <min>, %reduce_min3A_850 masked %reduce_min3A_847 : vector<16xi32>, vector<16xi1> -> vector<16xi32>
      %reduce_min3A_852 = arith.xori %reduce_min3A_851, %reduce_min3A_849 : vector<16xi32>
      %reduce_min3A_853 = vector.extract %reduce_min3A_852[15] : i32 from vector<16xi32>
      %eq3A_854 = vector.broadcast %max3A_837 : f32 to vector<16xf32>
      %eq3A_855 = arith.cmpf oeq, %select_n3A_802, %eq3A_854 : vector<16xf32>
      %add3A_856 = arith.constant 16 : i32
      %add3A_857 = vector.broadcast %add3A_856 : i32 to vector<16xi32>
      %add3A_858 = arith.addi %iota3A, %add3A_857 : vector<16xi32>
      %jit3A_859 = arith.constant 1048576 : i32
      %broadcast_in_dim3A_860 = vector.broadcast %jit3A_859 : i32 to vector<16xi32>
      %select_n3A_861 = arith.select %eq3A_855, %add3A_858, %broadcast_in_dim3A_860 : vector<16xi1>, vector<16xi32>
      %reduce_min3A_862 = arith.constant true
      %reduce_min3A_863 = vector.broadcast %reduce_min3A_862 : i1 to vector<16xi1>
      %reduce_min3A_864 = arith.constant -2147483648 : i32
      %reduce_min3A_865 = vector.broadcast %reduce_min3A_864 : i32 to vector<16xi32>
      %reduce_min3A_866 = arith.xori %select_n3A_861, %reduce_min3A_865 : vector<16xi32>
      %reduce_min3A_867 = tpu.scan <min>, %reduce_min3A_866 masked %reduce_min3A_863 : vector<16xi32>, vector<16xi1> -> vector<16xi32>
      %reduce_min3A_868 = arith.xori %reduce_min3A_867, %reduce_min3A_865 : vector<16xi32>
      %reduce_min3A_869 = vector.extract %reduce_min3A_868[15] : i32 from vector<16xi32>
      %eq3A_870 = vector.broadcast %max3A_837 : f32 to vector<16xf32>
      %eq3A_871 = arith.cmpf oeq, %select_n3A_810, %eq3A_870 : vector<16xf32>
      %add3A_872 = arith.constant 32 : i32
      %add3A_873 = vector.broadcast %add3A_872 : i32 to vector<16xi32>
      %add3A_874 = arith.addi %iota3A, %add3A_873 : vector<16xi32>
      %jit3A_875 = arith.constant 1048576 : i32
      %broadcast_in_dim3A_876 = vector.broadcast %jit3A_875 : i32 to vector<16xi32>
      %select_n3A_877 = arith.select %eq3A_871, %add3A_874, %broadcast_in_dim3A_876 : vector<16xi1>, vector<16xi32>
      %reduce_min3A_878 = arith.constant true
      %reduce_min3A_879 = vector.broadcast %reduce_min3A_878 : i1 to vector<16xi1>
      %reduce_min3A_880 = arith.constant -2147483648 : i32
      %reduce_min3A_881 = vector.broadcast %reduce_min3A_880 : i32 to vector<16xi32>
      %reduce_min3A_882 = arith.xori %select_n3A_877, %reduce_min3A_881 : vector<16xi32>
      %reduce_min3A_883 = tpu.scan <min>, %reduce_min3A_882 masked %reduce_min3A_879 : vector<16xi32>, vector<16xi1> -> vector<16xi32>
      %reduce_min3A_884 = arith.xori %reduce_min3A_883, %reduce_min3A_881 : vector<16xi32>
      %reduce_min3A_885 = vector.extract %reduce_min3A_884[15] : i32 from vector<16xi32>
      %eq3A_886 = vector.broadcast %max3A_837 : f32 to vector<16xf32>
      %eq3A_887 = arith.cmpf oeq, %select_n3A_818, %eq3A_886 : vector<16xf32>
      %add3A_888 = arith.constant 48 : i32
      %add3A_889 = vector.broadcast %add3A_888 : i32 to vector<16xi32>
      %add3A_890 = arith.addi %iota3A, %add3A_889 : vector<16xi32>
      %jit3A_891 = arith.constant 1048576 : i32
      %broadcast_in_dim3A_892 = vector.broadcast %jit3A_891 : i32 to vector<16xi32>
      %select_n3A_893 = arith.select %eq3A_887, %add3A_890, %broadcast_in_dim3A_892 : vector<16xi1>, vector<16xi32>
      %reduce_min3A_894 = arith.constant true
      %reduce_min3A_895 = vector.broadcast %reduce_min3A_894 : i1 to vector<16xi1>
      %reduce_min3A_896 = arith.constant -2147483648 : i32
      %reduce_min3A_897 = vector.broadcast %reduce_min3A_896 : i32 to vector<16xi32>
      %reduce_min3A_898 = arith.xori %select_n3A_893, %reduce_min3A_897 : vector<16xi32>
      %reduce_min3A_899 = tpu.scan <min>, %reduce_min3A_898 masked %reduce_min3A_895 : vector<16xi32>, vector<16xi1> -> vector<16xi32>
      %reduce_min3A_900 = arith.xori %reduce_min3A_899, %reduce_min3A_897 : vector<16xi32>
      %reduce_min3A_901 = vector.extract %reduce_min3A_900[15] : i32 from vector<16xi32>
      %min3A_902 = arith.minsi %reduce_min3A_853, %reduce_min3A_869 : i32
      %min3A_903 = arith.minsi %reduce_min3A_885, %reduce_min3A_901 : i32
      %min3A_904 = arith.minsi %min3A_902, %min3A_903 : i32
      %eq3A_905 = arith.constant 2 : i32
      %eq3A_906 = vector.broadcast %eq3A_905 : i32 to vector<16xi32>
      %eq3A_907 = arith.cmpi eq, %iota3A, %eq3A_906 : vector<16xi32>
      %broadcast_in_dim3A_908 = vector.broadcast %min3A_904 : i32 to vector<16xi32>
      %select_n3A_909 = arith.select %eq3A_907, %broadcast_in_dim3A_908, %select_n3A_786 : vector<16xi1>, vector<16xi32>
      %add3A_910 = arith.constant 0 : i32
      %add3A_911 = vector.broadcast %add3A_910 : i32 to vector<16xi32>
      %add3A_912 = arith.addi %iota3A, %add3A_911 : vector<16xi32>
      %eq3A_913 = vector.broadcast %min3A_904 : i32 to vector<16xi32>
      %eq3A_914 = arith.cmpi eq, %add3A_912, %eq3A_913 : vector<16xi32>
      %jit3A_915 = arith.constant -3.000000e+38 : f32
      %broadcast_in_dim3A_916 = vector.broadcast %jit3A_915 : f32 to vector<16xf32>
      %select_n3A_917 = arith.select %eq3A_914, %broadcast_in_dim3A_916, %select_n3A_794 : vector<16xi1>, vector<16xf32>
      %add3A_918 = arith.constant 16 : i32
      %add3A_919 = vector.broadcast %add3A_918 : i32 to vector<16xi32>
      %add3A_920 = arith.addi %iota3A, %add3A_919 : vector<16xi32>
      %eq3A_921 = vector.broadcast %min3A_904 : i32 to vector<16xi32>
      %eq3A_922 = arith.cmpi eq, %add3A_920, %eq3A_921 : vector<16xi32>
      %jit3A_923 = arith.constant -3.000000e+38 : f32
      %broadcast_in_dim3A_924 = vector.broadcast %jit3A_923 : f32 to vector<16xf32>
      %select_n3A_925 = arith.select %eq3A_922, %broadcast_in_dim3A_924, %select_n3A_802 : vector<16xi1>, vector<16xf32>
      %add3A_926 = arith.constant 32 : i32
      %add3A_927 = vector.broadcast %add3A_926 : i32 to vector<16xi32>
      %add3A_928 = arith.addi %iota3A, %add3A_927 : vector<16xi32>
      %eq3A_929 = vector.broadcast %min3A_904 : i32 to vector<16xi32>
      %eq3A_930 = arith.cmpi eq, %add3A_928, %eq3A_929 : vector<16xi32>
      %jit3A_931 = arith.constant -3.000000e+38 : f32
      %broadcast_in_dim3A_932 = vector.broadcast %jit3A_931 : f32 to vector<16xf32>
      %select_n3A_933 = arith.select %eq3A_930, %broadcast_in_dim3A_932, %select_n3A_810 : vector<16xi1>, vector<16xf32>
      %add3A_934 = arith.constant 48 : i32
      %add3A_935 = vector.broadcast %add3A_934 : i32 to vector<16xi32>
      %add3A_936 = arith.addi %iota3A, %add3A_935 : vector<16xi32>
      %eq3A_937 = vector.broadcast %min3A_904 : i32 to vector<16xi32>
      %eq3A_938 = arith.cmpi eq, %add3A_936, %eq3A_937 : vector<16xi32>
      %jit3A_939 = arith.constant -3.000000e+38 : f32
      %broadcast_in_dim3A_940 = vector.broadcast %jit3A_939 : f32 to vector<16xf32>
      %select_n3A_941 = arith.select %eq3A_938, %broadcast_in_dim3A_940, %select_n3A_818 : vector<16xi1>, vector<16xf32>
      %reduce_max3A_942 = arith.constant true
      %reduce_max3A_943 = vector.broadcast %reduce_max3A_942 : i1 to vector<16xi1>
      %reduce_max3A_944 = tpu.scan <max>, %select_n3A_917 masked %reduce_max3A_943 : vector<16xf32>, vector<16xi1> -> vector<16xf32>
      %reduce_max3A_945 = vector.extract %reduce_max3A_944[15] : f32 from vector<16xf32>
      %reduce_max3A_946 = arith.constant true
      %reduce_max3A_947 = vector.broadcast %reduce_max3A_946 : i1 to vector<16xi1>
      %reduce_max3A_948 = tpu.scan <max>, %select_n3A_925 masked %reduce_max3A_947 : vector<16xf32>, vector<16xi1> -> vector<16xf32>
      %reduce_max3A_949 = vector.extract %reduce_max3A_948[15] : f32 from vector<16xf32>
      %max3A_950 = arith.maximumf %reduce_max3A_945, %reduce_max3A_949 : f32
      %reduce_max3A_951 = arith.constant true
      %reduce_max3A_952 = vector.broadcast %reduce_max3A_951 : i1 to vector<16xi1>
      %reduce_max3A_953 = tpu.scan <max>, %select_n3A_933 masked %reduce_max3A_952 : vector<16xf32>, vector<16xi1> -> vector<16xf32>
      %reduce_max3A_954 = vector.extract %reduce_max3A_953[15] : f32 from vector<16xf32>
      %reduce_max3A_955 = arith.constant true
      %reduce_max3A_956 = vector.broadcast %reduce_max3A_955 : i1 to vector<16xi1>
      %reduce_max3A_957 = tpu.scan <max>, %select_n3A_941 masked %reduce_max3A_956 : vector<16xf32>, vector<16xi1> -> vector<16xf32>
      %reduce_max3A_958 = vector.extract %reduce_max3A_957[15] : f32 from vector<16xf32>
      %max3A_959 = arith.maximumf %reduce_max3A_954, %reduce_max3A_958 : f32
      %max3A_960 = arith.maximumf %max3A_950, %max3A_959 : f32
      %eq3A_961 = vector.broadcast %max3A_960 : f32 to vector<16xf32>
      %eq3A_962 = arith.cmpf oeq, %select_n3A_917, %eq3A_961 : vector<16xf32>
      %add3A_963 = arith.constant 0 : i32
      %add3A_964 = vector.broadcast %add3A_963 : i32 to vector<16xi32>
      %add3A_965 = arith.addi %iota3A, %add3A_964 : vector<16xi32>
      %jit3A_966 = arith.constant 1048576 : i32
      %broadcast_in_dim3A_967 = vector.broadcast %jit3A_966 : i32 to vector<16xi32>
      %select_n3A_968 = arith.select %eq3A_962, %add3A_965, %broadcast_in_dim3A_967 : vector<16xi1>, vector<16xi32>
      %reduce_min3A_969 = arith.constant true
      %reduce_min3A_970 = vector.broadcast %reduce_min3A_969 : i1 to vector<16xi1>
      %reduce_min3A_971 = arith.constant -2147483648 : i32
      %reduce_min3A_972 = vector.broadcast %reduce_min3A_971 : i32 to vector<16xi32>
      %reduce_min3A_973 = arith.xori %select_n3A_968, %reduce_min3A_972 : vector<16xi32>
      %reduce_min3A_974 = tpu.scan <min>, %reduce_min3A_973 masked %reduce_min3A_970 : vector<16xi32>, vector<16xi1> -> vector<16xi32>
      %reduce_min3A_975 = arith.xori %reduce_min3A_974, %reduce_min3A_972 : vector<16xi32>
      %reduce_min3A_976 = vector.extract %reduce_min3A_975[15] : i32 from vector<16xi32>
      %eq3A_977 = vector.broadcast %max3A_960 : f32 to vector<16xf32>
      %eq3A_978 = arith.cmpf oeq, %select_n3A_925, %eq3A_977 : vector<16xf32>
      %add3A_979 = arith.constant 16 : i32
      %add3A_980 = vector.broadcast %add3A_979 : i32 to vector<16xi32>
      %add3A_981 = arith.addi %iota3A, %add3A_980 : vector<16xi32>
      %jit3A_982 = arith.constant 1048576 : i32
      %broadcast_in_dim3A_983 = vector.broadcast %jit3A_982 : i32 to vector<16xi32>
      %select_n3A_984 = arith.select %eq3A_978, %add3A_981, %broadcast_in_dim3A_983 : vector<16xi1>, vector<16xi32>
      %reduce_min3A_985 = arith.constant true
      %reduce_min3A_986 = vector.broadcast %reduce_min3A_985 : i1 to vector<16xi1>
      %reduce_min3A_987 = arith.constant -2147483648 : i32
      %reduce_min3A_988 = vector.broadcast %reduce_min3A_987 : i32 to vector<16xi32>
      %reduce_min3A_989 = arith.xori %select_n3A_984, %reduce_min3A_988 : vector<16xi32>
      %reduce_min3A_990 = tpu.scan <min>, %reduce_min3A_989 masked %reduce_min3A_986 : vector<16xi32>, vector<16xi1> -> vector<16xi32>
      %reduce_min3A_991 = arith.xori %reduce_min3A_990, %reduce_min3A_988 : vector<16xi32>
      %reduce_min3A_992 = vector.extract %reduce_min3A_991[15] : i32 from vector<16xi32>
      %eq3A_993 = vector.broadcast %max3A_960 : f32 to vector<16xf32>
      %eq3A_994 = arith.cmpf oeq, %select_n3A_933, %eq3A_993 : vector<16xf32>
      %add3A_995 = arith.constant 32 : i32
      %add3A_996 = vector.broadcast %add3A_995 : i32 to vector<16xi32>
      %add3A_997 = arith.addi %iota3A, %add3A_996 : vector<16xi32>
      %jit3A_998 = arith.constant 1048576 : i32
      %broadcast_in_dim3A_999 = vector.broadcast %jit3A_998 : i32 to vector<16xi32>
      %select_n3A_1000 = arith.select %eq3A_994, %add3A_997, %broadcast_in_dim3A_999 : vector<16xi1>, vector<16xi32>
      %reduce_min3A_1001 = arith.constant true
      %reduce_min3A_1002 = vector.broadcast %reduce_min3A_1001 : i1 to vector<16xi1>
      %reduce_min3A_1003 = arith.constant -2147483648 : i32
      %reduce_min3A_1004 = vector.broadcast %reduce_min3A_1003 : i32 to vector<16xi32>
      %reduce_min3A_1005 = arith.xori %select_n3A_1000, %reduce_min3A_1004 : vector<16xi32>
      %reduce_min3A_1006 = tpu.scan <min>, %reduce_min3A_1005 masked %reduce_min3A_1002 : vector<16xi32>, vector<16xi1> -> vector<16xi32>
      %reduce_min3A_1007 = arith.xori %reduce_min3A_1006, %reduce_min3A_1004 : vector<16xi32>
      %reduce_min3A_1008 = vector.extract %reduce_min3A_1007[15] : i32 from vector<16xi32>
      %eq3A_1009 = vector.broadcast %max3A_960 : f32 to vector<16xf32>
      %eq3A_1010 = arith.cmpf oeq, %select_n3A_941, %eq3A_1009 : vector<16xf32>
      %add3A_1011 = arith.constant 48 : i32
      %add3A_1012 = vector.broadcast %add3A_1011 : i32 to vector<16xi32>
      %add3A_1013 = arith.addi %iota3A, %add3A_1012 : vector<16xi32>
      %jit3A_1014 = arith.constant 1048576 : i32
      %broadcast_in_dim3A_1015 = vector.broadcast %jit3A_1014 : i32 to vector<16xi32>
      %select_n3A_1016 = arith.select %eq3A_1010, %add3A_1013, %broadcast_in_dim3A_1015 : vector<16xi1>, vector<16xi32>
      %reduce_min3A_1017 = arith.constant true
      %reduce_min3A_1018 = vector.broadcast %reduce_min3A_1017 : i1 to vector<16xi1>
      %reduce_min3A_1019 = arith.constant -2147483648 : i32
      %reduce_min3A_1020 = vector.broadcast %reduce_min3A_1019 : i32 to vector<16xi32>
      %reduce_min3A_1021 = arith.xori %select_n3A_1016, %reduce_min3A_1020 : vector<16xi32>
      %reduce_min3A_1022 = tpu.scan <min>, %reduce_min3A_1021 masked %reduce_min3A_1018 : vector<16xi32>, vector<16xi1> -> vector<16xi32>
      %reduce_min3A_1023 = arith.xori %reduce_min3A_1022, %reduce_min3A_1020 : vector<16xi32>
      %reduce_min3A_1024 = vector.extract %reduce_min3A_1023[15] : i32 from vector<16xi32>
      %min3A_1025 = arith.minsi %reduce_min3A_976, %reduce_min3A_992 : i32
      %min3A_1026 = arith.minsi %reduce_min3A_1008, %reduce_min3A_1024 : i32
      %min3A_1027 = arith.minsi %min3A_1025, %min3A_1026 : i32
      %eq3A_1028 = arith.constant 3 : i32
      %eq3A_1029 = vector.broadcast %eq3A_1028 : i32 to vector<16xi32>
      %eq3A_1030 = arith.cmpi eq, %iota3A, %eq3A_1029 : vector<16xi32>
      %broadcast_in_dim3A_1031 = vector.broadcast %min3A_1027 : i32 to vector<16xi32>
      %select_n3A_1032 = arith.select %eq3A_1030, %broadcast_in_dim3A_1031, %select_n3A_909 : vector<16xi1>, vector<16xi32>
      %add3A_1033 = arith.constant 0 : i32
      %add3A_1034 = vector.broadcast %add3A_1033 : i32 to vector<16xi32>
      %add3A_1035 = arith.addi %iota3A, %add3A_1034 : vector<16xi32>
      %eq3A_1036 = vector.broadcast %min3A_1027 : i32 to vector<16xi32>
      %eq3A_1037 = arith.cmpi eq, %add3A_1035, %eq3A_1036 : vector<16xi32>
      %jit3A_1038 = arith.constant -3.000000e+38 : f32
      %broadcast_in_dim3A_1039 = vector.broadcast %jit3A_1038 : f32 to vector<16xf32>
      %select_n3A_1040 = arith.select %eq3A_1037, %broadcast_in_dim3A_1039, %select_n3A_917 : vector<16xi1>, vector<16xf32>
      %add3A_1041 = arith.constant 16 : i32
      %add3A_1042 = vector.broadcast %add3A_1041 : i32 to vector<16xi32>
      %add3A_1043 = arith.addi %iota3A, %add3A_1042 : vector<16xi32>
      %eq3A_1044 = vector.broadcast %min3A_1027 : i32 to vector<16xi32>
      %eq3A_1045 = arith.cmpi eq, %add3A_1043, %eq3A_1044 : vector<16xi32>
      %jit3A_1046 = arith.constant -3.000000e+38 : f32
      %broadcast_in_dim3A_1047 = vector.broadcast %jit3A_1046 : f32 to vector<16xf32>
      %select_n3A_1048 = arith.select %eq3A_1045, %broadcast_in_dim3A_1047, %select_n3A_925 : vector<16xi1>, vector<16xf32>
      %add3A_1049 = arith.constant 32 : i32
      %add3A_1050 = vector.broadcast %add3A_1049 : i32 to vector<16xi32>
      %add3A_1051 = arith.addi %iota3A, %add3A_1050 : vector<16xi32>
      %eq3A_1052 = vector.broadcast %min3A_1027 : i32 to vector<16xi32>
      %eq3A_1053 = arith.cmpi eq, %add3A_1051, %eq3A_1052 : vector<16xi32>
      %jit3A_1054 = arith.constant -3.000000e+38 : f32
      %broadcast_in_dim3A_1055 = vector.broadcast %jit3A_1054 : f32 to vector<16xf32>
      %select_n3A_1056 = arith.select %eq3A_1053, %broadcast_in_dim3A_1055, %select_n3A_933 : vector<16xi1>, vector<16xf32>
      %add3A_1057 = arith.constant 48 : i32
      %add3A_1058 = vector.broadcast %add3A_1057 : i32 to vector<16xi32>
      %add3A_1059 = arith.addi %iota3A, %add3A_1058 : vector<16xi32>
      %eq3A_1060 = vector.broadcast %min3A_1027 : i32 to vector<16xi32>
      %eq3A_1061 = arith.cmpi eq, %add3A_1059, %eq3A_1060 : vector<16xi32>
      %jit3A_1062 = arith.constant -3.000000e+38 : f32
      %broadcast_in_dim3A_1063 = vector.broadcast %jit3A_1062 : f32 to vector<16xf32>
      %select_n3A_1064 = arith.select %eq3A_1061, %broadcast_in_dim3A_1063, %select_n3A_941 : vector<16xi1>, vector<16xf32>
      %reduce_max3A_1065 = arith.constant true
      %reduce_max3A_1066 = vector.broadcast %reduce_max3A_1065 : i1 to vector<16xi1>
      %reduce_max3A_1067 = tpu.scan <max>, %select_n3A_1040 masked %reduce_max3A_1066 : vector<16xf32>, vector<16xi1> -> vector<16xf32>
      %reduce_max3A_1068 = vector.extract %reduce_max3A_1067[15] : f32 from vector<16xf32>
      %reduce_max3A_1069 = arith.constant true
      %reduce_max3A_1070 = vector.broadcast %reduce_max3A_1069 : i1 to vector<16xi1>
      %reduce_max3A_1071 = tpu.scan <max>, %select_n3A_1048 masked %reduce_max3A_1070 : vector<16xf32>, vector<16xi1> -> vector<16xf32>
      %reduce_max3A_1072 = vector.extract %reduce_max3A_1071[15] : f32 from vector<16xf32>
      %max3A_1073 = arith.maximumf %reduce_max3A_1068, %reduce_max3A_1072 : f32
      %reduce_max3A_1074 = arith.constant true
      %reduce_max3A_1075 = vector.broadcast %reduce_max3A_1074 : i1 to vector<16xi1>
      %reduce_max3A_1076 = tpu.scan <max>, %select_n3A_1056 masked %reduce_max3A_1075 : vector<16xf32>, vector<16xi1> -> vector<16xf32>
      %reduce_max3A_1077 = vector.extract %reduce_max3A_1076[15] : f32 from vector<16xf32>
      %reduce_max3A_1078 = arith.constant true
      %reduce_max3A_1079 = vector.broadcast %reduce_max3A_1078 : i1 to vector<16xi1>
      %reduce_max3A_1080 = tpu.scan <max>, %select_n3A_1064 masked %reduce_max3A_1079 : vector<16xf32>, vector<16xi1> -> vector<16xf32>
      %reduce_max3A_1081 = vector.extract %reduce_max3A_1080[15] : f32 from vector<16xf32>
      %max3A_1082 = arith.maximumf %reduce_max3A_1077, %reduce_max3A_1081 : f32
      %max3A_1083 = arith.maximumf %max3A_1073, %max3A_1082 : f32
      %eq3A_1084 = vector.broadcast %max3A_1083 : f32 to vector<16xf32>
      %eq3A_1085 = arith.cmpf oeq, %select_n3A_1040, %eq3A_1084 : vector<16xf32>
      %add3A_1086 = arith.constant 0 : i32
      %add3A_1087 = vector.broadcast %add3A_1086 : i32 to vector<16xi32>
      %add3A_1088 = arith.addi %iota3A, %add3A_1087 : vector<16xi32>
      %jit3A_1089 = arith.constant 1048576 : i32
      %broadcast_in_dim3A_1090 = vector.broadcast %jit3A_1089 : i32 to vector<16xi32>
      %select_n3A_1091 = arith.select %eq3A_1085, %add3A_1088, %broadcast_in_dim3A_1090 : vector<16xi1>, vector<16xi32>
      %reduce_min3A_1092 = arith.constant true
      %reduce_min3A_1093 = vector.broadcast %reduce_min3A_1092 : i1 to vector<16xi1>
      %reduce_min3A_1094 = arith.constant -2147483648 : i32
      %reduce_min3A_1095 = vector.broadcast %reduce_min3A_1094 : i32 to vector<16xi32>
      %reduce_min3A_1096 = arith.xori %select_n3A_1091, %reduce_min3A_1095 : vector<16xi32>
      %reduce_min3A_1097 = tpu.scan <min>, %reduce_min3A_1096 masked %reduce_min3A_1093 : vector<16xi32>, vector<16xi1> -> vector<16xi32>
      %reduce_min3A_1098 = arith.xori %reduce_min3A_1097, %reduce_min3A_1095 : vector<16xi32>
      %reduce_min3A_1099 = vector.extract %reduce_min3A_1098[15] : i32 from vector<16xi32>
      %eq3A_1100 = vector.broadcast %max3A_1083 : f32 to vector<16xf32>
      %eq3A_1101 = arith.cmpf oeq, %select_n3A_1048, %eq3A_1100 : vector<16xf32>
      %add3A_1102 = arith.constant 16 : i32
      %add3A_1103 = vector.broadcast %add3A_1102 : i32 to vector<16xi32>
      %add3A_1104 = arith.addi %iota3A, %add3A_1103 : vector<16xi32>
      %jit3A_1105 = arith.constant 1048576 : i32
      %broadcast_in_dim3A_1106 = vector.broadcast %jit3A_1105 : i32 to vector<16xi32>
      %select_n3A_1107 = arith.select %eq3A_1101, %add3A_1104, %broadcast_in_dim3A_1106 : vector<16xi1>, vector<16xi32>
      %reduce_min3A_1108 = arith.constant true
      %reduce_min3A_1109 = vector.broadcast %reduce_min3A_1108 : i1 to vector<16xi1>
      %reduce_min3A_1110 = arith.constant -2147483648 : i32
      %reduce_min3A_1111 = vector.broadcast %reduce_min3A_1110 : i32 to vector<16xi32>
      %reduce_min3A_1112 = arith.xori %select_n3A_1107, %reduce_min3A_1111 : vector<16xi32>
      %reduce_min3A_1113 = tpu.scan <min>, %reduce_min3A_1112 masked %reduce_min3A_1109 : vector<16xi32>, vector<16xi1> -> vector<16xi32>
      %reduce_min3A_1114 = arith.xori %reduce_min3A_1113, %reduce_min3A_1111 : vector<16xi32>
      %reduce_min3A_1115 = vector.extract %reduce_min3A_1114[15] : i32 from vector<16xi32>
      %eq3A_1116 = vector.broadcast %max3A_1083 : f32 to vector<16xf32>
      %eq3A_1117 = arith.cmpf oeq, %select_n3A_1056, %eq3A_1116 : vector<16xf32>
      %add3A_1118 = arith.constant 32 : i32
      %add3A_1119 = vector.broadcast %add3A_1118 : i32 to vector<16xi32>
      %add3A_1120 = arith.addi %iota3A, %add3A_1119 : vector<16xi32>
      %jit3A_1121 = arith.constant 1048576 : i32
      %broadcast_in_dim3A_1122 = vector.broadcast %jit3A_1121 : i32 to vector<16xi32>
      %select_n3A_1123 = arith.select %eq3A_1117, %add3A_1120, %broadcast_in_dim3A_1122 : vector<16xi1>, vector<16xi32>
      %reduce_min3A_1124 = arith.constant true
      %reduce_min3A_1125 = vector.broadcast %reduce_min3A_1124 : i1 to vector<16xi1>
      %reduce_min3A_1126 = arith.constant -2147483648 : i32
      %reduce_min3A_1127 = vector.broadcast %reduce_min3A_1126 : i32 to vector<16xi32>
      %reduce_min3A_1128 = arith.xori %select_n3A_1123, %reduce_min3A_1127 : vector<16xi32>
      %reduce_min3A_1129 = tpu.scan <min>, %reduce_min3A_1128 masked %reduce_min3A_1125 : vector<16xi32>, vector<16xi1> -> vector<16xi32>
      %reduce_min3A_1130 = arith.xori %reduce_min3A_1129, %reduce_min3A_1127 : vector<16xi32>
      %reduce_min3A_1131 = vector.extract %reduce_min3A_1130[15] : i32 from vector<16xi32>
      %eq3A_1132 = vector.broadcast %max3A_1083 : f32 to vector<16xf32>
      %eq3A_1133 = arith.cmpf oeq, %select_n3A_1064, %eq3A_1132 : vector<16xf32>
      %add3A_1134 = arith.constant 48 : i32
      %add3A_1135 = vector.broadcast %add3A_1134 : i32 to vector<16xi32>
      %add3A_1136 = arith.addi %iota3A, %add3A_1135 : vector<16xi32>
      %jit3A_1137 = arith.constant 1048576 : i32
      %broadcast_in_dim3A_1138 = vector.broadcast %jit3A_1137 : i32 to vector<16xi32>
      %select_n3A_1139 = arith.select %eq3A_1133, %add3A_1136, %broadcast_in_dim3A_1138 : vector<16xi1>, vector<16xi32>
      %reduce_min3A_1140 = arith.constant true
      %reduce_min3A_1141 = vector.broadcast %reduce_min3A_1140 : i1 to vector<16xi1>
      %reduce_min3A_1142 = arith.constant -2147483648 : i32
      %reduce_min3A_1143 = vector.broadcast %reduce_min3A_1142 : i32 to vector<16xi32>
      %reduce_min3A_1144 = arith.xori %select_n3A_1139, %reduce_min3A_1143 : vector<16xi32>
      %reduce_min3A_1145 = tpu.scan <min>, %reduce_min3A_1144 masked %reduce_min3A_1141 : vector<16xi32>, vector<16xi1> -> vector<16xi32>
      %reduce_min3A_1146 = arith.xori %reduce_min3A_1145, %reduce_min3A_1143 : vector<16xi32>
      %reduce_min3A_1147 = vector.extract %reduce_min3A_1146[15] : i32 from vector<16xi32>
      %min3A_1148 = arith.minsi %reduce_min3A_1099, %reduce_min3A_1115 : i32
      %min3A_1149 = arith.minsi %reduce_min3A_1131, %reduce_min3A_1147 : i32
      %min3A_1150 = arith.minsi %min3A_1148, %min3A_1149 : i32
      %eq3A_1151 = arith.constant 4 : i32
      %eq3A_1152 = vector.broadcast %eq3A_1151 : i32 to vector<16xi32>
      %eq3A_1153 = arith.cmpi eq, %iota3A, %eq3A_1152 : vector<16xi32>
      %broadcast_in_dim3A_1154 = vector.broadcast %min3A_1150 : i32 to vector<16xi32>
      %select_n3A_1155 = arith.select %eq3A_1153, %broadcast_in_dim3A_1154, %select_n3A_1032 : vector<16xi1>, vector<16xi32>
      %add3A_1156 = arith.constant 0 : i32
      %add3A_1157 = vector.broadcast %add3A_1156 : i32 to vector<16xi32>
      %add3A_1158 = arith.addi %iota3A, %add3A_1157 : vector<16xi32>
      %eq3A_1159 = vector.broadcast %min3A_1150 : i32 to vector<16xi32>
      %eq3A_1160 = arith.cmpi eq, %add3A_1158, %eq3A_1159 : vector<16xi32>
      %jit3A_1161 = arith.constant -3.000000e+38 : f32
      %broadcast_in_dim3A_1162 = vector.broadcast %jit3A_1161 : f32 to vector<16xf32>
      %select_n3A_1163 = arith.select %eq3A_1160, %broadcast_in_dim3A_1162, %select_n3A_1040 : vector<16xi1>, vector<16xf32>
      %add3A_1164 = arith.constant 16 : i32
      %add3A_1165 = vector.broadcast %add3A_1164 : i32 to vector<16xi32>
      %add3A_1166 = arith.addi %iota3A, %add3A_1165 : vector<16xi32>
      %eq3A_1167 = vector.broadcast %min3A_1150 : i32 to vector<16xi32>
      %eq3A_1168 = arith.cmpi eq, %add3A_1166, %eq3A_1167 : vector<16xi32>
      %jit3A_1169 = arith.constant -3.000000e+38 : f32
      %broadcast_in_dim3A_1170 = vector.broadcast %jit3A_1169 : f32 to vector<16xf32>
      %select_n3A_1171 = arith.select %eq3A_1168, %broadcast_in_dim3A_1170, %select_n3A_1048 : vector<16xi1>, vector<16xf32>
      %add3A_1172 = arith.constant 32 : i32
      %add3A_1173 = vector.broadcast %add3A_1172 : i32 to vector<16xi32>
      %add3A_1174 = arith.addi %iota3A, %add3A_1173 : vector<16xi32>
      %eq3A_1175 = vector.broadcast %min3A_1150 : i32 to vector<16xi32>
      %eq3A_1176 = arith.cmpi eq, %add3A_1174, %eq3A_1175 : vector<16xi32>
      %jit3A_1177 = arith.constant -3.000000e+38 : f32
      %broadcast_in_dim3A_1178 = vector.broadcast %jit3A_1177 : f32 to vector<16xf32>
      %select_n3A_1179 = arith.select %eq3A_1176, %broadcast_in_dim3A_1178, %select_n3A_1056 : vector<16xi1>, vector<16xf32>
      %add3A_1180 = arith.constant 48 : i32
      %add3A_1181 = vector.broadcast %add3A_1180 : i32 to vector<16xi32>
      %add3A_1182 = arith.addi %iota3A, %add3A_1181 : vector<16xi32>
      %eq3A_1183 = vector.broadcast %min3A_1150 : i32 to vector<16xi32>
      %eq3A_1184 = arith.cmpi eq, %add3A_1182, %eq3A_1183 : vector<16xi32>
      %jit3A_1185 = arith.constant -3.000000e+38 : f32
      %broadcast_in_dim3A_1186 = vector.broadcast %jit3A_1185 : f32 to vector<16xf32>
      %select_n3A_1187 = arith.select %eq3A_1184, %broadcast_in_dim3A_1186, %select_n3A_1064 : vector<16xi1>, vector<16xf32>
      %reduce_max3A_1188 = arith.constant true
      %reduce_max3A_1189 = vector.broadcast %reduce_max3A_1188 : i1 to vector<16xi1>
      %reduce_max3A_1190 = tpu.scan <max>, %select_n3A_1163 masked %reduce_max3A_1189 : vector<16xf32>, vector<16xi1> -> vector<16xf32>
      %reduce_max3A_1191 = vector.extract %reduce_max3A_1190[15] : f32 from vector<16xf32>
      %reduce_max3A_1192 = arith.constant true
      %reduce_max3A_1193 = vector.broadcast %reduce_max3A_1192 : i1 to vector<16xi1>
      %reduce_max3A_1194 = tpu.scan <max>, %select_n3A_1171 masked %reduce_max3A_1193 : vector<16xf32>, vector<16xi1> -> vector<16xf32>
      %reduce_max3A_1195 = vector.extract %reduce_max3A_1194[15] : f32 from vector<16xf32>
      %max3A_1196 = arith.maximumf %reduce_max3A_1191, %reduce_max3A_1195 : f32
      %reduce_max3A_1197 = arith.constant true
      %reduce_max3A_1198 = vector.broadcast %reduce_max3A_1197 : i1 to vector<16xi1>
      %reduce_max3A_1199 = tpu.scan <max>, %select_n3A_1179 masked %reduce_max3A_1198 : vector<16xf32>, vector<16xi1> -> vector<16xf32>
      %reduce_max3A_1200 = vector.extract %reduce_max3A_1199[15] : f32 from vector<16xf32>
      %reduce_max3A_1201 = arith.constant true
      %reduce_max3A_1202 = vector.broadcast %reduce_max3A_1201 : i1 to vector<16xi1>
      %reduce_max3A_1203 = tpu.scan <max>, %select_n3A_1187 masked %reduce_max3A_1202 : vector<16xf32>, vector<16xi1> -> vector<16xf32>
      %reduce_max3A_1204 = vector.extract %reduce_max3A_1203[15] : f32 from vector<16xf32>
      %max3A_1205 = arith.maximumf %reduce_max3A_1200, %reduce_max3A_1204 : f32
      %max3A_1206 = arith.maximumf %max3A_1196, %max3A_1205 : f32
      %eq3A_1207 = vector.broadcast %max3A_1206 : f32 to vector<16xf32>
      %eq3A_1208 = arith.cmpf oeq, %select_n3A_1163, %eq3A_1207 : vector<16xf32>
      %add3A_1209 = arith.constant 0 : i32
      %add3A_1210 = vector.broadcast %add3A_1209 : i32 to vector<16xi32>
      %add3A_1211 = arith.addi %iota3A, %add3A_1210 : vector<16xi32>
      %jit3A_1212 = arith.constant 1048576 : i32
      %broadcast_in_dim3A_1213 = vector.broadcast %jit3A_1212 : i32 to vector<16xi32>
      %select_n3A_1214 = arith.select %eq3A_1208, %add3A_1211, %broadcast_in_dim3A_1213 : vector<16xi1>, vector<16xi32>
      %reduce_min3A_1215 = arith.constant true
      %reduce_min3A_1216 = vector.broadcast %reduce_min3A_1215 : i1 to vector<16xi1>
      %reduce_min3A_1217 = arith.constant -2147483648 : i32
      %reduce_min3A_1218 = vector.broadcast %reduce_min3A_1217 : i32 to vector<16xi32>
      %reduce_min3A_1219 = arith.xori %select_n3A_1214, %reduce_min3A_1218 : vector<16xi32>
      %reduce_min3A_1220 = tpu.scan <min>, %reduce_min3A_1219 masked %reduce_min3A_1216 : vector<16xi32>, vector<16xi1> -> vector<16xi32>
      %reduce_min3A_1221 = arith.xori %reduce_min3A_1220, %reduce_min3A_1218 : vector<16xi32>
      %reduce_min3A_1222 = vector.extract %reduce_min3A_1221[15] : i32 from vector<16xi32>
      %eq3A_1223 = vector.broadcast %max3A_1206 : f32 to vector<16xf32>
      %eq3A_1224 = arith.cmpf oeq, %select_n3A_1171, %eq3A_1223 : vector<16xf32>
      %add3A_1225 = arith.constant 16 : i32
      %add3A_1226 = vector.broadcast %add3A_1225 : i32 to vector<16xi32>
      %add3A_1227 = arith.addi %iota3A, %add3A_1226 : vector<16xi32>
      %jit3A_1228 = arith.constant 1048576 : i32
      %broadcast_in_dim3A_1229 = vector.broadcast %jit3A_1228 : i32 to vector<16xi32>
      %select_n3A_1230 = arith.select %eq3A_1224, %add3A_1227, %broadcast_in_dim3A_1229 : vector<16xi1>, vector<16xi32>
      %reduce_min3A_1231 = arith.constant true
      %reduce_min3A_1232 = vector.broadcast %reduce_min3A_1231 : i1 to vector<16xi1>
      %reduce_min3A_1233 = arith.constant -2147483648 : i32
      %reduce_min3A_1234 = vector.broadcast %reduce_min3A_1233 : i32 to vector<16xi32>
      %reduce_min3A_1235 = arith.xori %select_n3A_1230, %reduce_min3A_1234 : vector<16xi32>
      %reduce_min3A_1236 = tpu.scan <min>, %reduce_min3A_1235 masked %reduce_min3A_1232 : vector<16xi32>, vector<16xi1> -> vector<16xi32>
      %reduce_min3A_1237 = arith.xori %reduce_min3A_1236, %reduce_min3A_1234 : vector<16xi32>
      %reduce_min3A_1238 = vector.extract %reduce_min3A_1237[15] : i32 from vector<16xi32>
      %eq3A_1239 = vector.broadcast %max3A_1206 : f32 to vector<16xf32>
      %eq3A_1240 = arith.cmpf oeq, %select_n3A_1179, %eq3A_1239 : vector<16xf32>
      %add3A_1241 = arith.constant 32 : i32
      %add3A_1242 = vector.broadcast %add3A_1241 : i32 to vector<16xi32>
      %add3A_1243 = arith.addi %iota3A, %add3A_1242 : vector<16xi32>
      %jit3A_1244 = arith.constant 1048576 : i32
      %broadcast_in_dim3A_1245 = vector.broadcast %jit3A_1244 : i32 to vector<16xi32>
      %select_n3A_1246 = arith.select %eq3A_1240, %add3A_1243, %broadcast_in_dim3A_1245 : vector<16xi1>, vector<16xi32>
      %reduce_min3A_1247 = arith.constant true
      %reduce_min3A_1248 = vector.broadcast %reduce_min3A_1247 : i1 to vector<16xi1>
      %reduce_min3A_1249 = arith.constant -2147483648 : i32
      %reduce_min3A_1250 = vector.broadcast %reduce_min3A_1249 : i32 to vector<16xi32>
      %reduce_min3A_1251 = arith.xori %select_n3A_1246, %reduce_min3A_1250 : vector<16xi32>
      %reduce_min3A_1252 = tpu.scan <min>, %reduce_min3A_1251 masked %reduce_min3A_1248 : vector<16xi32>, vector<16xi1> -> vector<16xi32>
      %reduce_min3A_1253 = arith.xori %reduce_min3A_1252, %reduce_min3A_1250 : vector<16xi32>
      %reduce_min3A_1254 = vector.extract %reduce_min3A_1253[15] : i32 from vector<16xi32>
      %eq3A_1255 = vector.broadcast %max3A_1206 : f32 to vector<16xf32>
      %eq3A_1256 = arith.cmpf oeq, %select_n3A_1187, %eq3A_1255 : vector<16xf32>
      %add3A_1257 = arith.constant 48 : i32
      %add3A_1258 = vector.broadcast %add3A_1257 : i32 to vector<16xi32>
      %add3A_1259 = arith.addi %iota3A, %add3A_1258 : vector<16xi32>
      %jit3A_1260 = arith.constant 1048576 : i32
      %broadcast_in_dim3A_1261 = vector.broadcast %jit3A_1260 : i32 to vector<16xi32>
      %select_n3A_1262 = arith.select %eq3A_1256, %add3A_1259, %broadcast_in_dim3A_1261 : vector<16xi1>, vector<16xi32>
      %reduce_min3A_1263 = arith.constant true
      %reduce_min3A_1264 = vector.broadcast %reduce_min3A_1263 : i1 to vector<16xi1>
      %reduce_min3A_1265 = arith.constant -2147483648 : i32
      %reduce_min3A_1266 = vector.broadcast %reduce_min3A_1265 : i32 to vector<16xi32>
      %reduce_min3A_1267 = arith.xori %select_n3A_1262, %reduce_min3A_1266 : vector<16xi32>
      %reduce_min3A_1268 = tpu.scan <min>, %reduce_min3A_1267 masked %reduce_min3A_1264 : vector<16xi32>, vector<16xi1> -> vector<16xi32>
      %reduce_min3A_1269 = arith.xori %reduce_min3A_1268, %reduce_min3A_1266 : vector<16xi32>
      %reduce_min3A_1270 = vector.extract %reduce_min3A_1269[15] : i32 from vector<16xi32>
      %min3A_1271 = arith.minsi %reduce_min3A_1222, %reduce_min3A_1238 : i32
      %min3A_1272 = arith.minsi %reduce_min3A_1254, %reduce_min3A_1270 : i32
      %min3A_1273 = arith.minsi %min3A_1271, %min3A_1272 : i32
      %eq3A_1274 = arith.constant 5 : i32
      %eq3A_1275 = vector.broadcast %eq3A_1274 : i32 to vector<16xi32>
      %eq3A_1276 = arith.cmpi eq, %iota3A, %eq3A_1275 : vector<16xi32>
      %broadcast_in_dim3A_1277 = vector.broadcast %min3A_1273 : i32 to vector<16xi32>
      %select_n3A_1278 = arith.select %eq3A_1276, %broadcast_in_dim3A_1277, %select_n3A_1155 : vector<16xi1>, vector<16xi32>
      %add3A_1279 = arith.constant 0 : i32
      %add3A_1280 = vector.broadcast %add3A_1279 : i32 to vector<16xi32>
      %add3A_1281 = arith.addi %iota3A, %add3A_1280 : vector<16xi32>
      %eq3A_1282 = vector.broadcast %min3A_1273 : i32 to vector<16xi32>
      %eq3A_1283 = arith.cmpi eq, %add3A_1281, %eq3A_1282 : vector<16xi32>
      %jit3A_1284 = arith.constant -3.000000e+38 : f32
      %broadcast_in_dim3A_1285 = vector.broadcast %jit3A_1284 : f32 to vector<16xf32>
      %select_n3A_1286 = arith.select %eq3A_1283, %broadcast_in_dim3A_1285, %select_n3A_1163 : vector<16xi1>, vector<16xf32>
      %add3A_1287 = arith.constant 16 : i32
      %add3A_1288 = vector.broadcast %add3A_1287 : i32 to vector<16xi32>
      %add3A_1289 = arith.addi %iota3A, %add3A_1288 : vector<16xi32>
      %eq3A_1290 = vector.broadcast %min3A_1273 : i32 to vector<16xi32>
      %eq3A_1291 = arith.cmpi eq, %add3A_1289, %eq3A_1290 : vector<16xi32>
      %jit3A_1292 = arith.constant -3.000000e+38 : f32
      %broadcast_in_dim3A_1293 = vector.broadcast %jit3A_1292 : f32 to vector<16xf32>
      %select_n3A_1294 = arith.select %eq3A_1291, %broadcast_in_dim3A_1293, %select_n3A_1171 : vector<16xi1>, vector<16xf32>
      %add3A_1295 = arith.constant 32 : i32
      %add3A_1296 = vector.broadcast %add3A_1295 : i32 to vector<16xi32>
      %add3A_1297 = arith.addi %iota3A, %add3A_1296 : vector<16xi32>
      %eq3A_1298 = vector.broadcast %min3A_1273 : i32 to vector<16xi32>
      %eq3A_1299 = arith.cmpi eq, %add3A_1297, %eq3A_1298 : vector<16xi32>
      %jit3A_1300 = arith.constant -3.000000e+38 : f32
      %broadcast_in_dim3A_1301 = vector.broadcast %jit3A_1300 : f32 to vector<16xf32>
      %select_n3A_1302 = arith.select %eq3A_1299, %broadcast_in_dim3A_1301, %select_n3A_1179 : vector<16xi1>, vector<16xf32>
      %add3A_1303 = arith.constant 48 : i32
      %add3A_1304 = vector.broadcast %add3A_1303 : i32 to vector<16xi32>
      %add3A_1305 = arith.addi %iota3A, %add3A_1304 : vector<16xi32>
      %eq3A_1306 = vector.broadcast %min3A_1273 : i32 to vector<16xi32>
      %eq3A_1307 = arith.cmpi eq, %add3A_1305, %eq3A_1306 : vector<16xi32>
      %jit3A_1308 = arith.constant -3.000000e+38 : f32
      %broadcast_in_dim3A_1309 = vector.broadcast %jit3A_1308 : f32 to vector<16xf32>
      %select_n3A_1310 = arith.select %eq3A_1307, %broadcast_in_dim3A_1309, %select_n3A_1187 : vector<16xi1>, vector<16xf32>
      %reduce_max3A_1311 = arith.constant true
      %reduce_max3A_1312 = vector.broadcast %reduce_max3A_1311 : i1 to vector<16xi1>
      %reduce_max3A_1313 = tpu.scan <max>, %select_n3A_1286 masked %reduce_max3A_1312 : vector<16xf32>, vector<16xi1> -> vector<16xf32>
      %reduce_max3A_1314 = vector.extract %reduce_max3A_1313[15] : f32 from vector<16xf32>
      %reduce_max3A_1315 = arith.constant true
      %reduce_max3A_1316 = vector.broadcast %reduce_max3A_1315 : i1 to vector<16xi1>
      %reduce_max3A_1317 = tpu.scan <max>, %select_n3A_1294 masked %reduce_max3A_1316 : vector<16xf32>, vector<16xi1> -> vector<16xf32>
      %reduce_max3A_1318 = vector.extract %reduce_max3A_1317[15] : f32 from vector<16xf32>
      %max3A_1319 = arith.maximumf %reduce_max3A_1314, %reduce_max3A_1318 : f32
      %reduce_max3A_1320 = arith.constant true
      %reduce_max3A_1321 = vector.broadcast %reduce_max3A_1320 : i1 to vector<16xi1>
      %reduce_max3A_1322 = tpu.scan <max>, %select_n3A_1302 masked %reduce_max3A_1321 : vector<16xf32>, vector<16xi1> -> vector<16xf32>
      %reduce_max3A_1323 = vector.extract %reduce_max3A_1322[15] : f32 from vector<16xf32>
      %reduce_max3A_1324 = arith.constant true
      %reduce_max3A_1325 = vector.broadcast %reduce_max3A_1324 : i1 to vector<16xi1>
      %reduce_max3A_1326 = tpu.scan <max>, %select_n3A_1310 masked %reduce_max3A_1325 : vector<16xf32>, vector<16xi1> -> vector<16xf32>
      %reduce_max3A_1327 = vector.extract %reduce_max3A_1326[15] : f32 from vector<16xf32>
      %max3A_1328 = arith.maximumf %reduce_max3A_1323, %reduce_max3A_1327 : f32
      %max3A_1329 = arith.maximumf %max3A_1319, %max3A_1328 : f32
      %eq3A_1330 = vector.broadcast %max3A_1329 : f32 to vector<16xf32>
      %eq3A_1331 = arith.cmpf oeq, %select_n3A_1286, %eq3A_1330 : vector<16xf32>
      %add3A_1332 = arith.constant 0 : i32
      %add3A_1333 = vector.broadcast %add3A_1332 : i32 to vector<16xi32>
      %add3A_1334 = arith.addi %iota3A, %add3A_1333 : vector<16xi32>
      %jit3A_1335 = arith.constant 1048576 : i32
      %broadcast_in_dim3A_1336 = vector.broadcast %jit3A_1335 : i32 to vector<16xi32>
      %select_n3A_1337 = arith.select %eq3A_1331, %add3A_1334, %broadcast_in_dim3A_1336 : vector<16xi1>, vector<16xi32>
      %reduce_min3A_1338 = arith.constant true
      %reduce_min3A_1339 = vector.broadcast %reduce_min3A_1338 : i1 to vector<16xi1>
      %reduce_min3A_1340 = arith.constant -2147483648 : i32
      %reduce_min3A_1341 = vector.broadcast %reduce_min3A_1340 : i32 to vector<16xi32>
      %reduce_min3A_1342 = arith.xori %select_n3A_1337, %reduce_min3A_1341 : vector<16xi32>
      %reduce_min3A_1343 = tpu.scan <min>, %reduce_min3A_1342 masked %reduce_min3A_1339 : vector<16xi32>, vector<16xi1> -> vector<16xi32>
      %reduce_min3A_1344 = arith.xori %reduce_min3A_1343, %reduce_min3A_1341 : vector<16xi32>
      %reduce_min3A_1345 = vector.extract %reduce_min3A_1344[15] : i32 from vector<16xi32>
      %eq3A_1346 = vector.broadcast %max3A_1329 : f32 to vector<16xf32>
      %eq3A_1347 = arith.cmpf oeq, %select_n3A_1294, %eq3A_1346 : vector<16xf32>
      %add3A_1348 = arith.constant 16 : i32
      %add3A_1349 = vector.broadcast %add3A_1348 : i32 to vector<16xi32>
      %add3A_1350 = arith.addi %iota3A, %add3A_1349 : vector<16xi32>
      %jit3A_1351 = arith.constant 1048576 : i32
      %broadcast_in_dim3A_1352 = vector.broadcast %jit3A_1351 : i32 to vector<16xi32>
      %select_n3A_1353 = arith.select %eq3A_1347, %add3A_1350, %broadcast_in_dim3A_1352 : vector<16xi1>, vector<16xi32>
      %reduce_min3A_1354 = arith.constant true
      %reduce_min3A_1355 = vector.broadcast %reduce_min3A_1354 : i1 to vector<16xi1>
      %reduce_min3A_1356 = arith.constant -2147483648 : i32
      %reduce_min3A_1357 = vector.broadcast %reduce_min3A_1356 : i32 to vector<16xi32>
      %reduce_min3A_1358 = arith.xori %select_n3A_1353, %reduce_min3A_1357 : vector<16xi32>
      %reduce_min3A_1359 = tpu.scan <min>, %reduce_min3A_1358 masked %reduce_min3A_1355 : vector<16xi32>, vector<16xi1> -> vector<16xi32>
      %reduce_min3A_1360 = arith.xori %reduce_min3A_1359, %reduce_min3A_1357 : vector<16xi32>
      %reduce_min3A_1361 = vector.extract %reduce_min3A_1360[15] : i32 from vector<16xi32>
      %eq3A_1362 = vector.broadcast %max3A_1329 : f32 to vector<16xf32>
      %eq3A_1363 = arith.cmpf oeq, %select_n3A_1302, %eq3A_1362 : vector<16xf32>
      %add3A_1364 = arith.constant 32 : i32
      %add3A_1365 = vector.broadcast %add3A_1364 : i32 to vector<16xi32>
      %add3A_1366 = arith.addi %iota3A, %add3A_1365 : vector<16xi32>
      %jit3A_1367 = arith.constant 1048576 : i32
      %broadcast_in_dim3A_1368 = vector.broadcast %jit3A_1367 : i32 to vector<16xi32>
      %select_n3A_1369 = arith.select %eq3A_1363, %add3A_1366, %broadcast_in_dim3A_1368 : vector<16xi1>, vector<16xi32>
      %reduce_min3A_1370 = arith.constant true
      %reduce_min3A_1371 = vector.broadcast %reduce_min3A_1370 : i1 to vector<16xi1>
      %reduce_min3A_1372 = arith.constant -2147483648 : i32
      %reduce_min3A_1373 = vector.broadcast %reduce_min3A_1372 : i32 to vector<16xi32>
      %reduce_min3A_1374 = arith.xori %select_n3A_1369, %reduce_min3A_1373 : vector<16xi32>
      %reduce_min3A_1375 = tpu.scan <min>, %reduce_min3A_1374 masked %reduce_min3A_1371 : vector<16xi32>, vector<16xi1> -> vector<16xi32>
      %reduce_min3A_1376 = arith.xori %reduce_min3A_1375, %reduce_min3A_1373 : vector<16xi32>
      %reduce_min3A_1377 = vector.extract %reduce_min3A_1376[15] : i32 from vector<16xi32>
      %eq3A_1378 = vector.broadcast %max3A_1329 : f32 to vector<16xf32>
      %eq3A_1379 = arith.cmpf oeq, %select_n3A_1310, %eq3A_1378 : vector<16xf32>
      %add3A_1380 = arith.constant 48 : i32
      %add3A_1381 = vector.broadcast %add3A_1380 : i32 to vector<16xi32>
      %add3A_1382 = arith.addi %iota3A, %add3A_1381 : vector<16xi32>
      %jit3A_1383 = arith.constant 1048576 : i32
      %broadcast_in_dim3A_1384 = vector.broadcast %jit3A_1383 : i32 to vector<16xi32>
      %select_n3A_1385 = arith.select %eq3A_1379, %add3A_1382, %broadcast_in_dim3A_1384 : vector<16xi1>, vector<16xi32>
      %reduce_min3A_1386 = arith.constant true
      %reduce_min3A_1387 = vector.broadcast %reduce_min3A_1386 : i1 to vector<16xi1>
      %reduce_min3A_1388 = arith.constant -2147483648 : i32
      %reduce_min3A_1389 = vector.broadcast %reduce_min3A_1388 : i32 to vector<16xi32>
      %reduce_min3A_1390 = arith.xori %select_n3A_1385, %reduce_min3A_1389 : vector<16xi32>
      %reduce_min3A_1391 = tpu.scan <min>, %reduce_min3A_1390 masked %reduce_min3A_1387 : vector<16xi32>, vector<16xi1> -> vector<16xi32>
      %reduce_min3A_1392 = arith.xori %reduce_min3A_1391, %reduce_min3A_1389 : vector<16xi32>
      %reduce_min3A_1393 = vector.extract %reduce_min3A_1392[15] : i32 from vector<16xi32>
      %min3A_1394 = arith.minsi %reduce_min3A_1345, %reduce_min3A_1361 : i32
      %min3A_1395 = arith.minsi %reduce_min3A_1377, %reduce_min3A_1393 : i32
      %min3A_1396 = arith.minsi %min3A_1394, %min3A_1395 : i32
      %eq3A_1397 = arith.constant 6 : i32
      %eq3A_1398 = vector.broadcast %eq3A_1397 : i32 to vector<16xi32>
      %eq3A_1399 = arith.cmpi eq, %iota3A, %eq3A_1398 : vector<16xi32>
      %broadcast_in_dim3A_1400 = vector.broadcast %min3A_1396 : i32 to vector<16xi32>
      %select_n3A_1401 = arith.select %eq3A_1399, %broadcast_in_dim3A_1400, %select_n3A_1278 : vector<16xi1>, vector<16xi32>
      %add3A_1402 = arith.constant 0 : i32
      %add3A_1403 = vector.broadcast %add3A_1402 : i32 to vector<16xi32>
      %add3A_1404 = arith.addi %iota3A, %add3A_1403 : vector<16xi32>
      %eq3A_1405 = vector.broadcast %min3A_1396 : i32 to vector<16xi32>
      %eq3A_1406 = arith.cmpi eq, %add3A_1404, %eq3A_1405 : vector<16xi32>
      %jit3A_1407 = arith.constant -3.000000e+38 : f32
      %broadcast_in_dim3A_1408 = vector.broadcast %jit3A_1407 : f32 to vector<16xf32>
      %select_n3A_1409 = arith.select %eq3A_1406, %broadcast_in_dim3A_1408, %select_n3A_1286 : vector<16xi1>, vector<16xf32>
      %add3A_1410 = arith.constant 16 : i32
      %add3A_1411 = vector.broadcast %add3A_1410 : i32 to vector<16xi32>
      %add3A_1412 = arith.addi %iota3A, %add3A_1411 : vector<16xi32>
      %eq3A_1413 = vector.broadcast %min3A_1396 : i32 to vector<16xi32>
      %eq3A_1414 = arith.cmpi eq, %add3A_1412, %eq3A_1413 : vector<16xi32>
      %jit3A_1415 = arith.constant -3.000000e+38 : f32
      %broadcast_in_dim3A_1416 = vector.broadcast %jit3A_1415 : f32 to vector<16xf32>
      %select_n3A_1417 = arith.select %eq3A_1414, %broadcast_in_dim3A_1416, %select_n3A_1294 : vector<16xi1>, vector<16xf32>
      %add3A_1418 = arith.constant 32 : i32
      %add3A_1419 = vector.broadcast %add3A_1418 : i32 to vector<16xi32>
      %add3A_1420 = arith.addi %iota3A, %add3A_1419 : vector<16xi32>
      %eq3A_1421 = vector.broadcast %min3A_1396 : i32 to vector<16xi32>
      %eq3A_1422 = arith.cmpi eq, %add3A_1420, %eq3A_1421 : vector<16xi32>
      %jit3A_1423 = arith.constant -3.000000e+38 : f32
      %broadcast_in_dim3A_1424 = vector.broadcast %jit3A_1423 : f32 to vector<16xf32>
      %select_n3A_1425 = arith.select %eq3A_1422, %broadcast_in_dim3A_1424, %select_n3A_1302 : vector<16xi1>, vector<16xf32>
      %add3A_1426 = arith.constant 48 : i32
      %add3A_1427 = vector.broadcast %add3A_1426 : i32 to vector<16xi32>
      %add3A_1428 = arith.addi %iota3A, %add3A_1427 : vector<16xi32>
      %eq3A_1429 = vector.broadcast %min3A_1396 : i32 to vector<16xi32>
      %eq3A_1430 = arith.cmpi eq, %add3A_1428, %eq3A_1429 : vector<16xi32>
      %jit3A_1431 = arith.constant -3.000000e+38 : f32
      %broadcast_in_dim3A_1432 = vector.broadcast %jit3A_1431 : f32 to vector<16xf32>
      %select_n3A_1433 = arith.select %eq3A_1430, %broadcast_in_dim3A_1432, %select_n3A_1310 : vector<16xi1>, vector<16xf32>
      %reduce_max3A_1434 = arith.constant true
      %reduce_max3A_1435 = vector.broadcast %reduce_max3A_1434 : i1 to vector<16xi1>
      %reduce_max3A_1436 = tpu.scan <max>, %select_n3A_1409 masked %reduce_max3A_1435 : vector<16xf32>, vector<16xi1> -> vector<16xf32>
      %reduce_max3A_1437 = vector.extract %reduce_max3A_1436[15] : f32 from vector<16xf32>
      %reduce_max3A_1438 = arith.constant true
      %reduce_max3A_1439 = vector.broadcast %reduce_max3A_1438 : i1 to vector<16xi1>
      %reduce_max3A_1440 = tpu.scan <max>, %select_n3A_1417 masked %reduce_max3A_1439 : vector<16xf32>, vector<16xi1> -> vector<16xf32>
      %reduce_max3A_1441 = vector.extract %reduce_max3A_1440[15] : f32 from vector<16xf32>
      %max3A_1442 = arith.maximumf %reduce_max3A_1437, %reduce_max3A_1441 : f32
      %reduce_max3A_1443 = arith.constant true
      %reduce_max3A_1444 = vector.broadcast %reduce_max3A_1443 : i1 to vector<16xi1>
      %reduce_max3A_1445 = tpu.scan <max>, %select_n3A_1425 masked %reduce_max3A_1444 : vector<16xf32>, vector<16xi1> -> vector<16xf32>
      %reduce_max3A_1446 = vector.extract %reduce_max3A_1445[15] : f32 from vector<16xf32>
      %reduce_max3A_1447 = arith.constant true
      %reduce_max3A_1448 = vector.broadcast %reduce_max3A_1447 : i1 to vector<16xi1>
      %reduce_max3A_1449 = tpu.scan <max>, %select_n3A_1433 masked %reduce_max3A_1448 : vector<16xf32>, vector<16xi1> -> vector<16xf32>
      %reduce_max3A_1450 = vector.extract %reduce_max3A_1449[15] : f32 from vector<16xf32>
      %max3A_1451 = arith.maximumf %reduce_max3A_1446, %reduce_max3A_1450 : f32
      %max3A_1452 = arith.maximumf %max3A_1442, %max3A_1451 : f32
      %eq3A_1453 = vector.broadcast %max3A_1452 : f32 to vector<16xf32>
      %eq3A_1454 = arith.cmpf oeq, %select_n3A_1409, %eq3A_1453 : vector<16xf32>
      %add3A_1455 = arith.constant 0 : i32
      %add3A_1456 = vector.broadcast %add3A_1455 : i32 to vector<16xi32>
      %add3A_1457 = arith.addi %iota3A, %add3A_1456 : vector<16xi32>
      %jit3A_1458 = arith.constant 1048576 : i32
      %broadcast_in_dim3A_1459 = vector.broadcast %jit3A_1458 : i32 to vector<16xi32>
      %select_n3A_1460 = arith.select %eq3A_1454, %add3A_1457, %broadcast_in_dim3A_1459 : vector<16xi1>, vector<16xi32>
      %reduce_min3A_1461 = arith.constant true
      %reduce_min3A_1462 = vector.broadcast %reduce_min3A_1461 : i1 to vector<16xi1>
      %reduce_min3A_1463 = arith.constant -2147483648 : i32
      %reduce_min3A_1464 = vector.broadcast %reduce_min3A_1463 : i32 to vector<16xi32>
      %reduce_min3A_1465 = arith.xori %select_n3A_1460, %reduce_min3A_1464 : vector<16xi32>
      %reduce_min3A_1466 = tpu.scan <min>, %reduce_min3A_1465 masked %reduce_min3A_1462 : vector<16xi32>, vector<16xi1> -> vector<16xi32>
      %reduce_min3A_1467 = arith.xori %reduce_min3A_1466, %reduce_min3A_1464 : vector<16xi32>
      %reduce_min3A_1468 = vector.extract %reduce_min3A_1467[15] : i32 from vector<16xi32>
      %eq3A_1469 = vector.broadcast %max3A_1452 : f32 to vector<16xf32>
      %eq3A_1470 = arith.cmpf oeq, %select_n3A_1417, %eq3A_1469 : vector<16xf32>
      %add3A_1471 = arith.constant 16 : i32
      %add3A_1472 = vector.broadcast %add3A_1471 : i32 to vector<16xi32>
      %add3A_1473 = arith.addi %iota3A, %add3A_1472 : vector<16xi32>
      %jit3A_1474 = arith.constant 1048576 : i32
      %broadcast_in_dim3A_1475 = vector.broadcast %jit3A_1474 : i32 to vector<16xi32>
      %select_n3A_1476 = arith.select %eq3A_1470, %add3A_1473, %broadcast_in_dim3A_1475 : vector<16xi1>, vector<16xi32>
      %reduce_min3A_1477 = arith.constant true
      %reduce_min3A_1478 = vector.broadcast %reduce_min3A_1477 : i1 to vector<16xi1>
      %reduce_min3A_1479 = arith.constant -2147483648 : i32
      %reduce_min3A_1480 = vector.broadcast %reduce_min3A_1479 : i32 to vector<16xi32>
      %reduce_min3A_1481 = arith.xori %select_n3A_1476, %reduce_min3A_1480 : vector<16xi32>
      %reduce_min3A_1482 = tpu.scan <min>, %reduce_min3A_1481 masked %reduce_min3A_1478 : vector<16xi32>, vector<16xi1> -> vector<16xi32>
      %reduce_min3A_1483 = arith.xori %reduce_min3A_1482, %reduce_min3A_1480 : vector<16xi32>
      %reduce_min3A_1484 = vector.extract %reduce_min3A_1483[15] : i32 from vector<16xi32>
      %eq3A_1485 = vector.broadcast %max3A_1452 : f32 to vector<16xf32>
      %eq3A_1486 = arith.cmpf oeq, %select_n3A_1425, %eq3A_1485 : vector<16xf32>
      %add3A_1487 = arith.constant 32 : i32
      %add3A_1488 = vector.broadcast %add3A_1487 : i32 to vector<16xi32>
      %add3A_1489 = arith.addi %iota3A, %add3A_1488 : vector<16xi32>
      %jit3A_1490 = arith.constant 1048576 : i32
      %broadcast_in_dim3A_1491 = vector.broadcast %jit3A_1490 : i32 to vector<16xi32>
      %select_n3A_1492 = arith.select %eq3A_1486, %add3A_1489, %broadcast_in_dim3A_1491 : vector<16xi1>, vector<16xi32>
      %reduce_min3A_1493 = arith.constant true
      %reduce_min3A_1494 = vector.broadcast %reduce_min3A_1493 : i1 to vector<16xi1>
      %reduce_min3A_1495 = arith.constant -2147483648 : i32
      %reduce_min3A_1496 = vector.broadcast %reduce_min3A_1495 : i32 to vector<16xi32>
      %reduce_min3A_1497 = arith.xori %select_n3A_1492, %reduce_min3A_1496 : vector<16xi32>
      %reduce_min3A_1498 = tpu.scan <min>, %reduce_min3A_1497 masked %reduce_min3A_1494 : vector<16xi32>, vector<16xi1> -> vector<16xi32>
      %reduce_min3A_1499 = arith.xori %reduce_min3A_1498, %reduce_min3A_1496 : vector<16xi32>
      %reduce_min3A_1500 = vector.extract %reduce_min3A_1499[15] : i32 from vector<16xi32>
      %eq3A_1501 = vector.broadcast %max3A_1452 : f32 to vector<16xf32>
      %eq3A_1502 = arith.cmpf oeq, %select_n3A_1433, %eq3A_1501 : vector<16xf32>
      %add3A_1503 = arith.constant 48 : i32
      %add3A_1504 = vector.broadcast %add3A_1503 : i32 to vector<16xi32>
      %add3A_1505 = arith.addi %iota3A, %add3A_1504 : vector<16xi32>
      %jit3A_1506 = arith.constant 1048576 : i32
      %broadcast_in_dim3A_1507 = vector.broadcast %jit3A_1506 : i32 to vector<16xi32>
      %select_n3A_1508 = arith.select %eq3A_1502, %add3A_1505, %broadcast_in_dim3A_1507 : vector<16xi1>, vector<16xi32>
      %reduce_min3A_1509 = arith.constant true
      %reduce_min3A_1510 = vector.broadcast %reduce_min3A_1509 : i1 to vector<16xi1>
      %reduce_min3A_1511 = arith.constant -2147483648 : i32
      %reduce_min3A_1512 = vector.broadcast %reduce_min3A_1511 : i32 to vector<16xi32>
      %reduce_min3A_1513 = arith.xori %select_n3A_1508, %reduce_min3A_1512 : vector<16xi32>
      %reduce_min3A_1514 = tpu.scan <min>, %reduce_min3A_1513 masked %reduce_min3A_1510 : vector<16xi32>, vector<16xi1> -> vector<16xi32>
      %reduce_min3A_1515 = arith.xori %reduce_min3A_1514, %reduce_min3A_1512 : vector<16xi32>
      %reduce_min3A_1516 = vector.extract %reduce_min3A_1515[15] : i32 from vector<16xi32>
      %min3A_1517 = arith.minsi %reduce_min3A_1468, %reduce_min3A_1484 : i32
      %min3A_1518 = arith.minsi %reduce_min3A_1500, %reduce_min3A_1516 : i32
      %min3A_1519 = arith.minsi %min3A_1517, %min3A_1518 : i32
      %eq3A_1520 = arith.constant 7 : i32
      %eq3A_1521 = vector.broadcast %eq3A_1520 : i32 to vector<16xi32>
      %eq3A_1522 = arith.cmpi eq, %iota3A, %eq3A_1521 : vector<16xi32>
      %broadcast_in_dim3A_1523 = vector.broadcast %min3A_1519 : i32 to vector<16xi32>
      %select_n3A_1524 = arith.select %eq3A_1522, %broadcast_in_dim3A_1523, %select_n3A_1401 : vector<16xi1>, vector<16xi32>
      %add3A_1525 = arith.constant 0 : i32
      %add3A_1526 = vector.broadcast %add3A_1525 : i32 to vector<16xi32>
      %add3A_1527 = arith.addi %iota3A, %add3A_1526 : vector<16xi32>
      %eq3A_1528 = vector.broadcast %min3A_1519 : i32 to vector<16xi32>
      %eq3A_1529 = arith.cmpi eq, %add3A_1527, %eq3A_1528 : vector<16xi32>
      %jit3A_1530 = arith.constant -3.000000e+38 : f32
      %broadcast_in_dim3A_1531 = vector.broadcast %jit3A_1530 : f32 to vector<16xf32>
      %select_n3A_1532 = arith.select %eq3A_1529, %broadcast_in_dim3A_1531, %select_n3A_1409 : vector<16xi1>, vector<16xf32>
      %add3A_1533 = arith.constant 16 : i32
      %add3A_1534 = vector.broadcast %add3A_1533 : i32 to vector<16xi32>
      %add3A_1535 = arith.addi %iota3A, %add3A_1534 : vector<16xi32>
      %eq3A_1536 = vector.broadcast %min3A_1519 : i32 to vector<16xi32>
      %eq3A_1537 = arith.cmpi eq, %add3A_1535, %eq3A_1536 : vector<16xi32>
      %jit3A_1538 = arith.constant -3.000000e+38 : f32
      %broadcast_in_dim3A_1539 = vector.broadcast %jit3A_1538 : f32 to vector<16xf32>
      %select_n3A_1540 = arith.select %eq3A_1537, %broadcast_in_dim3A_1539, %select_n3A_1417 : vector<16xi1>, vector<16xf32>
      %add3A_1541 = arith.constant 32 : i32
      %add3A_1542 = vector.broadcast %add3A_1541 : i32 to vector<16xi32>
      %add3A_1543 = arith.addi %iota3A, %add3A_1542 : vector<16xi32>
      %eq3A_1544 = vector.broadcast %min3A_1519 : i32 to vector<16xi32>
      %eq3A_1545 = arith.cmpi eq, %add3A_1543, %eq3A_1544 : vector<16xi32>
      %jit3A_1546 = arith.constant -3.000000e+38 : f32
      %broadcast_in_dim3A_1547 = vector.broadcast %jit3A_1546 : f32 to vector<16xf32>
      %select_n3A_1548 = arith.select %eq3A_1545, %broadcast_in_dim3A_1547, %select_n3A_1425 : vector<16xi1>, vector<16xf32>
      %add3A_1549 = arith.constant 48 : i32
      %add3A_1550 = vector.broadcast %add3A_1549 : i32 to vector<16xi32>
      %add3A_1551 = arith.addi %iota3A, %add3A_1550 : vector<16xi32>
      %eq3A_1552 = vector.broadcast %min3A_1519 : i32 to vector<16xi32>
      %eq3A_1553 = arith.cmpi eq, %add3A_1551, %eq3A_1552 : vector<16xi32>
      %jit3A_1554 = arith.constant -3.000000e+38 : f32
      %broadcast_in_dim3A_1555 = vector.broadcast %jit3A_1554 : f32 to vector<16xf32>
      %select_n3A_1556 = arith.select %eq3A_1553, %broadcast_in_dim3A_1555, %select_n3A_1433 : vector<16xi1>, vector<16xf32>
      %reduce_max3A_1557 = arith.constant true
      %reduce_max3A_1558 = vector.broadcast %reduce_max3A_1557 : i1 to vector<16xi1>
      %reduce_max3A_1559 = tpu.scan <max>, %select_n3A_1532 masked %reduce_max3A_1558 : vector<16xf32>, vector<16xi1> -> vector<16xf32>
      %reduce_max3A_1560 = vector.extract %reduce_max3A_1559[15] : f32 from vector<16xf32>
      %reduce_max3A_1561 = arith.constant true
      %reduce_max3A_1562 = vector.broadcast %reduce_max3A_1561 : i1 to vector<16xi1>
      %reduce_max3A_1563 = tpu.scan <max>, %select_n3A_1540 masked %reduce_max3A_1562 : vector<16xf32>, vector<16xi1> -> vector<16xf32>
      %reduce_max3A_1564 = vector.extract %reduce_max3A_1563[15] : f32 from vector<16xf32>
      %max3A_1565 = arith.maximumf %reduce_max3A_1560, %reduce_max3A_1564 : f32
      %reduce_max3A_1566 = arith.constant true
      %reduce_max3A_1567 = vector.broadcast %reduce_max3A_1566 : i1 to vector<16xi1>
      %reduce_max3A_1568 = tpu.scan <max>, %select_n3A_1548 masked %reduce_max3A_1567 : vector<16xf32>, vector<16xi1> -> vector<16xf32>
      %reduce_max3A_1569 = vector.extract %reduce_max3A_1568[15] : f32 from vector<16xf32>
      %reduce_max3A_1570 = arith.constant true
      %reduce_max3A_1571 = vector.broadcast %reduce_max3A_1570 : i1 to vector<16xi1>
      %reduce_max3A_1572 = tpu.scan <max>, %select_n3A_1556 masked %reduce_max3A_1571 : vector<16xf32>, vector<16xi1> -> vector<16xf32>
      %reduce_max3A_1573 = vector.extract %reduce_max3A_1572[15] : f32 from vector<16xf32>
      %max3A_1574 = arith.maximumf %reduce_max3A_1569, %reduce_max3A_1573 : f32
      %max3A_1575 = arith.maximumf %max3A_1565, %max3A_1574 : f32
      %eq3A_1576 = vector.broadcast %max3A_1575 : f32 to vector<16xf32>
      %eq3A_1577 = arith.cmpf oeq, %select_n3A_1532, %eq3A_1576 : vector<16xf32>
      %add3A_1578 = arith.constant 0 : i32
      %add3A_1579 = vector.broadcast %add3A_1578 : i32 to vector<16xi32>
      %add3A_1580 = arith.addi %iota3A, %add3A_1579 : vector<16xi32>
      %jit3A_1581 = arith.constant 1048576 : i32
      %broadcast_in_dim3A_1582 = vector.broadcast %jit3A_1581 : i32 to vector<16xi32>
      %select_n3A_1583 = arith.select %eq3A_1577, %add3A_1580, %broadcast_in_dim3A_1582 : vector<16xi1>, vector<16xi32>
      %reduce_min3A_1584 = arith.constant true
      %reduce_min3A_1585 = vector.broadcast %reduce_min3A_1584 : i1 to vector<16xi1>
      %reduce_min3A_1586 = arith.constant -2147483648 : i32
      %reduce_min3A_1587 = vector.broadcast %reduce_min3A_1586 : i32 to vector<16xi32>
      %reduce_min3A_1588 = arith.xori %select_n3A_1583, %reduce_min3A_1587 : vector<16xi32>
      %reduce_min3A_1589 = tpu.scan <min>, %reduce_min3A_1588 masked %reduce_min3A_1585 : vector<16xi32>, vector<16xi1> -> vector<16xi32>
      %reduce_min3A_1590 = arith.xori %reduce_min3A_1589, %reduce_min3A_1587 : vector<16xi32>
      %reduce_min3A_1591 = vector.extract %reduce_min3A_1590[15] : i32 from vector<16xi32>
      %eq3A_1592 = vector.broadcast %max3A_1575 : f32 to vector<16xf32>
      %eq3A_1593 = arith.cmpf oeq, %select_n3A_1540, %eq3A_1592 : vector<16xf32>
      %add3A_1594 = arith.constant 16 : i32
      %add3A_1595 = vector.broadcast %add3A_1594 : i32 to vector<16xi32>
      %add3A_1596 = arith.addi %iota3A, %add3A_1595 : vector<16xi32>
      %jit3A_1597 = arith.constant 1048576 : i32
      %broadcast_in_dim3A_1598 = vector.broadcast %jit3A_1597 : i32 to vector<16xi32>
      %select_n3A_1599 = arith.select %eq3A_1593, %add3A_1596, %broadcast_in_dim3A_1598 : vector<16xi1>, vector<16xi32>
      %reduce_min3A_1600 = arith.constant true
      %reduce_min3A_1601 = vector.broadcast %reduce_min3A_1600 : i1 to vector<16xi1>
      %reduce_min3A_1602 = arith.constant -2147483648 : i32
      %reduce_min3A_1603 = vector.broadcast %reduce_min3A_1602 : i32 to vector<16xi32>
      %reduce_min3A_1604 = arith.xori %select_n3A_1599, %reduce_min3A_1603 : vector<16xi32>
      %reduce_min3A_1605 = tpu.scan <min>, %reduce_min3A_1604 masked %reduce_min3A_1601 : vector<16xi32>, vector<16xi1> -> vector<16xi32>
      %reduce_min3A_1606 = arith.xori %reduce_min3A_1605, %reduce_min3A_1603 : vector<16xi32>
      %reduce_min3A_1607 = vector.extract %reduce_min3A_1606[15] : i32 from vector<16xi32>
      %eq3A_1608 = vector.broadcast %max3A_1575 : f32 to vector<16xf32>
      %eq3A_1609 = arith.cmpf oeq, %select_n3A_1548, %eq3A_1608 : vector<16xf32>
      %add3A_1610 = arith.constant 32 : i32
      %add3A_1611 = vector.broadcast %add3A_1610 : i32 to vector<16xi32>
      %add3A_1612 = arith.addi %iota3A, %add3A_1611 : vector<16xi32>
      %jit3A_1613 = arith.constant 1048576 : i32
      %broadcast_in_dim3A_1614 = vector.broadcast %jit3A_1613 : i32 to vector<16xi32>
      %select_n3A_1615 = arith.select %eq3A_1609, %add3A_1612, %broadcast_in_dim3A_1614 : vector<16xi1>, vector<16xi32>
      %reduce_min3A_1616 = arith.constant true
      %reduce_min3A_1617 = vector.broadcast %reduce_min3A_1616 : i1 to vector<16xi1>
      %reduce_min3A_1618 = arith.constant -2147483648 : i32
      %reduce_min3A_1619 = vector.broadcast %reduce_min3A_1618 : i32 to vector<16xi32>
      %reduce_min3A_1620 = arith.xori %select_n3A_1615, %reduce_min3A_1619 : vector<16xi32>
      %reduce_min3A_1621 = tpu.scan <min>, %reduce_min3A_1620 masked %reduce_min3A_1617 : vector<16xi32>, vector<16xi1> -> vector<16xi32>
      %reduce_min3A_1622 = arith.xori %reduce_min3A_1621, %reduce_min3A_1619 : vector<16xi32>
      %reduce_min3A_1623 = vector.extract %reduce_min3A_1622[15] : i32 from vector<16xi32>
      %eq3A_1624 = vector.broadcast %max3A_1575 : f32 to vector<16xf32>
      %eq3A_1625 = arith.cmpf oeq, %select_n3A_1556, %eq3A_1624 : vector<16xf32>
      %add3A_1626 = arith.constant 48 : i32
      %add3A_1627 = vector.broadcast %add3A_1626 : i32 to vector<16xi32>
      %add3A_1628 = arith.addi %iota3A, %add3A_1627 : vector<16xi32>
      %jit3A_1629 = arith.constant 1048576 : i32
      %broadcast_in_dim3A_1630 = vector.broadcast %jit3A_1629 : i32 to vector<16xi32>
      %select_n3A_1631 = arith.select %eq3A_1625, %add3A_1628, %broadcast_in_dim3A_1630 : vector<16xi1>, vector<16xi32>
      %reduce_min3A_1632 = arith.constant true
      %reduce_min3A_1633 = vector.broadcast %reduce_min3A_1632 : i1 to vector<16xi1>
      %reduce_min3A_1634 = arith.constant -2147483648 : i32
      %reduce_min3A_1635 = vector.broadcast %reduce_min3A_1634 : i32 to vector<16xi32>
      %reduce_min3A_1636 = arith.xori %select_n3A_1631, %reduce_min3A_1635 : vector<16xi32>
      %reduce_min3A_1637 = tpu.scan <min>, %reduce_min3A_1636 masked %reduce_min3A_1633 : vector<16xi32>, vector<16xi1> -> vector<16xi32>
      %reduce_min3A_1638 = arith.xori %reduce_min3A_1637, %reduce_min3A_1635 : vector<16xi32>
      %reduce_min3A_1639 = vector.extract %reduce_min3A_1638[15] : i32 from vector<16xi32>
      %min3A_1640 = arith.minsi %reduce_min3A_1591, %reduce_min3A_1607 : i32
      %min3A_1641 = arith.minsi %reduce_min3A_1623, %reduce_min3A_1639 : i32
      %min3A_1642 = arith.minsi %min3A_1640, %min3A_1641 : i32
      %eq3A_1643 = arith.constant 8 : i32
      %eq3A_1644 = vector.broadcast %eq3A_1643 : i32 to vector<16xi32>
      %eq3A_1645 = arith.cmpi eq, %iota3A, %eq3A_1644 : vector<16xi32>
      %broadcast_in_dim3A_1646 = vector.broadcast %min3A_1642 : i32 to vector<16xi32>
      %select_n3A_1647 = arith.select %eq3A_1645, %broadcast_in_dim3A_1646, %select_n3A_1524 : vector<16xi1>, vector<16xi32>
      %add3A_1648 = arith.constant 0 : i32
      %add3A_1649 = vector.broadcast %add3A_1648 : i32 to vector<16xi32>
      %add3A_1650 = arith.addi %iota3A, %add3A_1649 : vector<16xi32>
      %eq3A_1651 = vector.broadcast %min3A_1642 : i32 to vector<16xi32>
      %eq3A_1652 = arith.cmpi eq, %add3A_1650, %eq3A_1651 : vector<16xi32>
      %jit3A_1653 = arith.constant -3.000000e+38 : f32
      %broadcast_in_dim3A_1654 = vector.broadcast %jit3A_1653 : f32 to vector<16xf32>
      %select_n3A_1655 = arith.select %eq3A_1652, %broadcast_in_dim3A_1654, %select_n3A_1532 : vector<16xi1>, vector<16xf32>
      %add3A_1656 = arith.constant 16 : i32
      %add3A_1657 = vector.broadcast %add3A_1656 : i32 to vector<16xi32>
      %add3A_1658 = arith.addi %iota3A, %add3A_1657 : vector<16xi32>
      %eq3A_1659 = vector.broadcast %min3A_1642 : i32 to vector<16xi32>
      %eq3A_1660 = arith.cmpi eq, %add3A_1658, %eq3A_1659 : vector<16xi32>
      %jit3A_1661 = arith.constant -3.000000e+38 : f32
      %broadcast_in_dim3A_1662 = vector.broadcast %jit3A_1661 : f32 to vector<16xf32>
      %select_n3A_1663 = arith.select %eq3A_1660, %broadcast_in_dim3A_1662, %select_n3A_1540 : vector<16xi1>, vector<16xf32>
      %add3A_1664 = arith.constant 32 : i32
      %add3A_1665 = vector.broadcast %add3A_1664 : i32 to vector<16xi32>
      %add3A_1666 = arith.addi %iota3A, %add3A_1665 : vector<16xi32>
      %eq3A_1667 = vector.broadcast %min3A_1642 : i32 to vector<16xi32>
      %eq3A_1668 = arith.cmpi eq, %add3A_1666, %eq3A_1667 : vector<16xi32>
      %jit3A_1669 = arith.constant -3.000000e+38 : f32
      %broadcast_in_dim3A_1670 = vector.broadcast %jit3A_1669 : f32 to vector<16xf32>
      %select_n3A_1671 = arith.select %eq3A_1668, %broadcast_in_dim3A_1670, %select_n3A_1548 : vector<16xi1>, vector<16xf32>
      %add3A_1672 = arith.constant 48 : i32
      %add3A_1673 = vector.broadcast %add3A_1672 : i32 to vector<16xi32>
      %add3A_1674 = arith.addi %iota3A, %add3A_1673 : vector<16xi32>
      %eq3A_1675 = vector.broadcast %min3A_1642 : i32 to vector<16xi32>
      %eq3A_1676 = arith.cmpi eq, %add3A_1674, %eq3A_1675 : vector<16xi32>
      %jit3A_1677 = arith.constant -3.000000e+38 : f32
      %broadcast_in_dim3A_1678 = vector.broadcast %jit3A_1677 : f32 to vector<16xf32>
      %select_n3A_1679 = arith.select %eq3A_1676, %broadcast_in_dim3A_1678, %select_n3A_1556 : vector<16xi1>, vector<16xf32>
      %reduce_max3A_1680 = arith.constant true
      %reduce_max3A_1681 = vector.broadcast %reduce_max3A_1680 : i1 to vector<16xi1>
      %reduce_max3A_1682 = tpu.scan <max>, %select_n3A_1655 masked %reduce_max3A_1681 : vector<16xf32>, vector<16xi1> -> vector<16xf32>
      %reduce_max3A_1683 = vector.extract %reduce_max3A_1682[15] : f32 from vector<16xf32>
      %reduce_max3A_1684 = arith.constant true
      %reduce_max3A_1685 = vector.broadcast %reduce_max3A_1684 : i1 to vector<16xi1>
      %reduce_max3A_1686 = tpu.scan <max>, %select_n3A_1663 masked %reduce_max3A_1685 : vector<16xf32>, vector<16xi1> -> vector<16xf32>
      %reduce_max3A_1687 = vector.extract %reduce_max3A_1686[15] : f32 from vector<16xf32>
      %max3A_1688 = arith.maximumf %reduce_max3A_1683, %reduce_max3A_1687 : f32
      %reduce_max3A_1689 = arith.constant true
      %reduce_max3A_1690 = vector.broadcast %reduce_max3A_1689 : i1 to vector<16xi1>
      %reduce_max3A_1691 = tpu.scan <max>, %select_n3A_1671 masked %reduce_max3A_1690 : vector<16xf32>, vector<16xi1> -> vector<16xf32>
      %reduce_max3A_1692 = vector.extract %reduce_max3A_1691[15] : f32 from vector<16xf32>
      %reduce_max3A_1693 = arith.constant true
      %reduce_max3A_1694 = vector.broadcast %reduce_max3A_1693 : i1 to vector<16xi1>
      %reduce_max3A_1695 = tpu.scan <max>, %select_n3A_1679 masked %reduce_max3A_1694 : vector<16xf32>, vector<16xi1> -> vector<16xf32>
      %reduce_max3A_1696 = vector.extract %reduce_max3A_1695[15] : f32 from vector<16xf32>
      %max3A_1697 = arith.maximumf %reduce_max3A_1692, %reduce_max3A_1696 : f32
      %max3A_1698 = arith.maximumf %max3A_1688, %max3A_1697 : f32
      %eq3A_1699 = vector.broadcast %max3A_1698 : f32 to vector<16xf32>
      %eq3A_1700 = arith.cmpf oeq, %select_n3A_1655, %eq3A_1699 : vector<16xf32>
      %add3A_1701 = arith.constant 0 : i32
      %add3A_1702 = vector.broadcast %add3A_1701 : i32 to vector<16xi32>
      %add3A_1703 = arith.addi %iota3A, %add3A_1702 : vector<16xi32>
      %jit3A_1704 = arith.constant 1048576 : i32
      %broadcast_in_dim3A_1705 = vector.broadcast %jit3A_1704 : i32 to vector<16xi32>
      %select_n3A_1706 = arith.select %eq3A_1700, %add3A_1703, %broadcast_in_dim3A_1705 : vector<16xi1>, vector<16xi32>
      %reduce_min3A_1707 = arith.constant true
      %reduce_min3A_1708 = vector.broadcast %reduce_min3A_1707 : i1 to vector<16xi1>
      %reduce_min3A_1709 = arith.constant -2147483648 : i32
      %reduce_min3A_1710 = vector.broadcast %reduce_min3A_1709 : i32 to vector<16xi32>
      %reduce_min3A_1711 = arith.xori %select_n3A_1706, %reduce_min3A_1710 : vector<16xi32>
      %reduce_min3A_1712 = tpu.scan <min>, %reduce_min3A_1711 masked %reduce_min3A_1708 : vector<16xi32>, vector<16xi1> -> vector<16xi32>
      %reduce_min3A_1713 = arith.xori %reduce_min3A_1712, %reduce_min3A_1710 : vector<16xi32>
      %reduce_min3A_1714 = vector.extract %reduce_min3A_1713[15] : i32 from vector<16xi32>
      %eq3A_1715 = vector.broadcast %max3A_1698 : f32 to vector<16xf32>
      %eq3A_1716 = arith.cmpf oeq, %select_n3A_1663, %eq3A_1715 : vector<16xf32>
      %add3A_1717 = arith.constant 16 : i32
      %add3A_1718 = vector.broadcast %add3A_1717 : i32 to vector<16xi32>
      %add3A_1719 = arith.addi %iota3A, %add3A_1718 : vector<16xi32>
      %jit3A_1720 = arith.constant 1048576 : i32
      %broadcast_in_dim3A_1721 = vector.broadcast %jit3A_1720 : i32 to vector<16xi32>
      %select_n3A_1722 = arith.select %eq3A_1716, %add3A_1719, %broadcast_in_dim3A_1721 : vector<16xi1>, vector<16xi32>
      %reduce_min3A_1723 = arith.constant true
      %reduce_min3A_1724 = vector.broadcast %reduce_min3A_1723 : i1 to vector<16xi1>
      %reduce_min3A_1725 = arith.constant -2147483648 : i32
      %reduce_min3A_1726 = vector.broadcast %reduce_min3A_1725 : i32 to vector<16xi32>
      %reduce_min3A_1727 = arith.xori %select_n3A_1722, %reduce_min3A_1726 : vector<16xi32>
      %reduce_min3A_1728 = tpu.scan <min>, %reduce_min3A_1727 masked %reduce_min3A_1724 : vector<16xi32>, vector<16xi1> -> vector<16xi32>
      %reduce_min3A_1729 = arith.xori %reduce_min3A_1728, %reduce_min3A_1726 : vector<16xi32>
      %reduce_min3A_1730 = vector.extract %reduce_min3A_1729[15] : i32 from vector<16xi32>
      %eq3A_1731 = vector.broadcast %max3A_1698 : f32 to vector<16xf32>
      %eq3A_1732 = arith.cmpf oeq, %select_n3A_1671, %eq3A_1731 : vector<16xf32>
      %add3A_1733 = arith.constant 32 : i32
      %add3A_1734 = vector.broadcast %add3A_1733 : i32 to vector<16xi32>
      %add3A_1735 = arith.addi %iota3A, %add3A_1734 : vector<16xi32>
      %jit3A_1736 = arith.constant 1048576 : i32
      %broadcast_in_dim3A_1737 = vector.broadcast %jit3A_1736 : i32 to vector<16xi32>
      %select_n3A_1738 = arith.select %eq3A_1732, %add3A_1735, %broadcast_in_dim3A_1737 : vector<16xi1>, vector<16xi32>
      %reduce_min3A_1739 = arith.constant true
      %reduce_min3A_1740 = vector.broadcast %reduce_min3A_1739 : i1 to vector<16xi1>
      %reduce_min3A_1741 = arith.constant -2147483648 : i32
      %reduce_min3A_1742 = vector.broadcast %reduce_min3A_1741 : i32 to vector<16xi32>
      %reduce_min3A_1743 = arith.xori %select_n3A_1738, %reduce_min3A_1742 : vector<16xi32>
      %reduce_min3A_1744 = tpu.scan <min>, %reduce_min3A_1743 masked %reduce_min3A_1740 : vector<16xi32>, vector<16xi1> -> vector<16xi32>
      %reduce_min3A_1745 = arith.xori %reduce_min3A_1744, %reduce_min3A_1742 : vector<16xi32>
      %reduce_min3A_1746 = vector.extract %reduce_min3A_1745[15] : i32 from vector<16xi32>
      %eq3A_1747 = vector.broadcast %max3A_1698 : f32 to vector<16xf32>
      %eq3A_1748 = arith.cmpf oeq, %select_n3A_1679, %eq3A_1747 : vector<16xf32>
      %add3A_1749 = arith.constant 48 : i32
      %add3A_1750 = vector.broadcast %add3A_1749 : i32 to vector<16xi32>
      %add3A_1751 = arith.addi %iota3A, %add3A_1750 : vector<16xi32>
      %jit3A_1752 = arith.constant 1048576 : i32
      %broadcast_in_dim3A_1753 = vector.broadcast %jit3A_1752 : i32 to vector<16xi32>
      %select_n3A_1754 = arith.select %eq3A_1748, %add3A_1751, %broadcast_in_dim3A_1753 : vector<16xi1>, vector<16xi32>
      %reduce_min3A_1755 = arith.constant true
      %reduce_min3A_1756 = vector.broadcast %reduce_min3A_1755 : i1 to vector<16xi1>
      %reduce_min3A_1757 = arith.constant -2147483648 : i32
      %reduce_min3A_1758 = vector.broadcast %reduce_min3A_1757 : i32 to vector<16xi32>
      %reduce_min3A_1759 = arith.xori %select_n3A_1754, %reduce_min3A_1758 : vector<16xi32>
      %reduce_min3A_1760 = tpu.scan <min>, %reduce_min3A_1759 masked %reduce_min3A_1756 : vector<16xi32>, vector<16xi1> -> vector<16xi32>
      %reduce_min3A_1761 = arith.xori %reduce_min3A_1760, %reduce_min3A_1758 : vector<16xi32>
      %reduce_min3A_1762 = vector.extract %reduce_min3A_1761[15] : i32 from vector<16xi32>
      %min3A_1763 = arith.minsi %reduce_min3A_1714, %reduce_min3A_1730 : i32
      %min3A_1764 = arith.minsi %reduce_min3A_1746, %reduce_min3A_1762 : i32
      %min3A_1765 = arith.minsi %min3A_1763, %min3A_1764 : i32
      %eq3A_1766 = arith.constant 9 : i32
      %eq3A_1767 = vector.broadcast %eq3A_1766 : i32 to vector<16xi32>
      %eq3A_1768 = arith.cmpi eq, %iota3A, %eq3A_1767 : vector<16xi32>
      %broadcast_in_dim3A_1769 = vector.broadcast %min3A_1765 : i32 to vector<16xi32>
      %select_n3A_1770 = arith.select %eq3A_1768, %broadcast_in_dim3A_1769, %select_n3A_1647 : vector<16xi1>, vector<16xi32>
      %add3A_1771 = arith.constant 0 : i32
      %add3A_1772 = vector.broadcast %add3A_1771 : i32 to vector<16xi32>
      %add3A_1773 = arith.addi %iota3A, %add3A_1772 : vector<16xi32>
      %eq3A_1774 = vector.broadcast %min3A_1765 : i32 to vector<16xi32>
      %eq3A_1775 = arith.cmpi eq, %add3A_1773, %eq3A_1774 : vector<16xi32>
      %jit3A_1776 = arith.constant -3.000000e+38 : f32
      %broadcast_in_dim3A_1777 = vector.broadcast %jit3A_1776 : f32 to vector<16xf32>
      %select_n3A_1778 = arith.select %eq3A_1775, %broadcast_in_dim3A_1777, %select_n3A_1655 : vector<16xi1>, vector<16xf32>
      %add3A_1779 = arith.constant 16 : i32
      %add3A_1780 = vector.broadcast %add3A_1779 : i32 to vector<16xi32>
      %add3A_1781 = arith.addi %iota3A, %add3A_1780 : vector<16xi32>
      %eq3A_1782 = vector.broadcast %min3A_1765 : i32 to vector<16xi32>
      %eq3A_1783 = arith.cmpi eq, %add3A_1781, %eq3A_1782 : vector<16xi32>
      %jit3A_1784 = arith.constant -3.000000e+38 : f32
      %broadcast_in_dim3A_1785 = vector.broadcast %jit3A_1784 : f32 to vector<16xf32>
      %select_n3A_1786 = arith.select %eq3A_1783, %broadcast_in_dim3A_1785, %select_n3A_1663 : vector<16xi1>, vector<16xf32>
      %add3A_1787 = arith.constant 32 : i32
      %add3A_1788 = vector.broadcast %add3A_1787 : i32 to vector<16xi32>
      %add3A_1789 = arith.addi %iota3A, %add3A_1788 : vector<16xi32>
      %eq3A_1790 = vector.broadcast %min3A_1765 : i32 to vector<16xi32>
      %eq3A_1791 = arith.cmpi eq, %add3A_1789, %eq3A_1790 : vector<16xi32>
      %jit3A_1792 = arith.constant -3.000000e+38 : f32
      %broadcast_in_dim3A_1793 = vector.broadcast %jit3A_1792 : f32 to vector<16xf32>
      %select_n3A_1794 = arith.select %eq3A_1791, %broadcast_in_dim3A_1793, %select_n3A_1671 : vector<16xi1>, vector<16xf32>
      %add3A_1795 = arith.constant 48 : i32
      %add3A_1796 = vector.broadcast %add3A_1795 : i32 to vector<16xi32>
      %add3A_1797 = arith.addi %iota3A, %add3A_1796 : vector<16xi32>
      %eq3A_1798 = vector.broadcast %min3A_1765 : i32 to vector<16xi32>
      %eq3A_1799 = arith.cmpi eq, %add3A_1797, %eq3A_1798 : vector<16xi32>
      %jit3A_1800 = arith.constant -3.000000e+38 : f32
      %broadcast_in_dim3A_1801 = vector.broadcast %jit3A_1800 : f32 to vector<16xf32>
      %select_n3A_1802 = arith.select %eq3A_1799, %broadcast_in_dim3A_1801, %select_n3A_1679 : vector<16xi1>, vector<16xf32>
      %reduce_max3A_1803 = arith.constant true
      %reduce_max3A_1804 = vector.broadcast %reduce_max3A_1803 : i1 to vector<16xi1>
      %reduce_max3A_1805 = tpu.scan <max>, %select_n3A_1778 masked %reduce_max3A_1804 : vector<16xf32>, vector<16xi1> -> vector<16xf32>
      %reduce_max3A_1806 = vector.extract %reduce_max3A_1805[15] : f32 from vector<16xf32>
      %reduce_max3A_1807 = arith.constant true
      %reduce_max3A_1808 = vector.broadcast %reduce_max3A_1807 : i1 to vector<16xi1>
      %reduce_max3A_1809 = tpu.scan <max>, %select_n3A_1786 masked %reduce_max3A_1808 : vector<16xf32>, vector<16xi1> -> vector<16xf32>
      %reduce_max3A_1810 = vector.extract %reduce_max3A_1809[15] : f32 from vector<16xf32>
      %max3A_1811 = arith.maximumf %reduce_max3A_1806, %reduce_max3A_1810 : f32
      %reduce_max3A_1812 = arith.constant true
      %reduce_max3A_1813 = vector.broadcast %reduce_max3A_1812 : i1 to vector<16xi1>
      %reduce_max3A_1814 = tpu.scan <max>, %select_n3A_1794 masked %reduce_max3A_1813 : vector<16xf32>, vector<16xi1> -> vector<16xf32>
      %reduce_max3A_1815 = vector.extract %reduce_max3A_1814[15] : f32 from vector<16xf32>
      %reduce_max3A_1816 = arith.constant true
      %reduce_max3A_1817 = vector.broadcast %reduce_max3A_1816 : i1 to vector<16xi1>
      %reduce_max3A_1818 = tpu.scan <max>, %select_n3A_1802 masked %reduce_max3A_1817 : vector<16xf32>, vector<16xi1> -> vector<16xf32>
      %reduce_max3A_1819 = vector.extract %reduce_max3A_1818[15] : f32 from vector<16xf32>
      %max3A_1820 = arith.maximumf %reduce_max3A_1815, %reduce_max3A_1819 : f32
      %max3A_1821 = arith.maximumf %max3A_1811, %max3A_1820 : f32
      %eq3A_1822 = vector.broadcast %max3A_1821 : f32 to vector<16xf32>
      %eq3A_1823 = arith.cmpf oeq, %select_n3A_1778, %eq3A_1822 : vector<16xf32>
      %add3A_1824 = arith.constant 0 : i32
      %add3A_1825 = vector.broadcast %add3A_1824 : i32 to vector<16xi32>
      %add3A_1826 = arith.addi %iota3A, %add3A_1825 : vector<16xi32>
      %jit3A_1827 = arith.constant 1048576 : i32
      %broadcast_in_dim3A_1828 = vector.broadcast %jit3A_1827 : i32 to vector<16xi32>
      %select_n3A_1829 = arith.select %eq3A_1823, %add3A_1826, %broadcast_in_dim3A_1828 : vector<16xi1>, vector<16xi32>
      %reduce_min3A_1830 = arith.constant true
      %reduce_min3A_1831 = vector.broadcast %reduce_min3A_1830 : i1 to vector<16xi1>
      %reduce_min3A_1832 = arith.constant -2147483648 : i32
      %reduce_min3A_1833 = vector.broadcast %reduce_min3A_1832 : i32 to vector<16xi32>
      %reduce_min3A_1834 = arith.xori %select_n3A_1829, %reduce_min3A_1833 : vector<16xi32>
      %reduce_min3A_1835 = tpu.scan <min>, %reduce_min3A_1834 masked %reduce_min3A_1831 : vector<16xi32>, vector<16xi1> -> vector<16xi32>
      %reduce_min3A_1836 = arith.xori %reduce_min3A_1835, %reduce_min3A_1833 : vector<16xi32>
      %reduce_min3A_1837 = vector.extract %reduce_min3A_1836[15] : i32 from vector<16xi32>
      %eq3A_1838 = vector.broadcast %max3A_1821 : f32 to vector<16xf32>
      %eq3A_1839 = arith.cmpf oeq, %select_n3A_1786, %eq3A_1838 : vector<16xf32>
      %add3A_1840 = arith.constant 16 : i32
      %add3A_1841 = vector.broadcast %add3A_1840 : i32 to vector<16xi32>
      %add3A_1842 = arith.addi %iota3A, %add3A_1841 : vector<16xi32>
      %jit3A_1843 = arith.constant 1048576 : i32
      %broadcast_in_dim3A_1844 = vector.broadcast %jit3A_1843 : i32 to vector<16xi32>
      %select_n3A_1845 = arith.select %eq3A_1839, %add3A_1842, %broadcast_in_dim3A_1844 : vector<16xi1>, vector<16xi32>
      %reduce_min3A_1846 = arith.constant true
      %reduce_min3A_1847 = vector.broadcast %reduce_min3A_1846 : i1 to vector<16xi1>
      %reduce_min3A_1848 = arith.constant -2147483648 : i32
      %reduce_min3A_1849 = vector.broadcast %reduce_min3A_1848 : i32 to vector<16xi32>
      %reduce_min3A_1850 = arith.xori %select_n3A_1845, %reduce_min3A_1849 : vector<16xi32>
      %reduce_min3A_1851 = tpu.scan <min>, %reduce_min3A_1850 masked %reduce_min3A_1847 : vector<16xi32>, vector<16xi1> -> vector<16xi32>
      %reduce_min3A_1852 = arith.xori %reduce_min3A_1851, %reduce_min3A_1849 : vector<16xi32>
      %reduce_min3A_1853 = vector.extract %reduce_min3A_1852[15] : i32 from vector<16xi32>
      %eq3A_1854 = vector.broadcast %max3A_1821 : f32 to vector<16xf32>
      %eq3A_1855 = arith.cmpf oeq, %select_n3A_1794, %eq3A_1854 : vector<16xf32>
      %add3A_1856 = arith.constant 32 : i32
      %add3A_1857 = vector.broadcast %add3A_1856 : i32 to vector<16xi32>
      %add3A_1858 = arith.addi %iota3A, %add3A_1857 : vector<16xi32>
      %jit3A_1859 = arith.constant 1048576 : i32
      %broadcast_in_dim3A_1860 = vector.broadcast %jit3A_1859 : i32 to vector<16xi32>
      %select_n3A_1861 = arith.select %eq3A_1855, %add3A_1858, %broadcast_in_dim3A_1860 : vector<16xi1>, vector<16xi32>
      %reduce_min3A_1862 = arith.constant true
      %reduce_min3A_1863 = vector.broadcast %reduce_min3A_1862 : i1 to vector<16xi1>
      %reduce_min3A_1864 = arith.constant -2147483648 : i32
      %reduce_min3A_1865 = vector.broadcast %reduce_min3A_1864 : i32 to vector<16xi32>
      %reduce_min3A_1866 = arith.xori %select_n3A_1861, %reduce_min3A_1865 : vector<16xi32>
      %reduce_min3A_1867 = tpu.scan <min>, %reduce_min3A_1866 masked %reduce_min3A_1863 : vector<16xi32>, vector<16xi1> -> vector<16xi32>
      %reduce_min3A_1868 = arith.xori %reduce_min3A_1867, %reduce_min3A_1865 : vector<16xi32>
      %reduce_min3A_1869 = vector.extract %reduce_min3A_1868[15] : i32 from vector<16xi32>
      %eq3A_1870 = vector.broadcast %max3A_1821 : f32 to vector<16xf32>
      %eq3A_1871 = arith.cmpf oeq, %select_n3A_1802, %eq3A_1870 : vector<16xf32>
      %add3A_1872 = arith.constant 48 : i32
      %add3A_1873 = vector.broadcast %add3A_1872 : i32 to vector<16xi32>
      %add3A_1874 = arith.addi %iota3A, %add3A_1873 : vector<16xi32>
      %jit3A_1875 = arith.constant 1048576 : i32
      %broadcast_in_dim3A_1876 = vector.broadcast %jit3A_1875 : i32 to vector<16xi32>
      %select_n3A_1877 = arith.select %eq3A_1871, %add3A_1874, %broadcast_in_dim3A_1876 : vector<16xi1>, vector<16xi32>
      %reduce_min3A_1878 = arith.constant true
      %reduce_min3A_1879 = vector.broadcast %reduce_min3A_1878 : i1 to vector<16xi1>
      %reduce_min3A_1880 = arith.constant -2147483648 : i32
      %reduce_min3A_1881 = vector.broadcast %reduce_min3A_1880 : i32 to vector<16xi32>
      %reduce_min3A_1882 = arith.xori %select_n3A_1877, %reduce_min3A_1881 : vector<16xi32>
      %reduce_min3A_1883 = tpu.scan <min>, %reduce_min3A_1882 masked %reduce_min3A_1879 : vector<16xi32>, vector<16xi1> -> vector<16xi32>
      %reduce_min3A_1884 = arith.xori %reduce_min3A_1883, %reduce_min3A_1881 : vector<16xi32>
      %reduce_min3A_1885 = vector.extract %reduce_min3A_1884[15] : i32 from vector<16xi32>
      %min3A_1886 = arith.minsi %reduce_min3A_1837, %reduce_min3A_1853 : i32
      %min3A_1887 = arith.minsi %reduce_min3A_1869, %reduce_min3A_1885 : i32
      %min3A_1888 = arith.minsi %min3A_1886, %min3A_1887 : i32
      %eq3A_1889 = arith.constant 10 : i32
      %eq3A_1890 = vector.broadcast %eq3A_1889 : i32 to vector<16xi32>
      %eq3A_1891 = arith.cmpi eq, %iota3A, %eq3A_1890 : vector<16xi32>
      %broadcast_in_dim3A_1892 = vector.broadcast %min3A_1888 : i32 to vector<16xi32>
      %select_n3A_1893 = arith.select %eq3A_1891, %broadcast_in_dim3A_1892, %select_n3A_1770 : vector<16xi1>, vector<16xi32>
      %add3A_1894 = arith.constant 0 : i32
      %add3A_1895 = vector.broadcast %add3A_1894 : i32 to vector<16xi32>
      %add3A_1896 = arith.addi %iota3A, %add3A_1895 : vector<16xi32>
      %eq3A_1897 = vector.broadcast %min3A_1888 : i32 to vector<16xi32>
      %eq3A_1898 = arith.cmpi eq, %add3A_1896, %eq3A_1897 : vector<16xi32>
      %jit3A_1899 = arith.constant -3.000000e+38 : f32
      %broadcast_in_dim3A_1900 = vector.broadcast %jit3A_1899 : f32 to vector<16xf32>
      %select_n3A_1901 = arith.select %eq3A_1898, %broadcast_in_dim3A_1900, %select_n3A_1778 : vector<16xi1>, vector<16xf32>
      %add3A_1902 = arith.constant 16 : i32
      %add3A_1903 = vector.broadcast %add3A_1902 : i32 to vector<16xi32>
      %add3A_1904 = arith.addi %iota3A, %add3A_1903 : vector<16xi32>
      %eq3A_1905 = vector.broadcast %min3A_1888 : i32 to vector<16xi32>
      %eq3A_1906 = arith.cmpi eq, %add3A_1904, %eq3A_1905 : vector<16xi32>
      %jit3A_1907 = arith.constant -3.000000e+38 : f32
      %broadcast_in_dim3A_1908 = vector.broadcast %jit3A_1907 : f32 to vector<16xf32>
      %select_n3A_1909 = arith.select %eq3A_1906, %broadcast_in_dim3A_1908, %select_n3A_1786 : vector<16xi1>, vector<16xf32>
      %add3A_1910 = arith.constant 32 : i32
      %add3A_1911 = vector.broadcast %add3A_1910 : i32 to vector<16xi32>
      %add3A_1912 = arith.addi %iota3A, %add3A_1911 : vector<16xi32>
      %eq3A_1913 = vector.broadcast %min3A_1888 : i32 to vector<16xi32>
      %eq3A_1914 = arith.cmpi eq, %add3A_1912, %eq3A_1913 : vector<16xi32>
      %jit3A_1915 = arith.constant -3.000000e+38 : f32
      %broadcast_in_dim3A_1916 = vector.broadcast %jit3A_1915 : f32 to vector<16xf32>
      %select_n3A_1917 = arith.select %eq3A_1914, %broadcast_in_dim3A_1916, %select_n3A_1794 : vector<16xi1>, vector<16xf32>
      %add3A_1918 = arith.constant 48 : i32
      %add3A_1919 = vector.broadcast %add3A_1918 : i32 to vector<16xi32>
      %add3A_1920 = arith.addi %iota3A, %add3A_1919 : vector<16xi32>
      %eq3A_1921 = vector.broadcast %min3A_1888 : i32 to vector<16xi32>
      %eq3A_1922 = arith.cmpi eq, %add3A_1920, %eq3A_1921 : vector<16xi32>
      %jit3A_1923 = arith.constant -3.000000e+38 : f32
      %broadcast_in_dim3A_1924 = vector.broadcast %jit3A_1923 : f32 to vector<16xf32>
      %select_n3A_1925 = arith.select %eq3A_1922, %broadcast_in_dim3A_1924, %select_n3A_1802 : vector<16xi1>, vector<16xf32>
      %reduce_max3A_1926 = arith.constant true
      %reduce_max3A_1927 = vector.broadcast %reduce_max3A_1926 : i1 to vector<16xi1>
      %reduce_max3A_1928 = tpu.scan <max>, %select_n3A_1901 masked %reduce_max3A_1927 : vector<16xf32>, vector<16xi1> -> vector<16xf32>
      %reduce_max3A_1929 = vector.extract %reduce_max3A_1928[15] : f32 from vector<16xf32>
      %reduce_max3A_1930 = arith.constant true
      %reduce_max3A_1931 = vector.broadcast %reduce_max3A_1930 : i1 to vector<16xi1>
      %reduce_max3A_1932 = tpu.scan <max>, %select_n3A_1909 masked %reduce_max3A_1931 : vector<16xf32>, vector<16xi1> -> vector<16xf32>
      %reduce_max3A_1933 = vector.extract %reduce_max3A_1932[15] : f32 from vector<16xf32>
      %max3A_1934 = arith.maximumf %reduce_max3A_1929, %reduce_max3A_1933 : f32
      %reduce_max3A_1935 = arith.constant true
      %reduce_max3A_1936 = vector.broadcast %reduce_max3A_1935 : i1 to vector<16xi1>
      %reduce_max3A_1937 = tpu.scan <max>, %select_n3A_1917 masked %reduce_max3A_1936 : vector<16xf32>, vector<16xi1> -> vector<16xf32>
      %reduce_max3A_1938 = vector.extract %reduce_max3A_1937[15] : f32 from vector<16xf32>
      %reduce_max3A_1939 = arith.constant true
      %reduce_max3A_1940 = vector.broadcast %reduce_max3A_1939 : i1 to vector<16xi1>
      %reduce_max3A_1941 = tpu.scan <max>, %select_n3A_1925 masked %reduce_max3A_1940 : vector<16xf32>, vector<16xi1> -> vector<16xf32>
      %reduce_max3A_1942 = vector.extract %reduce_max3A_1941[15] : f32 from vector<16xf32>
      %max3A_1943 = arith.maximumf %reduce_max3A_1938, %reduce_max3A_1942 : f32
      %max3A_1944 = arith.maximumf %max3A_1934, %max3A_1943 : f32
      %eq3A_1945 = vector.broadcast %max3A_1944 : f32 to vector<16xf32>
      %eq3A_1946 = arith.cmpf oeq, %select_n3A_1901, %eq3A_1945 : vector<16xf32>
      %add3A_1947 = arith.constant 0 : i32
      %add3A_1948 = vector.broadcast %add3A_1947 : i32 to vector<16xi32>
      %add3A_1949 = arith.addi %iota3A, %add3A_1948 : vector<16xi32>
      %jit3A_1950 = arith.constant 1048576 : i32
      %broadcast_in_dim3A_1951 = vector.broadcast %jit3A_1950 : i32 to vector<16xi32>
      %select_n3A_1952 = arith.select %eq3A_1946, %add3A_1949, %broadcast_in_dim3A_1951 : vector<16xi1>, vector<16xi32>
      %reduce_min3A_1953 = arith.constant true
      %reduce_min3A_1954 = vector.broadcast %reduce_min3A_1953 : i1 to vector<16xi1>
      %reduce_min3A_1955 = arith.constant -2147483648 : i32
      %reduce_min3A_1956 = vector.broadcast %reduce_min3A_1955 : i32 to vector<16xi32>
      %reduce_min3A_1957 = arith.xori %select_n3A_1952, %reduce_min3A_1956 : vector<16xi32>
      %reduce_min3A_1958 = tpu.scan <min>, %reduce_min3A_1957 masked %reduce_min3A_1954 : vector<16xi32>, vector<16xi1> -> vector<16xi32>
      %reduce_min3A_1959 = arith.xori %reduce_min3A_1958, %reduce_min3A_1956 : vector<16xi32>
      %reduce_min3A_1960 = vector.extract %reduce_min3A_1959[15] : i32 from vector<16xi32>
      %eq3A_1961 = vector.broadcast %max3A_1944 : f32 to vector<16xf32>
      %eq3A_1962 = arith.cmpf oeq, %select_n3A_1909, %eq3A_1961 : vector<16xf32>
      %add3A_1963 = arith.constant 16 : i32
      %add3A_1964 = vector.broadcast %add3A_1963 : i32 to vector<16xi32>
      %add3A_1965 = arith.addi %iota3A, %add3A_1964 : vector<16xi32>
      %jit3A_1966 = arith.constant 1048576 : i32
      %broadcast_in_dim3A_1967 = vector.broadcast %jit3A_1966 : i32 to vector<16xi32>
      %select_n3A_1968 = arith.select %eq3A_1962, %add3A_1965, %broadcast_in_dim3A_1967 : vector<16xi1>, vector<16xi32>
      %reduce_min3A_1969 = arith.constant true
      %reduce_min3A_1970 = vector.broadcast %reduce_min3A_1969 : i1 to vector<16xi1>
      %reduce_min3A_1971 = arith.constant -2147483648 : i32
      %reduce_min3A_1972 = vector.broadcast %reduce_min3A_1971 : i32 to vector<16xi32>
      %reduce_min3A_1973 = arith.xori %select_n3A_1968, %reduce_min3A_1972 : vector<16xi32>
      %reduce_min3A_1974 = tpu.scan <min>, %reduce_min3A_1973 masked %reduce_min3A_1970 : vector<16xi32>, vector<16xi1> -> vector<16xi32>
      %reduce_min3A_1975 = arith.xori %reduce_min3A_1974, %reduce_min3A_1972 : vector<16xi32>
      %reduce_min3A_1976 = vector.extract %reduce_min3A_1975[15] : i32 from vector<16xi32>
      %eq3A_1977 = vector.broadcast %max3A_1944 : f32 to vector<16xf32>
      %eq3A_1978 = arith.cmpf oeq, %select_n3A_1917, %eq3A_1977 : vector<16xf32>
      %add3A_1979 = arith.constant 32 : i32
      %add3A_1980 = vector.broadcast %add3A_1979 : i32 to vector<16xi32>
      %add3A_1981 = arith.addi %iota3A, %add3A_1980 : vector<16xi32>
      %jit3A_1982 = arith.constant 1048576 : i32
      %broadcast_in_dim3A_1983 = vector.broadcast %jit3A_1982 : i32 to vector<16xi32>
      %select_n3A_1984 = arith.select %eq3A_1978, %add3A_1981, %broadcast_in_dim3A_1983 : vector<16xi1>, vector<16xi32>
      %reduce_min3A_1985 = arith.constant true
      %reduce_min3A_1986 = vector.broadcast %reduce_min3A_1985 : i1 to vector<16xi1>
      %reduce_min3A_1987 = arith.constant -2147483648 : i32
      %reduce_min3A_1988 = vector.broadcast %reduce_min3A_1987 : i32 to vector<16xi32>
      %reduce_min3A_1989 = arith.xori %select_n3A_1984, %reduce_min3A_1988 : vector<16xi32>
      %reduce_min3A_1990 = tpu.scan <min>, %reduce_min3A_1989 masked %reduce_min3A_1986 : vector<16xi32>, vector<16xi1> -> vector<16xi32>
      %reduce_min3A_1991 = arith.xori %reduce_min3A_1990, %reduce_min3A_1988 : vector<16xi32>
      %reduce_min3A_1992 = vector.extract %reduce_min3A_1991[15] : i32 from vector<16xi32>
      %eq3A_1993 = vector.broadcast %max3A_1944 : f32 to vector<16xf32>
      %eq3A_1994 = arith.cmpf oeq, %select_n3A_1925, %eq3A_1993 : vector<16xf32>
      %add3A_1995 = arith.constant 48 : i32
      %add3A_1996 = vector.broadcast %add3A_1995 : i32 to vector<16xi32>
      %add3A_1997 = arith.addi %iota3A, %add3A_1996 : vector<16xi32>
      %jit3A_1998 = arith.constant 1048576 : i32
      %broadcast_in_dim3A_1999 = vector.broadcast %jit3A_1998 : i32 to vector<16xi32>
      %select_n3A_2000 = arith.select %eq3A_1994, %add3A_1997, %broadcast_in_dim3A_1999 : vector<16xi1>, vector<16xi32>
      %reduce_min3A_2001 = arith.constant true
      %reduce_min3A_2002 = vector.broadcast %reduce_min3A_2001 : i1 to vector<16xi1>
      %reduce_min3A_2003 = arith.constant -2147483648 : i32
      %reduce_min3A_2004 = vector.broadcast %reduce_min3A_2003 : i32 to vector<16xi32>
      %reduce_min3A_2005 = arith.xori %select_n3A_2000, %reduce_min3A_2004 : vector<16xi32>
      %reduce_min3A_2006 = tpu.scan <min>, %reduce_min3A_2005 masked %reduce_min3A_2002 : vector<16xi32>, vector<16xi1> -> vector<16xi32>
      %reduce_min3A_2007 = arith.xori %reduce_min3A_2006, %reduce_min3A_2004 : vector<16xi32>
      %reduce_min3A_2008 = vector.extract %reduce_min3A_2007[15] : i32 from vector<16xi32>
      %min3A_2009 = arith.minsi %reduce_min3A_1960, %reduce_min3A_1976 : i32
      %min3A_2010 = arith.minsi %reduce_min3A_1992, %reduce_min3A_2008 : i32
      %min3A_2011 = arith.minsi %min3A_2009, %min3A_2010 : i32
      %eq3A_2012 = arith.constant 11 : i32
      %eq3A_2013 = vector.broadcast %eq3A_2012 : i32 to vector<16xi32>
      %eq3A_2014 = arith.cmpi eq, %iota3A, %eq3A_2013 : vector<16xi32>
      %broadcast_in_dim3A_2015 = vector.broadcast %min3A_2011 : i32 to vector<16xi32>
      %select_n3A_2016 = arith.select %eq3A_2014, %broadcast_in_dim3A_2015, %select_n3A_1893 : vector<16xi1>, vector<16xi32>
      %add3A_2017 = arith.constant 0 : i32
      %add3A_2018 = vector.broadcast %add3A_2017 : i32 to vector<16xi32>
      %add3A_2019 = arith.addi %iota3A, %add3A_2018 : vector<16xi32>
      %eq3A_2020 = vector.broadcast %min3A_2011 : i32 to vector<16xi32>
      %eq3A_2021 = arith.cmpi eq, %add3A_2019, %eq3A_2020 : vector<16xi32>
      %jit3A_2022 = arith.constant -3.000000e+38 : f32
      %broadcast_in_dim3A_2023 = vector.broadcast %jit3A_2022 : f32 to vector<16xf32>
      %select_n3A_2024 = arith.select %eq3A_2021, %broadcast_in_dim3A_2023, %select_n3A_1901 : vector<16xi1>, vector<16xf32>
      %add3A_2025 = arith.constant 16 : i32
      %add3A_2026 = vector.broadcast %add3A_2025 : i32 to vector<16xi32>
      %add3A_2027 = arith.addi %iota3A, %add3A_2026 : vector<16xi32>
      %eq3A_2028 = vector.broadcast %min3A_2011 : i32 to vector<16xi32>
      %eq3A_2029 = arith.cmpi eq, %add3A_2027, %eq3A_2028 : vector<16xi32>
      %jit3A_2030 = arith.constant -3.000000e+38 : f32
      %broadcast_in_dim3A_2031 = vector.broadcast %jit3A_2030 : f32 to vector<16xf32>
      %select_n3A_2032 = arith.select %eq3A_2029, %broadcast_in_dim3A_2031, %select_n3A_1909 : vector<16xi1>, vector<16xf32>
      %add3A_2033 = arith.constant 32 : i32
      %add3A_2034 = vector.broadcast %add3A_2033 : i32 to vector<16xi32>
      %add3A_2035 = arith.addi %iota3A, %add3A_2034 : vector<16xi32>
      %eq3A_2036 = vector.broadcast %min3A_2011 : i32 to vector<16xi32>
      %eq3A_2037 = arith.cmpi eq, %add3A_2035, %eq3A_2036 : vector<16xi32>
      %jit3A_2038 = arith.constant -3.000000e+38 : f32
      %broadcast_in_dim3A_2039 = vector.broadcast %jit3A_2038 : f32 to vector<16xf32>
      %select_n3A_2040 = arith.select %eq3A_2037, %broadcast_in_dim3A_2039, %select_n3A_1917 : vector<16xi1>, vector<16xf32>
      %add3A_2041 = arith.constant 48 : i32
      %add3A_2042 = vector.broadcast %add3A_2041 : i32 to vector<16xi32>
      %add3A_2043 = arith.addi %iota3A, %add3A_2042 : vector<16xi32>
      %eq3A_2044 = vector.broadcast %min3A_2011 : i32 to vector<16xi32>
      %eq3A_2045 = arith.cmpi eq, %add3A_2043, %eq3A_2044 : vector<16xi32>
      %jit3A_2046 = arith.constant -3.000000e+38 : f32
      %broadcast_in_dim3A_2047 = vector.broadcast %jit3A_2046 : f32 to vector<16xf32>
      %select_n3A_2048 = arith.select %eq3A_2045, %broadcast_in_dim3A_2047, %select_n3A_1925 : vector<16xi1>, vector<16xf32>
      %reduce_max3A_2049 = arith.constant true
      %reduce_max3A_2050 = vector.broadcast %reduce_max3A_2049 : i1 to vector<16xi1>
      %reduce_max3A_2051 = tpu.scan <max>, %select_n3A_2024 masked %reduce_max3A_2050 : vector<16xf32>, vector<16xi1> -> vector<16xf32>
      %reduce_max3A_2052 = vector.extract %reduce_max3A_2051[15] : f32 from vector<16xf32>
      %reduce_max3A_2053 = arith.constant true
      %reduce_max3A_2054 = vector.broadcast %reduce_max3A_2053 : i1 to vector<16xi1>
      %reduce_max3A_2055 = tpu.scan <max>, %select_n3A_2032 masked %reduce_max3A_2054 : vector<16xf32>, vector<16xi1> -> vector<16xf32>
      %reduce_max3A_2056 = vector.extract %reduce_max3A_2055[15] : f32 from vector<16xf32>
      %max3A_2057 = arith.maximumf %reduce_max3A_2052, %reduce_max3A_2056 : f32
      %reduce_max3A_2058 = arith.constant true
      %reduce_max3A_2059 = vector.broadcast %reduce_max3A_2058 : i1 to vector<16xi1>
      %reduce_max3A_2060 = tpu.scan <max>, %select_n3A_2040 masked %reduce_max3A_2059 : vector<16xf32>, vector<16xi1> -> vector<16xf32>
      %reduce_max3A_2061 = vector.extract %reduce_max3A_2060[15] : f32 from vector<16xf32>
      %reduce_max3A_2062 = arith.constant true
      %reduce_max3A_2063 = vector.broadcast %reduce_max3A_2062 : i1 to vector<16xi1>
      %reduce_max3A_2064 = tpu.scan <max>, %select_n3A_2048 masked %reduce_max3A_2063 : vector<16xf32>, vector<16xi1> -> vector<16xf32>
      %reduce_max3A_2065 = vector.extract %reduce_max3A_2064[15] : f32 from vector<16xf32>
      %max3A_2066 = arith.maximumf %reduce_max3A_2061, %reduce_max3A_2065 : f32
      %max3A_2067 = arith.maximumf %max3A_2057, %max3A_2066 : f32
      %eq3A_2068 = vector.broadcast %max3A_2067 : f32 to vector<16xf32>
      %eq3A_2069 = arith.cmpf oeq, %select_n3A_2024, %eq3A_2068 : vector<16xf32>
      %add3A_2070 = arith.constant 0 : i32
      %add3A_2071 = vector.broadcast %add3A_2070 : i32 to vector<16xi32>
      %add3A_2072 = arith.addi %iota3A, %add3A_2071 : vector<16xi32>
      %jit3A_2073 = arith.constant 1048576 : i32
      %broadcast_in_dim3A_2074 = vector.broadcast %jit3A_2073 : i32 to vector<16xi32>
      %select_n3A_2075 = arith.select %eq3A_2069, %add3A_2072, %broadcast_in_dim3A_2074 : vector<16xi1>, vector<16xi32>
      %reduce_min3A_2076 = arith.constant true
      %reduce_min3A_2077 = vector.broadcast %reduce_min3A_2076 : i1 to vector<16xi1>
      %reduce_min3A_2078 = arith.constant -2147483648 : i32
      %reduce_min3A_2079 = vector.broadcast %reduce_min3A_2078 : i32 to vector<16xi32>
      %reduce_min3A_2080 = arith.xori %select_n3A_2075, %reduce_min3A_2079 : vector<16xi32>
      %reduce_min3A_2081 = tpu.scan <min>, %reduce_min3A_2080 masked %reduce_min3A_2077 : vector<16xi32>, vector<16xi1> -> vector<16xi32>
      %reduce_min3A_2082 = arith.xori %reduce_min3A_2081, %reduce_min3A_2079 : vector<16xi32>
      %reduce_min3A_2083 = vector.extract %reduce_min3A_2082[15] : i32 from vector<16xi32>
      %eq3A_2084 = vector.broadcast %max3A_2067 : f32 to vector<16xf32>
      %eq3A_2085 = arith.cmpf oeq, %select_n3A_2032, %eq3A_2084 : vector<16xf32>
      %add3A_2086 = arith.constant 16 : i32
      %add3A_2087 = vector.broadcast %add3A_2086 : i32 to vector<16xi32>
      %add3A_2088 = arith.addi %iota3A, %add3A_2087 : vector<16xi32>
      %jit3A_2089 = arith.constant 1048576 : i32
      %broadcast_in_dim3A_2090 = vector.broadcast %jit3A_2089 : i32 to vector<16xi32>
      %select_n3A_2091 = arith.select %eq3A_2085, %add3A_2088, %broadcast_in_dim3A_2090 : vector<16xi1>, vector<16xi32>
      %reduce_min3A_2092 = arith.constant true
      %reduce_min3A_2093 = vector.broadcast %reduce_min3A_2092 : i1 to vector<16xi1>
      %reduce_min3A_2094 = arith.constant -2147483648 : i32
      %reduce_min3A_2095 = vector.broadcast %reduce_min3A_2094 : i32 to vector<16xi32>
      %reduce_min3A_2096 = arith.xori %select_n3A_2091, %reduce_min3A_2095 : vector<16xi32>
      %reduce_min3A_2097 = tpu.scan <min>, %reduce_min3A_2096 masked %reduce_min3A_2093 : vector<16xi32>, vector<16xi1> -> vector<16xi32>
      %reduce_min3A_2098 = arith.xori %reduce_min3A_2097, %reduce_min3A_2095 : vector<16xi32>
      %reduce_min3A_2099 = vector.extract %reduce_min3A_2098[15] : i32 from vector<16xi32>
      %eq3A_2100 = vector.broadcast %max3A_2067 : f32 to vector<16xf32>
      %eq3A_2101 = arith.cmpf oeq, %select_n3A_2040, %eq3A_2100 : vector<16xf32>
      %add3A_2102 = arith.constant 32 : i32
      %add3A_2103 = vector.broadcast %add3A_2102 : i32 to vector<16xi32>
      %add3A_2104 = arith.addi %iota3A, %add3A_2103 : vector<16xi32>
      %jit3A_2105 = arith.constant 1048576 : i32
      %broadcast_in_dim3A_2106 = vector.broadcast %jit3A_2105 : i32 to vector<16xi32>
      %select_n3A_2107 = arith.select %eq3A_2101, %add3A_2104, %broadcast_in_dim3A_2106 : vector<16xi1>, vector<16xi32>
      %reduce_min3A_2108 = arith.constant true
      %reduce_min3A_2109 = vector.broadcast %reduce_min3A_2108 : i1 to vector<16xi1>
      %reduce_min3A_2110 = arith.constant -2147483648 : i32
      %reduce_min3A_2111 = vector.broadcast %reduce_min3A_2110 : i32 to vector<16xi32>
      %reduce_min3A_2112 = arith.xori %select_n3A_2107, %reduce_min3A_2111 : vector<16xi32>
      %reduce_min3A_2113 = tpu.scan <min>, %reduce_min3A_2112 masked %reduce_min3A_2109 : vector<16xi32>, vector<16xi1> -> vector<16xi32>
      %reduce_min3A_2114 = arith.xori %reduce_min3A_2113, %reduce_min3A_2111 : vector<16xi32>
      %reduce_min3A_2115 = vector.extract %reduce_min3A_2114[15] : i32 from vector<16xi32>
      %eq3A_2116 = vector.broadcast %max3A_2067 : f32 to vector<16xf32>
      %eq3A_2117 = arith.cmpf oeq, %select_n3A_2048, %eq3A_2116 : vector<16xf32>
      %add3A_2118 = arith.constant 48 : i32
      %add3A_2119 = vector.broadcast %add3A_2118 : i32 to vector<16xi32>
      %add3A_2120 = arith.addi %iota3A, %add3A_2119 : vector<16xi32>
      %jit3A_2121 = arith.constant 1048576 : i32
      %broadcast_in_dim3A_2122 = vector.broadcast %jit3A_2121 : i32 to vector<16xi32>
      %select_n3A_2123 = arith.select %eq3A_2117, %add3A_2120, %broadcast_in_dim3A_2122 : vector<16xi1>, vector<16xi32>
      %reduce_min3A_2124 = arith.constant true
      %reduce_min3A_2125 = vector.broadcast %reduce_min3A_2124 : i1 to vector<16xi1>
      %reduce_min3A_2126 = arith.constant -2147483648 : i32
      %reduce_min3A_2127 = vector.broadcast %reduce_min3A_2126 : i32 to vector<16xi32>
      %reduce_min3A_2128 = arith.xori %select_n3A_2123, %reduce_min3A_2127 : vector<16xi32>
      %reduce_min3A_2129 = tpu.scan <min>, %reduce_min3A_2128 masked %reduce_min3A_2125 : vector<16xi32>, vector<16xi1> -> vector<16xi32>
      %reduce_min3A_2130 = arith.xori %reduce_min3A_2129, %reduce_min3A_2127 : vector<16xi32>
      %reduce_min3A_2131 = vector.extract %reduce_min3A_2130[15] : i32 from vector<16xi32>
      %min3A_2132 = arith.minsi %reduce_min3A_2083, %reduce_min3A_2099 : i32
      %min3A_2133 = arith.minsi %reduce_min3A_2115, %reduce_min3A_2131 : i32
      %min3A_2134 = arith.minsi %min3A_2132, %min3A_2133 : i32
      %eq3A_2135 = arith.constant 12 : i32
      %eq3A_2136 = vector.broadcast %eq3A_2135 : i32 to vector<16xi32>
      %eq3A_2137 = arith.cmpi eq, %iota3A, %eq3A_2136 : vector<16xi32>
      %broadcast_in_dim3A_2138 = vector.broadcast %min3A_2134 : i32 to vector<16xi32>
      %select_n3A_2139 = arith.select %eq3A_2137, %broadcast_in_dim3A_2138, %select_n3A_2016 : vector<16xi1>, vector<16xi32>
      %add3A_2140 = arith.constant 0 : i32
      %add3A_2141 = vector.broadcast %add3A_2140 : i32 to vector<16xi32>
      %add3A_2142 = arith.addi %iota3A, %add3A_2141 : vector<16xi32>
      %eq3A_2143 = vector.broadcast %min3A_2134 : i32 to vector<16xi32>
      %eq3A_2144 = arith.cmpi eq, %add3A_2142, %eq3A_2143 : vector<16xi32>
      %jit3A_2145 = arith.constant -3.000000e+38 : f32
      %broadcast_in_dim3A_2146 = vector.broadcast %jit3A_2145 : f32 to vector<16xf32>
      %select_n3A_2147 = arith.select %eq3A_2144, %broadcast_in_dim3A_2146, %select_n3A_2024 : vector<16xi1>, vector<16xf32>
      %add3A_2148 = arith.constant 16 : i32
      %add3A_2149 = vector.broadcast %add3A_2148 : i32 to vector<16xi32>
      %add3A_2150 = arith.addi %iota3A, %add3A_2149 : vector<16xi32>
      %eq3A_2151 = vector.broadcast %min3A_2134 : i32 to vector<16xi32>
      %eq3A_2152 = arith.cmpi eq, %add3A_2150, %eq3A_2151 : vector<16xi32>
      %jit3A_2153 = arith.constant -3.000000e+38 : f32
      %broadcast_in_dim3A_2154 = vector.broadcast %jit3A_2153 : f32 to vector<16xf32>
      %select_n3A_2155 = arith.select %eq3A_2152, %broadcast_in_dim3A_2154, %select_n3A_2032 : vector<16xi1>, vector<16xf32>
      %add3A_2156 = arith.constant 32 : i32
      %add3A_2157 = vector.broadcast %add3A_2156 : i32 to vector<16xi32>
      %add3A_2158 = arith.addi %iota3A, %add3A_2157 : vector<16xi32>
      %eq3A_2159 = vector.broadcast %min3A_2134 : i32 to vector<16xi32>
      %eq3A_2160 = arith.cmpi eq, %add3A_2158, %eq3A_2159 : vector<16xi32>
      %jit3A_2161 = arith.constant -3.000000e+38 : f32
      %broadcast_in_dim3A_2162 = vector.broadcast %jit3A_2161 : f32 to vector<16xf32>
      %select_n3A_2163 = arith.select %eq3A_2160, %broadcast_in_dim3A_2162, %select_n3A_2040 : vector<16xi1>, vector<16xf32>
      %add3A_2164 = arith.constant 48 : i32
      %add3A_2165 = vector.broadcast %add3A_2164 : i32 to vector<16xi32>
      %add3A_2166 = arith.addi %iota3A, %add3A_2165 : vector<16xi32>
      %eq3A_2167 = vector.broadcast %min3A_2134 : i32 to vector<16xi32>
      %eq3A_2168 = arith.cmpi eq, %add3A_2166, %eq3A_2167 : vector<16xi32>
      %jit3A_2169 = arith.constant -3.000000e+38 : f32
      %broadcast_in_dim3A_2170 = vector.broadcast %jit3A_2169 : f32 to vector<16xf32>
      %select_n3A_2171 = arith.select %eq3A_2168, %broadcast_in_dim3A_2170, %select_n3A_2048 : vector<16xi1>, vector<16xf32>
      %reduce_max3A_2172 = arith.constant true
      %reduce_max3A_2173 = vector.broadcast %reduce_max3A_2172 : i1 to vector<16xi1>
      %reduce_max3A_2174 = tpu.scan <max>, %select_n3A_2147 masked %reduce_max3A_2173 : vector<16xf32>, vector<16xi1> -> vector<16xf32>
      %reduce_max3A_2175 = vector.extract %reduce_max3A_2174[15] : f32 from vector<16xf32>
      %reduce_max3A_2176 = arith.constant true
      %reduce_max3A_2177 = vector.broadcast %reduce_max3A_2176 : i1 to vector<16xi1>
      %reduce_max3A_2178 = tpu.scan <max>, %select_n3A_2155 masked %reduce_max3A_2177 : vector<16xf32>, vector<16xi1> -> vector<16xf32>
      %reduce_max3A_2179 = vector.extract %reduce_max3A_2178[15] : f32 from vector<16xf32>
      %max3A_2180 = arith.maximumf %reduce_max3A_2175, %reduce_max3A_2179 : f32
      %reduce_max3A_2181 = arith.constant true
      %reduce_max3A_2182 = vector.broadcast %reduce_max3A_2181 : i1 to vector<16xi1>
      %reduce_max3A_2183 = tpu.scan <max>, %select_n3A_2163 masked %reduce_max3A_2182 : vector<16xf32>, vector<16xi1> -> vector<16xf32>
      %reduce_max3A_2184 = vector.extract %reduce_max3A_2183[15] : f32 from vector<16xf32>
      %reduce_max3A_2185 = arith.constant true
      %reduce_max3A_2186 = vector.broadcast %reduce_max3A_2185 : i1 to vector<16xi1>
      %reduce_max3A_2187 = tpu.scan <max>, %select_n3A_2171 masked %reduce_max3A_2186 : vector<16xf32>, vector<16xi1> -> vector<16xf32>
      %reduce_max3A_2188 = vector.extract %reduce_max3A_2187[15] : f32 from vector<16xf32>
      %max3A_2189 = arith.maximumf %reduce_max3A_2184, %reduce_max3A_2188 : f32
      %max3A_2190 = arith.maximumf %max3A_2180, %max3A_2189 : f32
      %eq3A_2191 = vector.broadcast %max3A_2190 : f32 to vector<16xf32>
      %eq3A_2192 = arith.cmpf oeq, %select_n3A_2147, %eq3A_2191 : vector<16xf32>
      %add3A_2193 = arith.constant 0 : i32
      %add3A_2194 = vector.broadcast %add3A_2193 : i32 to vector<16xi32>
      %add3A_2195 = arith.addi %iota3A, %add3A_2194 : vector<16xi32>
      %jit3A_2196 = arith.constant 1048576 : i32
      %broadcast_in_dim3A_2197 = vector.broadcast %jit3A_2196 : i32 to vector<16xi32>
      %select_n3A_2198 = arith.select %eq3A_2192, %add3A_2195, %broadcast_in_dim3A_2197 : vector<16xi1>, vector<16xi32>
      %reduce_min3A_2199 = arith.constant true
      %reduce_min3A_2200 = vector.broadcast %reduce_min3A_2199 : i1 to vector<16xi1>
      %reduce_min3A_2201 = arith.constant -2147483648 : i32
      %reduce_min3A_2202 = vector.broadcast %reduce_min3A_2201 : i32 to vector<16xi32>
      %reduce_min3A_2203 = arith.xori %select_n3A_2198, %reduce_min3A_2202 : vector<16xi32>
      %reduce_min3A_2204 = tpu.scan <min>, %reduce_min3A_2203 masked %reduce_min3A_2200 : vector<16xi32>, vector<16xi1> -> vector<16xi32>
      %reduce_min3A_2205 = arith.xori %reduce_min3A_2204, %reduce_min3A_2202 : vector<16xi32>
      %reduce_min3A_2206 = vector.extract %reduce_min3A_2205[15] : i32 from vector<16xi32>
      %eq3A_2207 = vector.broadcast %max3A_2190 : f32 to vector<16xf32>
      %eq3A_2208 = arith.cmpf oeq, %select_n3A_2155, %eq3A_2207 : vector<16xf32>
      %add3A_2209 = arith.constant 16 : i32
      %add3A_2210 = vector.broadcast %add3A_2209 : i32 to vector<16xi32>
      %add3A_2211 = arith.addi %iota3A, %add3A_2210 : vector<16xi32>
      %jit3A_2212 = arith.constant 1048576 : i32
      %broadcast_in_dim3A_2213 = vector.broadcast %jit3A_2212 : i32 to vector<16xi32>
      %select_n3A_2214 = arith.select %eq3A_2208, %add3A_2211, %broadcast_in_dim3A_2213 : vector<16xi1>, vector<16xi32>
      %reduce_min3A_2215 = arith.constant true
      %reduce_min3A_2216 = vector.broadcast %reduce_min3A_2215 : i1 to vector<16xi1>
      %reduce_min3A_2217 = arith.constant -2147483648 : i32
      %reduce_min3A_2218 = vector.broadcast %reduce_min3A_2217 : i32 to vector<16xi32>
      %reduce_min3A_2219 = arith.xori %select_n3A_2214, %reduce_min3A_2218 : vector<16xi32>
      %reduce_min3A_2220 = tpu.scan <min>, %reduce_min3A_2219 masked %reduce_min3A_2216 : vector<16xi32>, vector<16xi1> -> vector<16xi32>
      %reduce_min3A_2221 = arith.xori %reduce_min3A_2220, %reduce_min3A_2218 : vector<16xi32>
      %reduce_min3A_2222 = vector.extract %reduce_min3A_2221[15] : i32 from vector<16xi32>
      %eq3A_2223 = vector.broadcast %max3A_2190 : f32 to vector<16xf32>
      %eq3A_2224 = arith.cmpf oeq, %select_n3A_2163, %eq3A_2223 : vector<16xf32>
      %add3A_2225 = arith.constant 32 : i32
      %add3A_2226 = vector.broadcast %add3A_2225 : i32 to vector<16xi32>
      %add3A_2227 = arith.addi %iota3A, %add3A_2226 : vector<16xi32>
      %jit3A_2228 = arith.constant 1048576 : i32
      %broadcast_in_dim3A_2229 = vector.broadcast %jit3A_2228 : i32 to vector<16xi32>
      %select_n3A_2230 = arith.select %eq3A_2224, %add3A_2227, %broadcast_in_dim3A_2229 : vector<16xi1>, vector<16xi32>
      %reduce_min3A_2231 = arith.constant true
      %reduce_min3A_2232 = vector.broadcast %reduce_min3A_2231 : i1 to vector<16xi1>
      %reduce_min3A_2233 = arith.constant -2147483648 : i32
      %reduce_min3A_2234 = vector.broadcast %reduce_min3A_2233 : i32 to vector<16xi32>
      %reduce_min3A_2235 = arith.xori %select_n3A_2230, %reduce_min3A_2234 : vector<16xi32>
      %reduce_min3A_2236 = tpu.scan <min>, %reduce_min3A_2235 masked %reduce_min3A_2232 : vector<16xi32>, vector<16xi1> -> vector<16xi32>
      %reduce_min3A_2237 = arith.xori %reduce_min3A_2236, %reduce_min3A_2234 : vector<16xi32>
      %reduce_min3A_2238 = vector.extract %reduce_min3A_2237[15] : i32 from vector<16xi32>
      %eq3A_2239 = vector.broadcast %max3A_2190 : f32 to vector<16xf32>
      %eq3A_2240 = arith.cmpf oeq, %select_n3A_2171, %eq3A_2239 : vector<16xf32>
      %add3A_2241 = arith.constant 48 : i32
      %add3A_2242 = vector.broadcast %add3A_2241 : i32 to vector<16xi32>
      %add3A_2243 = arith.addi %iota3A, %add3A_2242 : vector<16xi32>
      %jit3A_2244 = arith.constant 1048576 : i32
      %broadcast_in_dim3A_2245 = vector.broadcast %jit3A_2244 : i32 to vector<16xi32>
      %select_n3A_2246 = arith.select %eq3A_2240, %add3A_2243, %broadcast_in_dim3A_2245 : vector<16xi1>, vector<16xi32>
      %reduce_min3A_2247 = arith.constant true
      %reduce_min3A_2248 = vector.broadcast %reduce_min3A_2247 : i1 to vector<16xi1>
      %reduce_min3A_2249 = arith.constant -2147483648 : i32
      %reduce_min3A_2250 = vector.broadcast %reduce_min3A_2249 : i32 to vector<16xi32>
      %reduce_min3A_2251 = arith.xori %select_n3A_2246, %reduce_min3A_2250 : vector<16xi32>
      %reduce_min3A_2252 = tpu.scan <min>, %reduce_min3A_2251 masked %reduce_min3A_2248 : vector<16xi32>, vector<16xi1> -> vector<16xi32>
      %reduce_min3A_2253 = arith.xori %reduce_min3A_2252, %reduce_min3A_2250 : vector<16xi32>
      %reduce_min3A_2254 = vector.extract %reduce_min3A_2253[15] : i32 from vector<16xi32>
      %min3A_2255 = arith.minsi %reduce_min3A_2206, %reduce_min3A_2222 : i32
      %min3A_2256 = arith.minsi %reduce_min3A_2238, %reduce_min3A_2254 : i32
      %min3A_2257 = arith.minsi %min3A_2255, %min3A_2256 : i32
      %eq3A_2258 = arith.constant 13 : i32
      %eq3A_2259 = vector.broadcast %eq3A_2258 : i32 to vector<16xi32>
      %eq3A_2260 = arith.cmpi eq, %iota3A, %eq3A_2259 : vector<16xi32>
      %broadcast_in_dim3A_2261 = vector.broadcast %min3A_2257 : i32 to vector<16xi32>
      %select_n3A_2262 = arith.select %eq3A_2260, %broadcast_in_dim3A_2261, %select_n3A_2139 : vector<16xi1>, vector<16xi32>
      %add3A_2263 = arith.constant 0 : i32
      %add3A_2264 = vector.broadcast %add3A_2263 : i32 to vector<16xi32>
      %add3A_2265 = arith.addi %iota3A, %add3A_2264 : vector<16xi32>
      %eq3A_2266 = vector.broadcast %min3A_2257 : i32 to vector<16xi32>
      %eq3A_2267 = arith.cmpi eq, %add3A_2265, %eq3A_2266 : vector<16xi32>
      %jit3A_2268 = arith.constant -3.000000e+38 : f32
      %broadcast_in_dim3A_2269 = vector.broadcast %jit3A_2268 : f32 to vector<16xf32>
      %select_n3A_2270 = arith.select %eq3A_2267, %broadcast_in_dim3A_2269, %select_n3A_2147 : vector<16xi1>, vector<16xf32>
      %add3A_2271 = arith.constant 16 : i32
      %add3A_2272 = vector.broadcast %add3A_2271 : i32 to vector<16xi32>
      %add3A_2273 = arith.addi %iota3A, %add3A_2272 : vector<16xi32>
      %eq3A_2274 = vector.broadcast %min3A_2257 : i32 to vector<16xi32>
      %eq3A_2275 = arith.cmpi eq, %add3A_2273, %eq3A_2274 : vector<16xi32>
      %jit3A_2276 = arith.constant -3.000000e+38 : f32
      %broadcast_in_dim3A_2277 = vector.broadcast %jit3A_2276 : f32 to vector<16xf32>
      %select_n3A_2278 = arith.select %eq3A_2275, %broadcast_in_dim3A_2277, %select_n3A_2155 : vector<16xi1>, vector<16xf32>
      %add3A_2279 = arith.constant 32 : i32
      %add3A_2280 = vector.broadcast %add3A_2279 : i32 to vector<16xi32>
      %add3A_2281 = arith.addi %iota3A, %add3A_2280 : vector<16xi32>
      %eq3A_2282 = vector.broadcast %min3A_2257 : i32 to vector<16xi32>
      %eq3A_2283 = arith.cmpi eq, %add3A_2281, %eq3A_2282 : vector<16xi32>
      %jit3A_2284 = arith.constant -3.000000e+38 : f32
      %broadcast_in_dim3A_2285 = vector.broadcast %jit3A_2284 : f32 to vector<16xf32>
      %select_n3A_2286 = arith.select %eq3A_2283, %broadcast_in_dim3A_2285, %select_n3A_2163 : vector<16xi1>, vector<16xf32>
      %add3A_2287 = arith.constant 48 : i32
      %add3A_2288 = vector.broadcast %add3A_2287 : i32 to vector<16xi32>
      %add3A_2289 = arith.addi %iota3A, %add3A_2288 : vector<16xi32>
      %eq3A_2290 = vector.broadcast %min3A_2257 : i32 to vector<16xi32>
      %eq3A_2291 = arith.cmpi eq, %add3A_2289, %eq3A_2290 : vector<16xi32>
      %jit3A_2292 = arith.constant -3.000000e+38 : f32
      %broadcast_in_dim3A_2293 = vector.broadcast %jit3A_2292 : f32 to vector<16xf32>
      %select_n3A_2294 = arith.select %eq3A_2291, %broadcast_in_dim3A_2293, %select_n3A_2171 : vector<16xi1>, vector<16xf32>
      %reduce_max3A_2295 = arith.constant true
      %reduce_max3A_2296 = vector.broadcast %reduce_max3A_2295 : i1 to vector<16xi1>
      %reduce_max3A_2297 = tpu.scan <max>, %select_n3A_2270 masked %reduce_max3A_2296 : vector<16xf32>, vector<16xi1> -> vector<16xf32>
      %reduce_max3A_2298 = vector.extract %reduce_max3A_2297[15] : f32 from vector<16xf32>
      %reduce_max3A_2299 = arith.constant true
      %reduce_max3A_2300 = vector.broadcast %reduce_max3A_2299 : i1 to vector<16xi1>
      %reduce_max3A_2301 = tpu.scan <max>, %select_n3A_2278 masked %reduce_max3A_2300 : vector<16xf32>, vector<16xi1> -> vector<16xf32>
      %reduce_max3A_2302 = vector.extract %reduce_max3A_2301[15] : f32 from vector<16xf32>
      %max3A_2303 = arith.maximumf %reduce_max3A_2298, %reduce_max3A_2302 : f32
      %reduce_max3A_2304 = arith.constant true
      %reduce_max3A_2305 = vector.broadcast %reduce_max3A_2304 : i1 to vector<16xi1>
      %reduce_max3A_2306 = tpu.scan <max>, %select_n3A_2286 masked %reduce_max3A_2305 : vector<16xf32>, vector<16xi1> -> vector<16xf32>
      %reduce_max3A_2307 = vector.extract %reduce_max3A_2306[15] : f32 from vector<16xf32>
      %reduce_max3A_2308 = arith.constant true
      %reduce_max3A_2309 = vector.broadcast %reduce_max3A_2308 : i1 to vector<16xi1>
      %reduce_max3A_2310 = tpu.scan <max>, %select_n3A_2294 masked %reduce_max3A_2309 : vector<16xf32>, vector<16xi1> -> vector<16xf32>
      %reduce_max3A_2311 = vector.extract %reduce_max3A_2310[15] : f32 from vector<16xf32>
      %max3A_2312 = arith.maximumf %reduce_max3A_2307, %reduce_max3A_2311 : f32
      %max3A_2313 = arith.maximumf %max3A_2303, %max3A_2312 : f32
      %eq3A_2314 = vector.broadcast %max3A_2313 : f32 to vector<16xf32>
      %eq3A_2315 = arith.cmpf oeq, %select_n3A_2270, %eq3A_2314 : vector<16xf32>
      %add3A_2316 = arith.constant 0 : i32
      %add3A_2317 = vector.broadcast %add3A_2316 : i32 to vector<16xi32>
      %add3A_2318 = arith.addi %iota3A, %add3A_2317 : vector<16xi32>
      %jit3A_2319 = arith.constant 1048576 : i32
      %broadcast_in_dim3A_2320 = vector.broadcast %jit3A_2319 : i32 to vector<16xi32>
      %select_n3A_2321 = arith.select %eq3A_2315, %add3A_2318, %broadcast_in_dim3A_2320 : vector<16xi1>, vector<16xi32>
      %reduce_min3A_2322 = arith.constant true
      %reduce_min3A_2323 = vector.broadcast %reduce_min3A_2322 : i1 to vector<16xi1>
      %reduce_min3A_2324 = arith.constant -2147483648 : i32
      %reduce_min3A_2325 = vector.broadcast %reduce_min3A_2324 : i32 to vector<16xi32>
      %reduce_min3A_2326 = arith.xori %select_n3A_2321, %reduce_min3A_2325 : vector<16xi32>
      %reduce_min3A_2327 = tpu.scan <min>, %reduce_min3A_2326 masked %reduce_min3A_2323 : vector<16xi32>, vector<16xi1> -> vector<16xi32>
      %reduce_min3A_2328 = arith.xori %reduce_min3A_2327, %reduce_min3A_2325 : vector<16xi32>
      %reduce_min3A_2329 = vector.extract %reduce_min3A_2328[15] : i32 from vector<16xi32>
      %eq3A_2330 = vector.broadcast %max3A_2313 : f32 to vector<16xf32>
      %eq3A_2331 = arith.cmpf oeq, %select_n3A_2278, %eq3A_2330 : vector<16xf32>
      %add3A_2332 = arith.constant 16 : i32
      %add3A_2333 = vector.broadcast %add3A_2332 : i32 to vector<16xi32>
      %add3A_2334 = arith.addi %iota3A, %add3A_2333 : vector<16xi32>
      %jit3A_2335 = arith.constant 1048576 : i32
      %broadcast_in_dim3A_2336 = vector.broadcast %jit3A_2335 : i32 to vector<16xi32>
      %select_n3A_2337 = arith.select %eq3A_2331, %add3A_2334, %broadcast_in_dim3A_2336 : vector<16xi1>, vector<16xi32>
      %reduce_min3A_2338 = arith.constant true
      %reduce_min3A_2339 = vector.broadcast %reduce_min3A_2338 : i1 to vector<16xi1>
      %reduce_min3A_2340 = arith.constant -2147483648 : i32
      %reduce_min3A_2341 = vector.broadcast %reduce_min3A_2340 : i32 to vector<16xi32>
      %reduce_min3A_2342 = arith.xori %select_n3A_2337, %reduce_min3A_2341 : vector<16xi32>
      %reduce_min3A_2343 = tpu.scan <min>, %reduce_min3A_2342 masked %reduce_min3A_2339 : vector<16xi32>, vector<16xi1> -> vector<16xi32>
      %reduce_min3A_2344 = arith.xori %reduce_min3A_2343, %reduce_min3A_2341 : vector<16xi32>
      %reduce_min3A_2345 = vector.extract %reduce_min3A_2344[15] : i32 from vector<16xi32>
      %eq3A_2346 = vector.broadcast %max3A_2313 : f32 to vector<16xf32>
      %eq3A_2347 = arith.cmpf oeq, %select_n3A_2286, %eq3A_2346 : vector<16xf32>
      %add3A_2348 = arith.constant 32 : i32
      %add3A_2349 = vector.broadcast %add3A_2348 : i32 to vector<16xi32>
      %add3A_2350 = arith.addi %iota3A, %add3A_2349 : vector<16xi32>
      %jit3A_2351 = arith.constant 1048576 : i32
      %broadcast_in_dim3A_2352 = vector.broadcast %jit3A_2351 : i32 to vector<16xi32>
      %select_n3A_2353 = arith.select %eq3A_2347, %add3A_2350, %broadcast_in_dim3A_2352 : vector<16xi1>, vector<16xi32>
      %reduce_min3A_2354 = arith.constant true
      %reduce_min3A_2355 = vector.broadcast %reduce_min3A_2354 : i1 to vector<16xi1>
      %reduce_min3A_2356 = arith.constant -2147483648 : i32
      %reduce_min3A_2357 = vector.broadcast %reduce_min3A_2356 : i32 to vector<16xi32>
      %reduce_min3A_2358 = arith.xori %select_n3A_2353, %reduce_min3A_2357 : vector<16xi32>
      %reduce_min3A_2359 = tpu.scan <min>, %reduce_min3A_2358 masked %reduce_min3A_2355 : vector<16xi32>, vector<16xi1> -> vector<16xi32>
      %reduce_min3A_2360 = arith.xori %reduce_min3A_2359, %reduce_min3A_2357 : vector<16xi32>
      %reduce_min3A_2361 = vector.extract %reduce_min3A_2360[15] : i32 from vector<16xi32>
      %eq3A_2362 = vector.broadcast %max3A_2313 : f32 to vector<16xf32>
      %eq3A_2363 = arith.cmpf oeq, %select_n3A_2294, %eq3A_2362 : vector<16xf32>
      %add3A_2364 = arith.constant 48 : i32
      %add3A_2365 = vector.broadcast %add3A_2364 : i32 to vector<16xi32>
      %add3A_2366 = arith.addi %iota3A, %add3A_2365 : vector<16xi32>
      %jit3A_2367 = arith.constant 1048576 : i32
      %broadcast_in_dim3A_2368 = vector.broadcast %jit3A_2367 : i32 to vector<16xi32>
      %select_n3A_2369 = arith.select %eq3A_2363, %add3A_2366, %broadcast_in_dim3A_2368 : vector<16xi1>, vector<16xi32>
      %reduce_min3A_2370 = arith.constant true
      %reduce_min3A_2371 = vector.broadcast %reduce_min3A_2370 : i1 to vector<16xi1>
      %reduce_min3A_2372 = arith.constant -2147483648 : i32
      %reduce_min3A_2373 = vector.broadcast %reduce_min3A_2372 : i32 to vector<16xi32>
      %reduce_min3A_2374 = arith.xori %select_n3A_2369, %reduce_min3A_2373 : vector<16xi32>
      %reduce_min3A_2375 = tpu.scan <min>, %reduce_min3A_2374 masked %reduce_min3A_2371 : vector<16xi32>, vector<16xi1> -> vector<16xi32>
      %reduce_min3A_2376 = arith.xori %reduce_min3A_2375, %reduce_min3A_2373 : vector<16xi32>
      %reduce_min3A_2377 = vector.extract %reduce_min3A_2376[15] : i32 from vector<16xi32>
      %min3A_2378 = arith.minsi %reduce_min3A_2329, %reduce_min3A_2345 : i32
      %min3A_2379 = arith.minsi %reduce_min3A_2361, %reduce_min3A_2377 : i32
      %min3A_2380 = arith.minsi %min3A_2378, %min3A_2379 : i32
      %eq3A_2381 = arith.constant 14 : i32
      %eq3A_2382 = vector.broadcast %eq3A_2381 : i32 to vector<16xi32>
      %eq3A_2383 = arith.cmpi eq, %iota3A, %eq3A_2382 : vector<16xi32>
      %broadcast_in_dim3A_2384 = vector.broadcast %min3A_2380 : i32 to vector<16xi32>
      %select_n3A_2385 = arith.select %eq3A_2383, %broadcast_in_dim3A_2384, %select_n3A_2262 : vector<16xi1>, vector<16xi32>
      %add3A_2386 = arith.constant 0 : i32
      %add3A_2387 = vector.broadcast %add3A_2386 : i32 to vector<16xi32>
      %add3A_2388 = arith.addi %iota3A, %add3A_2387 : vector<16xi32>
      %eq3A_2389 = vector.broadcast %min3A_2380 : i32 to vector<16xi32>
      %eq3A_2390 = arith.cmpi eq, %add3A_2388, %eq3A_2389 : vector<16xi32>
      %jit3A_2391 = arith.constant -3.000000e+38 : f32
      %broadcast_in_dim3A_2392 = vector.broadcast %jit3A_2391 : f32 to vector<16xf32>
      %select_n3A_2393 = arith.select %eq3A_2390, %broadcast_in_dim3A_2392, %select_n3A_2270 : vector<16xi1>, vector<16xf32>
      %add3A_2394 = arith.constant 16 : i32
      %add3A_2395 = vector.broadcast %add3A_2394 : i32 to vector<16xi32>
      %add3A_2396 = arith.addi %iota3A, %add3A_2395 : vector<16xi32>
      %eq3A_2397 = vector.broadcast %min3A_2380 : i32 to vector<16xi32>
      %eq3A_2398 = arith.cmpi eq, %add3A_2396, %eq3A_2397 : vector<16xi32>
      %jit3A_2399 = arith.constant -3.000000e+38 : f32
      %broadcast_in_dim3A_2400 = vector.broadcast %jit3A_2399 : f32 to vector<16xf32>
      %select_n3A_2401 = arith.select %eq3A_2398, %broadcast_in_dim3A_2400, %select_n3A_2278 : vector<16xi1>, vector<16xf32>
      %add3A_2402 = arith.constant 32 : i32
      %add3A_2403 = vector.broadcast %add3A_2402 : i32 to vector<16xi32>
      %add3A_2404 = arith.addi %iota3A, %add3A_2403 : vector<16xi32>
      %eq3A_2405 = vector.broadcast %min3A_2380 : i32 to vector<16xi32>
      %eq3A_2406 = arith.cmpi eq, %add3A_2404, %eq3A_2405 : vector<16xi32>
      %jit3A_2407 = arith.constant -3.000000e+38 : f32
      %broadcast_in_dim3A_2408 = vector.broadcast %jit3A_2407 : f32 to vector<16xf32>
      %select_n3A_2409 = arith.select %eq3A_2406, %broadcast_in_dim3A_2408, %select_n3A_2286 : vector<16xi1>, vector<16xf32>
      %add3A_2410 = arith.constant 48 : i32
      %add3A_2411 = vector.broadcast %add3A_2410 : i32 to vector<16xi32>
      %add3A_2412 = arith.addi %iota3A, %add3A_2411 : vector<16xi32>
      %eq3A_2413 = vector.broadcast %min3A_2380 : i32 to vector<16xi32>
      %eq3A_2414 = arith.cmpi eq, %add3A_2412, %eq3A_2413 : vector<16xi32>
      %jit3A_2415 = arith.constant -3.000000e+38 : f32
      %broadcast_in_dim3A_2416 = vector.broadcast %jit3A_2415 : f32 to vector<16xf32>
      %select_n3A_2417 = arith.select %eq3A_2414, %broadcast_in_dim3A_2416, %select_n3A_2294 : vector<16xi1>, vector<16xf32>
      %reduce_max3A_2418 = arith.constant true
      %reduce_max3A_2419 = vector.broadcast %reduce_max3A_2418 : i1 to vector<16xi1>
      %reduce_max3A_2420 = tpu.scan <max>, %select_n3A_2393 masked %reduce_max3A_2419 : vector<16xf32>, vector<16xi1> -> vector<16xf32>
      %reduce_max3A_2421 = vector.extract %reduce_max3A_2420[15] : f32 from vector<16xf32>
      %reduce_max3A_2422 = arith.constant true
      %reduce_max3A_2423 = vector.broadcast %reduce_max3A_2422 : i1 to vector<16xi1>
      %reduce_max3A_2424 = tpu.scan <max>, %select_n3A_2401 masked %reduce_max3A_2423 : vector<16xf32>, vector<16xi1> -> vector<16xf32>
      %reduce_max3A_2425 = vector.extract %reduce_max3A_2424[15] : f32 from vector<16xf32>
      %max3A_2426 = arith.maximumf %reduce_max3A_2421, %reduce_max3A_2425 : f32
      %reduce_max3A_2427 = arith.constant true
      %reduce_max3A_2428 = vector.broadcast %reduce_max3A_2427 : i1 to vector<16xi1>
      %reduce_max3A_2429 = tpu.scan <max>, %select_n3A_2409 masked %reduce_max3A_2428 : vector<16xf32>, vector<16xi1> -> vector<16xf32>
      %reduce_max3A_2430 = vector.extract %reduce_max3A_2429[15] : f32 from vector<16xf32>
      %reduce_max3A_2431 = arith.constant true
      %reduce_max3A_2432 = vector.broadcast %reduce_max3A_2431 : i1 to vector<16xi1>
      %reduce_max3A_2433 = tpu.scan <max>, %select_n3A_2417 masked %reduce_max3A_2432 : vector<16xf32>, vector<16xi1> -> vector<16xf32>
      %reduce_max3A_2434 = vector.extract %reduce_max3A_2433[15] : f32 from vector<16xf32>
      %max3A_2435 = arith.maximumf %reduce_max3A_2430, %reduce_max3A_2434 : f32
      %max3A_2436 = arith.maximumf %max3A_2426, %max3A_2435 : f32
      %eq3A_2437 = vector.broadcast %max3A_2436 : f32 to vector<16xf32>
      %eq3A_2438 = arith.cmpf oeq, %select_n3A_2393, %eq3A_2437 : vector<16xf32>
      %add3A_2439 = arith.constant 0 : i32
      %add3A_2440 = vector.broadcast %add3A_2439 : i32 to vector<16xi32>
      %add3A_2441 = arith.addi %iota3A, %add3A_2440 : vector<16xi32>
      %jit3A_2442 = arith.constant 1048576 : i32
      %broadcast_in_dim3A_2443 = vector.broadcast %jit3A_2442 : i32 to vector<16xi32>
      %select_n3A_2444 = arith.select %eq3A_2438, %add3A_2441, %broadcast_in_dim3A_2443 : vector<16xi1>, vector<16xi32>
      %reduce_min3A_2445 = arith.constant true
      %reduce_min3A_2446 = vector.broadcast %reduce_min3A_2445 : i1 to vector<16xi1>
      %reduce_min3A_2447 = arith.constant -2147483648 : i32
      %reduce_min3A_2448 = vector.broadcast %reduce_min3A_2447 : i32 to vector<16xi32>
      %reduce_min3A_2449 = arith.xori %select_n3A_2444, %reduce_min3A_2448 : vector<16xi32>
      %reduce_min3A_2450 = tpu.scan <min>, %reduce_min3A_2449 masked %reduce_min3A_2446 : vector<16xi32>, vector<16xi1> -> vector<16xi32>
      %reduce_min3A_2451 = arith.xori %reduce_min3A_2450, %reduce_min3A_2448 : vector<16xi32>
      %reduce_min3A_2452 = vector.extract %reduce_min3A_2451[15] : i32 from vector<16xi32>
      %eq3A_2453 = vector.broadcast %max3A_2436 : f32 to vector<16xf32>
      %eq3A_2454 = arith.cmpf oeq, %select_n3A_2401, %eq3A_2453 : vector<16xf32>
      %add3A_2455 = arith.constant 16 : i32
      %add3A_2456 = vector.broadcast %add3A_2455 : i32 to vector<16xi32>
      %add3A_2457 = arith.addi %iota3A, %add3A_2456 : vector<16xi32>
      %jit3A_2458 = arith.constant 1048576 : i32
      %broadcast_in_dim3A_2459 = vector.broadcast %jit3A_2458 : i32 to vector<16xi32>
      %select_n3A_2460 = arith.select %eq3A_2454, %add3A_2457, %broadcast_in_dim3A_2459 : vector<16xi1>, vector<16xi32>
      %reduce_min3A_2461 = arith.constant true
      %reduce_min3A_2462 = vector.broadcast %reduce_min3A_2461 : i1 to vector<16xi1>
      %reduce_min3A_2463 = arith.constant -2147483648 : i32
      %reduce_min3A_2464 = vector.broadcast %reduce_min3A_2463 : i32 to vector<16xi32>
      %reduce_min3A_2465 = arith.xori %select_n3A_2460, %reduce_min3A_2464 : vector<16xi32>
      %reduce_min3A_2466 = tpu.scan <min>, %reduce_min3A_2465 masked %reduce_min3A_2462 : vector<16xi32>, vector<16xi1> -> vector<16xi32>
      %reduce_min3A_2467 = arith.xori %reduce_min3A_2466, %reduce_min3A_2464 : vector<16xi32>
      %reduce_min3A_2468 = vector.extract %reduce_min3A_2467[15] : i32 from vector<16xi32>
      %eq3A_2469 = vector.broadcast %max3A_2436 : f32 to vector<16xf32>
      %eq3A_2470 = arith.cmpf oeq, %select_n3A_2409, %eq3A_2469 : vector<16xf32>
      %add3A_2471 = arith.constant 32 : i32
      %add3A_2472 = vector.broadcast %add3A_2471 : i32 to vector<16xi32>
      %add3A_2473 = arith.addi %iota3A, %add3A_2472 : vector<16xi32>
      %jit3A_2474 = arith.constant 1048576 : i32
      %broadcast_in_dim3A_2475 = vector.broadcast %jit3A_2474 : i32 to vector<16xi32>
      %select_n3A_2476 = arith.select %eq3A_2470, %add3A_2473, %broadcast_in_dim3A_2475 : vector<16xi1>, vector<16xi32>
      %reduce_min3A_2477 = arith.constant true
      %reduce_min3A_2478 = vector.broadcast %reduce_min3A_2477 : i1 to vector<16xi1>
      %reduce_min3A_2479 = arith.constant -2147483648 : i32
      %reduce_min3A_2480 = vector.broadcast %reduce_min3A_2479 : i32 to vector<16xi32>
      %reduce_min3A_2481 = arith.xori %select_n3A_2476, %reduce_min3A_2480 : vector<16xi32>
      %reduce_min3A_2482 = tpu.scan <min>, %reduce_min3A_2481 masked %reduce_min3A_2478 : vector<16xi32>, vector<16xi1> -> vector<16xi32>
      %reduce_min3A_2483 = arith.xori %reduce_min3A_2482, %reduce_min3A_2480 : vector<16xi32>
      %reduce_min3A_2484 = vector.extract %reduce_min3A_2483[15] : i32 from vector<16xi32>
      %eq3A_2485 = vector.broadcast %max3A_2436 : f32 to vector<16xf32>
      %eq3A_2486 = arith.cmpf oeq, %select_n3A_2417, %eq3A_2485 : vector<16xf32>
      %add3A_2487 = arith.constant 48 : i32
      %add3A_2488 = vector.broadcast %add3A_2487 : i32 to vector<16xi32>
      %add3A_2489 = arith.addi %iota3A, %add3A_2488 : vector<16xi32>
      %jit3A_2490 = arith.constant 1048576 : i32
      %broadcast_in_dim3A_2491 = vector.broadcast %jit3A_2490 : i32 to vector<16xi32>
      %select_n3A_2492 = arith.select %eq3A_2486, %add3A_2489, %broadcast_in_dim3A_2491 : vector<16xi1>, vector<16xi32>
      %reduce_min3A_2493 = arith.constant true
      %reduce_min3A_2494 = vector.broadcast %reduce_min3A_2493 : i1 to vector<16xi1>
      %reduce_min3A_2495 = arith.constant -2147483648 : i32
      %reduce_min3A_2496 = vector.broadcast %reduce_min3A_2495 : i32 to vector<16xi32>
      %reduce_min3A_2497 = arith.xori %select_n3A_2492, %reduce_min3A_2496 : vector<16xi32>
      %reduce_min3A_2498 = tpu.scan <min>, %reduce_min3A_2497 masked %reduce_min3A_2494 : vector<16xi32>, vector<16xi1> -> vector<16xi32>
      %reduce_min3A_2499 = arith.xori %reduce_min3A_2498, %reduce_min3A_2496 : vector<16xi32>
      %reduce_min3A_2500 = vector.extract %reduce_min3A_2499[15] : i32 from vector<16xi32>
      %min3A_2501 = arith.minsi %reduce_min3A_2452, %reduce_min3A_2468 : i32
      %min3A_2502 = arith.minsi %reduce_min3A_2484, %reduce_min3A_2500 : i32
      %min3A_2503 = arith.minsi %min3A_2501, %min3A_2502 : i32
      %eq3A_2504 = arith.constant 15 : i32
      %eq3A_2505 = vector.broadcast %eq3A_2504 : i32 to vector<16xi32>
      %eq3A_2506 = arith.cmpi eq, %iota3A, %eq3A_2505 : vector<16xi32>
      %broadcast_in_dim3A_2507 = vector.broadcast %min3A_2503 : i32 to vector<16xi32>
      %select_n3A_2508 = arith.select %eq3A_2506, %broadcast_in_dim3A_2507, %select_n3A_2385 : vector<16xi1>, vector<16xi32>
      %add3A_2509 = arith.constant 0 : i32
      %add3A_2510 = vector.broadcast %add3A_2509 : i32 to vector<16xi32>
      %add3A_2511 = arith.addi %iota3A, %add3A_2510 : vector<16xi32>
      %eq3A_2512 = vector.broadcast %min3A_2503 : i32 to vector<16xi32>
      %eq3A_2513 = arith.cmpi eq, %add3A_2511, %eq3A_2512 : vector<16xi32>
      %jit3A_2514 = arith.constant -3.000000e+38 : f32
      %broadcast_in_dim3A_2515 = vector.broadcast %jit3A_2514 : f32 to vector<16xf32>
      %select_n3A_2516 = arith.select %eq3A_2513, %broadcast_in_dim3A_2515, %select_n3A_2393 : vector<16xi1>, vector<16xf32>
      %add3A_2517 = arith.constant 16 : i32
      %add3A_2518 = vector.broadcast %add3A_2517 : i32 to vector<16xi32>
      %add3A_2519 = arith.addi %iota3A, %add3A_2518 : vector<16xi32>
      %eq3A_2520 = vector.broadcast %min3A_2503 : i32 to vector<16xi32>
      %eq3A_2521 = arith.cmpi eq, %add3A_2519, %eq3A_2520 : vector<16xi32>
      %jit3A_2522 = arith.constant -3.000000e+38 : f32
      %broadcast_in_dim3A_2523 = vector.broadcast %jit3A_2522 : f32 to vector<16xf32>
      %select_n3A_2524 = arith.select %eq3A_2521, %broadcast_in_dim3A_2523, %select_n3A_2401 : vector<16xi1>, vector<16xf32>
      %add3A_2525 = arith.constant 32 : i32
      %add3A_2526 = vector.broadcast %add3A_2525 : i32 to vector<16xi32>
      %add3A_2527 = arith.addi %iota3A, %add3A_2526 : vector<16xi32>
      %eq3A_2528 = vector.broadcast %min3A_2503 : i32 to vector<16xi32>
      %eq3A_2529 = arith.cmpi eq, %add3A_2527, %eq3A_2528 : vector<16xi32>
      %jit3A_2530 = arith.constant -3.000000e+38 : f32
      %broadcast_in_dim3A_2531 = vector.broadcast %jit3A_2530 : f32 to vector<16xf32>
      %select_n3A_2532 = arith.select %eq3A_2529, %broadcast_in_dim3A_2531, %select_n3A_2409 : vector<16xi1>, vector<16xf32>
      %add3A_2533 = arith.constant 48 : i32
      %add3A_2534 = vector.broadcast %add3A_2533 : i32 to vector<16xi32>
      %add3A_2535 = arith.addi %iota3A, %add3A_2534 : vector<16xi32>
      %eq3A_2536 = vector.broadcast %min3A_2503 : i32 to vector<16xi32>
      %eq3A_2537 = arith.cmpi eq, %add3A_2535, %eq3A_2536 : vector<16xi32>
      %jit3A_2538 = arith.constant -3.000000e+38 : f32
      %broadcast_in_dim3A_2539 = vector.broadcast %jit3A_2538 : f32 to vector<16xf32>
      %select_n3A_2540 = arith.select %eq3A_2537, %broadcast_in_dim3A_2539, %select_n3A_2417 : vector<16xi1>, vector<16xf32>
      %gather3A = tpu.vector_load_idx %arg25[%select_n3A_2508] : memref<64xi32, #tpu.memory_space<vmem>>[vector<16xi32>], vector<16xi32>,
      %max3A_2541 = arith.constant 1 : i32
      %max3A_2542 = vector.broadcast %max3A_2541 : i32 to vector<16xi32>
      %max3A_2543 = arith.maxsi %gather3A, %max3A_2542 : vector<16xi32>
      %gather3A_2544 = tpu.vector_load_idx %arg26[%max3A_2543] : memref<272xf32, #tpu.memory_space<vmem>>[vector<16xi32>], vector<16xf32>,
      %broadcast_in_dim3A_2545 = arith.constant -1 : i32
      %broadcast_in_dim3A_2546 = vector.broadcast %broadcast_in_dim3A_2545 : i32 to vector<16xi32>
      %swap3A_2547 = arith.constant 0 : index
      %swap3A_2548 = tpu.vector_load %arg21[%swap3A_2547] {strides = array<i32>} : memref<64xi32, #tpu.memory_space<vmem>>, vector<16xi32>,
      tpu.vector_store %arg21[%swap3A_2547], %broadcast_in_dim3A_2546 {strides = array<i32>} : memref<64xi32, #tpu.memory_space<vmem>>, vector<16xi32>,
      %swap3A_2549 = arith.constant 0 : index
      %swap3A_2550 = tpu.vector_load %arg22[%swap3A_2549] {strides = array<i32>} : memref<64xf32, #tpu.memory_space<vmem>>, vector<16xf32>,
      tpu.vector_store %arg22[%swap3A_2549], %broadcast_in_dim3A_35 {strides = array<i32>} : memref<64xf32, #tpu.memory_space<vmem>>, vector<16xf32>,
      %swap3A_2551 = arith.constant 16 : index
      %swap3A_2552 = tpu.vector_load %arg21[%swap3A_2551] {strides = array<i32>} : memref<64xi32, #tpu.memory_space<vmem>>, vector<16xi32>,
      tpu.vector_store %arg21[%swap3A_2551], %broadcast_in_dim3A_2546 {strides = array<i32>} : memref<64xi32, #tpu.memory_space<vmem>>, vector<16xi32>,
      %swap3A_2553 = arith.constant 16 : index
      %swap3A_2554 = tpu.vector_load %arg22[%swap3A_2553] {strides = array<i32>} : memref<64xf32, #tpu.memory_space<vmem>>, vector<16xf32>,
      tpu.vector_store %arg22[%swap3A_2553], %broadcast_in_dim3A_35 {strides = array<i32>} : memref<64xf32, #tpu.memory_space<vmem>>, vector<16xf32>,
      %swap3A_2555 = arith.constant 32 : index
      %swap3A_2556 = tpu.vector_load %arg21[%swap3A_2555] {strides = array<i32>} : memref<64xi32, #tpu.memory_space<vmem>>, vector<16xi32>,
      tpu.vector_store %arg21[%swap3A_2555], %broadcast_in_dim3A_2546 {strides = array<i32>} : memref<64xi32, #tpu.memory_space<vmem>>, vector<16xi32>,
      %swap3A_2557 = arith.constant 32 : index
      %swap3A_2558 = tpu.vector_load %arg22[%swap3A_2557] {strides = array<i32>} : memref<64xf32, #tpu.memory_space<vmem>>, vector<16xf32>,
      tpu.vector_store %arg22[%swap3A_2557], %broadcast_in_dim3A_35 {strides = array<i32>} : memref<64xf32, #tpu.memory_space<vmem>>, vector<16xf32>,
      %swap3A_2559 = arith.constant 48 : index
      %swap3A_2560 = tpu.vector_load %arg21[%swap3A_2559] {strides = array<i32>} : memref<64xi32, #tpu.memory_space<vmem>>, vector<16xi32>,
      tpu.vector_store %arg21[%swap3A_2559], %broadcast_in_dim3A_2546 {strides = array<i32>} : memref<64xi32, #tpu.memory_space<vmem>>, vector<16xi32>,
      %swap3A_2561 = arith.constant 48 : index
      %swap3A_2562 = tpu.vector_load %arg22[%swap3A_2561] {strides = array<i32>} : memref<64xf32, #tpu.memory_space<vmem>>, vector<16xf32>,
      tpu.vector_store %arg22[%swap3A_2561], %broadcast_in_dim3A_35 {strides = array<i32>} : memref<64xf32, #tpu.memory_space<vmem>>, vector<16xf32>,
      tpu.vector_store_idx %arg21[%select_n3A_2508], %iota3A : memref<64xi32, #tpu.memory_space<vmem>>[vector<16xi32>], vector<16xi32>,
      tpu.vector_store_idx %arg22[%select_n3A_2508], %gather3A_2544 : memref<64xf32, #tpu.memory_space<vmem>>[vector<16xi32>], vector<16xf32>,
      %get3A_2563 = arith.constant 0 : index
      %get3A_2564 = tpu.vector_load %arg16[%get3A_2563] {strides = array<i32>} : memref<128xi32, #tpu.memory_space<vmem>>, vector<16xi32>,
      %gather3A_2565 = tpu.vector_load_idx %arg21[%get3A_2564] : memref<64xi32, #tpu.memory_space<vmem>>[vector<16xi32>], vector<16xi32>,
      %gather3A_2566 = tpu.vector_load_idx %arg22[%get3A_2564] : memref<64xf32, #tpu.memory_space<vmem>>[vector<16xi32>], vector<16xf32>,
      %ge3A = arith.constant 0 : i32
      %ge3A_2567 = vector.broadcast %ge3A : i32 to vector<16xi32>
      %ge3A_2568 = arith.cmpi sge, %gather3A_2565, %ge3A_2567 : vector<16xi32>
      %jit3A_2569 = arith.constant 0 : i32
      %broadcast_in_dim3A_2570 = vector.broadcast %jit3A_2569 : i32 to vector<16xi32>
      %select_n3A_2571 = arith.select %ge3A_2568, %gather3A_2565, %broadcast_in_dim3A_2570 : vector<16xi1>, vector<16xi32>
      %mul3A_2572 = arith.constant 256 : i32
      %mul3A_2573 = vector.broadcast %mul3A_2572 : i32 to vector<16xi32>
      %mul3A_2574 = arith.muli %select_n3A_2571, %mul3A_2573 : vector<16xi32>
      %add3A_2575 = arith.constant 0 : i32
      %add3A_2576 = vector.broadcast %add3A_2575 : i32 to vector<16xi32>
      %add3A_2577 = arith.addi %iota3A, %add3A_2576 : vector<16xi32>
      %add3A_2578 = arith.addi %mul3A_2574, %add3A_2577 : vector<16xi32>
      tpu.vector_store_idx %arg24[%add3A_2578], %gather3A_2566 masked %ge3A_2568 : memref<4096xf32, #tpu.memory_space<vmem>>[vector<16xi32>], vector<16xf32>, vector<16xi1>
      %get3A_2579 = arith.constant 16 : index
      %get3A_2580 = tpu.vector_load %arg16[%get3A_2579] {strides = array<i32>} : memref<128xi32, #tpu.memory_space<vmem>>, vector<16xi32>,
      %gather3A_2581 = tpu.vector_load_idx %arg21[%get3A_2580] : memref<64xi32, #tpu.memory_space<vmem>>[vector<16xi32>], vector<16xi32>,
      %gather3A_2582 = tpu.vector_load_idx %arg22[%get3A_2580] : memref<64xf32, #tpu.memory_space<vmem>>[vector<16xi32>], vector<16xf32>,
      %ge3A_2583 = arith.constant 0 : i32
      %ge3A_2584 = vector.broadcast %ge3A_2583 : i32 to vector<16xi32>
      %ge3A_2585 = arith.cmpi sge, %gather3A_2581, %ge3A_2584 : vector<16xi32>
      %jit3A_2586 = arith.constant 0 : i32
      %broadcast_in_dim3A_2587 = vector.broadcast %jit3A_2586 : i32 to vector<16xi32>
      %select_n3A_2588 = arith.select %ge3A_2585, %gather3A_2581, %broadcast_in_dim3A_2587 : vector<16xi1>, vector<16xi32>
      %mul3A_2589 = arith.constant 256 : i32
      %mul3A_2590 = vector.broadcast %mul3A_2589 : i32 to vector<16xi32>
      %mul3A_2591 = arith.muli %select_n3A_2588, %mul3A_2590 : vector<16xi32>
      %add3A_2592 = arith.constant 16 : i32
      %add3A_2593 = vector.broadcast %add3A_2592 : i32 to vector<16xi32>
      %add3A_2594 = arith.addi %iota3A, %add3A_2593 : vector<16xi32>
      %add3A_2595 = arith.addi %mul3A_2591, %add3A_2594 : vector<16xi32>
      tpu.vector_store_idx %arg24[%add3A_2595], %gather3A_2582 masked %ge3A_2585 : memref<4096xf32, #tpu.memory_space<vmem>>[vector<16xi32>], vector<16xf32>, vector<16xi1>
      %get3A_2596 = arith.constant 32 : index
      %get3A_2597 = tpu.vector_load %arg16[%get3A_2596] {strides = array<i32>} : memref<128xi32, #tpu.memory_space<vmem>>, vector<16xi32>,
      %gather3A_2598 = tpu.vector_load_idx %arg21[%get3A_2597] : memref<64xi32, #tpu.memory_space<vmem>>[vector<16xi32>], vector<16xi32>,
      %gather3A_2599 = tpu.vector_load_idx %arg22[%get3A_2597] : memref<64xf32, #tpu.memory_space<vmem>>[vector<16xi32>], vector<16xf32>,
      %ge3A_2600 = arith.constant 0 : i32
      %ge3A_2601 = vector.broadcast %ge3A_2600 : i32 to vector<16xi32>
      %ge3A_2602 = arith.cmpi sge, %gather3A_2598, %ge3A_2601 : vector<16xi32>
      %jit3A_2603 = arith.constant 0 : i32
      %broadcast_in_dim3A_2604 = vector.broadcast %jit3A_2603 : i32 to vector<16xi32>
      %select_n3A_2605 = arith.select %ge3A_2602, %gather3A_2598, %broadcast_in_dim3A_2604 : vector<16xi1>, vector<16xi32>
      %mul3A_2606 = arith.constant 256 : i32
      %mul3A_2607 = vector.broadcast %mul3A_2606 : i32 to vector<16xi32>
      %mul3A_2608 = arith.muli %select_n3A_2605, %mul3A_2607 : vector<16xi32>
      %add3A_2609 = arith.constant 32 : i32
      %add3A_2610 = vector.broadcast %add3A_2609 : i32 to vector<16xi32>
      %add3A_2611 = arith.addi %iota3A, %add3A_2610 : vector<16xi32>
      %add3A_2612 = arith.addi %mul3A_2608, %add3A_2611 : vector<16xi32>
      tpu.vector_store_idx %arg24[%add3A_2612], %gather3A_2599 masked %ge3A_2602 : memref<4096xf32, #tpu.memory_space<vmem>>[vector<16xi32>], vector<16xf32>, vector<16xi1>
      %get3A_2613 = arith.constant 48 : index
      %get3A_2614 = tpu.vector_load %arg16[%get3A_2613] {strides = array<i32>} : memref<128xi32, #tpu.memory_space<vmem>>, vector<16xi32>,
      %gather3A_2615 = tpu.vector_load_idx %arg21[%get3A_2614] : memref<64xi32, #tpu.memory_space<vmem>>[vector<16xi32>], vector<16xi32>,
      %gather3A_2616 = tpu.vector_load_idx %arg22[%get3A_2614] : memref<64xf32, #tpu.memory_space<vmem>>[vector<16xi32>], vector<16xf32>,
      %ge3A_2617 = arith.constant 0 : i32
      %ge3A_2618 = vector.broadcast %ge3A_2617 : i32 to vector<16xi32>
      %ge3A_2619 = arith.cmpi sge, %gather3A_2615, %ge3A_2618 : vector<16xi32>
      %jit3A_2620 = arith.constant 0 : i32
      %broadcast_in_dim3A_2621 = vector.broadcast %jit3A_2620 : i32 to vector<16xi32>
      %select_n3A_2622 = arith.select %ge3A_2619, %gather3A_2615, %broadcast_in_dim3A_2621 : vector<16xi1>, vector<16xi32>
      %mul3A_2623 = arith.constant 256 : i32
      %mul3A_2624 = vector.broadcast %mul3A_2623 : i32 to vector<16xi32>
      %mul3A_2625 = arith.muli %select_n3A_2622, %mul3A_2624 : vector<16xi32>
      %add3A_2626 = arith.constant 48 : i32
      %add3A_2627 = vector.broadcast %add3A_2626 : i32 to vector<16xi32>
      %add3A_2628 = arith.addi %iota3A, %add3A_2627 : vector<16xi32>
      %add3A_2629 = arith.addi %mul3A_2625, %add3A_2628 : vector<16xi32>
      tpu.vector_store_idx %arg24[%add3A_2629], %gather3A_2616 masked %ge3A_2619 : memref<4096xf32, #tpu.memory_space<vmem>>[vector<16xi32>], vector<16xf32>, vector<16xi1>
      %get3A_2630 = arith.constant 64 : index
      %get3A_2631 = tpu.vector_load %arg16[%get3A_2630] {strides = array<i32>} : memref<128xi32, #tpu.memory_space<vmem>>, vector<16xi32>,
      %gather3A_2632 = tpu.vector_load_idx %arg21[%get3A_2631] : memref<64xi32, #tpu.memory_space<vmem>>[vector<16xi32>], vector<16xi32>,
      %gather3A_2633 = tpu.vector_load_idx %arg22[%get3A_2631] : memref<64xf32, #tpu.memory_space<vmem>>[vector<16xi32>], vector<16xf32>,
      %ge3A_2634 = arith.constant 0 : i32
      %ge3A_2635 = vector.broadcast %ge3A_2634 : i32 to vector<16xi32>
      %ge3A_2636 = arith.cmpi sge, %gather3A_2632, %ge3A_2635 : vector<16xi32>
      %jit3A_2637 = arith.constant 0 : i32
      %broadcast_in_dim3A_2638 = vector.broadcast %jit3A_2637 : i32 to vector<16xi32>
      %select_n3A_2639 = arith.select %ge3A_2636, %gather3A_2632, %broadcast_in_dim3A_2638 : vector<16xi1>, vector<16xi32>
      %mul3A_2640 = arith.constant 256 : i32
      %mul3A_2641 = vector.broadcast %mul3A_2640 : i32 to vector<16xi32>
      %mul3A_2642 = arith.muli %select_n3A_2639, %mul3A_2641 : vector<16xi32>
      %add3A_2643 = arith.constant 64 : i32
      %add3A_2644 = vector.broadcast %add3A_2643 : i32 to vector<16xi32>
      %add3A_2645 = arith.addi %iota3A, %add3A_2644 : vector<16xi32>
      %add3A_2646 = arith.addi %mul3A_2642, %add3A_2645 : vector<16xi32>
      tpu.vector_store_idx %arg24[%add3A_2646], %gather3A_2633 masked %ge3A_2636 : memref<4096xf32, #tpu.memory_space<vmem>>[vector<16xi32>], vector<16xf32>, vector<16xi1>
      %get3A_2647 = arith.constant 80 : index
      %get3A_2648 = tpu.vector_load %arg16[%get3A_2647] {strides = array<i32>} : memref<128xi32, #tpu.memory_space<vmem>>, vector<16xi32>,
      %gather3A_2649 = tpu.vector_load_idx %arg21[%get3A_2648] : memref<64xi32, #tpu.memory_space<vmem>>[vector<16xi32>], vector<16xi32>,
      %gather3A_2650 = tpu.vector_load_idx %arg22[%get3A_2648] : memref<64xf32, #tpu.memory_space<vmem>>[vector<16xi32>], vector<16xf32>,
      %ge3A_2651 = arith.constant 0 : i32
      %ge3A_2652 = vector.broadcast %ge3A_2651 : i32 to vector<16xi32>
      %ge3A_2653 = arith.cmpi sge, %gather3A_2649, %ge3A_2652 : vector<16xi32>
      %jit3A_2654 = arith.constant 0 : i32
      %broadcast_in_dim3A_2655 = vector.broadcast %jit3A_2654 : i32 to vector<16xi32>
      %select_n3A_2656 = arith.select %ge3A_2653, %gather3A_2649, %broadcast_in_dim3A_2655 : vector<16xi1>, vector<16xi32>
      %mul3A_2657 = arith.constant 256 : i32
      %mul3A_2658 = vector.broadcast %mul3A_2657 : i32 to vector<16xi32>
      %mul3A_2659 = arith.muli %select_n3A_2656, %mul3A_2658 : vector<16xi32>
      %add3A_2660 = arith.constant 80 : i32
      %add3A_2661 = vector.broadcast %add3A_2660 : i32 to vector<16xi32>
      %add3A_2662 = arith.addi %iota3A, %add3A_2661 : vector<16xi32>
      %add3A_2663 = arith.addi %mul3A_2659, %add3A_2662 : vector<16xi32>
      tpu.vector_store_idx %arg24[%add3A_2663], %gather3A_2650 masked %ge3A_2653 : memref<4096xf32, #tpu.memory_space<vmem>>[vector<16xi32>], vector<16xf32>, vector<16xi1>
      %get3A_2664 = arith.constant 96 : index
      %get3A_2665 = tpu.vector_load %arg16[%get3A_2664] {strides = array<i32>} : memref<128xi32, #tpu.memory_space<vmem>>, vector<16xi32>,
      %gather3A_2666 = tpu.vector_load_idx %arg21[%get3A_2665] : memref<64xi32, #tpu.memory_space<vmem>>[vector<16xi32>], vector<16xi32>,
      %gather3A_2667 = tpu.vector_load_idx %arg22[%get3A_2665] : memref<64xf32, #tpu.memory_space<vmem>>[vector<16xi32>], vector<16xf32>,
      %ge3A_2668 = arith.constant 0 : i32
      %ge3A_2669 = vector.broadcast %ge3A_2668 : i32 to vector<16xi32>
      %ge3A_2670 = arith.cmpi sge, %gather3A_2666, %ge3A_2669 : vector<16xi32>
      %jit3A_2671 = arith.constant 0 : i32
      %broadcast_in_dim3A_2672 = vector.broadcast %jit3A_2671 : i32 to vector<16xi32>
      %select_n3A_2673 = arith.select %ge3A_2670, %gather3A_2666, %broadcast_in_dim3A_2672 : vector<16xi1>, vector<16xi32>
      %mul3A_2674 = arith.constant 256 : i32
      %mul3A_2675 = vector.broadcast %mul3A_2674 : i32 to vector<16xi32>
      %mul3A_2676 = arith.muli %select_n3A_2673, %mul3A_2675 : vector<16xi32>
      %add3A_2677 = arith.constant 96 : i32
      %add3A_2678 = vector.broadcast %add3A_2677 : i32 to vector<16xi32>
      %add3A_2679 = arith.addi %iota3A, %add3A_2678 : vector<16xi32>
      %add3A_2680 = arith.addi %mul3A_2676, %add3A_2679 : vector<16xi32>
      tpu.vector_store_idx %arg24[%add3A_2680], %gather3A_2667 masked %ge3A_2670 : memref<4096xf32, #tpu.memory_space<vmem>>[vector<16xi32>], vector<16xf32>, vector<16xi1>
      %get3A_2681 = arith.constant 112 : index
      %get3A_2682 = tpu.vector_load %arg16[%get3A_2681] {strides = array<i32>} : memref<128xi32, #tpu.memory_space<vmem>>, vector<16xi32>,
      %gather3A_2683 = tpu.vector_load_idx %arg21[%get3A_2682] : memref<64xi32, #tpu.memory_space<vmem>>[vector<16xi32>], vector<16xi32>,
      %gather3A_2684 = tpu.vector_load_idx %arg22[%get3A_2682] : memref<64xf32, #tpu.memory_space<vmem>>[vector<16xi32>], vector<16xf32>,
      %ge3A_2685 = arith.constant 0 : i32
      %ge3A_2686 = vector.broadcast %ge3A_2685 : i32 to vector<16xi32>
      %ge3A_2687 = arith.cmpi sge, %gather3A_2683, %ge3A_2686 : vector<16xi32>
      %jit3A_2688 = arith.constant 0 : i32
      %broadcast_in_dim3A_2689 = vector.broadcast %jit3A_2688 : i32 to vector<16xi32>
      %select_n3A_2690 = arith.select %ge3A_2687, %gather3A_2683, %broadcast_in_dim3A_2689 : vector<16xi1>, vector<16xi32>
      %mul3A_2691 = arith.constant 256 : i32
      %mul3A_2692 = vector.broadcast %mul3A_2691 : i32 to vector<16xi32>
      %mul3A_2693 = arith.muli %select_n3A_2690, %mul3A_2692 : vector<16xi32>
      %add3A_2694 = arith.constant 112 : i32
      %add3A_2695 = vector.broadcast %add3A_2694 : i32 to vector<16xi32>
      %add3A_2696 = arith.addi %iota3A, %add3A_2695 : vector<16xi32>
      %add3A_2697 = arith.addi %mul3A_2693, %add3A_2696 : vector<16xi32>
      tpu.vector_store_idx %arg24[%add3A_2697], %gather3A_2684 masked %ge3A_2687 : memref<4096xf32, #tpu.memory_space<vmem>>[vector<16xi32>], vector<16xf32>, vector<16xi1>
      %get3A_2698 = arith.constant 0 : index
      %get3A_2699 = tpu.vector_load %arg17[%get3A_2698] {strides = array<i32>} : memref<128xi32, #tpu.memory_space<vmem>>, vector<16xi32>,
      %gather3A_2700 = tpu.vector_load_idx %arg21[%get3A_2699] : memref<64xi32, #tpu.memory_space<vmem>>[vector<16xi32>], vector<16xi32>,
      %gather3A_2701 = tpu.vector_load_idx %arg22[%get3A_2699] : memref<64xf32, #tpu.memory_space<vmem>>[vector<16xi32>], vector<16xf32>,
      %ge3A_2702 = arith.constant 0 : i32
      %ge3A_2703 = vector.broadcast %ge3A_2702 : i32 to vector<16xi32>
      %ge3A_2704 = arith.cmpi sge, %gather3A_2700, %ge3A_2703 : vector<16xi32>
      %jit3A_2705 = arith.constant 0 : i32
      %broadcast_in_dim3A_2706 = vector.broadcast %jit3A_2705 : i32 to vector<16xi32>
      %select_n3A_2707 = arith.select %ge3A_2704, %gather3A_2700, %broadcast_in_dim3A_2706 : vector<16xi1>, vector<16xi32>
      %mul3A_2708 = arith.constant 256 : i32
      %mul3A_2709 = vector.broadcast %mul3A_2708 : i32 to vector<16xi32>
      %mul3A_2710 = arith.muli %select_n3A_2707, %mul3A_2709 : vector<16xi32>
      %add3A_2711 = arith.constant 128 : i32
      %add3A_2712 = vector.broadcast %add3A_2711 : i32 to vector<16xi32>
      %add3A_2713 = arith.addi %iota3A, %add3A_2712 : vector<16xi32>
      %add3A_2714 = arith.addi %mul3A_2710, %add3A_2713 : vector<16xi32>
      tpu.vector_store_idx %arg24[%add3A_2714], %gather3A_2701 masked %ge3A_2704 : memref<4096xf32, #tpu.memory_space<vmem>>[vector<16xi32>], vector<16xf32>, vector<16xi1>
      %get3A_2715 = arith.constant 16 : index
      %get3A_2716 = tpu.vector_load %arg17[%get3A_2715] {strides = array<i32>} : memref<128xi32, #tpu.memory_space<vmem>>, vector<16xi32>,
      %gather3A_2717 = tpu.vector_load_idx %arg21[%get3A_2716] : memref<64xi32, #tpu.memory_space<vmem>>[vector<16xi32>], vector<16xi32>,
      %gather3A_2718 = tpu.vector_load_idx %arg22[%get3A_2716] : memref<64xf32, #tpu.memory_space<vmem>>[vector<16xi32>], vector<16xf32>,
      %ge3A_2719 = arith.constant 0 : i32
      %ge3A_2720 = vector.broadcast %ge3A_2719 : i32 to vector<16xi32>
      %ge3A_2721 = arith.cmpi sge, %gather3A_2717, %ge3A_2720 : vector<16xi32>
      %jit3A_2722 = arith.constant 0 : i32
      %broadcast_in_dim3A_2723 = vector.broadcast %jit3A_2722 : i32 to vector<16xi32>
      %select_n3A_2724 = arith.select %ge3A_2721, %gather3A_2717, %broadcast_in_dim3A_2723 : vector<16xi1>, vector<16xi32>
      %mul3A_2725 = arith.constant 256 : i32
      %mul3A_2726 = vector.broadcast %mul3A_2725 : i32 to vector<16xi32>
      %mul3A_2727 = arith.muli %select_n3A_2724, %mul3A_2726 : vector<16xi32>
      %add3A_2728 = arith.constant 144 : i32
      %add3A_2729 = vector.broadcast %add3A_2728 : i32 to vector<16xi32>
      %add3A_2730 = arith.addi %iota3A, %add3A_2729 : vector<16xi32>
      %add3A_2731 = arith.addi %mul3A_2727, %add3A_2730 : vector<16xi32>
      tpu.vector_store_idx %arg24[%add3A_2731], %gather3A_2718 masked %ge3A_2721 : memref<4096xf32, #tpu.memory_space<vmem>>[vector<16xi32>], vector<16xf32>, vector<16xi1>
      %get3A_2732 = arith.constant 32 : index
      %get3A_2733 = tpu.vector_load %arg17[%get3A_2732] {strides = array<i32>} : memref<128xi32, #tpu.memory_space<vmem>>, vector<16xi32>,
      %gather3A_2734 = tpu.vector_load_idx %arg21[%get3A_2733] : memref<64xi32, #tpu.memory_space<vmem>>[vector<16xi32>], vector<16xi32>,
      %gather3A_2735 = tpu.vector_load_idx %arg22[%get3A_2733] : memref<64xf32, #tpu.memory_space<vmem>>[vector<16xi32>], vector<16xf32>,
      %ge3A_2736 = arith.constant 0 : i32
      %ge3A_2737 = vector.broadcast %ge3A_2736 : i32 to vector<16xi32>
      %ge3A_2738 = arith.cmpi sge, %gather3A_2734, %ge3A_2737 : vector<16xi32>
      %jit3A_2739 = arith.constant 0 : i32
      %broadcast_in_dim3A_2740 = vector.broadcast %jit3A_2739 : i32 to vector<16xi32>
      %select_n3A_2741 = arith.select %ge3A_2738, %gather3A_2734, %broadcast_in_dim3A_2740 : vector<16xi1>, vector<16xi32>
      %mul3A_2742 = arith.constant 256 : i32
      %mul3A_2743 = vector.broadcast %mul3A_2742 : i32 to vector<16xi32>
      %mul3A_2744 = arith.muli %select_n3A_2741, %mul3A_2743 : vector<16xi32>
      %add3A_2745 = arith.constant 160 : i32
      %add3A_2746 = vector.broadcast %add3A_2745 : i32 to vector<16xi32>
      %add3A_2747 = arith.addi %iota3A, %add3A_2746 : vector<16xi32>
      %add3A_2748 = arith.addi %mul3A_2744, %add3A_2747 : vector<16xi32>
      tpu.vector_store_idx %arg24[%add3A_2748], %gather3A_2735 masked %ge3A_2738 : memref<4096xf32, #tpu.memory_space<vmem>>[vector<16xi32>], vector<16xf32>, vector<16xi1>
      %get3A_2749 = arith.constant 48 : index
      %get3A_2750 = tpu.vector_load %arg17[%get3A_2749] {strides = array<i32>} : memref<128xi32, #tpu.memory_space<vmem>>, vector<16xi32>,
      %gather3A_2751 = tpu.vector_load_idx %arg21[%get3A_2750] : memref<64xi32, #tpu.memory_space<vmem>>[vector<16xi32>], vector<16xi32>,
      %gather3A_2752 = tpu.vector_load_idx %arg22[%get3A_2750] : memref<64xf32, #tpu.memory_space<vmem>>[vector<16xi32>], vector<16xf32>,
      %ge3A_2753 = arith.constant 0 : i32
      %ge3A_2754 = vector.broadcast %ge3A_2753 : i32 to vector<16xi32>
      %ge3A_2755 = arith.cmpi sge, %gather3A_2751, %ge3A_2754 : vector<16xi32>
      %jit3A_2756 = arith.constant 0 : i32
      %broadcast_in_dim3A_2757 = vector.broadcast %jit3A_2756 : i32 to vector<16xi32>
      %select_n3A_2758 = arith.select %ge3A_2755, %gather3A_2751, %broadcast_in_dim3A_2757 : vector<16xi1>, vector<16xi32>
      %mul3A_2759 = arith.constant 256 : i32
      %mul3A_2760 = vector.broadcast %mul3A_2759 : i32 to vector<16xi32>
      %mul3A_2761 = arith.muli %select_n3A_2758, %mul3A_2760 : vector<16xi32>
      %add3A_2762 = arith.constant 176 : i32
      %add3A_2763 = vector.broadcast %add3A_2762 : i32 to vector<16xi32>
      %add3A_2764 = arith.addi %iota3A, %add3A_2763 : vector<16xi32>
      %add3A_2765 = arith.addi %mul3A_2761, %add3A_2764 : vector<16xi32>
      tpu.vector_store_idx %arg24[%add3A_2765], %gather3A_2752 masked %ge3A_2755 : memref<4096xf32, #tpu.memory_space<vmem>>[vector<16xi32>], vector<16xf32>, vector<16xi1>
      %get3A_2766 = arith.constant 64 : index
      %get3A_2767 = tpu.vector_load %arg17[%get3A_2766] {strides = array<i32>} : memref<128xi32, #tpu.memory_space<vmem>>, vector<16xi32>,
      %gather3A_2768 = tpu.vector_load_idx %arg21[%get3A_2767] : memref<64xi32, #tpu.memory_space<vmem>>[vector<16xi32>], vector<16xi32>,
      %gather3A_2769 = tpu.vector_load_idx %arg22[%get3A_2767] : memref<64xf32, #tpu.memory_space<vmem>>[vector<16xi32>], vector<16xf32>,
      %ge3A_2770 = arith.constant 0 : i32
      %ge3A_2771 = vector.broadcast %ge3A_2770 : i32 to vector<16xi32>
      %ge3A_2772 = arith.cmpi sge, %gather3A_2768, %ge3A_2771 : vector<16xi32>
      %jit3A_2773 = arith.constant 0 : i32
      %broadcast_in_dim3A_2774 = vector.broadcast %jit3A_2773 : i32 to vector<16xi32>
      %select_n3A_2775 = arith.select %ge3A_2772, %gather3A_2768, %broadcast_in_dim3A_2774 : vector<16xi1>, vector<16xi32>
      %mul3A_2776 = arith.constant 256 : i32
      %mul3A_2777 = vector.broadcast %mul3A_2776 : i32 to vector<16xi32>
      %mul3A_2778 = arith.muli %select_n3A_2775, %mul3A_2777 : vector<16xi32>
      %add3A_2779 = arith.constant 192 : i32
      %add3A_2780 = vector.broadcast %add3A_2779 : i32 to vector<16xi32>
      %add3A_2781 = arith.addi %iota3A, %add3A_2780 : vector<16xi32>
      %add3A_2782 = arith.addi %mul3A_2778, %add3A_2781 : vector<16xi32>
      tpu.vector_store_idx %arg24[%add3A_2782], %gather3A_2769 masked %ge3A_2772 : memref<4096xf32, #tpu.memory_space<vmem>>[vector<16xi32>], vector<16xf32>, vector<16xi1>
      %get3A_2783 = arith.constant 80 : index
      %get3A_2784 = tpu.vector_load %arg17[%get3A_2783] {strides = array<i32>} : memref<128xi32, #tpu.memory_space<vmem>>, vector<16xi32>,
      %gather3A_2785 = tpu.vector_load_idx %arg21[%get3A_2784] : memref<64xi32, #tpu.memory_space<vmem>>[vector<16xi32>], vector<16xi32>,
      %gather3A_2786 = tpu.vector_load_idx %arg22[%get3A_2784] : memref<64xf32, #tpu.memory_space<vmem>>[vector<16xi32>], vector<16xf32>,
      %ge3A_2787 = arith.constant 0 : i32
      %ge3A_2788 = vector.broadcast %ge3A_2787 : i32 to vector<16xi32>
      %ge3A_2789 = arith.cmpi sge, %gather3A_2785, %ge3A_2788 : vector<16xi32>
      %jit3A_2790 = arith.constant 0 : i32
      %broadcast_in_dim3A_2791 = vector.broadcast %jit3A_2790 : i32 to vector<16xi32>
      %select_n3A_2792 = arith.select %ge3A_2789, %gather3A_2785, %broadcast_in_dim3A_2791 : vector<16xi1>, vector<16xi32>
      %mul3A_2793 = arith.constant 256 : i32
      %mul3A_2794 = vector.broadcast %mul3A_2793 : i32 to vector<16xi32>
      %mul3A_2795 = arith.muli %select_n3A_2792, %mul3A_2794 : vector<16xi32>
      %add3A_2796 = arith.constant 208 : i32
      %add3A_2797 = vector.broadcast %add3A_2796 : i32 to vector<16xi32>
      %add3A_2798 = arith.addi %iota3A, %add3A_2797 : vector<16xi32>
      %add3A_2799 = arith.addi %mul3A_2795, %add3A_2798 : vector<16xi32>
      tpu.vector_store_idx %arg24[%add3A_2799], %gather3A_2786 masked %ge3A_2789 : memref<4096xf32, #tpu.memory_space<vmem>>[vector<16xi32>], vector<16xf32>, vector<16xi1>
      %get3A_2800 = arith.constant 96 : index
      %get3A_2801 = tpu.vector_load %arg17[%get3A_2800] {strides = array<i32>} : memref<128xi32, #tpu.memory_space<vmem>>, vector<16xi32>,
      %gather3A_2802 = tpu.vector_load_idx %arg21[%get3A_2801] : memref<64xi32, #tpu.memory_space<vmem>>[vector<16xi32>], vector<16xi32>,
      %gather3A_2803 = tpu.vector_load_idx %arg22[%get3A_2801] : memref<64xf32, #tpu.memory_space<vmem>>[vector<16xi32>], vector<16xf32>,
      %ge3A_2804 = arith.constant 0 : i32
      %ge3A_2805 = vector.broadcast %ge3A_2804 : i32 to vector<16xi32>
      %ge3A_2806 = arith.cmpi sge, %gather3A_2802, %ge3A_2805 : vector<16xi32>
      %jit3A_2807 = arith.constant 0 : i32
      %broadcast_in_dim3A_2808 = vector.broadcast %jit3A_2807 : i32 to vector<16xi32>
      %select_n3A_2809 = arith.select %ge3A_2806, %gather3A_2802, %broadcast_in_dim3A_2808 : vector<16xi1>, vector<16xi32>
      %mul3A_2810 = arith.constant 256 : i32
      %mul3A_2811 = vector.broadcast %mul3A_2810 : i32 to vector<16xi32>
      %mul3A_2812 = arith.muli %select_n3A_2809, %mul3A_2811 : vector<16xi32>
      %add3A_2813 = arith.constant 224 : i32
      %add3A_2814 = vector.broadcast %add3A_2813 : i32 to vector<16xi32>
      %add3A_2815 = arith.addi %iota3A, %add3A_2814 : vector<16xi32>
      %add3A_2816 = arith.addi %mul3A_2812, %add3A_2815 : vector<16xi32>
      tpu.vector_store_idx %arg24[%add3A_2816], %gather3A_2803 masked %ge3A_2806 : memref<4096xf32, #tpu.memory_space<vmem>>[vector<16xi32>], vector<16xf32>, vector<16xi1>
      %get3A_2817 = arith.constant 112 : index
      %get3A_2818 = tpu.vector_load %arg17[%get3A_2817] {strides = array<i32>} : memref<128xi32, #tpu.memory_space<vmem>>, vector<16xi32>,
      %gather3A_2819 = tpu.vector_load_idx %arg21[%get3A_2818] : memref<64xi32, #tpu.memory_space<vmem>>[vector<16xi32>], vector<16xi32>,
      %gather3A_2820 = tpu.vector_load_idx %arg22[%get3A_2818] : memref<64xf32, #tpu.memory_space<vmem>>[vector<16xi32>], vector<16xf32>,
      %ge3A_2821 = arith.constant 0 : i32
      %ge3A_2822 = vector.broadcast %ge3A_2821 : i32 to vector<16xi32>
      %ge3A_2823 = arith.cmpi sge, %gather3A_2819, %ge3A_2822 : vector<16xi32>
      %jit3A_2824 = arith.constant 0 : i32
      %broadcast_in_dim3A_2825 = vector.broadcast %jit3A_2824 : i32 to vector<16xi32>
      %select_n3A_2826 = arith.select %ge3A_2823, %gather3A_2819, %broadcast_in_dim3A_2825 : vector<16xi1>, vector<16xi32>
      %mul3A_2827 = arith.constant 256 : i32
      %mul3A_2828 = vector.broadcast %mul3A_2827 : i32 to vector<16xi32>
      %mul3A_2829 = arith.muli %select_n3A_2826, %mul3A_2828 : vector<16xi32>
      %add3A_2830 = arith.constant 240 : i32
      %add3A_2831 = vector.broadcast %add3A_2830 : i32 to vector<16xi32>
      %add3A_2832 = arith.addi %iota3A, %add3A_2831 : vector<16xi32>
      %add3A_2833 = arith.addi %mul3A_2829, %add3A_2832 : vector<16xi32>
      tpu.vector_store_idx %arg24[%add3A_2833], %gather3A_2820 masked %ge3A_2823 : memref<4096xf32, #tpu.memory_space<vmem>>[vector<16xi32>], vector<16xf32>, vector<16xi1>
      %swap3A_2834 = arith.constant 0 : index
      %swap3A_2835 = tpu.vector_load %arg23[%swap3A_2834] {strides = array<i32>} : memref<16xi32, #tpu.memory_space<vmem>>, vector<16xi32>,
      tpu.vector_store %arg23[%swap3A_2834], %select_n3A_2508 {strides = array<i32>} : memref<16xi32, #tpu.memory_space<vmem>>, vector<16xi32>,
      "tpu.region"() ({
        %run_scoped3A = tpu.sem_alloc : memref<!tpu.dma_semaphore, #tpu.memory_space<semaphore_mem>>
        %dma_start3A_2836 = arith.constant 0 : i32
        %dma_start3A_2837 = tpu.memref_slice %arg7[%arg0, %select_n3A, %dma_start3A_2836] : memref<2x8x4096xf32, #tpu.memory_space<hbm>> -> memref<1x1x4096xf32, #tpu.memory_space<hbm>>
        %dma_start3A_2838 = tpu.memref_squeeze %dma_start3A_2837 : memref<1x1x4096xf32, #tpu.memory_space<hbm>> -> memref<4096xf32, #tpu.memory_space<hbm>>
        %dma_start3A_2839 = arith.constant 0 : i32
        %dma_start3A_2840 = tpu.memref_slice %arg7[%arg0, %select_n3A, %dma_start3A_2839] : memref<2x8x4096xf32, #tpu.memory_space<hbm>> -> memref<1x1x4096xf32, #tpu.memory_space<hbm>>
        %dma_start3A_2841 = tpu.memref_squeeze %dma_start3A_2840 : memref<1x1x4096xf32, #tpu.memory_space<hbm>> -> memref<4096xf32, #tpu.memory_space<hbm>>
        tpu.enqueue_dma source(%arg24 : memref<4096xf32, #tpu.memory_space<vmem>>) target(%dma_start3A_2841 : memref<4096xf32, #tpu.memory_space<hbm>>) target_semaphore(%run_scoped3A : memref<!tpu.dma_semaphore, #tpu.memory_space<semaphore_mem>>)
        %dma_wait3A_2842 = arith.constant 0 : i32
        %dma_wait3A_2843 = tpu.memref_slice %arg7[%arg0, %select_n3A, %dma_wait3A_2842] : memref<2x8x4096xf32, #tpu.memory_space<hbm>> -> memref<1x1x4096xf32, #tpu.memory_space<hbm>>
        %dma_wait3A_2844 = tpu.memref_squeeze %dma_wait3A_2843 : memref<1x1x4096xf32, #tpu.memory_space<hbm>> -> memref<4096xf32, #tpu.memory_space<hbm>>
        %dma_wait3A_2845 = arith.constant 0 : i32
        %dma_wait3A_2846 = tpu.memref_slice %arg7[%arg0, %select_n3A, %dma_wait3A_2845] : memref<2x8x4096xf32, #tpu.memory_space<hbm>> -> memref<1x1x4096xf32, #tpu.memory_space<hbm>>
        %dma_wait3A_2847 = tpu.memref_squeeze %dma_wait3A_2846 : memref<1x1x4096xf32, #tpu.memory_space<hbm>> -> memref<4096xf32, #tpu.memory_space<hbm>>
        tpu.wait_dma2 semaphore(%run_scoped3A : memref<!tpu.dma_semaphore, #tpu.memory_space<semaphore_mem>>) src(%arg24 : memref<4096xf32, #tpu.memory_space<vmem>>) dst(%dma_wait3A_2847 : memref<4096xf32, #tpu.memory_space<hbm>>)
        tpu.yield
      }) : () -> ()
      "tpu.region"() ({
        %run_scoped3A = tpu.sem_alloc : memref<!tpu.dma_semaphore, #tpu.memory_space<semaphore_mem>>
        %dma_start3A_2836 = arith.constant 0 : i32
        %dma_start3A_2837 = tpu.memref_slice %arg8[%arg0, %select_n3A, %dma_start3A_2836] : memref<2x8x16xi32, #tpu.memory_space<hbm>> -> memref<1x1x16xi32, #tpu.memory_space<hbm>>
        %dma_start3A_2838 = tpu.memref_squeeze %dma_start3A_2837 : memref<1x1x16xi32, #tpu.memory_space<hbm>> -> memref<16xi32, #tpu.memory_space<hbm>>
        %dma_start3A_2839 = arith.constant 0 : i32
        %dma_start3A_2840 = tpu.memref_slice %arg8[%arg0, %select_n3A, %dma_start3A_2839] : memref<2x8x16xi32, #tpu.memory_space<hbm>> -> memref<1x1x16xi32, #tpu.memory_space<hbm>>
        %dma_start3A_2841 = tpu.memref_squeeze %dma_start3A_2840 : memref<1x1x16xi32, #tpu.memory_space<hbm>> -> memref<16xi32, #tpu.memory_space<hbm>>
        tpu.enqueue_dma source(%arg23 : memref<16xi32, #tpu.memory_space<vmem>>) target(%dma_start3A_2841 : memref<16xi32, #tpu.memory_space<hbm>>) target_semaphore(%run_scoped3A : memref<!tpu.dma_semaphore, #tpu.memory_space<semaphore_mem>>)
        %dma_wait3A_2842 = arith.constant 0 : i32
        %dma_wait3A_2843 = tpu.memref_slice %arg8[%arg0, %select_n3A, %dma_wait3A_2842] : memref<2x8x16xi32, #tpu.memory_space<hbm>> -> memref<1x1x16xi32, #tpu.memory_space<hbm>>
        %dma_wait3A_2844 = tpu.memref_squeeze %dma_wait3A_2843 : memref<1x1x16xi32, #tpu.memory_space<hbm>> -> memref<16xi32, #tpu.memory_space<hbm>>
        %dma_wait3A_2845 = arith.constant 0 : i32
        %dma_wait3A_2846 = tpu.memref_slice %arg8[%arg0, %select_n3A, %dma_wait3A_2845] : memref<2x8x16xi32, #tpu.memory_space<hbm>> -> memref<1x1x16xi32, #tpu.memory_space<hbm>>
        %dma_wait3A_2847 = tpu.memref_squeeze %dma_wait3A_2846 : memref<1x1x16xi32, #tpu.memory_space<hbm>> -> memref<16xi32, #tpu.memory_space<hbm>>
        tpu.wait_dma2 semaphore(%run_scoped3A : memref<!tpu.dma_semaphore, #tpu.memory_space<semaphore_mem>>) src(%arg23 : memref<16xi32, #tpu.memory_space<vmem>>) dst(%dma_wait3A_2847 : memref<16xi32, #tpu.memory_space<hbm>>)
        tpu.yield
      }) : () -> ()
    } else {
    }
    return
  }
}

</mosaic_0001>

<sc_bundles>
// kernel: _run.3.cloned.1.call-start
scs
__scs_entry_jumppad:
0x0: {  	(pc) =	sbr.rel $0x88, $3  }
0x1: {  	(tag) =	ssettag $0x0;
	lr =	simm.s32 $0x1  }
0x2: {  	[smem:$0x3F9F] =	sst lr;
	_ =	strace $0xD0000000  }
0x3: {  	_ = 	snop  }
0x4: {  	_ = 	snop  }
0x5: {  	_ = 	snop  }
0x6: {  	_ = 	snop  }
0x7: {  	_ = 	snop  }
__scs_overlays_trampoline_lowered:
0x8: {  	[smem:$0x3FAE] =	sst s0  }
0x9: {  	[smem:$0x3FAF] =	sst s1  }
0xa: {  	[smem:$0x3FB0] =	sst s2  }
0xb: {  	[smem:$0x3FB1] =	sst s3  }
0xc: {  	[smem:$0x3FB2] =	sst s4  }
0xd: {  	[smem:$0x3FB3] =	sst s5  }
0xe: {  	[smem:$0x3FB4] =	sst s6  }
0xf: {  	[smem:$0x3FB5] =	sst s7  }
0x10: {  	[smem:$0x3FB6] =	sst s8  }
0x11: {  	[smem:$0x3FB7] =	sst s9;
	s0 =	simm.s32 @!p0 $0x0  }
0x12: {  	s1 =	sld [smem:$0x3F9D];
	s0 =	simm.s32 @p0 $0x1  }
0x13: {  	[smem:$0x3FB8] =	sst s0;
	s0 =	simm.s32 @!p1 $0x0  }
0x14: {  	s2 =	sld [smem:$0x3F9C];
	s0 =	simm.s32 @p1 $0x1  }
0x15: {  	[smem:$0x3FB9] =	sst s0;
	s0 =	simm.s32 @!p2 $0x0  }
0x16: {  	s3 =	sld [smem:$0x3FDB];
	s0 =	simm.s32 @p2 $0x1  }
0x17: {  	s4 =	simm.s32 $0x1BF5;
	[smem:$0x3FBB] =	sst s0  }
0x18: {  	s0 =	sld [smem:$0x3F9E];
	_ =	swait.ge [sflag:s4], $0x0  }
0x19: {  	s7 =	sld [smem:$0x3F9F]  }
0x1a: {  	s8 =	sadd.s32 $0xFFFFE003, lr  }
0x1b: {  	s9 =	sadd.s32 $0xFFFFFEF7, lr;
	s5 =	simm.s32 $0xFFFFFFFF;
	p2 =	slt.u32 s8, $0xFFFFF086  }
0x1c: {  	p1 =	slt.u32 s9, $0xF7A;
	s5 =	simm.s32 @!p2 $0x0  }
0x1d: {  	s5 =	simm.s32 @p1 $0x1;
	p0 =	seq.s32 s7, s2  }
0x1e: {  	s7 =	smul.u32 @!p0 $0xF7A, s2;
	p2 =	seq.s32 @!p0 s5, $0x0  }
0x1f: {  	s9 =	smul.u32 $0xF7A, s1;
	s8 =	simm.s32 @!p0 $0x1BF5;
	p2 =	por !p2, p0  }
0x20: {  	[sflag:s8] =	ssyncset.s32 @!p0 $0xFFFFF086;
	s6 =	sadd.s32 @!p0 s3, s7;
	s7 =	simm.s32 @!p0 $0x108  }
0x21: {  	s3 =	sadd.s32 s3, s9;
	s6 =	sadd.s32 @!p0 $0x88, s6;
	s7 =	simm.s32 @p2 $0x1082  }
0x22: {  	[simem:s7], [sflag:s8] =	dma.local @!p0 [hbm:s6], $0xF7A  }
0x23: {  	s9 =	sor.u32 $0xD0000000, s2;
	s6 =	simm.s32 $0x108;
	_ =	swait.ge @!p0 [sflag:s8], $0x0  }
0x24: {  	s3 =	sadd.s32 $0x88, s3;
	s6 =	simm.s32 @!p1 $0x1082;
	[sflag:s4] =	ssyncset.s32 $0xFFFFF086  }
0x25: {  	[simem:s6], [sflag:s4] =	dma.local [hbm:s3], $0xF7A  }
0x26: {  	[smem:$0x3F9F] =	sst s1;
	(tag) =	ssettag s2;
	_ =	strace s9  }
0x27: {  	s1 =	sld [smem:$0x3FAF]  }
0x28: {  	s2 =	sld [smem:$0x3FB0]  }
0x29: {  	s4 =	sld [smem:$0x3FB2]  }
0x2a: {  	p0 =	seq.s32 s5, $0x0;
	s5 =	sld [smem:$0x3FB3]  }
0x2b: {  	s6 =	sld [smem:$0x3FB4]  }
0x2c: {  	s7 =	sld [smem:$0x3FB5]  }
0x2d: {  	s3 =	simm.s32 $0x108;
	s8 =	sld [smem:$0x3FB6]  }
0x2e: {  	s3 =	simm.s32 @!p0 $0x1082;
	s9 =	sld [smem:$0x3FB7]  }
0x2f: {  	lr =	sadd.s32 s0, s3;
	s0 =	sld [smem:$0x3FAE]  }
0x30: {  	s3 =	sld [smem:$0x3FB1]  }
0x31: {  	[smem:$0x3FBA] =	sst s10  }
0x32: {  	s10 =	sld [smem:$0x3FB8];
	_ =	sdelay $0x3  }
0x33: {  	p0 =	seq.s32 s10, $0x1;
	s10 =	sld [smem:$0x3FBA];
	_ =	sdelay $0x3  }
0x34: {  	[smem:$0x3FBA] =	sst s10  }
0x35: {  	s10 =	sld [smem:$0x3FB9];
	_ =	sdelay $0x3  }
0x36: {  	p1 =	seq.s32 s10, $0x1;
	s10 =	sld [smem:$0x3FBA];
	_ =	sdelay $0x3  }
0x37: {  	[smem:$0x3FBA] =	sst s10  }
0x38: {  	s10 =	sld [smem:$0x3FBB]  }
0x39: {  	_ = 	snop;
	(pc) =	sbr.ind lr, $3  }
0x3a: {  	_ = 	snop  }
0x3b: {  	_ = 	snop  }
0x3c: {  	p2 =	seq.s32 s10, $0x1;
	s10 =	sld [smem:$0x3FBA]  }
0x3d: {  	_ =	shalt  }
0x3e: {  	_ =	shalt  }
0x3f: {  	_ =	shalt  }
0x40: {  	_ =	shalt  }
0x41: {  	_ =	shalt  }
0x42: {  	_ =	shalt  }
0x43: {  	_ =	shalt  }
0x44: {  	_ =	shalt  }
0x45: {  	_ =	shalt  }
0x46: {  	_ =	shalt  }
0x47: {  	_ =	shalt  }
0x48: {  	_ =	shalt  }
0x49: {  	_ =	shalt  }
0x4a: {  	_ =	shalt  }
0x4b: {  	_ =	shalt  }
0x4c: {  	_ =	shalt  }
0x4d: {  	_ =	shalt  }
0x4e: {  	_ =	shalt  }
0x4f: {  	_ =	shalt  }
0x50: {  	_ =	shalt  }
0x51: {  	_ =	shalt  }
0x52: {  	_ =	shalt  }
0x53: {  	_ =	shalt  }
0x54: {  	_ =	shalt  }
0x55: {  	_ =	shalt  }
0x56: {  	_ =	shalt  }
0x57: {  	_ =	shalt  }
0x58: {  	_ =	shalt  }
0x59: {  	_ =	shalt  }
0x5a: {  	_ =	shalt  }
0x5b: {  	_ =	shalt  }
0x5c: {  	_ =	shalt  }
0x5d: {  	_ =	shalt  }
0x5e: {  	_ =	shalt  }
0x5f: {  	_ =	shalt  }
0x60: {  	_ =	shalt  }
0x61: {  	_ =	shalt  }
0x62: {  	_ =	shalt  }
0x63: {  	_ =	shalt  }
0x64: {  	_ =	shalt  }
0x65: {  	_ =	shalt  }
0x66: {  	_ =	shalt  }
0x67: {  	_ =	shalt  }
0x68: {  	_ =	shalt  }
0x69: {  	_ =	shalt  }
0x6a: {  	_ =	shalt  }
0x6b: {  	_ =	shalt  }
0x6c: {  	_ =	shalt  }
0x6d: {  	_ =	shalt  }
0x6e: {  	_ =	shalt  }
0x6f: {  	_ =	shalt  }
0x70: {  	_ =	shalt  }
0x71: {  	_ =	shalt  }
0x72: {  	_ =	shalt  }
0x73: {  	_ =	shalt  }
0x74: {  	_ =	shalt  }
0x75: {  	_ =	shalt  }
0x76: {  	_ =	shalt  }
0x77: {  	_ =	shalt  }
0x78: {  	_ =	shalt  }
0x79: {  	_ =	shalt  }
0x7a: {  	_ =	shalt  }
0x7b: {  	_ =	shalt  }
0x7c: {  	_ =	shalt  }
0x7d: {  	_ =	shalt  }
0x7e: {  	_ =	shalt  }
0x7f: {  	_ =	shalt  }
0x80: {  	_ =	shalt  }
0x81: {  	_ =	shalt  }
0x82: {  	_ =	shalt  }
0x83: {  	_ =	shalt  }
0x84: {  	_ =	shalt  }
0x85: {  	_ =	shalt  }
0x86: {  	_ =	shalt  }
0x87: {  	_ =	shalt  }
.Lfunc_end0:
.L_simem_size_0:
called_computation_lowered:
.L_overlay_start_0:
0x88: {  	s2 =	sld [smem:$0x3FD9]  }
0x89: {  	s3 =	sld [smem:$0x3FFE];
	_ =	sdelay $0x1  }
0x8a: {  	s1 =	srdreg.scid  }
0x8b: {  	s0 =	sand.u32 $0x1, s1  }
0x8c: {  	s14 =	sshll.u32 s0, $0xA;
	s2 =	sadd.s32 s3, s2  }
0x8d: {  	s2 =	sadd.s32 s2, s14  }
0x8e: {  	[smem:$0x3FC6] =	sst s2  }
0x8f: {  	_ = 	snop  }
0x90: {  	s2 =	sld [smem:$0x3FD0];
	_ =	sdelay $0x2  }
0x91: {  	s15 =	simm.s32 $0xA;
	s4 =	simm.s32 $0x10  }
0x92: {  	[smem:s4], [sflag:s15] =	dma.local [hbm:s2], $0x1  }
0x93: {  	_ =	swait.eq [sflag:s15], $0x1  }
0x94: {  	s16 =	sld [smem:$0x10];
	[sflag:s15] =	ssyncset.done $0x0  }
0x95: {  	s17 =	sld [smem:$0x11];
	[sflag:s15] =	ssyncadd.s32 $0xFFFFFFFF  }
0x96: {  	s18 =	sld [smem:$0x12];
	(tm) =	ssettm $0x1  }
0x97: {  	s5 =	sld [smem:$0x3FFB];
	_ =	sdelay $0x3  }
0x98: {  	_ =	strace s5  }
0x99: {  	s5 =	sld [smem:$0x3FFC];
	_ =	sdelay $0x3  }
0x9a: {  	_ =	strace s5  }
0x9b: {  	s5 =	sld [smem:$0x3FFD];
	_ =	sdelay $0x3  }
0x9c: {  	_ =	strace s5  }
0x9d: {  	_ =	strace $0x8FFFFFFF  }
0x9e: {  	s19 =	sld [smem:$0x3FDB];
	_ =	sdelay $0x1  }
0x9f: {  	s6 =	simm.s32 $_scs_section_size  }
0xa0: {  	s7 =	simm.s32 $_size__tile_overlayer_lowered;
	s8 =	simm.s32 $_tile_overlayer_lowered  }
0xa1: {  	s22 =	simm.s32 $0x1BFF;
	s21 =	sshll.u32 s8, $0x1;
	s5 =	sadd.s32 s6, s19  }
0xa2: {  	s9 =	simm.s32 $0x0;
	s20 =	sshll.u32 s7, $0x1;
	s7 =	sadd.s32 s21, s5  }
0xa3: {  	[timem:s9], [sflag:s22] =	dma.local [hbm:s7], s20  }
0xa4: {  	_ =	swait.ge [sflag:s22], s20  }
0xa5: {  	s6 =	ssub.s32 $0x0, s20;
	[sflag:s22] =	ssyncset.done $0x0  }
0xa6: {  	[sflag:s22] =	ssyncadd.s32 s6;
	_ =	sdelay $0x1  }
0xa7: {  	s23 =	simm.s32 $0x1B8B  }
0xa8: {  	_ =	swait.ge [sflag:s23], $0x1  }
0xa9: {  	[sflag:s23] =	ssyncset.done $0x0  }
0xaa: {  	s25 =	simm.s32 $0x1B8E;
	s24 =	sld [smem:$0x3FFE];
	[sflag:s23] =	ssyncadd.s32 $0xFFFFFFFF  }
0xab: {  	s26 =	simm.s32 $execute0_lowered;
	[smem:$0x3FD2] =	sst s25  }
0xac: {  	s7 =	sshll.u32 s26, $0x1;
	_ =	strace $0x80000046;
	[dreg:$0x1] =	wrdreg $0xFFFFFFFF  }
0xad: {  	s28 =	simm.s32 $_size_execute0_lowered;
	s5 =	sadd.s32 s5, s7;
	[dreg:$0x0] =	wrdreg $0x0  }
0xae: {  	s7 =	sshll.u32 s28, $0x1;
	[dreg:$0x2] =	wrdreg s5  }
0xaf: {  	[dreg:$0x3] =	wrdreg s7  }
0xb0: {  	[dreg:$0x4] =	wrdreg $0xC0  }
0xb1: {  	_ =	task [dreg:s9], $0x5FFFF  }
0xb2: {  	[dreg:$0x1] =	wrdreg $0xFFFFFFFF  }
0xb3: {  	[dreg:$0x0] =	wrdreg $0x60  }
0xb4: {  	[dreg:$0x2] =	wrdreg s24  }
0xb5: {  	[dreg:$0x3] =	wrdreg s17  }
0xb6: {  	[dreg:$0x4] =	wrdreg s16  }
0xb7: {  	[dreg:$0x5] =	wrdreg s18  }
0xb8: {  	[dreg:$0x6] =	wrdreg $0x11E800  }
0xb9: {  	[dreg:$0x7] =	wrdreg $0x9  }
0xba: {  	_ =	task.clear_ibuf [dreg:s9], $0x8FFFF;
	_ =	strace $0x90000046  }
0xbb: {  	s29 =	simm.s32 $0x9;
	_ =	strace $0x80000060  }
0xbc: {  	_ =	swait.ge [sflag:s29], $0x1  }
0xbd: {  	[sflag:s29] =	ssyncadd.s32 $0xFFFFFFFF  }
0xbe: {  	_ =	strace $0x90000060  }
0xbf: {  	_ =	sfence  }
0xc0: {  	s30 =	sld [smem:$0x0];
	_ =	sdelay $0x2  }
0xc1: {  	s31 =	sshll.u32 s1, $0xD;
	s1 =	sshrl.u32 s1, $0x2  }
0xc2: {  	s3 =	sand.u32 $0x4000, s31;
	s1 =	sadd.s32 s1, s30  }
0xc3: {  	s0 =	sor.u32 s3, s0;
	s1 =	sshll.u32 s1, $0x11  }
0xc4: {  	s0 =	sor.u32 s1, s0  }
0xc5: {  	s0 =	sadd.s32 $0x8F2B, s0  }
0xc6: {  	[sflag:s0] =	ssyncadd.remote.s32 $0x1  }
0xc7: {  	_ =	sfence.sel $0xFFFF  }
0xc8: {  	[dreg:$0x0] =	wrdreg $0xFFFFFFFF;
	(pc) =	sbr.abs _section_cstart, $3  }
0xc9: {  	[dreg:$0x1] =	wrdreg $0xFFFFFFFF  }
0xca: {  	_ =	task.clear_ibuf [dreg:s9], $0x2FFFF;
	_ =	strace $0x9FFFFFFF  }
0xcb: {  	(tm) =	ssettm $0x7FFFFFFF  }
tec
execute0_lowered:
.L_overlay_start_1:
0x0: {  	(tag) =	ssettag $0x1  }
0x1: {  	s0 =	rddreg [dreg:$0x0]  }
0x2: {  	s1 =	rddreg [dreg:$0x1]  }
0x3: {  	s3 =	rddreg [dreg:$0x2]  }
0x4: {  	s2 =	srdreg.scid;
	s14 =	stileid.u32  }
0x5: {  	s4 =	sand.u32 $0x1, s2;
	s2 =	simm.s32 $0x0;
	s5 =	sshll.u32 s14, $0x6  }
0x6: {  	s7 =	sadd.s32 $0x1A00, s0;
	s8 =	sadd.s32 $0x41A00, s0;
	s11 =	sand.u32 $0x1, s14  }
0x7: {  	s6 =	sshll.u32 s4, $0xF;
	[smem:$0x7FF] =	sst s2;
	s9 =	sshll.u32 s4, $0xA  }
0x8: {  	s10 =	ssub.s32 $0x2, s4;
	s6 =	sor.u32 s5, s6;
	s5 =	sand.u32 $0x380, s5  }
0x9: {  	s13 =	sshll.u32 s11, $0x14;
	s12 =	sshrl.u32 s10, $0x1;
	s9 =	sor.u32 s9, s5  }
0xa: {  	s6 =	sshrl.u32 s6, $0x3;
	s10 =	ssub.s32 s10, s12;
	s9 =	sshrl.u32 s9, $0x3  }
0xb: {  	s5 =	sor.u32 s5, s13;
	s6 =	sadd.s32 s6, s0;
	s0 =	sadd.s32 s9, s0  }
0xc: {  	s17 =	sadd.s32 s1, s9;
	s19 =	sadd.s32 s3, s9;
	s1 =	sshrl.u32 s5, $0x3  }
0xd: {  	s20 =	sadd.s32 s7, s1;
	s12 =	sor.u32 $0x4000, s1;
	s13 =	sor.u32 $0x8000, s1  }
0xe: {  	s15 =	sor.u32 $0xC000, s1;
	s3 =	sadd.s32 s8, s12;
	s26 =	sadd.s32 s7, s13  }
0xf: {  	s28 =	sadd.s32 s8, s13;
	s13 =	smul.u32 $0x300, s14;
	s14 =	rddreg [dreg:$0x4]  }
0x10: {  	s18 =	sor.u32 $0x10000, s1;
	s16 =	sadd.s32 s7, s15;
	[dreg:$0x19] =	wrdreg s3  }
0x11: {  	s24 =	sor.u32 $0x14000, s1;
	s23 =	sadd.s32 s7, s18;
	[dreg:$0xa] =	wrdreg s16  }
0x12: {  	s9 =	sor.u32 $0x18000, s1;
	s25 =	sadd.s32 s7, s24;
	[dreg:$0xc] =	wrdreg s23  }
0x13: {  	s22 =	sadd.s32 s7, s12;
	s12 =	sadd.s32 s7, s9;
	[dreg:$0xe] =	wrdreg s25  }
0x14: {  	s21 =	sadd.s32 s8, s1;
	s3 =	sadd.s32 s8, s15;
	[dreg:$0x10] =	wrdreg s12  }
0x15: {  	s1 =	sor.u32 $0x1C000, s1;
	[dreg:$0xb] =	wrdreg s3;
	s3 =	sadd.s32 s8, s18  }
0x16: {  	s0 =	sadd.s32 $0x81A00, s0;
	[dreg:$0xd] =	wrdreg s3;
	s3 =	sadd.s32 s8, s24  }
0x17: {  	s31 =	sadd.s32 s7, s1;
	[dreg:$0xf] =	wrdreg s3;
	s3 =	sadd.s32 s8, s9  }
0x18: {  	s16 =	sadd.s32 $0x81C00, s6;
	s15 =	sshrl.u32 s13, $0x2;
	[dreg:$0x11] =	wrdreg s3  }
0x19: {  	s18 =	smax.u32 s10, $0x1;
	_ =	strace $0x80000047;
	[dreg:$0x13] =	wrdreg s16  }
0x1a: {  	s8 =	sadd.s32 s8, s1;
	s1 =	sadd.s32 s15, s14;
	[dreg:$0x14] =	wrdreg s0  }
0x1b: {  	v0 =	vimm.s32 $0x0;
	v1 =	vimm.f32 $0.0e+00;
	v2 =	vlaneseq.u32;
	s24 =	sadd.s32 $0xC0, s1;
	[dreg:$0x18] =	wrdreg s18  }
0x1c: {  	v6 =	vimm.s32 $0x1;
	vm0 =	vcmask $0xB08;
	vm1 =	vmmov $0x7;
	s25 =	sadd.s32 $0x140, s1;
	[dreg:$0x16] =	wrdreg s24  }
0x1d: {  	vm2 =	vmmov $0xf;
	vm3 =	vmmov $0x1f;
	vm4 =	vmmov $0x3f;
	[dreg:$0x17] =	wrdreg s25  }
0x1e: {  	s29 =	simm.s32 $0x1;
	s30 =	simm.s32 $0x10000;
	vm5 =	vmmov $0x7f;
	vm6 =	vmmov $0xff;
	vm7 =	vmmov $0x1ff;
	[dreg:$0x6] =	wrdreg s17  }
.Ltmp0:
0x1f: {  	vm8 =	vmmov $0x3ff;
	vm9 =	vmmov $0x7ff;
	vm10 =	vmmov $0xfff;
	p0 =	sne.s32 s11, $0x0;
	[dreg:$0x7] =	wrdreg s19;
	(pc) =	sbr.rel .LBB2_1-.Ltmp0, $4  }
0x20: {  	vm11 =	vmmov $0x1fff;
	vm12 =	vmmov $0x3fff;
	v13 =	vimm.s32 $0xFFFFFFFF;
	s7 =	simm.s32 $0x3;
	s23 =	sshll.u32 s4, $0xE;
	[dreg:$0x8] =	wrdreg s20  }
0x21: {  	v3 =	vmul.u32 $0x20, v2;
	v5 =	vor.u32 $0x80000010, v2;
	v7 =	vor.u32 $0x80000020, v2;
	s6 =	simm.s32 $0x10A00;
	s4 =	simm.s32 $0x2;
	[dreg:$0x9] =	wrdreg s21  }
0x22: {  	v4 =	vmul.u32 $0x40, v2;
	v8 =	vor.u32 $0x80000030, v2;
	v9 =	vor.u32 $0x80000000, v2;
	s5 =	sadd.s32 $0x80, s1;
	s25 =	simm.s32 $0x10A80;
	[dreg:$0x12] =	wrdreg s31  }
0x23: {  	v10 =	vor.u32 $0x10, v2;
	v11 =	vor.u32 $0x20, v2;
	v12 =	vor.u32 $0x30, v2;
	s24 =	simm.s32 $0x8000;
	s18 =	simm.s32 $0x0;
	[dreg:$0x15] =	wrdreg s26  }
.LBB2_39:
0x24: {  	s18 =	sadd.s32 $0x1, s18;
	s0 =	rddreg [dreg:$0x18]  }
0x25: {  	p1 =	sne.s32 s18, s0  }
.Ltmp1:
0x26: {  	_ = 	snop;
	(pc) =	sbr.rel @!p1 .LBB2_40-.Ltmp1, $1  }
0x27: {  	_ =	sdelay $0x3  }
.LBB2_1:
0x28: {  	s9 =	simm.s32 $0x10020  }
0x29: {  	[tilespmem:s9+$0xFFFFFFF0] =	vst v0  }
0x2a: {  	[tilespmem:s9+$0x0] =	vst v0  }
0x2b: {  	[tilespmem:s9+$0x10] =	vst v0  }
0x2c: {  	s10 =	simm.s32 $0x10420;
	[tilespmem:s9+$0xFFFFFFE0] =	vst v0  }
0x2d: {  	[tilespmem:s10+$0xFFFFFFF0] =	vst v0  }
0x2e: {  	[tilespmem:s10+$0x0] =	vst v0  }
0x2f: {  	[tilespmem:s10+$0x10] =	vst v0  }
0x30: {  	s11 =	simm.s32 $0x0;
	s12 =	simm.s32 $0x10060;
	s9 =	simm.s32 $0x10CA0;
	[tilespmem:s10+$0xFFFFFFE0] =	vst v0  }
.LBB2_2:
0x31: {  	[tilespmem:s12+$0xFFFFFFF0] =	vst v0;
	s10 =	sadd.s32 $0x40, s10  }
0x32: {  	s11 =	sadd.s32 $0x4, s11;
	[tilespmem:s10+$0xFFFFFFF0] =	vst v0  }
0x33: {  	p1 =	slt.u32 s11, $0x3C;
	[tilespmem:s12+$0x0] =	vst v0  }
.Ltmp2:
0x34: {  	[tilespmem:s10+$0x0] =	vst v0;
	(pc) =	sbr.rel @p1 .LBB2_2-.Ltmp2, $4  }
0x35: {  	[tilespmem:s12+$0x10] =	vst v0  }
0x36: {  	[tilespmem:s10+$0x10] =	vst v0  }
0x37: {  	[tilespmem:s12+$0xFFFFFFE0] =	vst v0  }
0x38: {  	s12 =	sadd.s32 $0x40, s12;
	[tilespmem:s10+$0xFFFFFFE0] =	vst v0  }
0x39: {  	[tilespmem:s9+$0xFFFFFFE0] =	vst v1  }
0x3a: {  	[tilespmem:s9+$0x10] =	vst v1  }
0x3b: {  	s10 =	simm.s32 $0x0;
	[tilespmem:s9+$0x0] =	vst v1  }
.LBB2_4:
0x3c: {  	s10 =	sadd.s32 $0x4, s10  }
0x3d: {  	[tilespmem:s9+$0xFFFFFFF0] =	vst v1;
	s9 =	sadd.s32 $0x40, s9;
	p1 =	slt.u32 s10, $0xFC  }
.Ltmp3:
0x3e: {  	[tilespmem:s9+$0xFFFFFFE0] =	vst v1;
	(pc) =	sbr.rel @p1 .LBB2_4-.Ltmp3, $3  }
0x3f: {  	_ =	sdelay $0x1  }
0x40: {  	[tilespmem:s9+$0x10] =	vst v1  }
0x41: {  	[tilespmem:s9+$0x0] =	vst v1  }
0x42: {  	[tilespmem:s9+$0xFFFFFFF0] =	vst v1;
	s14 =	simm.s32 $0x0  }
0x43: {  	[tilespmem:s6], [sflag:$0x3] =	stream.linear.gather [hbm4b:s17+s14], $0x80, $0x38;
	[tilespmem:$0x11F40] =	vst v63  }
0x44: {  	_ =	swait.ge [sflag:s7], $0x80  }
0x45: {  	[sflag:s7] =	ssyncset.done $0x0  }
0x46: {  	[sflag:s7] =	ssyncadd.s32 $0xFFFFFF80  }
0x47: {  	[tilespmem:s25], [sflag:$0x3] =	stream.linear.gather [hbm4b:s19+s14], $0x80, $0x38;
	[tilespmem:$0x11F40] =	vst v63  }
0x48: {  	_ =	swait.ge [sflag:s7], $0x80  }
0x49: {  	[sflag:s7] =	ssyncset.done $0x0  }
0x4a: {  	s0 =	simm.s32 $0x80;
	s10 =	simm.s32 $0x400;
	[sflag:s7] =	ssyncadd.s32 $0xFFFFFF80  }
0x4b: {  	[tilespmem:s14], [sflag:$0x1] =	stream.strided.gather [hbm4b:s20+s0], $0x4000, s10, s0, $0x38;
	[tilespmem:$0x11F40] =	vst v63  }
0x4c: {  	s15 =	simm.s32 $0x4000  }
0x4d: {  	[tilespmem:s15], [sflag:$0x1] =	stream.strided.gather [hbm4b:s21+s0], $0x4000, s10, s0, $0x38;
	[tilespmem:$0x11F40] =	vst v63  }
0x4e: {  	_ = 	snop  }
0x4f: {  	[tilespmem:s24], [sflag:$0x2] =	stream.strided.gather [hbm4b:s22+s0], $0x4000, s10, s0, $0x38;
	[tilespmem:$0x11F40] =	vst v63  }
0x50: {  	s16 =	simm.s32 $0xC000;
	s11 =	rddreg [dreg:$0x19]  }
0x51: {  	[tilespmem:s16], [sflag:$0x2] =	stream.strided.gather [hbm4b:s11+s0], $0x4000, s10, s0, $0x38;
	[tilespmem:$0x11F40] =	vst v63  }
0x52: {  	s0 =	simm.s32 $0x0  }
0x53: {  	s9 =	smul.u32 $0x1E0, s0  }
0x54: {  	_ =	strace $0x80000048  }
0x55: {  	_ =	swait.ge [sflag:s29], $0x4000;
	s9 =	sadd.s32 s9, s23  }
0x56: {  	[sflag:s29] =	ssyncset.done $0x0;
	s9 =	sadd.s32 $0xFFFFFFF8, s9  }
0x57: {  	[sflag:s29] =	ssyncadd.s32 $0xFFFFC000;
	s3 =	sadd.s32 $0xD, s9  }
0x58: {  	_ =	swait.ge [sflag:s29], $0x4000;
	v14 =	vadd.s32 s3, v3  }
0x59: {  	s11 =	sadd.s32 $0xB, s9;
	[sflag:s29] =	ssyncset.done $0x0  }
0x5a: {  	s12 =	sadd.s32 $0xF, s9;
	v15 =	vadd.s32 s11, v3;
	[sflag:s29] =	ssyncadd.s32 $0xFFFFC000  }
0x5b: {  	s15 =	simm.s32 $0x0;
	s13 =	sadd.s32 $0x8, s9;
	v16 =	vadd.s32 s12, v3;
	_ =	strace $0x90000048  }
0x5c: {  	s10 =	smul.u32 $0x1E0, s15;
	s14 =	sadd.s32 $0x9, s9;
	v17 =	vadd.s32 s13, v3;
	_ =	strace $0x80000049  }
0x5d: {  	s16 =	sadd.s32 $0xE, s9;
	v18 =	vadd.s32 s14, v3;
	v14 =	vld.idx.msk [tilespmem:v14+s2+$0x0], $0xffff  }
0x5e: {  	s10 =	sadd.s32 s10, s23;
	s12 =	sadd.s32 $0xA, s9;
	v19 =	vadd.s32 s16, v3  }
0x5f: {  	s0 =	sadd.s32 $0x0, s10;
	s9 =	sadd.s32 $0xC, s9;
	v20 =	vadd.s32 s12, v3;
	v15 =	vld.idx.msk [tilespmem:v15+s2+$0x0], $0xffff  }
0x60: {  	s3 =	sadd.s32 $0x8, s0;
	v21 =	vadd.s32 s9, v3;
	v24 =	vld.idx.msk [tilespmem:v16+s2+$0x0], $0xffff  }
0x61: {  	v26 =	vadd.s32 s3, v3;
	s12 =	sadd.s32 $0xD, s0;
	v16 =	vld.idx.msk [tilespmem:v17+s2+$0x0], $0xffff  }
0x62: {  	v28 =	vadd.s32 s12, v3;
	v17 =	vld.idx.msk [tilespmem:v18+s2+$0x0], $0xffff;
	v14 =	vshll.u32 v14, $0x4  }
0x63: {  	s10 =	sadd.s32 $0xF, s0;
	v25 =	vld.idx.msk [tilespmem:v19+s2+$0x0], $0xffff;
	v14 =	vor.u32 v2, v14  }
0x64: {  	v18 =	vadd.s32 s10, v3;
	v27 =	vld.idx.msk [tilespmem:v20+s2+$0x0], $0xffff;
	v15 =	vshll.u32 v15, $0x4  }
0x65: {  	s13 =	sadd.s32 $0x9, s0;
	v30 =	vld.idx.msk [tilespmem:v21+s2+$0x0], $0xffff;
	v29 =	vor.u32 v2, v15  }
0x66: {  	s14 =	sadd.s32 $0xB, s0;
	s16 =	sadd.s32 $0xE, s0;
	v31 =	vadd.s32 s13, v3;
	v20 =	vld.idx.msk [tilespmem:v26+s2+$0x0], $0xffff  }
0x67: {  	s15 =	sadd.s32 $0xA, s0;
	v23 =	vadd.s32 s16, v3;
	v19 =	vadd.s32 s14, v3;
	v26 =	vld.idx.msk [tilespmem:v28+s2+$0x0], $0xffff;
	v15 =	vshll.u32 v16, $0x4  }
0x68: {  	s9 =	sadd.s32 $0xC, s0;
	v21 =	vadd.s32 s15, v3;
	v22 =	vor.u32 v2, v15;
	v15 =	vshll.u32 v17, $0x4;
	[tilespmem:v14+s30+$0x0] =	vst.idx.add.s32.msk $0xffff, v6  }
0x69: {  	v16 =	vadd.s32 s9, v3;
	v17 =	vor.u32 v2, v15;
	v14 =	vld.idx.msk [tilespmem:v18+s2+$0x0], $0xffff;
	v18 =	vshll.u32 v24, $0x4  }
0x6a: {  	v24 =	vshll.u32 v25, $0x4;
	[tilespmem:v29+s30+$0x0] =	vst.idx.add.s32.msk $0xffff, v6;
	v15 =	vor.u32 v2, v18;
	v18 =	vshll.u32 v27, $0x4  }
0x6b: {  	s10 =	simm.s32 $0x10;
	s9 =	simm.s32 $0x8;
	v27 =	vshll.u32 v30, $0x4;
	v24 =	vor.u32 v2, v24;
	v25 =	vor.u32 v2, v18;
	v18 =	vld.idx.msk [tilespmem:v31+s2+$0x0], $0xffff  }
.LBB2_6:
0x6c: {  	s11 =	sshrl.u32 s10, $0x5;
	v28 =	vld.idx.msk [tilespmem:v23+s2+$0x0], $0xffff;
	v23 =	vor.u32 v2, v27;
	s12 =	smov.u32 s9;
	s9 =	sadd.s32 $0x8, s9  }
0x6d: {  	s11 =	smul.u32 $0x1E0, s11;
	p1 =	slt.u32 s9, $0x3F8;
	v27 =	vld.idx.msk [tilespmem:v21+s2+$0x0], $0xffff  }
0x6e: {  	v29 =	vld.idx.msk [tilespmem:v19+s2+$0x0], $0xffff  }
0x6f: {  	v19 =	vshll.u32 v26, $0x4;
	s11 =	sadd.s32 s11, s23;
	[tilespmem:v22+s30+$0x0] =	vst.idx.add.s32.msk $0xffff, v6  }
0x70: {  	v26 =	vor.u32 v2, v19;
	s11 =	sadd.s32 s11, s12;
	[tilespmem:v25+s30+$0x0] =	vst.idx.add.s32.msk $0xffff, v6  }
0x71: {  	s12 =	sadd.s32 $0x8, s11;
	s13 =	sadd.s32 $0x9, s11;
	s14 =	sadd.s32 $0xF, s11;
	[tilespmem:v23+s30+$0x0] =	vst.idx.add.s32.msk $0xffff, v6  }
0x72: {  	v20 =	vshll.u32 v20, $0x4;
	s15 =	sadd.s32 $0xC, s11;
	s16 =	sadd.s32 $0xD, s11;
	v25 =	vadd.s32 s12, v3;
	s12 =	sadd.s32 $0xB, s11;
	v30 =	vadd.s32 s14, v3;
	[tilespmem:v24+s30+$0x0] =	vst.idx.add.s32.msk $0xffff, v6  }
0x73: {  	v24 =	vadd.s32 s13, v3;
	s13 =	sadd.s32 $0xA, s11;
	v31 =	vadd.s32 s16, v3;
	s11 =	sadd.s32 $0xE, s11;
	v19 =	vadd.s32 s12, v3;
	[tilespmem:v17+s30+$0x0] =	vst.idx.add.s32.msk $0xffff, v6  }
0x74: {  	v21 =	vadd.s32 s13, v3;
	v23 =	vadd.s32 s11, v3;
	v17 =	vshll.u32 v29, $0x4;
	[tilespmem:v15+s30+$0x0] =	vst.idx.add.s32.msk $0xffff, v6  }
0x75: {  	v22 =	vor.u32 v2, v20;
	v15 =	vshll.u32 v18, $0x4;
	v18 =	vor.u32 v2, v17;
	v29 =	vld.idx.msk [tilespmem:v16+s2+$0x0], $0xffff  }
0x76: {  	v20 =	vshll.u32 v14, $0x4;
	v16 =	vadd.s32 s15, v3;
	[tilespmem:v26+s30+$0x0] =	vst.idx.add.s32.msk $0xffff, v6  }
.Ltmp4:
0x77: {  	v17 =	vor.u32 v2, v15;
	v15 =	vor.u32 v2, v20;
	v14 =	vld.idx.msk [tilespmem:v30+s2+$0x0], $0xffff;
	(pc) =	sbr.rel @p1 .LBB2_6-.Ltmp4, $4  }
0x78: {  	v20 =	vld.idx.msk [tilespmem:v25+s2+$0x0], $0xffff;
	v25 =	vshll.u32 v27, $0x4  }
0x79: {  	v28 =	vshll.u32 v28, $0x4;
	v26 =	vld.idx.msk [tilespmem:v31+s2+$0x0], $0xffff;
	v25 =	vor.u32 v2, v25  }
0x7a: {  	[tilespmem:v18+s30+$0x0] =	vst.idx.add.s32.msk $0xffff, v6  }
0x7b: {  	s10 =	sadd.s32 $0x8, s10;
	v27 =	vshll.u32 v29, $0x4;
	v18 =	vld.idx.msk [tilespmem:v24+s2+$0x0], $0xffff;
	v24 =	vor.u32 v2, v28  }
0x7c: {  	_ =	sdelay $0x3  }
0x7d: {  	v19 =	vld.idx.msk [tilespmem:v19+s2+$0x0], $0xffff  }
0x7e: {  	v23 =	vld.idx.msk [tilespmem:v23+s2+$0x0], $0xffff  }
0x7f: {  	v21 =	vld.idx.msk [tilespmem:v21+s2+$0x0], $0xffff  }
0x80: {  	v16 =	vld.idx.msk [tilespmem:v16+s2+$0x0], $0xffff  }
0x81: {  	v27 =	vor.u32 v2, v27;
	[tilespmem:v22+s30+$0x0] =	vst.idx.add.s32.msk $0xffff, v6;
	v14 =	vshll.u32 v14, $0x4  }
0x82: {  	[tilespmem:v25+s30+$0x0] =	vst.idx.add.s32.msk $0xffff, v6;
	v20 =	vshll.u32 v20, $0x4;
	v14 =	vor.u32 v2, v14  }
0x83: {  	[tilespmem:v24+s30+$0x0] =	vst.idx.add.s32.msk $0xffff, v6;
	v26 =	vshll.u32 v26, $0x4;
	v20 =	vor.u32 v2, v20  }
0x84: {  	[tilespmem:v17+s30+$0x0] =	vst.idx.add.s32.msk $0xffff, v6;
	v63 =	vor.u32 v2, v26;
	v18 =	vshll.u32 v18, $0x4  }
0x85: {  	[tilespmem:v15+s30+$0x0] =	vst.idx.add.s32.msk $0xffff, v6;
	v19 =	vshll.u32 v19, $0x4;
	v18 =	vor.u32 v2, v18  }
0x86: {  	[tilespmem:v27+s30+$0x0] =	vst.idx.add.s32.msk $0xffff, v6;
	v21 =	vshll.u32 v21, $0x4;
	v19 =	vor.u32 v2, v19  }
0x87: {  	v16 =	vshll.u32 v16, $0x4;
	v17 =	vor.u32 v2, v21;
	[tilespmem:v14+s30+$0x0] =	vst.idx.add.s32.msk $0xffff, v6  }
0x88: {  	v15 =	vshll.u32 v23, $0x4;
	v16 =	vor.u32 v2, v16;
	[tilespmem:v20+s30+$0x0] =	vst.idx.add.s32.msk $0xffff, v6  }
0x89: {  	v15 =	vor.u32 v2, v15;
	[tilespmem:v63+s30+$0x0] =	vst.idx.add.s32.msk $0xffff, v6  }
0x8a: {  	[tilespmem:v18+s30+$0x0] =	vst.idx.add.s32.msk $0xffff, v6  }
0x8b: {  	[tilespmem:v19+s30+$0x0] =	vst.idx.add.s32.msk $0xffff, v6  }
0x8c: {  	[tilespmem:v17+s30+$0x0] =	vst.idx.add.s32.msk $0xffff, v6  }
0x8d: {  	[tilespmem:v16+s30+$0x0] =	vst.idx.add.s32.msk $0xffff, v6  }
0x8e: {  	[tilespmem:v15+s30+$0x0] =	vst.idx.add.s32.msk $0xffff, v6  }
0x8f: {  	_ =	strace $0x90000049  }
0x90: {  	s10 =	simm.s32 $0x10000;
	_ =	strace $0x8000004A  }
0x91: {  	v14 =	vld [tilespmem:s10+$0x0];
	_ =	sdelay $0x3  }
0x92: {  	v15 =	vimm.s32 $0xFFFFFFFF  }
0x93: {  	s9 =	simm.s32 $0x0;
	s11 =	simm.s32 $0x10010;
	v16 =	vimm.s32 $0x0;
	[tilespmem:s10+$0x0] =	vst v0;
	s10 =	simm.s32 $0x1;
	vm13 =	vgt.s32 v14, v15  }
.LBB2_8:
0x94: {  	[tilespmem:s11+$0x0] =	vst v0;
	p1 =	sne.s32 s10, $0x3F;
	v15 =	vsel vm13, v14, v15;
	v14 =	vld [tilespmem:s11+$0x0];
	v16 =	vsel vm13, s9, v16;
	s9 =	smov.u32 s10;
	s10 =	sadd.s32 $0x1, s10  }
.Ltmp5:
0x95: {  	(pc) =	sbr.rel @p1 .LBB2_8-.Ltmp5, $2  }
0x96: {  	_ =	sdelay $0x2  }
0x97: {  	s11 =	sadd.s32 $0x10, s11;
	vm13 =	vgt.s32 v14, v15  }
0x98: {  	v14 =	vsel vm13, s9, v16  }
0x99: {  	v15 =	vadd.s32 v4, v14;
	_ =	sdelay $0x3  }
0x9a: {  	_ =	strace $0x9000004A;
	s0 =	simm.s32 $0x10400;
	[tilespmem:$0x10880] =	vst v14  }
0x9b: {  	s15 =	simm.s32 $0x0;
	s16 =	simm.s32 $0x80;
	s10 =	simm.s32 $0x400;
	[tilespmem:v15+s0+$0x0] =	vst.idx.add.s32.msk $0xffff, v6  }
0x9c: {  	[tilespmem:s15], [sflag:$0x1] =	stream.strided.gather [hbm4b:s26+s16], $0x4000, s10, s16, $0x38;
	[tilespmem:$0x11F40] =	vst v63  }
0x9d: {  	s3 =	simm.s32 $0x4000  }
0x9e: {  	[tilespmem:s3], [sflag:$0x1] =	stream.strided.gather [hbm4b:s28+s16], $0x4000, s10, s16, $0x38;
	[tilespmem:$0x11F40] =	vst v63  }
0x9f: {  	s10 =	simm.s32 $0x0  }
0xa0: {  	s9 =	smul.u32 $0x1E0, s10  }
0xa1: {  	_ =	strace $0x8000004B  }
0xa2: {  	_ =	swait.ge [sflag:s4], $0x4000;
	s9 =	sadd.s32 s9, s23  }
0xa3: {  	[sflag:s4] =	ssyncset.done $0x0;
	s9 =	sadd.s32 $0xFFFFFFF8, s9  }
0xa4: {  	[sflag:s4] =	ssyncadd.s32 $0xFFFFC000;
	s11 =	sadd.s32 $0xD, s9  }
0xa5: {  	_ =	swait.ge [sflag:s4], $0x4000;
	v14 =	vadd.s32 s11, v3  }
0xa6: {  	s12 =	sadd.s32 $0xB, s9;
	[sflag:s4] =	ssyncset.done $0x0  }
0xa7: {  	s16 =	sadd.s32 $0xE, s9;
	v15 =	vadd.s32 s12, v3;
	[sflag:s4] =	ssyncadd.s32 $0xFFFFC000  }
0xa8: {  	s15 =	simm.s32 $0x0;
	s11 =	sadd.s32 $0xF, s9;
	v19 =	vadd.s32 s16, v3;
	_ =	strace $0x9000004B  }
0xa9: {  	s10 =	smul.u32 $0x1E0, s15;
	s13 =	sadd.s32 $0x8, s9;
	v16 =	vadd.s32 s11, v3;
	_ =	strace $0x8000004C  }
0xaa: {  	s14 =	sadd.s32 $0x9, s9;
	v17 =	vadd.s32 s13, v3;
	v14 =	vld.idx.msk [tilespmem:v14+s24+$0x0], $0xffff  }
0xab: {  	s10 =	sadd.s32 s10, s23;
	v18 =	vadd.s32 s14, v3;
	s12 =	sadd.s32 $0xA, s9  }
0xac: {  	s0 =	sadd.s32 $0x0, s10;
	s9 =	sadd.s32 $0xC, s9;
	v20 =	vadd.s32 s12, v3;
	v15 =	vld.idx.msk [tilespmem:v15+s24+$0x0], $0xffff  }
0xad: {  	s3 =	sadd.s32 $0x8, s0;
	v21 =	vadd.s32 s9, v3;
	v25 =	vld.idx.msk [tilespmem:v19+s24+$0x0], $0xffff  }
0xae: {  	v26 =	vadd.s32 s3, v3;
	s12 =	sadd.s32 $0xD, s0;
	v24 =	vld.idx.msk [tilespmem:v16+s24+$0x0], $0xffff  }
0xaf: {  	v28 =	vadd.s32 s12, v3;
	v16 =	vld.idx.msk [tilespmem:v17+s24+$0x0], $0xffff;
	v14 =	vshll.u32 v14, $0x4  }
0xb0: {  	s10 =	sadd.s32 $0xF, s0;
	v17 =	vld.idx.msk [tilespmem:v18+s24+$0x0], $0xffff;
	v14 =	vor.u32 v2, v14  }
0xb1: {  	v18 =	vadd.s32 s10, v3;
	v27 =	vld.idx.msk [tilespmem:v20+s24+$0x0], $0xffff;
	v15 =	vshll.u32 v15, $0x4  }
0xb2: {  	s13 =	sadd.s32 $0x9, s0;
	v30 =	vld.idx.msk [tilespmem:v21+s24+$0x0], $0xffff;
	v29 =	vor.u32 v2, v15  }
0xb3: {  	s14 =	sadd.s32 $0xB, s0;
	s16 =	sadd.s32 $0xE, s0;
	v31 =	vadd.s32 s13, v3;
	v20 =	vld.idx.msk [tilespmem:v26+s24+$0x0], $0xffff  }
0xb4: {  	s15 =	sadd.s32 $0xA, s0;
	v23 =	vadd.s32 s16, v3;
	v19 =	vadd.s32 s14, v3;
	v26 =	vld.idx.msk [tilespmem:v28+s24+$0x0], $0xffff;
	v15 =	vshll.u32 v16, $0x4  }
0xb5: {  	s9 =	sadd.s32 $0xC, s0;
	v21 =	vadd.s32 s15, v3;
	v22 =	vor.u32 v2, v15;
	v15 =	vshll.u32 v17, $0x4;
	[tilespmem:v14+s30+$0x0] =	vst.idx.add.s32.msk $0xffff, v6  }
0xb6: {  	v16 =	vadd.s32 s9, v3;
	v17 =	vor.u32 v2, v15;
	v14 =	vld.idx.msk [tilespmem:v18+s24+$0x0], $0xffff;
	v18 =	vshll.u32 v24, $0x4  }
0xb7: {  	v24 =	vshll.u32 v25, $0x4;
	[tilespmem:v29+s30+$0x0] =	vst.idx.add.s32.msk $0xffff, v6;
	v15 =	vor.u32 v2, v18;
	v18 =	vshll.u32 v27, $0x4  }
0xb8: {  	s10 =	simm.s32 $0x10;
	s9 =	simm.s32 $0x8;
	v27 =	vshll.u32 v30, $0x4;
	v24 =	vor.u32 v2, v24;
	v25 =	vor.u32 v2, v18;
	v18 =	vld.idx.msk [tilespmem:v31+s24+$0x0], $0xffff  }
.LBB2_10:
0xb9: {  	s11 =	sshrl.u32 s10, $0x5;
	v28 =	vld.idx.msk [tilespmem:v23+s24+$0x0], $0xffff;
	v23 =	vor.u32 v2, v27;
	s12 =	smov.u32 s9;
	s9 =	sadd.s32 $0x8, s9  }
0xba: {  	s11 =	smul.u32 $0x1E0, s11;
	p1 =	slt.u32 s9, $0x3F8;
	v27 =	vld.idx.msk [tilespmem:v21+s24+$0x0], $0xffff  }
0xbb: {  	v29 =	vld.idx.msk [tilespmem:v19+s24+$0x0], $0xffff  }
0xbc: {  	v19 =	vshll.u32 v26, $0x4;
	s11 =	sadd.s32 s11, s23;
	[tilespmem:v22+s30+$0x0] =	vst.idx.add.s32.msk $0xffff, v6  }
0xbd: {  	v26 =	vor.u32 v2, v19;
	s11 =	sadd.s32 s11, s12;
	[tilespmem:v25+s30+$0x0] =	vst.idx.add.s32.msk $0xffff, v6  }
0xbe: {  	s12 =	sadd.s32 $0x8, s11;
	s13 =	sadd.s32 $0x9, s11;
	s14 =	sadd.s32 $0xF, s11;
	[tilespmem:v23+s30+$0x0] =	vst.idx.add.s32.msk $0xffff, v6  }
0xbf: {  	v20 =	vshll.u32 v20, $0x4;
	s15 =	sadd.s32 $0xC, s11;
	s16 =	sadd.s32 $0xD, s11;
	v25 =	vadd.s32 s12, v3;
	s12 =	sadd.s32 $0xB, s11;
	v30 =	vadd.s32 s14, v3;
	[tilespmem:v24+s30+$0x0] =	vst.idx.add.s32.msk $0xffff, v6  }
0xc0: {  	v24 =	vadd.s32 s13, v3;
	s13 =	sadd.s32 $0xA, s11;
	v31 =	vadd.s32 s16, v3;
	s11 =	sadd.s32 $0xE, s11;
	v19 =	vadd.s32 s12, v3;
	[tilespmem:v17+s30+$0x0] =	vst.idx.add.s32.msk $0xffff, v6  }
0xc1: {  	v21 =	vadd.s32 s13, v3;
	v23 =	vadd.s32 s11, v3;
	v17 =	vshll.u32 v29, $0x4;
	[tilespmem:v15+s30+$0x0] =	vst.idx.add.s32.msk $0xffff, v6  }
0xc2: {  	v22 =	vor.u32 v2, v20;
	v15 =	vshll.u32 v18, $0x4;
	v18 =	vor.u32 v2, v17;
	v29 =	vld.idx.msk [tilespmem:v16+s24+$0x0], $0xffff  }
0xc3: {  	v20 =	vshll.u32 v14, $0x4;
	v16 =	vadd.s32 s15, v3;
	[tilespmem:v26+s30+$0x0] =	vst.idx.add.s32.msk $0xffff, v6  }
.Ltmp6:
0xc4: {  	v17 =	vor.u32 v2, v15;
	v15 =	vor.u32 v2, v20;
	v14 =	vld.idx.msk [tilespmem:v30+s24+$0x0], $0xffff;
	(pc) =	sbr.rel @p1 .LBB2_10-.Ltmp6, $4  }
0xc5: {  	v20 =	vld.idx.msk [tilespmem:v25+s24+$0x0], $0xffff;
	v25 =	vshll.u32 v27, $0x4  }
0xc6: {  	v28 =	vshll.u32 v28, $0x4;
	v26 =	vld.idx.msk [tilespmem:v31+s24+$0x0], $0xffff;
	v25 =	vor.u32 v2, v25  }
0xc7: {  	[tilespmem:v18+s30+$0x0] =	vst.idx.add.s32.msk $0xffff, v6  }
0xc8: {  	s10 =	sadd.s32 $0x8, s10;
	v27 =	vshll.u32 v29, $0x4;
	v18 =	vld.idx.msk [tilespmem:v24+s24+$0x0], $0xffff;
	v24 =	vor.u32 v2, v28  }
0xc9: {  	_ =	sdelay $0x3  }
0xca: {  	v19 =	vld.idx.msk [tilespmem:v19+s24+$0x0], $0xffff  }
0xcb: {  	v23 =	vld.idx.msk [tilespmem:v23+s24+$0x0], $0xffff  }
0xcc: {  	v21 =	vld.idx.msk [tilespmem:v21+s24+$0x0], $0xffff  }
0xcd: {  	v16 =	vld.idx.msk [tilespmem:v16+s24+$0x0], $0xffff  }
0xce: {  	v27 =	vor.u32 v2, v27;
	[tilespmem:v22+s30+$0x0] =	vst.idx.add.s32.msk $0xffff, v6;
	v14 =	vshll.u32 v14, $0x4  }
0xcf: {  	[tilespmem:v25+s30+$0x0] =	vst.idx.add.s32.msk $0xffff, v6;
	v20 =	vshll.u32 v20, $0x4;
	v14 =	vor.u32 v2, v14  }
0xd0: {  	[tilespmem:v24+s30+$0x0] =	vst.idx.add.s32.msk $0xffff, v6;
	v26 =	vshll.u32 v26, $0x4;
	v20 =	vor.u32 v2, v20  }
0xd1: {  	[tilespmem:v17+s30+$0x0] =	vst.idx.add.s32.msk $0xffff, v6;
	v63 =	vor.u32 v2, v26;
	v18 =	vshll.u32 v18, $0x4  }
0xd2: {  	[tilespmem:v15+s30+$0x0] =	vst.idx.add.s32.msk $0xffff, v6;
	v19 =	vshll.u32 v19, $0x4;
	v18 =	vor.u32 v2, v18  }
0xd3: {  	[tilespmem:v27+s30+$0x0] =	vst.idx.add.s32.msk $0xffff, v6;
	v21 =	vshll.u32 v21, $0x4;
	v19 =	vor.u32 v2, v19  }
0xd4: {  	v16 =	vshll.u32 v16, $0x4;
	v17 =	vor.u32 v2, v21;
	[tilespmem:v14+s30+$0x0] =	vst.idx.add.s32.msk $0xffff, v6  }
0xd5: {  	v15 =	vshll.u32 v23, $0x4;
	v16 =	vor.u32 v2, v16;
	[tilespmem:v20+s30+$0x0] =	vst.idx.add.s32.msk $0xffff, v6  }
0xd6: {  	v15 =	vor.u32 v2, v15;
	[tilespmem:v63+s30+$0x0] =	vst.idx.add.s32.msk $0xffff, v6  }
0xd7: {  	[tilespmem:v18+s30+$0x0] =	vst.idx.add.s32.msk $0xffff, v6  }
0xd8: {  	[tilespmem:v19+s30+$0x0] =	vst.idx.add.s32.msk $0xffff, v6  }
0xd9: {  	[tilespmem:v17+s30+$0x0] =	vst.idx.add.s32.msk $0xffff, v6  }
0xda: {  	[tilespmem:v16+s30+$0x0] =	vst.idx.add.s32.msk $0xffff, v6  }
0xdb: {  	[tilespmem:v15+s30+$0x0] =	vst.idx.add.s32.msk $0xffff, v6  }
0xdc: {  	_ =	strace $0x9000004C  }
0xdd: {  	s10 =	simm.s32 $0x10000;
	_ =	strace $0x8000004D  }
0xde: {  	v14 =	vld [tilespmem:s10+$0x0];
	_ =	sdelay $0x3  }
0xdf: {  	v15 =	vimm.s32 $0xFFFFFFFF  }
0xe0: {  	s9 =	simm.s32 $0x0;
	s11 =	simm.s32 $0x10010;
	v16 =	vimm.s32 $0x0;
	[tilespmem:s10+$0x0] =	vst v0;
	s10 =	simm.s32 $0x1;
	vm13 =	vgt.s32 v14, v15  }
.LBB2_12:
0xe1: {  	[tilespmem:s11+$0x0] =	vst v0;
	p1 =	sne.s32 s10, $0x3F;
	v15 =	vsel vm13, v14, v15;
	v14 =	vld [tilespmem:s11+$0x0];
	v16 =	vsel vm13, s9, v16;
	s9 =	smov.u32 s10;
	s10 =	sadd.s32 $0x1, s10  }
.Ltmp7:
0xe2: {  	(pc) =	sbr.rel @p1 .LBB2_12-.Ltmp7, $2  }
0xe3: {  	_ =	sdelay $0x2  }
0xe4: {  	s11 =	sadd.s32 $0x10, s11;
	vm13 =	vgt.s32 v14, v15  }
0xe5: {  	v14 =	vsel vm13, s9, v16  }
0xe6: {  	v15 =	vadd.s32 v4, v14;
	_ =	sdelay $0x3  }
0xe7: {  	_ =	strace $0x9000004D;
	s0 =	simm.s32 $0x10400;
	s15 =	simm.s32 $0x80;
	[tilespmem:$0x10890] =	vst v14  }
0xe8: {  	s10 =	simm.s32 $0x400;
	s14 =	rddreg [dreg:$0xa];
	[tilespmem:v15+s0+$0x0] =	vst.idx.add.s32.msk $0xffff, v6;
	s0 =	simm.s32 $0x0  }
0xe9: {  	[tilespmem:s24], [sflag:$0x2] =	stream.strided.gather [hbm4b:s14+s15], $0x4000, s10, s15, $0x38;
	[tilespmem:$0x11F40] =	vst v63  }
0xea: {  	s11 =	simm.s32 $0xC000;
	s16 =	rddreg [dreg:$0xb];
	s9 =	smul.u32 $0x1E0, s0  }
0xeb: {  	[tilespmem:s11], [sflag:$0x2] =	stream.strided.gather [hbm4b:s16+s15], $0x4000, s10, s15, $0x38;
	[tilespmem:$0x11F40] =	vst v63  }
0xec: {  	_ =	strace $0x8000004E  }
0xed: {  	s9 =	sadd.s32 s9, s23;
	_ =	swait.ge [sflag:s29], $0x4000  }
0xee: {  	s9 =	sadd.s32 $0xFFFFFFF8, s9;
	[sflag:s29] =	ssyncset.done $0x0  }
0xef: {  	s3 =	sadd.s32 $0xD, s9;
	[sflag:s29] =	ssyncadd.s32 $0xFFFFC000  }
0xf0: {  	v14 =	vadd.s32 s3, v3;
	_ =	swait.ge [sflag:s29], $0x4000  }
0xf1: {  	s11 =	sadd.s32 $0xB, s9;
	[sflag:s29] =	ssyncset.done $0x0  }
0xf2: {  	s12 =	sadd.s32 $0xF, s9;
	v15 =	vadd.s32 s11, v3;
	[sflag:s29] =	ssyncadd.s32 $0xFFFFC000  }
0xf3: {  	s15 =	simm.s32 $0x0;
	s13 =	sadd.s32 $0x8, s9;
	v16 =	vadd.s32 s12, v3;
	_ =	strace $0x9000004E  }
0xf4: {  	s10 =	smul.u32 $0x1E0, s15;
	s14 =	sadd.s32 $0x9, s9;
	v17 =	vadd.s32 s13, v3;
	_ =	strace $0x8000004F  }
0xf5: {  	s16 =	sadd.s32 $0xE, s9;
	v18 =	vadd.s32 s14, v3;
	v14 =	vld.idx.msk [tilespmem:v14+s2+$0x0], $0xffff  }
0xf6: {  	s12 =	sadd.s32 $0xA, s9;
	v19 =	vadd.s32 s16, v3;
	s10 =	sadd.s32 s10, s23  }
0xf7: {  	s9 =	sadd.s32 $0xC, s9;
	v20 =	vadd.s32 s12, v3;
	s0 =	sadd.s32 $0x0, s10;
	v15 =	vld.idx.msk [tilespmem:v15+s2+$0x0], $0xffff  }
0xf8: {  	v21 =	vadd.s32 s9, v3;
	s3 =	sadd.s32 $0x8, s0;
	v24 =	vld.idx.msk [tilespmem:v16+s2+$0x0], $0xffff  }
0xf9: {  	s12 =	sadd.s32 $0xD, s0;
	v26 =	vadd.s32 s3, v3;
	v16 =	vld.idx.msk [tilespmem:v17+s2+$0x0], $0xffff  }
0xfa: {  	v28 =	vadd.s32 s12, v3;
	v17 =	vld.idx.msk [tilespmem:v18+s2+$0x0], $0xffff;
	v14 =	vshll.u32 v14, $0x4  }
0xfb: {  	s10 =	sadd.s32 $0xF, s0;
	v25 =	vld.idx.msk [tilespmem:v19+s2+$0x0], $0xffff;
	v14 =	vor.u32 v2, v14  }
0xfc: {  	v18 =	vadd.s32 s10, v3;
	v27 =	vld.idx.msk [tilespmem:v20+s2+$0x0], $0xffff;
	v15 =	vshll.u32 v15, $0x4  }
0xfd: {  	s13 =	sadd.s32 $0x9, s0;
	v30 =	vld.idx.msk [tilespmem:v21+s2+$0x0], $0xffff;
	v29 =	vor.u32 v2, v15  }
0xfe: {  	s14 =	sadd.s32 $0xB, s0;
	s16 =	sadd.s32 $0xE, s0;
	v31 =	vadd.s32 s13, v3;
	v20 =	vld.idx.msk [tilespmem:v26+s2+$0x0], $0xffff  }
0xff: {  	s15 =	sadd.s32 $0xA, s0;
	v23 =	vadd.s32 s16, v3;
	v19 =	vadd.s32 s14, v3;
	v26 =	vld.idx.msk [tilespmem:v28+s2+$0x0], $0xffff;
	v15 =	vshll.u32 v16, $0x4  }
0x100: {  	s9 =	sadd.s32 $0xC, s0;
	v21 =	vadd.s32 s15, v3;
	v22 =	vor.u32 v2, v15;
	v15 =	vshll.u32 v17, $0x4;
	[tilespmem:v14+s30+$0x0] =	vst.idx.add.s32.msk $0xffff, v6  }
0x101: {  	v16 =	vadd.s32 s9, v3;
	v17 =	vor.u32 v2, v15;
	v14 =	vld.idx.msk [tilespmem:v18+s2+$0x0], $0xffff;
	v18 =	vshll.u32 v24, $0x4  }
0x102: {  	v24 =	vshll.u32 v25, $0x4;
	[tilespmem:v29+s30+$0x0] =	vst.idx.add.s32.msk $0xffff, v6;
	v15 =	vor.u32 v2, v18;
	v18 =	vshll.u32 v27, $0x4  }
0x103: {  	s10 =	simm.s32 $0x10;
	s9 =	simm.s32 $0x8;
	v27 =	vshll.u32 v30, $0x4;
	v24 =	vor.u32 v2, v24;
	v25 =	vor.u32 v2, v18;
	v18 =	vld.idx.msk [tilespmem:v31+s2+$0x0], $0xffff  }
.LBB2_14:
0x104: {  	s11 =	sshrl.u32 s10, $0x5;
	v28 =	vld.idx.msk [tilespmem:v23+s2+$0x0], $0xffff;
	v23 =	vor.u32 v2, v27;
	s12 =	smov.u32 s9;
	s9 =	sadd.s32 $0x8, s9  }
0x105: {  	s11 =	smul.u32 $0x1E0, s11;
	p1 =	slt.u32 s9, $0x3F8;
	v27 =	vld.idx.msk [tilespmem:v21+s2+$0x0], $0xffff  }
0x106: {  	v29 =	vld.idx.msk [tilespmem:v19+s2+$0x0], $0xffff  }
0x107: {  	v19 =	vshll.u32 v26, $0x4;
	s11 =	sadd.s32 s11, s23;
	[tilespmem:v22+s30+$0x0] =	vst.idx.add.s32.msk $0xffff, v6  }
0x108: {  	v26 =	vor.u32 v2, v19;
	s11 =	sadd.s32 s11, s12;
	[tilespmem:v25+s30+$0x0] =	vst.idx.add.s32.msk $0xffff, v6  }
0x109: {  	s12 =	sadd.s32 $0x8, s11;
	s13 =	sadd.s32 $0x9, s11;
	s14 =	sadd.s32 $0xF, s11;
	[tilespmem:v23+s30+$0x0] =	vst.idx.add.s32.msk $0xffff, v6  }
0x10a: {  	v20 =	vshll.u32 v20, $0x4;
	s15 =	sadd.s32 $0xC, s11;
	s16 =	sadd.s32 $0xD, s11;
	v25 =	vadd.s32 s12, v3;
	s12 =	sadd.s32 $0xB, s11;
	v30 =	vadd.s32 s14, v3;
	[tilespmem:v24+s30+$0x0] =	vst.idx.add.s32.msk $0xffff, v6  }
0x10b: {  	v24 =	vadd.s32 s13, v3;
	s13 =	sadd.s32 $0xA, s11;
	v31 =	vadd.s32 s16, v3;
	s11 =	sadd.s32 $0xE, s11;
	v19 =	vadd.s32 s12, v3;
	[tilespmem:v17+s30+$0x0] =	vst.idx.add.s32.msk $0xffff, v6  }
0x10c: {  	v21 =	vadd.s32 s13, v3;
	v23 =	vadd.s32 s11, v3;
	v17 =	vshll.u32 v29, $0x4;
	[tilespmem:v15+s30+$0x0] =	vst.idx.add.s32.msk $0xffff, v6  }
0x10d: {  	v22 =	vor.u32 v2, v20;
	v15 =	vshll.u32 v18, $0x4;
	v18 =	vor.u32 v2, v17;
	v29 =	vld.idx.msk [tilespmem:v16+s2+$0x0], $0xffff  }
0x10e: {  	v20 =	vshll.u32 v14, $0x4;
	v16 =	vadd.s32 s15, v3;
	[tilespmem:v26+s30+$0x0] =	vst.idx.add.s32.msk $0xffff, v6  }
.Ltmp8:
0x10f: {  	v17 =	vor.u32 v2, v15;
	v15 =	vor.u32 v2, v20;
	v14 =	vld.idx.msk [tilespmem:v30+s2+$0x0], $0xffff;
	(pc) =	sbr.rel @p1 .LBB2_14-.Ltmp8, $4  }
0x110: {  	v20 =	vld.idx.msk [tilespmem:v25+s2+$0x0], $0xffff;
	v25 =	vshll.u32 v27, $0x4  }
0x111: {  	v28 =	vshll.u32 v28, $0x4;
	v26 =	vld.idx.msk [tilespmem:v31+s2+$0x0], $0xffff;
	v25 =	vor.u32 v2, v25  }
0x112: {  	[tilespmem:v18+s30+$0x0] =	vst.idx.add.s32.msk $0xffff, v6  }
0x113: {  	s10 =	sadd.s32 $0x8, s10;
	v27 =	vshll.u32 v29, $0x4;
	v18 =	vld.idx.msk [tilespmem:v24+s2+$0x0], $0xffff;
	v24 =	vor.u32 v2, v28  }
0x114: {  	_ =	sdelay $0x3  }
0x115: {  	v19 =	vld.idx.msk [tilespmem:v19+s2+$0x0], $0xffff  }
0x116: {  	v23 =	vld.idx.msk [tilespmem:v23+s2+$0x0], $0xffff  }
0x117: {  	v21 =	vld.idx.msk [tilespmem:v21+s2+$0x0], $0xffff  }
0x118: {  	v16 =	vld.idx.msk [tilespmem:v16+s2+$0x0], $0xffff  }
0x119: {  	v27 =	vor.u32 v2, v27;
	[tilespmem:v22+s30+$0x0] =	vst.idx.add.s32.msk $0xffff, v6;
	v14 =	vshll.u32 v14, $0x4  }
0x11a: {  	[tilespmem:v25+s30+$0x0] =	vst.idx.add.s32.msk $0xffff, v6;
	v20 =	vshll.u32 v20, $0x4;
	v14 =	vor.u32 v2, v14  }
0x11b: {  	[tilespmem:v24+s30+$0x0] =	vst.idx.add.s32.msk $0xffff, v6;
	v26 =	vshll.u32 v26, $0x4;
	v20 =	vor.u32 v2, v20  }
0x11c: {  	[tilespmem:v17+s30+$0x0] =	vst.idx.add.s32.msk $0xffff, v6;
	v63 =	vor.u32 v2, v26;
	v18 =	vshll.u32 v18, $0x4  }
0x11d: {  	[tilespmem:v15+s30+$0x0] =	vst.idx.add.s32.msk $0xffff, v6;
	v19 =	vshll.u32 v19, $0x4;
	v18 =	vor.u32 v2, v18  }
0x11e: {  	[tilespmem:v27+s30+$0x0] =	vst.idx.add.s32.msk $0xffff, v6;
	v21 =	vshll.u32 v21, $0x4;
	v19 =	vor.u32 v2, v19  }
0x11f: {  	v16 =	vshll.u32 v16, $0x4;
	v17 =	vor.u32 v2, v21;
	[tilespmem:v14+s30+$0x0] =	vst.idx.add.s32.msk $0xffff, v6  }
0x120: {  	v15 =	vshll.u32 v23, $0x4;
	v16 =	vor.u32 v2, v16;
	[tilespmem:v20+s30+$0x0] =	vst.idx.add.s32.msk $0xffff, v6  }
0x121: {  	v15 =	vor.u32 v2, v15;
	[tilespmem:v63+s30+$0x0] =	vst.idx.add.s32.msk $0xffff, v6  }
0x122: {  	[tilespmem:v18+s30+$0x0] =	vst.idx.add.s32.msk $0xffff, v6  }
0x123: {  	[tilespmem:v19+s30+$0x0] =	vst.idx.add.s32.msk $0xffff, v6  }
0x124: {  	[tilespmem:v17+s30+$0x0] =	vst.idx.add.s32.msk $0xffff, v6  }
0x125: {  	[tilespmem:v16+s30+$0x0] =	vst.idx.add.s32.msk $0xffff, v6  }
0x126: {  	[tilespmem:v15+s30+$0x0] =	vst.idx.add.s32.msk $0xffff, v6  }
0x127: {  	_ =	strace $0x9000004F  }
0x128: {  	s10 =	simm.s32 $0x10000;
	_ =	strace $0x80000050  }
0x129: {  	v14 =	vld [tilespmem:s10+$0x0];
	_ =	sdelay $0x3  }
0x12a: {  	v15 =	vimm.s32 $0xFFFFFFFF  }
0x12b: {  	s9 =	simm.s32 $0x0;
	s11 =	simm.s32 $0x10010;
	v16 =	vimm.s32 $0x0;
	[tilespmem:s10+$0x0] =	vst v0;
	s10 =	simm.s32 $0x1;
	vm13 =	vgt.s32 v14, v15  }
.LBB2_16:
0x12c: {  	[tilespmem:s11+$0x0] =	vst v0;
	p1 =	sne.s32 s10, $0x3F;
	v15 =	vsel vm13, v14, v15;
	v14 =	vld [tilespmem:s11+$0x0];
	v16 =	vsel vm13, s9, v16;
	s9 =	smov.u32 s10;
	s10 =	sadd.s32 $0x1, s10  }
.Ltmp9:
0x12d: {  	(pc) =	sbr.rel @p1 .LBB2_16-.Ltmp9, $2  }
0x12e: {  	_ =	sdelay $0x2  }
0x12f: {  	s11 =	sadd.s32 $0x10, s11;
	vm13 =	vgt.s32 v14, v15  }
0x130: {  	v14 =	vsel vm13, s9, v16  }
0x131: {  	v15 =	vadd.s32 v4, v14;
	_ =	sdelay $0x2  }
0x132: {  	_ =	strace $0x90000050  }
0x133: {  	s0 =	simm.s32 $0x10400;
	s13 =	simm.s32 $0x0;
	s10 =	simm.s32 $0x80;
	[tilespmem:$0x108A0] =	vst v14  }
0x134: {  	s11 =	simm.s32 $0x400;
	s14 =	rddreg [dreg:$0xc];
	[tilespmem:v15+s0+$0x0] =	vst.idx.add.s32.msk $0xffff, v6;
	s0 =	simm.s32 $0x0  }
0x135: {  	[tilespmem:s13], [sflag:$0x1] =	stream.strided.gather [hbm4b:s14+s10], $0x4000, s11, s10, $0x38;
	[tilespmem:$0x11F40] =	vst v63  }
0x136: {  	s16 =	simm.s32 $0x4000;
	s15 =	rddreg [dreg:$0xd];
	s9 =	smul.u32 $0x1E0, s0  }
0x137: {  	[tilespmem:s16], [sflag:$0x1] =	stream.strided.gather [hbm4b:s15+s10], $0x4000, s11, s10, $0x38;
	[tilespmem:$0x11F40] =	vst v63  }
0x138: {  	_ =	strace $0x80000051  }
0x139: {  	s9 =	sadd.s32 s9, s23;
	_ =	swait.ge [sflag:s4], $0x4000  }
0x13a: {  	s9 =	sadd.s32 $0xFFFFFFF8, s9;
	[sflag:s4] =	ssyncset.done $0x0  }
0x13b: {  	s3 =	sadd.s32 $0xD, s9;
	[sflag:s4] =	ssyncadd.s32 $0xFFFFC000  }
0x13c: {  	v14 =	vadd.s32 s3, v3;
	_ =	swait.ge [sflag:s4], $0x4000  }
0x13d: {  	s11 =	sadd.s32 $0xB, s9;
	[sflag:s4] =	ssyncset.done $0x0  }
0x13e: {  	s12 =	sadd.s32 $0xF, s9;
	v15 =	vadd.s32 s11, v3;
	[sflag:s4] =	ssyncadd.s32 $0xFFFFC000  }
0x13f: {  	s15 =	simm.s32 $0x0;
	s13 =	sadd.s32 $0x8, s9;
	v16 =	vadd.s32 s12, v3;
	_ =	strace $0x90000051  }
0x140: {  	s10 =	smul.u32 $0x1E0, s15;
	s14 =	sadd.s32 $0x9, s9;
	v17 =	vadd.s32 s13, v3;
	_ =	strace $0x80000052  }
0x141: {  	s16 =	sadd.s32 $0xE, s9;
	v18 =	vadd.s32 s14, v3;
	v14 =	vld.idx.msk [tilespmem:v14+s24+$0x0], $0xffff  }
0x142: {  	s12 =	sadd.s32 $0xA, s9;
	v19 =	vadd.s32 s16, v3;
	s10 =	sadd.s32 s10, s23  }
0x143: {  	s9 =	sadd.s32 $0xC, s9;
	v20 =	vadd.s32 s12, v3;
	s0 =	sadd.s32 $0x0, s10;
	v15 =	vld.idx.msk [tilespmem:v15+s24+$0x0], $0xffff  }
0x144: {  	v21 =	vadd.s32 s9, v3;
	s3 =	sadd.s32 $0x8, s0;
	v24 =	vld.idx.msk [tilespmem:v16+s24+$0x0], $0xffff  }
0x145: {  	s12 =	sadd.s32 $0xD, s0;
	v26 =	vadd.s32 s3, v3;
	v16 =	vld.idx.msk [tilespmem:v17+s24+$0x0], $0xffff  }
0x146: {  	v28 =	vadd.s32 s12, v3;
	v17 =	vld.idx.msk [tilespmem:v18+s24+$0x0], $0xffff;
	v14 =	vshll.u32 v14, $0x4  }
0x147: {  	s10 =	sadd.s32 $0xF, s0;
	v25 =	vld.idx.msk [tilespmem:v19+s24+$0x0], $0xffff;
	v14 =	vor.u32 v2, v14  }
0x148: {  	v18 =	vadd.s32 s10, v3;
	v27 =	vld.idx.msk [tilespmem:v20+s24+$0x0], $0xffff;
	v15 =	vshll.u32 v15, $0x4  }
0x149: {  	s13 =	sadd.s32 $0x9, s0;
	v30 =	vld.idx.msk [tilespmem:v21+s24+$0x0], $0xffff;
	v29 =	vor.u32 v2, v15  }
0x14a: {  	s14 =	sadd.s32 $0xB, s0;
	s16 =	sadd.s32 $0xE, s0;
	v31 =	vadd.s32 s13, v3;
	v20 =	vld.idx.msk [tilespmem:v26+s24+$0x0], $0xffff  }
0x14b: {  	s15 =	sadd.s32 $0xA, s0;
	v23 =	vadd.s32 s16, v3;
	v19 =	vadd.s32 s14, v3;
	v26 =	vld.idx.msk [tilespmem:v28+s24+$0x0], $0xffff;
	v15 =	vshll.u32 v16, $0x4  }
0x14c: {  	s9 =	sadd.s32 $0xC, s0;
	v21 =	vadd.s32 s15, v3;
	v22 =	vor.u32 v2, v15;
	v15 =	vshll.u32 v17, $0x4;
	[tilespmem:v14+s30+$0x0] =	vst.idx.add.s32.msk $0xffff, v6  }
0x14d: {  	v16 =	vadd.s32 s9, v3;
	v17 =	vor.u32 v2, v15;
	v14 =	vld.idx.msk [tilespmem:v18+s24+$0x0], $0xffff;
	v18 =	vshll.u32 v24, $0x4  }
0x14e: {  	v24 =	vshll.u32 v25, $0x4;
	[tilespmem:v29+s30+$0x0] =	vst.idx.add.s32.msk $0xffff, v6;
	v15 =	vor.u32 v2, v18;
	v18 =	vshll.u32 v27, $0x4  }
0x14f: {  	s10 =	simm.s32 $0x10;
	s9 =	simm.s32 $0x8;
	v27 =	vshll.u32 v30, $0x4;
	v24 =	vor.u32 v2, v24;
	v25 =	vor.u32 v2, v18;
	v18 =	vld.idx.msk [tilespmem:v31+s24+$0x0], $0xffff  }
.LBB2_18:
0x150: {  	s11 =	sshrl.u32 s10, $0x5;
	v28 =	vld.idx.msk [tilespmem:v23+s24+$0x0], $0xffff;
	v23 =	vor.u32 v2, v27;
	s12 =	smov.u32 s9;
	s9 =	sadd.s32 $0x8, s9  }
0x151: {  	s11 =	smul.u32 $0x1E0, s11;
	p1 =	slt.u32 s9, $0x3F8;
	v27 =	vld.idx.msk [tilespmem:v21+s24+$0x0], $0xffff  }
0x152: {  	v29 =	vld.idx.msk [tilespmem:v19+s24+$0x0], $0xffff  }
0x153: {  	v19 =	vshll.u32 v26, $0x4;
	s11 =	sadd.s32 s11, s23;
	[tilespmem:v22+s30+$0x0] =	vst.idx.add.s32.msk $0xffff, v6  }
0x154: {  	v26 =	vor.u32 v2, v19;
	s11 =	sadd.s32 s11, s12;
	[tilespmem:v25+s30+$0x0] =	vst.idx.add.s32.msk $0xffff, v6  }
0x155: {  	s12 =	sadd.s32 $0x8, s11;
	s13 =	sadd.s32 $0x9, s11;
	s14 =	sadd.s32 $0xF, s11;
	[tilespmem:v23+s30+$0x0] =	vst.idx.add.s32.msk $0xffff, v6  }
0x156: {  	v20 =	vshll.u32 v20, $0x4;
	s15 =	sadd.s32 $0xC, s11;
	s16 =	sadd.s32 $0xD, s11;
	v25 =	vadd.s32 s12, v3;
	s12 =	sadd.s32 $0xB, s11;
	v30 =	vadd.s32 s14, v3;
	[tilespmem:v24+s30+$0x0] =	vst.idx.add.s32.msk $0xffff, v6  }
0x157: {  	v24 =	vadd.s32 s13, v3;
	s13 =	sadd.s32 $0xA, s11;
	v31 =	vadd.s32 s16, v3;
	s11 =	sadd.s32 $0xE, s11;
	v19 =	vadd.s32 s12, v3;
	[tilespmem:v17+s30+$0x0] =	vst.idx.add.s32.msk $0xffff, v6  }
0x158: {  	v21 =	vadd.s32 s13, v3;
	v23 =	vadd.s32 s11, v3;
	v17 =	vshll.u32 v29, $0x4;
	[tilespmem:v15+s30+$0x0] =	vst.idx.add.s32.msk $0xffff, v6  }
0x159: {  	v22 =	vor.u32 v2, v20;
	v15 =	vshll.u32 v18, $0x4;
	v18 =	vor.u32 v2, v17;
	v29 =	vld.idx.msk [tilespmem:v16+s24+$0x0], $0xffff  }
0x15a: {  	v20 =	vshll.u32 v14, $0x4;
	v16 =	vadd.s32 s15, v3;
	[tilespmem:v26+s30+$0x0] =	vst.idx.add.s32.msk $0xffff, v6  }
.Ltmp10:
0x15b: {  	v17 =	vor.u32 v2, v15;
	v15 =	vor.u32 v2, v20;
	v14 =	vld.idx.msk [tilespmem:v30+s24+$0x0], $0xffff;
	(pc) =	sbr.rel @p1 .LBB2_18-.Ltmp10, $4  }
0x15c: {  	v20 =	vld.idx.msk [tilespmem:v25+s24+$0x0], $0xffff;
	v25 =	vshll.u32 v27, $0x4  }
0x15d: {  	v28 =	vshll.u32 v28, $0x4;
	v26 =	vld.idx.msk [tilespmem:v31+s24+$0x0], $0xffff;
	v25 =	vor.u32 v2, v25  }
0x15e: {  	[tilespmem:v18+s30+$0x0] =	vst.idx.add.s32.msk $0xffff, v6  }
0x15f: {  	s10 =	sadd.s32 $0x8, s10;
	v27 =	vshll.u32 v29, $0x4;
	v18 =	vld.idx.msk [tilespmem:v24+s24+$0x0], $0xffff;
	v24 =	vor.u32 v2, v28  }
0x160: {  	_ =	sdelay $0x3  }
0x161: {  	v19 =	vld.idx.msk [tilespmem:v19+s24+$0x0], $0xffff  }
0x162: {  	v23 =	vld.idx.msk [tilespmem:v23+s24+$0x0], $0xffff  }
0x163: {  	v21 =	vld.idx.msk [tilespmem:v21+s24+$0x0], $0xffff  }
0x164: {  	v16 =	vld.idx.msk [tilespmem:v16+s24+$0x0], $0xffff  }
0x165: {  	v27 =	vor.u32 v2, v27;
	[tilespmem:v22+s30+$0x0] =	vst.idx.add.s32.msk $0xffff, v6;
	v14 =	vshll.u32 v14, $0x4  }
0x166: {  	[tilespmem:v25+s30+$0x0] =	vst.idx.add.s32.msk $0xffff, v6;
	v20 =	vshll.u32 v20, $0x4;
	v14 =	vor.u32 v2, v14  }
0x167: {  	[tilespmem:v24+s30+$0x0] =	vst.idx.add.s32.msk $0xffff, v6;
	v26 =	vshll.u32 v26, $0x4;
	v20 =	vor.u32 v2, v20  }
0x168: {  	[tilespmem:v17+s30+$0x0] =	vst.idx.add.s32.msk $0xffff, v6;
	v63 =	vor.u32 v2, v26;
	v18 =	vshll.u32 v18, $0x4  }
0x169: {  	[tilespmem:v15+s30+$0x0] =	vst.idx.add.s32.msk $0xffff, v6;
	v19 =	vshll.u32 v19, $0x4;
	v18 =	vor.u32 v2, v18  }
0x16a: {  	[tilespmem:v27+s30+$0x0] =	vst.idx.add.s32.msk $0xffff, v6;
	v21 =	vshll.u32 v21, $0x4;
	v19 =	vor.u32 v2, v19  }
0x16b: {  	v16 =	vshll.u32 v16, $0x4;
	v17 =	vor.u32 v2, v21;
	[tilespmem:v14+s30+$0x0] =	vst.idx.add.s32.msk $0xffff, v6  }
0x16c: {  	v15 =	vshll.u32 v23, $0x4;
	v16 =	vor.u32 v2, v16;
	[tilespmem:v20+s30+$0x0] =	vst.idx.add.s32.msk $0xffff, v6  }
0x16d: {  	v15 =	vor.u32 v2, v15;
	[tilespmem:v63+s30+$0x0] =	vst.idx.add.s32.msk $0xffff, v6  }
0x16e: {  	[tilespmem:v18+s30+$0x0] =	vst.idx.add.s32.msk $0xffff, v6  }
0x16f: {  	[tilespmem:v19+s30+$0x0] =	vst.idx.add.s32.msk $0xffff, v6  }
0x170: {  	[tilespmem:v17+s30+$0x0] =	vst.idx.add.s32.msk $0xffff, v6  }
0x171: {  	[tilespmem:v16+s30+$0x0] =	vst.idx.add.s32.msk $0xffff, v6  }
0x172: {  	[tilespmem:v15+s30+$0x0] =	vst.idx.add.s32.msk $0xffff, v6  }
0x173: {  	_ =	strace $0x90000052  }
0x174: {  	s10 =	simm.s32 $0x10000;
	_ =	strace $0x80000053  }
0x175: {  	v14 =	vld [tilespmem:s10+$0x0];
	_ =	sdelay $0x3  }
0x176: {  	v15 =	vimm.s32 $0xFFFFFFFF  }
0x177: {  	s9 =	simm.s32 $0x0;
	s11 =	simm.s32 $0x10010;
	v16 =	vimm.s32 $0x0;
	[tilespmem:s10+$0x0] =	vst v0;
	s10 =	simm.s32 $0x1;
	vm13 =	vgt.s32 v14, v15  }
.LBB2_20:
0x178: {  	[tilespmem:s11+$0x0] =	vst v0;
	p1 =	sne.s32 s10, $0x3F;
	v15 =	vsel vm13, v14, v15;
	v14 =	vld [tilespmem:s11+$0x0];
	v16 =	vsel vm13, s9, v16;
	s9 =	smov.u32 s10;
	s10 =	sadd.s32 $0x1, s10  }
.Ltmp11:
0x179: {  	(pc) =	sbr.rel @p1 .LBB2_20-.Ltmp11, $2  }
0x17a: {  	_ =	sdelay $0x2  }
0x17b: {  	s11 =	sadd.s32 $0x10, s11;
	vm13 =	vgt.s32 v14, v15  }
0x17c: {  	v14 =	vsel vm13, s9, v16  }
0x17d: {  	v15 =	vadd.s32 v4, v14;
	_ =	sdelay $0x3  }
0x17e: {  	_ =	strace $0x90000053;
	s0 =	simm.s32 $0x10400;
	s15 =	simm.s32 $0x80;
	[tilespmem:$0x108B0] =	vst v14  }
0x17f: {  	s10 =	simm.s32 $0x400;
	s14 =	rddreg [dreg:$0xe];
	[tilespmem:v15+s0+$0x0] =	vst.idx.add.s32.msk $0xffff, v6;
	s0 =	simm.s32 $0x0  }
0x180: {  	[tilespmem:s24], [sflag:$0x2] =	stream.strided.gather [hbm4b:s14+s15], $0x4000, s10, s15, $0x38;
	[tilespmem:$0x11F40] =	vst v63  }
0x181: {  	s11 =	simm.s32 $0xC000;
	s16 =	rddreg [dreg:$0xf];
	s9 =	smul.u32 $0x1E0, s0  }
0x182: {  	[tilespmem:s11], [sflag:$0x2] =	stream.strided.gather [hbm4b:s16+s15], $0x4000, s10, s15, $0x38;
	[tilespmem:$0x11F40] =	vst v63  }
0x183: {  	_ =	strace $0x80000054  }
0x184: {  	s9 =	sadd.s32 s9, s23;
	_ =	swait.ge [sflag:s29], $0x4000  }
0x185: {  	s9 =	sadd.s32 $0xFFFFFFF8, s9;
	[sflag:s29] =	ssyncset.done $0x0  }
0x186: {  	s3 =	sadd.s32 $0xD, s9;
	[sflag:s29] =	ssyncadd.s32 $0xFFFFC000  }
0x187: {  	v14 =	vadd.s32 s3, v3;
	_ =	swait.ge [sflag:s29], $0x4000  }
0x188: {  	s11 =	sadd.s32 $0xB, s9;
	[sflag:s29] =	ssyncset.done $0x0  }
0x189: {  	s12 =	sadd.s32 $0xF, s9;
	v15 =	vadd.s32 s11, v3;
	[sflag:s29] =	ssyncadd.s32 $0xFFFFC000  }
0x18a: {  	s15 =	simm.s32 $0x0;
	s13 =	sadd.s32 $0x8, s9;
	v16 =	vadd.s32 s12, v3;
	_ =	strace $0x90000054  }
0x18b: {  	s10 =	smul.u32 $0x1E0, s15;
	s14 =	sadd.s32 $0x9, s9;
	v17 =	vadd.s32 s13, v3;
	_ =	strace $0x80000055  }
0x18c: {  	s16 =	sadd.s32 $0xE, s9;
	v18 =	vadd.s32 s14, v3;
	v14 =	vld.idx.msk [tilespmem:v14+s2+$0x0], $0xffff  }
0x18d: {  	s12 =	sadd.s32 $0xA, s9;
	v19 =	vadd.s32 s16, v3;
	s10 =	sadd.s32 s10, s23  }
0x18e: {  	s9 =	sadd.s32 $0xC, s9;
	v20 =	vadd.s32 s12, v3;
	s0 =	sadd.s32 $0x0, s10;
	v15 =	vld.idx.msk [tilespmem:v15+s2+$0x0], $0xffff  }
0x18f: {  	v21 =	vadd.s32 s9, v3;
	s3 =	sadd.s32 $0x8, s0;
	v24 =	vld.idx.msk [tilespmem:v16+s2+$0x0], $0xffff  }
0x190: {  	s12 =	sadd.s32 $0xD, s0;
	v26 =	vadd.s32 s3, v3;
	v16 =	vld.idx.msk [tilespmem:v17+s2+$0x0], $0xffff  }
0x191: {  	v28 =	vadd.s32 s12, v3;
	v17 =	vld.idx.msk [tilespmem:v18+s2+$0x0], $0xffff;
	v14 =	vshll.u32 v14, $0x4  }
0x192: {  	s10 =	sadd.s32 $0xF, s0;
	v25 =	vld.idx.msk [tilespmem:v19+s2+$0x0], $0xffff;
	v14 =	vor.u32 v2, v14  }
0x193: {  	v18 =	vadd.s32 s10, v3;
	v27 =	vld.idx.msk [tilespmem:v20+s2+$0x0], $0xffff;
	v15 =	vshll.u32 v15, $0x4  }
0x194: {  	s13 =	sadd.s32 $0x9, s0;
	v30 =	vld.idx.msk [tilespmem:v21+s2+$0x0], $0xffff;
	v29 =	vor.u32 v2, v15  }
0x195: {  	s14 =	sadd.s32 $0xB, s0;
	s16 =	sadd.s32 $0xE, s0;
	v31 =	vadd.s32 s13, v3;
	v20 =	vld.idx.msk [tilespmem:v26+s2+$0x0], $0xffff  }
0x196: {  	s15 =	sadd.s32 $0xA, s0;
	v23 =	vadd.s32 s16, v3;
	v19 =	vadd.s32 s14, v3;
	v26 =	vld.idx.msk [tilespmem:v28+s2+$0x0], $0xffff;
	v15 =	vshll.u32 v16, $0x4  }
0x197: {  	s9 =	sadd.s32 $0xC, s0;
	v21 =	vadd.s32 s15, v3;
	v22 =	vor.u32 v2, v15;
	v15 =	vshll.u32 v17, $0x4;
	[tilespmem:v14+s30+$0x0] =	vst.idx.add.s32.msk $0xffff, v6  }
0x198: {  	v16 =	vadd.s32 s9, v3;
	v17 =	vor.u32 v2, v15;
	v14 =	vld.idx.msk [tilespmem:v18+s2+$0x0], $0xffff;
	v18 =	vshll.u32 v24, $0x4  }
0x199: {  	v24 =	vshll.u32 v25, $0x4;
	[tilespmem:v29+s30+$0x0] =	vst.idx.add.s32.msk $0xffff, v6;
	v15 =	vor.u32 v2, v18;
	v18 =	vshll.u32 v27, $0x4  }
0x19a: {  	s10 =	simm.s32 $0x10;
	s9 =	simm.s32 $0x8;
	v27 =	vshll.u32 v30, $0x4;
	v24 =	vor.u32 v2, v24;
	v25 =	vor.u32 v2, v18;
	v18 =	vld.idx.msk [tilespmem:v31+s2+$0x0], $0xffff  }
.LBB2_22:
0x19b: {  	s11 =	sshrl.u32 s10, $0x5;
	v28 =	vld.idx.msk [tilespmem:v23+s2+$0x0], $0xffff;
	v23 =	vor.u32 v2, v27;
	s12 =	smov.u32 s9;
	s9 =	sadd.s32 $0x8, s9  }
0x19c: {  	s11 =	smul.u32 $0x1E0, s11;
	p1 =	slt.u32 s9, $0x3F8;
	v27 =	vld.idx.msk [tilespmem:v21+s2+$0x0], $0xffff  }
0x19d: {  	v29 =	vld.idx.msk [tilespmem:v19+s2+$0x0], $0xffff  }
0x19e: {  	v19 =	vshll.u32 v26, $0x4;
	s11 =	sadd.s32 s11, s23;
	[tilespmem:v22+s30+$0x0] =	vst.idx.add.s32.msk $0xffff, v6  }
0x19f: {  	v26 =	vor.u32 v2, v19;
	s11 =	sadd.s32 s11, s12;
	[tilespmem:v25+s30+$0x0] =	vst.idx.add.s32.msk $0xffff, v6  }
0x1a0: {  	s12 =	sadd.s32 $0x8, s11;
	s13 =	sadd.s32 $0x9, s11;
	s14 =	sadd.s32 $0xF, s11;
	[tilespmem:v23+s30+$0x0] =	vst.idx.add.s32.msk $0xffff, v6  }
0x1a1: {  	v20 =	vshll.u32 v20, $0x4;
	s15 =	sadd.s32 $0xC, s11;
	s16 =	sadd.s32 $0xD, s11;
	v25 =	vadd.s32 s12, v3;
	s12 =	sadd.s32 $0xB, s11;
	v30 =	vadd.s32 s14, v3;
	[tilespmem:v24+s30+$0x0] =	vst.idx.add.s32.msk $0xffff, v6  }
0x1a2: {  	v24 =	vadd.s32 s13, v3;
	s13 =	sadd.s32 $0xA, s11;
	v31 =	vadd.s32 s16, v3;
	s11 =	sadd.s32 $0xE, s11;
	v19 =	vadd.s32 s12, v3;
	[tilespmem:v17+s30+$0x0] =	vst.idx.add.s32.msk $0xffff, v6  }
0x1a3: {  	v21 =	vadd.s32 s13, v3;
	v23 =	vadd.s32 s11, v3;
	v17 =	vshll.u32 v29, $0x4;
	[tilespmem:v15+s30+$0x0] =	vst.idx.add.s32.msk $0xffff, v6  }
0x1a4: {  	v22 =	vor.u32 v2, v20;
	v15 =	vshll.u32 v18, $0x4;
	v18 =	vor.u32 v2, v17;
	v29 =	vld.idx.msk [tilespmem:v16+s2+$0x0], $0xffff  }
0x1a5: {  	v20 =	vshll.u32 v14, $0x4;
	v16 =	vadd.s32 s15, v3;
	[tilespmem:v26+s30+$0x0] =	vst.idx.add.s32.msk $0xffff, v6  }
.Ltmp12:
0x1a6: {  	v17 =	vor.u32 v2, v15;
	v15 =	vor.u32 v2, v20;
	v14 =	vld.idx.msk [tilespmem:v30+s2+$0x0], $0xffff;
	(pc) =	sbr.rel @p1 .LBB2_22-.Ltmp12, $4  }
0x1a7: {  	v20 =	vld.idx.msk [tilespmem:v25+s2+$0x0], $0xffff;
	v25 =	vshll.u32 v27, $0x4  }
0x1a8: {  	v28 =	vshll.u32 v28, $0x4;
	v26 =	vld.idx.msk [tilespmem:v31+s2+$0x0], $0xffff;
	v25 =	vor.u32 v2, v25  }
0x1a9: {  	[tilespmem:v18+s30+$0x0] =	vst.idx.add.s32.msk $0xffff, v6  }
0x1aa: {  	s10 =	sadd.s32 $0x8, s10;
	v27 =	vshll.u32 v29, $0x4;
	v18 =	vld.idx.msk [tilespmem:v24+s2+$0x0], $0xffff;
	v24 =	vor.u32 v2, v28  }
0x1ab: {  	_ =	sdelay $0x3  }
0x1ac: {  	v19 =	vld.idx.msk [tilespmem:v19+s2+$0x0], $0xffff  }
0x1ad: {  	v23 =	vld.idx.msk [tilespmem:v23+s2+$0x0], $0xffff  }
0x1ae: {  	v21 =	vld.idx.msk [tilespmem:v21+s2+$0x0], $0xffff  }
0x1af: {  	v16 =	vld.idx.msk [tilespmem:v16+s2+$0x0], $0xffff  }
0x1b0: {  	v27 =	vor.u32 v2, v27;
	[tilespmem:v22+s30+$0x0] =	vst.idx.add.s32.msk $0xffff, v6;
	v14 =	vshll.u32 v14, $0x4  }
0x1b1: {  	[tilespmem:v25+s30+$0x0] =	vst.idx.add.s32.msk $0xffff, v6;
	v20 =	vshll.u32 v20, $0x4;
	v14 =	vor.u32 v2, v14  }
0x1b2: {  	[tilespmem:v24+s30+$0x0] =	vst.idx.add.s32.msk $0xffff, v6;
	v26 =	vshll.u32 v26, $0x4;
	v20 =	vor.u32 v2, v20  }
0x1b3: {  	[tilespmem:v17+s30+$0x0] =	vst.idx.add.s32.msk $0xffff, v6;
	v63 =	vor.u32 v2, v26;
	v18 =	vshll.u32 v18, $0x4  }
0x1b4: {  	[tilespmem:v15+s30+$0x0] =	vst.idx.add.s32.msk $0xffff, v6;
	v19 =	vshll.u32 v19, $0x4;
	v18 =	vor.u32 v2, v18  }
0x1b5: {  	[tilespmem:v27+s30+$0x0] =	vst.idx.add.s32.msk $0xffff, v6;
	v21 =	vshll.u32 v21, $0x4;
	v19 =	vor.u32 v2, v19  }
0x1b6: {  	v16 =	vshll.u32 v16, $0x4;
	v17 =	vor.u32 v2, v21;
	[tilespmem:v14+s30+$0x0] =	vst.idx.add.s32.msk $0xffff, v6  }
0x1b7: {  	v15 =	vshll.u32 v23, $0x4;
	v16 =	vor.u32 v2, v16;
	[tilespmem:v20+s30+$0x0] =	vst.idx.add.s32.msk $0xffff, v6  }
0x1b8: {  	v15 =	vor.u32 v2, v15;
	[tilespmem:v63+s30+$0x0] =	vst.idx.add.s32.msk $0xffff, v6  }
0x1b9: {  	[tilespmem:v18+s30+$0x0] =	vst.idx.add.s32.msk $0xffff, v6  }
0x1ba: {  	[tilespmem:v19+s30+$0x0] =	vst.idx.add.s32.msk $0xffff, v6  }
0x1bb: {  	[tilespmem:v17+s30+$0x0] =	vst.idx.add.s32.msk $0xffff, v6  }
0x1bc: {  	[tilespmem:v16+s30+$0x0] =	vst.idx.add.s32.msk $0xffff, v6  }
0x1bd: {  	[tilespmem:v15+s30+$0x0] =	vst.idx.add.s32.msk $0xffff, v6  }
0x1be: {  	_ =	strace $0x90000055  }
0x1bf: {  	s10 =	simm.s32 $0x10000;
	_ =	strace $0x80000056  }
0x1c0: {  	v14 =	vld [tilespmem:s10+$0x0];
	_ =	sdelay $0x3  }
0x1c1: {  	v15 =	vimm.s32 $0xFFFFFFFF  }
0x1c2: {  	s9 =	simm.s32 $0x0;
	s11 =	simm.s32 $0x10010;
	v16 =	vimm.s32 $0x0;
	[tilespmem:s10+$0x0] =	vst v0;
	s10 =	simm.s32 $0x1;
	vm13 =	vgt.s32 v14, v15  }
.LBB2_24:
0x1c3: {  	[tilespmem:s11+$0x0] =	vst v0;
	p1 =	sne.s32 s10, $0x3F;
	v15 =	vsel vm13, v14, v15;
	v14 =	vld [tilespmem:s11+$0x0];
	v16 =	vsel vm13, s9, v16;
	s9 =	smov.u32 s10;
	s10 =	sadd.s32 $0x1, s10  }
.Ltmp13:
0x1c4: {  	(pc) =	sbr.rel @p1 .LBB2_24-.Ltmp13, $2  }
0x1c5: {  	_ =	sdelay $0x2  }
0x1c6: {  	s11 =	sadd.s32 $0x10, s11;
	vm13 =	vgt.s32 v14, v15  }
0x1c7: {  	v14 =	vsel vm13, s9, v16  }
0x1c8: {  	v15 =	vadd.s32 v4, v14;
	_ =	sdelay $0x2  }
0x1c9: {  	_ =	strace $0x90000056  }
0x1ca: {  	s0 =	simm.s32 $0x10400;
	s13 =	simm.s32 $0x0;
	s10 =	simm.s32 $0x80;
	[tilespmem:$0x108C0] =	vst v14  }
0x1cb: {  	s11 =	simm.s32 $0x400;
	s14 =	rddreg [dreg:$0x10];
	[tilespmem:v15+s0+$0x0] =	vst.idx.add.s32.msk $0xffff, v6;
	s0 =	simm.s32 $0x0  }
0x1cc: {  	[tilespmem:s13], [sflag:$0x1] =	stream.strided.gather [hbm4b:s14+s10], $0x4000, s11, s10, $0x38;
	[tilespmem:$0x11F40] =	vst v63  }
0x1cd: {  	s16 =	simm.s32 $0x4000;
	s15 =	rddreg [dreg:$0x11];
	s9 =	smul.u32 $0x1E0, s0  }
0x1ce: {  	[tilespmem:s16], [sflag:$0x1] =	stream.strided.gather [hbm4b:s15+s10], $0x4000, s11, s10, $0x38;
	[tilespmem:$0x11F40] =	vst v63  }
0x1cf: {  	_ =	strace $0x80000057  }
0x1d0: {  	s9 =	sadd.s32 s9, s23;
	_ =	swait.ge [sflag:s4], $0x4000  }
0x1d1: {  	s9 =	sadd.s32 $0xFFFFFFF8, s9;
	[sflag:s4] =	ssyncset.done $0x0  }
0x1d2: {  	s3 =	sadd.s32 $0xD, s9;
	[sflag:s4] =	ssyncadd.s32 $0xFFFFC000  }
0x1d3: {  	v14 =	vadd.s32 s3, v3;
	_ =	swait.ge [sflag:s4], $0x4000  }
0x1d4: {  	s11 =	sadd.s32 $0xB, s9;
	[sflag:s4] =	ssyncset.done $0x0  }
0x1d5: {  	s12 =	sadd.s32 $0xF, s9;
	v15 =	vadd.s32 s11, v3;
	[sflag:s4] =	ssyncadd.s32 $0xFFFFC000  }
0x1d6: {  	s15 =	simm.s32 $0x0;
	s13 =	sadd.s32 $0x8, s9;
	v16 =	vadd.s32 s12, v3;
	_ =	strace $0x90000057  }
0x1d7: {  	s10 =	smul.u32 $0x1E0, s15;
	s14 =	sadd.s32 $0x9, s9;
	v17 =	vadd.s32 s13, v3;
	_ =	strace $0x80000058  }
0x1d8: {  	s16 =	sadd.s32 $0xE, s9;
	v18 =	vadd.s32 s14, v3;
	v14 =	vld.idx.msk [tilespmem:v14+s24+$0x0], $0xffff  }
0x1d9: {  	s12 =	sadd.s32 $0xA, s9;
	v19 =	vadd.s32 s16, v3;
	s10 =	sadd.s32 s10, s23  }
0x1da: {  	s9 =	sadd.s32 $0xC, s9;
	v20 =	vadd.s32 s12, v3;
	s0 =	sadd.s32 $0x0, s10;
	v15 =	vld.idx.msk [tilespmem:v15+s24+$0x0], $0xffff  }
0x1db: {  	v21 =	vadd.s32 s9, v3;
	s3 =	sadd.s32 $0x8, s0;
	v24 =	vld.idx.msk [tilespmem:v16+s24+$0x0], $0xffff  }
0x1dc: {  	s12 =	sadd.s32 $0xD, s0;
	v26 =	vadd.s32 s3, v3;
	v16 =	vld.idx.msk [tilespmem:v17+s24+$0x0], $0xffff  }
0x1dd: {  	v28 =	vadd.s32 s12, v3;
	v17 =	vld.idx.msk [tilespmem:v18+s24+$0x0], $0xffff;
	v14 =	vshll.u32 v14, $0x4  }
0x1de: {  	s10 =	sadd.s32 $0xF, s0;
	v25 =	vld.idx.msk [tilespmem:v19+s24+$0x0], $0xffff;
	v14 =	vor.u32 v2, v14  }
0x1df: {  	v18 =	vadd.s32 s10, v3;
	v27 =	vld.idx.msk [tilespmem:v20+s24+$0x0], $0xffff;
	v15 =	vshll.u32 v15, $0x4  }
0x1e0: {  	s13 =	sadd.s32 $0x9, s0;
	v30 =	vld.idx.msk [tilespmem:v21+s24+$0x0], $0xffff;
	v29 =	vor.u32 v2, v15  }
0x1e1: {  	s14 =	sadd.s32 $0xB, s0;
	s16 =	sadd.s32 $0xE, s0;
	v31 =	vadd.s32 s13, v3;
	v20 =	vld.idx.msk [tilespmem:v26+s24+$0x0], $0xffff  }
0x1e2: {  	s15 =	sadd.s32 $0xA, s0;
	v23 =	vadd.s32 s16, v3;
	v19 =	vadd.s32 s14, v3;
	v26 =	vld.idx.msk [tilespmem:v28+s24+$0x0], $0xffff;
	v15 =	vshll.u32 v16, $0x4  }
0x1e3: {  	s9 =	sadd.s32 $0xC, s0;
	v21 =	vadd.s32 s15, v3;
	v22 =	vor.u32 v2, v15;
	v15 =	vshll.u32 v17, $0x4;
	[tilespmem:v14+s30+$0x0] =	vst.idx.add.s32.msk $0xffff, v6  }
0x1e4: {  	v16 =	vadd.s32 s9, v3;
	v17 =	vor.u32 v2, v15;
	v14 =	vld.idx.msk [tilespmem:v18+s24+$0x0], $0xffff;
	v18 =	vshll.u32 v24, $0x4  }
0x1e5: {  	v24 =	vshll.u32 v25, $0x4;
	[tilespmem:v29+s30+$0x0] =	vst.idx.add.s32.msk $0xffff, v6;
	v15 =	vor.u32 v2, v18;
	v18 =	vshll.u32 v27, $0x4  }
0x1e6: {  	s10 =	simm.s32 $0x10;
	s9 =	simm.s32 $0x8;
	v27 =	vshll.u32 v30, $0x4;
	v24 =	vor.u32 v2, v24;
	v25 =	vor.u32 v2, v18;
	v18 =	vld.idx.msk [tilespmem:v31+s24+$0x0], $0xffff  }
.LBB2_26:
0x1e7: {  	s11 =	sshrl.u32 s10, $0x5;
	v28 =	vld.idx.msk [tilespmem:v23+s24+$0x0], $0xffff;
	v23 =	vor.u32 v2, v27;
	s12 =	smov.u32 s9;
	s9 =	sadd.s32 $0x8, s9  }
0x1e8: {  	s11 =	smul.u32 $0x1E0, s11;
	p1 =	slt.u32 s9, $0x3F8;
	v27 =	vld.idx.msk [tilespmem:v21+s24+$0x0], $0xffff  }
0x1e9: {  	v29 =	vld.idx.msk [tilespmem:v19+s24+$0x0], $0xffff  }
0x1ea: {  	v19 =	vshll.u32 v26, $0x4;
	s11 =	sadd.s32 s11, s23;
	[tilespmem:v22+s30+$0x0] =	vst.idx.add.s32.msk $0xffff, v6  }
0x1eb: {  	v26 =	vor.u32 v2, v19;
	s11 =	sadd.s32 s11, s12;
	[tilespmem:v25+s30+$0x0] =	vst.idx.add.s32.msk $0xffff, v6  }
0x1ec: {  	s12 =	sadd.s32 $0x8, s11;
	s13 =	sadd.s32 $0x9, s11;
	s14 =	sadd.s32 $0xF, s11;
	[tilespmem:v23+s30+$0x0] =	vst.idx.add.s32.msk $0xffff, v6  }
0x1ed: {  	v20 =	vshll.u32 v20, $0x4;
	s15 =	sadd.s32 $0xC, s11;
	s16 =	sadd.s32 $0xD, s11;
	v25 =	vadd.s32 s12, v3;
	s12 =	sadd.s32 $0xB, s11;
	v30 =	vadd.s32 s14, v3;
	[tilespmem:v24+s30+$0x0] =	vst.idx.add.s32.msk $0xffff, v6  }
0x1ee: {  	v24 =	vadd.s32 s13, v3;
	s13 =	sadd.s32 $0xA, s11;
	v31 =	vadd.s32 s16, v3;
	s11 =	sadd.s32 $0xE, s11;
	v19 =	vadd.s32 s12, v3;
	[tilespmem:v17+s30+$0x0] =	vst.idx.add.s32.msk $0xffff, v6  }
0x1ef: {  	v21 =	vadd.s32 s13, v3;
	v23 =	vadd.s32 s11, v3;
	v17 =	vshll.u32 v29, $0x4;
	[tilespmem:v15+s30+$0x0] =	vst.idx.add.s32.msk $0xffff, v6  }
0x1f0: {  	v22 =	vor.u32 v2, v20;
	v15 =	vshll.u32 v18, $0x4;
	v18 =	vor.u32 v2, v17;
	v29 =	vld.idx.msk [tilespmem:v16+s24+$0x0], $0xffff  }
0x1f1: {  	v20 =	vshll.u32 v14, $0x4;
	v16 =	vadd.s32 s15, v3;
	[tilespmem:v26+s30+$0x0] =	vst.idx.add.s32.msk $0xffff, v6  }
.Ltmp14:
0x1f2: {  	v17 =	vor.u32 v2, v15;
	v15 =	vor.u32 v2, v20;
	v14 =	vld.idx.msk [tilespmem:v30+s24+$0x0], $0xffff;
	(pc) =	sbr.rel @p1 .LBB2_26-.Ltmp14, $4  }
0x1f3: {  	v20 =	vld.idx.msk [tilespmem:v25+s24+$0x0], $0xffff;
	v25 =	vshll.u32 v27, $0x4  }
0x1f4: {  	v28 =	vshll.u32 v28, $0x4;
	v26 =	vld.idx.msk [tilespmem:v31+s24+$0x0], $0xffff;
	v25 =	vor.u32 v2, v25  }
0x1f5: {  	[tilespmem:v18+s30+$0x0] =	vst.idx.add.s32.msk $0xffff, v6  }
0x1f6: {  	s10 =	sadd.s32 $0x8, s10;
	v27 =	vshll.u32 v29, $0x4;
	v18 =	vld.idx.msk [tilespmem:v24+s24+$0x0], $0xffff;
	v24 =	vor.u32 v2, v28  }
0x1f7: {  	_ =	sdelay $0x3  }
0x1f8: {  	v19 =	vld.idx.msk [tilespmem:v19+s24+$0x0], $0xffff  }
0x1f9: {  	v23 =	vld.idx.msk [tilespmem:v23+s24+$0x0], $0xffff  }
0x1fa: {  	v21 =	vld.idx.msk [tilespmem:v21+s24+$0x0], $0xffff  }
0x1fb: {  	v16 =	vld.idx.msk [tilespmem:v16+s24+$0x0], $0xffff  }
0x1fc: {  	v27 =	vor.u32 v2, v27;
	[tilespmem:v22+s30+$0x0] =	vst.idx.add.s32.msk $0xffff, v6;
	v14 =	vshll.u32 v14, $0x4  }
0x1fd: {  	[tilespmem:v25+s30+$0x0] =	vst.idx.add.s32.msk $0xffff, v6;
	v20 =	vshll.u32 v20, $0x4;
	v14 =	vor.u32 v2, v14  }
0x1fe: {  	[tilespmem:v24+s30+$0x0] =	vst.idx.add.s32.msk $0xffff, v6;
	v26 =	vshll.u32 v26, $0x4;
	v20 =	vor.u32 v2, v20  }
0x1ff: {  	[tilespmem:v17+s30+$0x0] =	vst.idx.add.s32.msk $0xffff, v6;
	v63 =	vor.u32 v2, v26;
	v18 =	vshll.u32 v18, $0x4  }
0x200: {  	[tilespmem:v15+s30+$0x0] =	vst.idx.add.s32.msk $0xffff, v6;
	v19 =	vshll.u32 v19, $0x4;
	v18 =	vor.u32 v2, v18  }
0x201: {  	[tilespmem:v27+s30+$0x0] =	vst.idx.add.s32.msk $0xffff, v6;
	v21 =	vshll.u32 v21, $0x4;
	v19 =	vor.u32 v2, v19  }
0x202: {  	v16 =	vshll.u32 v16, $0x4;
	v17 =	vor.u32 v2, v21;
	[tilespmem:v14+s30+$0x0] =	vst.idx.add.s32.msk $0xffff, v6  }
0x203: {  	v15 =	vshll.u32 v23, $0x4;
	v16 =	vor.u32 v2, v16;
	[tilespmem:v20+s30+$0x0] =	vst.idx.add.s32.msk $0xffff, v6  }
0x204: {  	v15 =	vor.u32 v2, v15;
	[tilespmem:v63+s30+$0x0] =	vst.idx.add.s32.msk $0xffff, v6  }
0x205: {  	[tilespmem:v18+s30+$0x0] =	vst.idx.add.s32.msk $0xffff, v6  }
0x206: {  	[tilespmem:v19+s30+$0x0] =	vst.idx.add.s32.msk $0xffff, v6  }
0x207: {  	[tilespmem:v17+s30+$0x0] =	vst.idx.add.s32.msk $0xffff, v6  }
0x208: {  	[tilespmem:v16+s30+$0x0] =	vst.idx.add.s32.msk $0xffff, v6  }
0x209: {  	[tilespmem:v15+s30+$0x0] =	vst.idx.add.s32.msk $0xffff, v6  }
0x20a: {  	_ =	strace $0x90000058  }
0x20b: {  	s10 =	simm.s32 $0x10000;
	_ =	strace $0x80000059  }
0x20c: {  	v14 =	vld [tilespmem:s10+$0x0];
	_ =	sdelay $0x3  }
0x20d: {  	v15 =	vimm.s32 $0xFFFFFFFF  }
0x20e: {  	s9 =	simm.s32 $0x0;
	s11 =	simm.s32 $0x10010;
	v16 =	vimm.s32 $0x0;
	[tilespmem:s10+$0x0] =	vst v0;
	s10 =	simm.s32 $0x1;
	vm13 =	vgt.s32 v14, v15  }
.LBB2_28:
0x20f: {  	[tilespmem:s11+$0x0] =	vst v0;
	p1 =	sne.s32 s10, $0x3F;
	v15 =	vsel vm13, v14, v15;
	v14 =	vld [tilespmem:s11+$0x0];
	v16 =	vsel vm13, s9, v16;
	s9 =	smov.u32 s10;
	s10 =	sadd.s32 $0x1, s10  }
.Ltmp15:
0x210: {  	(pc) =	sbr.rel @p1 .LBB2_28-.Ltmp15, $2  }
0x211: {  	_ =	sdelay $0x2  }
0x212: {  	s11 =	sadd.s32 $0x10, s11;
	vm13 =	vgt.s32 v14, v15  }
0x213: {  	v14 =	vsel vm13, s9, v16  }
0x214: {  	v15 =	vadd.s32 v4, v14;
	_ =	sdelay $0x3  }
0x215: {  	_ =	strace $0x90000059;
	s0 =	simm.s32 $0x10400;
	[tilespmem:$0x108D0] =	vst v14  }
0x216: {  	s16 =	simm.s32 $0x80;
	s3 =	simm.s32 $0x400;
	[tilespmem:v15+s0+$0x0] =	vst.idx.add.s32.msk $0xffff, v6  }
0x217: {  	[tilespmem:s24], [sflag:$0x2] =	stream.strided.gather [hbm4b:s31+s16], $0x4000, s3, s16, $0x38;
	[tilespmem:$0x11F40] =	vst v63  }
0x218: {  	s10 =	simm.s32 $0xC000  }
0x219: {  	[tilespmem:s10], [sflag:$0x2] =	stream.strided.gather [hbm4b:s8+s16], $0x4000, s3, s16, $0x38;
	[tilespmem:$0x11F40] =	vst v63  }
0x21a: {  	s10 =	simm.s32 $0x0  }
0x21b: {  	s9 =	smul.u32 $0x1E0, s10  }
0x21c: {  	_ =	strace $0x8000005A  }
0x21d: {  	_ =	swait.ge [sflag:s29], $0x4000;
	s9 =	sadd.s32 s9, s23  }
0x21e: {  	[sflag:s29] =	ssyncset.done $0x0;
	s9 =	sadd.s32 $0xFFFFFFF8, s9  }
0x21f: {  	[sflag:s29] =	ssyncadd.s32 $0xFFFFC000;
	s11 =	sadd.s32 $0xD, s9  }
0x220: {  	_ =	swait.ge [sflag:s29], $0x4000;
	v14 =	vadd.s32 s11, v3  }
0x221: {  	s12 =	sadd.s32 $0xB, s9;
	[sflag:s29] =	ssyncset.done $0x0  }
0x222: {  	s16 =	sadd.s32 $0xE, s9;
	v15 =	vadd.s32 s12, v3;
	[sflag:s29] =	ssyncadd.s32 $0xFFFFC000  }
0x223: {  	s15 =	simm.s32 $0x0;
	s11 =	sadd.s32 $0xF, s9;
	v19 =	vadd.s32 s16, v3;
	_ =	strace $0x9000005A  }
0x224: {  	s10 =	smul.u32 $0x1E0, s15;
	s13 =	sadd.s32 $0x8, s9;
	v16 =	vadd.s32 s11, v3;
	_ =	strace $0x8000005B  }
0x225: {  	s14 =	sadd.s32 $0x9, s9;
	v17 =	vadd.s32 s13, v3;
	v14 =	vld.idx.msk [tilespmem:v14+s2+$0x0], $0xffff  }
0x226: {  	s10 =	sadd.s32 s10, s23;
	v18 =	vadd.s32 s14, v3;
	s12 =	sadd.s32 $0xA, s9  }
0x227: {  	s0 =	sadd.s32 $0x0, s10;
	s9 =	sadd.s32 $0xC, s9;
	v20 =	vadd.s32 s12, v3;
	v15 =	vld.idx.msk [tilespmem:v15+s2+$0x0], $0xffff  }
0x228: {  	s3 =	sadd.s32 $0x8, s0;
	v21 =	vadd.s32 s9, v3;
	v25 =	vld.idx.msk [tilespmem:v19+s2+$0x0], $0xffff  }
0x229: {  	v26 =	vadd.s32 s3, v3;
	s12 =	sadd.s32 $0xD, s0;
	v24 =	vld.idx.msk [tilespmem:v16+s2+$0x0], $0xffff  }
0x22a: {  	v28 =	vadd.s32 s12, v3;
	v16 =	vld.idx.msk [tilespmem:v17+s2+$0x0], $0xffff;
	v14 =	vshll.u32 v14, $0x4  }
0x22b: {  	s10 =	sadd.s32 $0xF, s0;
	v17 =	vld.idx.msk [tilespmem:v18+s2+$0x0], $0xffff;
	v14 =	vor.u32 v2, v14  }
0x22c: {  	v18 =	vadd.s32 s10, v3;
	v27 =	vld.idx.msk [tilespmem:v20+s2+$0x0], $0xffff;
	v15 =	vshll.u32 v15, $0x4  }
0x22d: {  	s13 =	sadd.s32 $0x9, s0;
	v30 =	vld.idx.msk [tilespmem:v21+s2+$0x0], $0xffff;
	v29 =	vor.u32 v2, v15  }
0x22e: {  	s14 =	sadd.s32 $0xB, s0;
	s16 =	sadd.s32 $0xE, s0;
	v31 =	vadd.s32 s13, v3;
	v20 =	vld.idx.msk [tilespmem:v26+s2+$0x0], $0xffff  }
0x22f: {  	s15 =	sadd.s32 $0xA, s0;
	v23 =	vadd.s32 s16, v3;
	v19 =	vadd.s32 s14, v3;
	v26 =	vld.idx.msk [tilespmem:v28+s2+$0x0], $0xffff;
	v15 =	vshll.u32 v16, $0x4  }
0x230: {  	s9 =	sadd.s32 $0xC, s0;
	v21 =	vadd.s32 s15, v3;
	v22 =	vor.u32 v2, v15;
	v15 =	vshll.u32 v17, $0x4;
	[tilespmem:v14+s30+$0x0] =	vst.idx.add.s32.msk $0xffff, v6  }
0x231: {  	v16 =	vadd.s32 s9, v3;
	v17 =	vor.u32 v2, v15;
	v14 =	vld.idx.msk [tilespmem:v18+s2+$0x0], $0xffff;
	v18 =	vshll.u32 v24, $0x4  }
0x232: {  	v24 =	vshll.u32 v25, $0x4;
	[tilespmem:v29+s30+$0x0] =	vst.idx.add.s32.msk $0xffff, v6;
	v15 =	vor.u32 v2, v18;
	v18 =	vshll.u32 v27, $0x4  }
0x233: {  	s10 =	simm.s32 $0x10;
	s9 =	simm.s32 $0x8;
	v27 =	vshll.u32 v30, $0x4;
	v24 =	vor.u32 v2, v24;
	v25 =	vor.u32 v2, v18;
	v18 =	vld.idx.msk [tilespmem:v31+s2+$0x0], $0xffff  }
.LBB2_30:
0x234: {  	s11 =	sshrl.u32 s10, $0x5;
	v28 =	vld.idx.msk [tilespmem:v23+s2+$0x0], $0xffff;
	v23 =	vor.u32 v2, v27;
	s12 =	smov.u32 s9;
	s9 =	sadd.s32 $0x8, s9  }
0x235: {  	s11 =	smul.u32 $0x1E0, s11;
	p1 =	slt.u32 s9, $0x3F8;
	v27 =	vld.idx.msk [tilespmem:v21+s2+$0x0], $0xffff  }
0x236: {  	v29 =	vld.idx.msk [tilespmem:v19+s2+$0x0], $0xffff  }
0x237: {  	v19 =	vshll.u32 v26, $0x4;
	s11 =	sadd.s32 s11, s23;
	[tilespmem:v22+s30+$0x0] =	vst.idx.add.s32.msk $0xffff, v6  }
0x238: {  	v26 =	vor.u32 v2, v19;
	s11 =	sadd.s32 s11, s12;
	[tilespmem:v25+s30+$0x0] =	vst.idx.add.s32.msk $0xffff, v6  }
0x239: {  	s12 =	sadd.s32 $0x8, s11;
	s13 =	sadd.s32 $0x9, s11;
	s14 =	sadd.s32 $0xF, s11;
	[tilespmem:v23+s30+$0x0] =	vst.idx.add.s32.msk $0xffff, v6  }
0x23a: {  	v20 =	vshll.u32 v20, $0x4;
	s15 =	sadd.s32 $0xC, s11;
	s16 =	sadd.s32 $0xD, s11;
	v25 =	vadd.s32 s12, v3;
	s12 =	sadd.s32 $0xB, s11;
	v30 =	vadd.s32 s14, v3;
	[tilespmem:v24+s30+$0x0] =	vst.idx.add.s32.msk $0xffff, v6  }
0x23b: {  	v24 =	vadd.s32 s13, v3;
	s13 =	sadd.s32 $0xA, s11;
	v31 =	vadd.s32 s16, v3;
	s11 =	sadd.s32 $0xE, s11;
	v19 =	vadd.s32 s12, v3;
	[tilespmem:v17+s30+$0x0] =	vst.idx.add.s32.msk $0xffff, v6  }
0x23c: {  	v21 =	vadd.s32 s13, v3;
	v23 =	vadd.s32 s11, v3;
	v17 =	vshll.u32 v29, $0x4;
	[tilespmem:v15+s30+$0x0] =	vst.idx.add.s32.msk $0xffff, v6  }
0x23d: {  	v22 =	vor.u32 v2, v20;
	v15 =	vshll.u32 v18, $0x4;
	v18 =	vor.u32 v2, v17;
	v29 =	vld.idx.msk [tilespmem:v16+s2+$0x0], $0xffff  }
0x23e: {  	v20 =	vshll.u32 v14, $0x4;
	v16 =	vadd.s32 s15, v3;
	[tilespmem:v26+s30+$0x0] =	vst.idx.add.s32.msk $0xffff, v6  }
.Ltmp16:
0x23f: {  	v17 =	vor.u32 v2, v15;
	v15 =	vor.u32 v2, v20;
	v14 =	vld.idx.msk [tilespmem:v30+s2+$0x0], $0xffff;
	(pc) =	sbr.rel @p1 .LBB2_30-.Ltmp16, $4  }
0x240: {  	v20 =	vld.idx.msk [tilespmem:v25+s2+$0x0], $0xffff;
	v25 =	vshll.u32 v27, $0x4  }
0x241: {  	v28 =	vshll.u32 v28, $0x4;
	v26 =	vld.idx.msk [tilespmem:v31+s2+$0x0], $0xffff;
	v25 =	vor.u32 v2, v25  }
0x242: {  	[tilespmem:v18+s30+$0x0] =	vst.idx.add.s32.msk $0xffff, v6  }
0x243: {  	s10 =	sadd.s32 $0x8, s10;
	v27 =	vshll.u32 v29, $0x4;
	v18 =	vld.idx.msk [tilespmem:v24+s2+$0x0], $0xffff;
	v24 =	vor.u32 v2, v28  }
0x244: {  	_ =	sdelay $0x3  }
0x245: {  	v19 =	vld.idx.msk [tilespmem:v19+s2+$0x0], $0xffff  }
0x246: {  	v23 =	vld.idx.msk [tilespmem:v23+s2+$0x0], $0xffff  }
0x247: {  	v21 =	vld.idx.msk [tilespmem:v21+s2+$0x0], $0xffff  }
0x248: {  	v16 =	vld.idx.msk [tilespmem:v16+s2+$0x0], $0xffff  }
0x249: {  	v27 =	vor.u32 v2, v27;
	[tilespmem:v22+s30+$0x0] =	vst.idx.add.s32.msk $0xffff, v6;
	v14 =	vshll.u32 v14, $0x4  }
0x24a: {  	[tilespmem:v25+s30+$0x0] =	vst.idx.add.s32.msk $0xffff, v6;
	v20 =	vshll.u32 v20, $0x4;
	v14 =	vor.u32 v2, v14  }
0x24b: {  	[tilespmem:v24+s30+$0x0] =	vst.idx.add.s32.msk $0xffff, v6;
	v26 =	vshll.u32 v26, $0x4;
	v20 =	vor.u32 v2, v20  }
0x24c: {  	[tilespmem:v17+s30+$0x0] =	vst.idx.add.s32.msk $0xffff, v6;
	v63 =	vor.u32 v2, v26;
	v18 =	vshll.u32 v18, $0x4  }
0x24d: {  	[tilespmem:v15+s30+$0x0] =	vst.idx.add.s32.msk $0xffff, v6;
	v19 =	vshll.u32 v19, $0x4;
	v18 =	vor.u32 v2, v18  }
0x24e: {  	[tilespmem:v27+s30+$0x0] =	vst.idx.add.s32.msk $0xffff, v6;
	v21 =	vshll.u32 v21, $0x4;
	v19 =	vor.u32 v2, v19  }
0x24f: {  	v16 =	vshll.u32 v16, $0x4;
	v17 =	vor.u32 v2, v21;
	[tilespmem:v14+s30+$0x0] =	vst.idx.add.s32.msk $0xffff, v6  }
0x250: {  	v15 =	vshll.u32 v23, $0x4;
	v16 =	vor.u32 v2, v16;
	[tilespmem:v20+s30+$0x0] =	vst.idx.add.s32.msk $0xffff, v6  }
0x251: {  	v15 =	vor.u32 v2, v15;
	[tilespmem:v63+s30+$0x0] =	vst.idx.add.s32.msk $0xffff, v6  }
0x252: {  	[tilespmem:v18+s30+$0x0] =	vst.idx.add.s32.msk $0xffff, v6  }
0x253: {  	[tilespmem:v19+s30+$0x0] =	vst.idx.add.s32.msk $0xffff, v6  }
0x254: {  	[tilespmem:v17+s30+$0x0] =	vst.idx.add.s32.msk $0xffff, v6  }
0x255: {  	[tilespmem:v16+s30+$0x0] =	vst.idx.add.s32.msk $0xffff, v6  }
0x256: {  	[tilespmem:v15+s30+$0x0] =	vst.idx.add.s32.msk $0xffff, v6  }
0x257: {  	_ =	strace $0x9000005B  }
0x258: {  	s10 =	simm.s32 $0x10000;
	_ =	strace $0x8000005C  }
0x259: {  	v14 =	vld [tilespmem:s10+$0x0];
	_ =	sdelay $0x3  }
0x25a: {  	v15 =	vimm.s32 $0xFFFFFFFF  }
0x25b: {  	s9 =	simm.s32 $0x0;
	s11 =	simm.s32 $0x10010;
	v16 =	vimm.s32 $0x0;
	[tilespmem:s10+$0x0] =	vst v0;
	s10 =	simm.s32 $0x1;
	vm13 =	vgt.s32 v14, v15  }
.LBB2_32:
0x25c: {  	[tilespmem:s11+$0x0] =	vst v0;
	p1 =	sne.s32 s10, $0x3F;
	v15 =	vsel vm13, v14, v15;
	v14 =	vld [tilespmem:s11+$0x0];
	v16 =	vsel vm13, s9, v16;
	s9 =	smov.u32 s10;
	s10 =	sadd.s32 $0x1, s10  }
.Ltmp17:
0x25d: {  	(pc) =	sbr.rel @p1 .LBB2_32-.Ltmp17, $2  }
0x25e: {  	_ =	sdelay $0x2  }
0x25f: {  	s11 =	sadd.s32 $0x10, s11;
	vm13 =	vgt.s32 v14, v15  }
0x260: {  	v14 =	vsel vm13, s9, v16  }
0x261: {  	v15 =	vadd.s32 v4, v14;
	_ =	sdelay $0x3  }
0x262: {  	_ =	strace $0x9000005C;
	s11 =	simm.s32 $0x0;
	s0 =	simm.s32 $0x10400;
	[tilespmem:$0x108E0] =	vst v14  }
0x263: {  	s9 =	smul.u32 $0x1E0, s11;
	[tilespmem:v15+s0+$0x0] =	vst.idx.add.s32.msk $0xffff, v6  }
0x264: {  	_ =	strace $0x8000005D  }
0x265: {  	s9 =	sadd.s32 s9, s23;
	_ =	swait.ge [sflag:s4], $0x4000  }
0x266: {  	s9 =	sadd.s32 $0xFFFFFFF8, s9;
	[sflag:s4] =	ssyncset.done $0x0  }
0x267: {  	s10 =	sadd.s32 $0xD, s9;
	[sflag:s4] =	ssyncadd.s32 $0xFFFFC000  }
0x268: {  	v14 =	vadd.s32 s10, v3;
	_ =	swait.ge [sflag:s4], $0x4000  }
0x269: {  	s12 =	sadd.s32 $0xB, s9;
	[sflag:s4] =	ssyncset.done $0x0  }
0x26a: {  	s11 =	sadd.s32 $0xF, s9;
	v15 =	vadd.s32 s12, v3;
	[sflag:s4] =	ssyncadd.s32 $0xFFFFC000  }
0x26b: {  	s15 =	simm.s32 $0x0;
	s13 =	sadd.s32 $0x8, s9;
	v16 =	vadd.s32 s11, v3;
	_ =	strace $0x9000005D  }
0x26c: {  	s14 =	sadd.s32 $0x9, s9;
	v17 =	vadd.s32 s13, v3;
	s10 =	smul.u32 $0x1E0, s15;
	_ =	strace $0x8000005E  }
0x26d: {  	s16 =	sadd.s32 $0xE, s9;
	v18 =	vadd.s32 s14, v3;
	v14 =	vld.idx.msk [tilespmem:v14+s24+$0x0], $0xffff  }
0x26e: {  	s12 =	sadd.s32 $0xA, s9;
	v19 =	vadd.s32 s16, v3;
	s10 =	sadd.s32 s10, s23  }
0x26f: {  	s9 =	sadd.s32 $0xC, s9;
	v20 =	vadd.s32 s12, v3;
	s0 =	sadd.s32 $0x0, s10;
	v15 =	vld.idx.msk [tilespmem:v15+s24+$0x0], $0xffff  }
0x270: {  	v21 =	vadd.s32 s9, v3;
	s3 =	sadd.s32 $0x8, s0;
	v24 =	vld.idx.msk [tilespmem:v16+s24+$0x0], $0xffff  }
0x271: {  	s12 =	sadd.s32 $0xD, s0;
	v26 =	vadd.s32 s3, v3;
	v16 =	vld.idx.msk [tilespmem:v17+s24+$0x0], $0xffff  }
0x272: {  	v28 =	vadd.s32 s12, v3;
	v17 =	vld.idx.msk [tilespmem:v18+s24+$0x0], $0xffff;
	v14 =	vshll.u32 v14, $0x4  }
0x273: {  	s10 =	sadd.s32 $0xF, s0;
	v25 =	vld.idx.msk [tilespmem:v19+s24+$0x0], $0xffff;
	v14 =	vor.u32 v2, v14  }
0x274: {  	v18 =	vadd.s32 s10, v3;
	v27 =	vld.idx.msk [tilespmem:v20+s24+$0x0], $0xffff;
	v15 =	vshll.u32 v15, $0x4  }
0x275: {  	s13 =	sadd.s32 $0x9, s0;
	v30 =	vld.idx.msk [tilespmem:v21+s24+$0x0], $0xffff;
	v29 =	vor.u32 v2, v15  }
0x276: {  	s14 =	sadd.s32 $0xB, s0;
	s16 =	sadd.s32 $0xE, s0;
	v31 =	vadd.s32 s13, v3;
	v20 =	vld.idx.msk [tilespmem:v26+s24+$0x0], $0xffff  }
0x277: {  	s15 =	sadd.s32 $0xA, s0;
	v23 =	vadd.s32 s16, v3;
	v19 =	vadd.s32 s14, v3;
	v26 =	vld.idx.msk [tilespmem:v28+s24+$0x0], $0xffff;
	v15 =	vshll.u32 v16, $0x4  }
0x278: {  	s9 =	sadd.s32 $0xC, s0;
	v21 =	vadd.s32 s15, v3;
	v22 =	vor.u32 v2, v15;
	v15 =	vshll.u32 v17, $0x4;
	[tilespmem:v14+s30+$0x0] =	vst.idx.add.s32.msk $0xffff, v6  }
0x279: {  	v16 =	vadd.s32 s9, v3;
	v17 =	vor.u32 v2, v15;
	v14 =	vld.idx.msk [tilespmem:v18+s24+$0x0], $0xffff;
	v18 =	vshll.u32 v24, $0x4  }
0x27a: {  	v24 =	vshll.u32 v25, $0x4;
	[tilespmem:v29+s30+$0x0] =	vst.idx.add.s32.msk $0xffff, v6;
	v15 =	vor.u32 v2, v18;
	v18 =	vshll.u32 v27, $0x4  }
0x27b: {  	s10 =	simm.s32 $0x10;
	s9 =	simm.s32 $0x8;
	v27 =	vshll.u32 v30, $0x4;
	v24 =	vor.u32 v2, v24;
	v25 =	vor.u32 v2, v18;
	v18 =	vld.idx.msk [tilespmem:v31+s24+$0x0], $0xffff  }
.LBB2_34:
0x27c: {  	s11 =	sshrl.u32 s10, $0x5;
	v28 =	vld.idx.msk [tilespmem:v23+s24+$0x0], $0xffff;
	v23 =	vor.u32 v2, v27;
	s12 =	smov.u32 s9;
	s9 =	sadd.s32 $0x8, s9  }
0x27d: {  	s11 =	smul.u32 $0x1E0, s11;
	p1 =	slt.u32 s9, $0x3F8;
	v27 =	vld.idx.msk [tilespmem:v21+s24+$0x0], $0xffff  }
0x27e: {  	v29 =	vld.idx.msk [tilespmem:v19+s24+$0x0], $0xffff  }
0x27f: {  	v19 =	vshll.u32 v26, $0x4;
	s11 =	sadd.s32 s11, s23;
	[tilespmem:v22+s30+$0x0] =	vst.idx.add.s32.msk $0xffff, v6  }
0x280: {  	v26 =	vor.u32 v2, v19;
	s11 =	sadd.s32 s11, s12;
	[tilespmem:v25+s30+$0x0] =	vst.idx.add.s32.msk $0xffff, v6  }
0x281: {  	s12 =	sadd.s32 $0x8, s11;
	s13 =	sadd.s32 $0x9, s11;
	s14 =	sadd.s32 $0xF, s11;
	[tilespmem:v23+s30+$0x0] =	vst.idx.add.s32.msk $0xffff, v6  }
0x282: {  	v20 =	vshll.u32 v20, $0x4;
	s15 =	sadd.s32 $0xC, s11;
	s16 =	sadd.s32 $0xD, s11;
	v25 =	vadd.s32 s12, v3;
	s12 =	sadd.s32 $0xB, s11;
	v30 =	vadd.s32 s14, v3;
	[tilespmem:v24+s30+$0x0] =	vst.idx.add.s32.msk $0xffff, v6  }
0x283: {  	v24 =	vadd.s32 s13, v3;
	s13 =	sadd.s32 $0xA, s11;
	v31 =	vadd.s32 s16, v3;
	s11 =	sadd.s32 $0xE, s11;
	v19 =	vadd.s32 s12, v3;
	[tilespmem:v17+s30+$0x0] =	vst.idx.add.s32.msk $0xffff, v6  }
0x284: {  	v21 =	vadd.s32 s13, v3;
	v23 =	vadd.s32 s11, v3;
	v17 =	vshll.u32 v29, $0x4;
	[tilespmem:v15+s30+$0x0] =	vst.idx.add.s32.msk $0xffff, v6  }
0x285: {  	v22 =	vor.u32 v2, v20;
	v15 =	vshll.u32 v18, $0x4;
	v18 =	vor.u32 v2, v17;
	v29 =	vld.idx.msk [tilespmem:v16+s24+$0x0], $0xffff  }
0x286: {  	v20 =	vshll.u32 v14, $0x4;
	v16 =	vadd.s32 s15, v3;
	[tilespmem:v26+s30+$0x0] =	vst.idx.add.s32.msk $0xffff, v6  }
.Ltmp18:
0x287: {  	v17 =	vor.u32 v2, v15;
	v15 =	vor.u32 v2, v20;
	v14 =	vld.idx.msk [tilespmem:v30+s24+$0x0], $0xffff;
	(pc) =	sbr.rel @p1 .LBB2_34-.Ltmp18, $4  }
0x288: {  	v20 =	vld.idx.msk [tilespmem:v25+s24+$0x0], $0xffff;
	v25 =	vshll.u32 v27, $0x4  }
0x289: {  	v28 =	vshll.u32 v28, $0x4;
	v26 =	vld.idx.msk [tilespmem:v31+s24+$0x0], $0xffff;
	v25 =	vor.u32 v2, v25  }
0x28a: {  	[tilespmem:v18+s30+$0x0] =	vst.idx.add.s32.msk $0xffff, v6  }
0x28b: {  	s10 =	sadd.s32 $0x8, s10;
	v27 =	vshll.u32 v29, $0x4;
	v18 =	vld.idx.msk [tilespmem:v24+s24+$0x0], $0xffff;
	v24 =	vor.u32 v2, v28  }
0x28c: {  	_ =	sdelay $0x3  }
0x28d: {  	v19 =	vld.idx.msk [tilespmem:v19+s24+$0x0], $0xffff  }
0x28e: {  	v23 =	vld.idx.msk [tilespmem:v23+s24+$0x0], $0xffff  }
0x28f: {  	v21 =	vld.idx.msk [tilespmem:v21+s24+$0x0], $0xffff  }
0x290: {  	v16 =	vld.idx.msk [tilespmem:v16+s24+$0x0], $0xffff  }
0x291: {  	v27 =	vor.u32 v2, v27;
	[tilespmem:v22+s30+$0x0] =	vst.idx.add.s32.msk $0xffff, v6;
	v14 =	vshll.u32 v14, $0x4  }
0x292: {  	[tilespmem:v25+s30+$0x0] =	vst.idx.add.s32.msk $0xffff, v6;
	v20 =	vshll.u32 v20, $0x4;
	v14 =	vor.u32 v2, v14  }
0x293: {  	[tilespmem:v24+s30+$0x0] =	vst.idx.add.s32.msk $0xffff, v6;
	v26 =	vshll.u32 v26, $0x4;
	v20 =	vor.u32 v2, v20  }
0x294: {  	[tilespmem:v17+s30+$0x0] =	vst.idx.add.s32.msk $0xffff, v6;
	v63 =	vor.u32 v2, v26;
	v18 =	vshll.u32 v18, $0x4  }
0x295: {  	[tilespmem:v15+s30+$0x0] =	vst.idx.add.s32.msk $0xffff, v6;
	v19 =	vshll.u32 v19, $0x4;
	v18 =	vor.u32 v2, v18  }
0x296: {  	[tilespmem:v27+s30+$0x0] =	vst.idx.add.s32.msk $0xffff, v6;
	v21 =	vshll.u32 v21, $0x4;
	v19 =	vor.u32 v2, v19  }
0x297: {  	v16 =	vshll.u32 v16, $0x4;
	v17 =	vor.u32 v2, v21;
	[tilespmem:v14+s30+$0x0] =	vst.idx.add.s32.msk $0xffff, v6  }
0x298: {  	v15 =	vshll.u32 v23, $0x4;
	v16 =	vor.u32 v2, v16;
	[tilespmem:v20+s30+$0x0] =	vst.idx.add.s32.msk $0xffff, v6  }
0x299: {  	v15 =	vor.u32 v2, v15;
	[tilespmem:v63+s30+$0x0] =	vst.idx.add.s32.msk $0xffff, v6  }
0x29a: {  	[tilespmem:v18+s30+$0x0] =	vst.idx.add.s32.msk $0xffff, v6  }
0x29b: {  	[tilespmem:v19+s30+$0x0] =	vst.idx.add.s32.msk $0xffff, v6  }
0x29c: {  	[tilespmem:v17+s30+$0x0] =	vst.idx.add.s32.msk $0xffff, v6  }
0x29d: {  	[tilespmem:v16+s30+$0x0] =	vst.idx.add.s32.msk $0xffff, v6  }
0x29e: {  	[tilespmem:v15+s30+$0x0] =	vst.idx.add.s32.msk $0xffff, v6  }
0x29f: {  	_ =	strace $0x9000005E  }
0x2a0: {  	s10 =	simm.s32 $0x10000;
	_ =	strace $0x8000005F  }
0x2a1: {  	v14 =	vld [tilespmem:s10+$0x0];
	_ =	sdelay $0x3  }
0x2a2: {  	v15 =	vimm.s32 $0xFFFFFFFF  }
0x2a3: {  	s9 =	simm.s32 $0x0;
	s11 =	simm.s32 $0x10010;
	v16 =	vimm.s32 $0x0;
	[tilespmem:s10+$0x0] =	vst v0;
	s10 =	simm.s32 $0x1;
	vm13 =	vgt.s32 v14, v15  }
.LBB2_36:
0x2a4: {  	[tilespmem:s11+$0x0] =	vst v0;
	p1 =	sne.s32 s10, $0x3F;
	v15 =	vsel vm13, v14, v15;
	v14 =	vld [tilespmem:s11+$0x0];
	v16 =	vsel vm13, s9, v16;
	s9 =	smov.u32 s10;
	s10 =	sadd.s32 $0x1, s10  }
.Ltmp19:
0x2a5: {  	(pc) =	sbr.rel @p1 .LBB2_36-.Ltmp19, $2  }
0x2a6: {  	_ =	sdelay $0x2  }
0x2a7: {  	s11 =	sadd.s32 $0x10, s11;
	vm13 =	vgt.s32 v14, v15  }
0x2a8: {  	v14 =	vsel vm13, s9, v16  }
0x2a9: {  	v15 =	vadd.s32 v4, v14;
	_ =	sdelay $0x3  }
0x2aa: {  	_ =	strace $0x9000005F;
	s0 =	simm.s32 $0x10400;
	[tilespmem:$0x108F0] =	vst v14  }
0x2ab: {  	[tilespmem:v15+s0+$0x0] =	vst.idx.add.s32.msk $0xffff, v6  }
0x2ac: {  	v14 =	vld [tilespmem:$0x10400]  }
0x2ad: {  	v15 =	vld [tilespmem:$0x10440]  }
0x2ae: {  	v16 =	vld [tilespmem:$0x10480]  }
0x2af: {  	v17 =	vld [tilespmem:$0x104C0]  }
0x2b0: {  	v18 =	vld [tilespmem:$0x10500]  }
0x2b1: {  	v19 =	vld [tilespmem:$0x10540]  }
0x2b2: {  	v20 =	vld [tilespmem:$0x10580]  }
0x2b3: {  	v21 =	vld [tilespmem:$0x105C0]  }
0x2b4: {  	v22 =	vld [tilespmem:$0x10600]  }
0x2b5: {  	v23 =	vld [tilespmem:$0x10640]  }
0x2b6: {  	v24 =	vld [tilespmem:$0x10680]  }
0x2b7: {  	v25 =	vld [tilespmem:$0x106C0]  }
0x2b8: {  	v26 =	vld [tilespmem:$0x10700]  }
0x2b9: {  	v27 =	vld [tilespmem:$0x10740]  }
0x2ba: {  	v28 =	vld [tilespmem:$0x10780]  }
0x2bb: {  	v29 =	vld [tilespmem:$0x107C0]  }
0x2bc: {  	v30 =	vld [tilespmem:$0x10410]  }
0x2bd: {  	v31 =	vld [tilespmem:$0x10450]  }
0x2be: {  	v32 =	vld [tilespmem:$0x10490]  }
0x2bf: {  	v33 =	vld [tilespmem:$0x104D0]  }
0x2c0: {  	v34 =	vld [tilespmem:$0x10510]  }
0x2c1: {  	v35 =	vld [tilespmem:$0x10550]  }
0x2c2: {  	v36 =	vld [tilespmem:$0x10590]  }
0x2c3: {  	v37 =	vld [tilespmem:$0x105D0]  }
0x2c4: {  	v38 =	vld [tilespmem:$0x10610]  }
0x2c5: {  	v39 =	vld [tilespmem:$0x10650]  }
0x2c6: {  	v40 =	vld [tilespmem:$0x10690]  }
0x2c7: {  	v41 =	vld [tilespmem:$0x106D0]  }
0x2c8: {  	v42 =	vld [tilespmem:$0x10710]  }
0x2c9: {  	v43 =	vld [tilespmem:$0x10750]  }
0x2ca: {  	v44 =	vld [tilespmem:$0x10790]  }
0x2cb: {  	v45 =	vld [tilespmem:$0x107D0]  }
0x2cc: {  	v46 =	vld [tilespmem:$0x10420]  }
0x2cd: {  	v47 =	vld [tilespmem:$0x10460]  }
0x2ce: {  	v48 =	vld [tilespmem:$0x104A0]  }
0x2cf: {  	v49 =	vld [tilespmem:$0x104E0]  }
0x2d0: {  	v50 =	vld [tilespmem:$0x10520]  }
0x2d1: {  	v51 =	vld [tilespmem:$0x10560]  }
0x2d2: {  	v52 =	vld [tilespmem:$0x105A0]  }
0x2d3: {  	v58 =	vld [tilespmem:$0x10430]  }
0x2d4: {  	v59 =	vld [tilespmem:$0x10470];
	v14 =	vadd.s32 v14, v15  }
0x2d5: {  	v60 =	vld [tilespmem:$0x104B0];
	v14 =	vadd.s32 v14, v16  }
0x2d6: {  	v61 =	vld [tilespmem:$0x104F0];
	v14 =	vadd.s32 v14, v17  }
0x2d7: {  	v63 =	vld [tilespmem:$0x10530];
	v14 =	vadd.s32 v14, v18  }
0x2d8: {  	v54 =	vld [tilespmem:$0x10570];
	v14 =	vadd.s32 v14, v19  }
0x2d9: {  	v55 =	vld [tilespmem:$0x105B0];
	v14 =	vadd.s32 v14, v20  }
0x2da: {  	v56 =	vld [tilespmem:$0x105F0];
	v14 =	vadd.s32 v14, v21  }
0x2db: {  	v57 =	vld [tilespmem:$0x10630];
	v14 =	vadd.s32 v14, v22  }
0x2dc: {  	v15 =	vld [tilespmem:$0x105E0];
	v14 =	vadd.s32 v14, v23  }
0x2dd: {  	v16 =	vld [tilespmem:$0x10620];
	v14 =	vadd.s32 v14, v24  }
0x2de: {  	v17 =	vld [tilespmem:$0x10660];
	v14 =	vadd.s32 v14, v25  }
0x2df: {  	v18 =	vld [tilespmem:$0x106A0];
	v14 =	vadd.s32 v14, v26  }
0x2e0: {  	v62 =	vadd.s32 v30, v31;
	v53 =	vadd.s32 v46, v47;
	v19 =	vld [tilespmem:$0x106E0];
	v14 =	vadd.s32 v14, v27  }
0x2e1: {  	v20 =	vld [tilespmem:$0x10720];
	v24 =	vadd.s32 v58, v59;
	v14 =	vadd.s32 v14, v28;
	v28 =	vadd.s32 v62, v32  }
0x2e2: {  	v21 =	vld [tilespmem:$0x10760];
	v14 =	vadd.s32 v14, v29;
	v28 =	vadd.s32 v28, v33;
	v29 =	vadd.s32 v53, v48  }
0x2e3: {  	v22 =	vld [tilespmem:$0x107A0];
	v24 =	vadd.s32 v24, v60;
	v28 =	vadd.s32 v28, v34;
	v29 =	vadd.s32 v29, v49  }
0x2e4: {  	v23 =	vld [tilespmem:$0x107E0];
	v24 =	vadd.s32 v24, v61;
	v28 =	vadd.s32 v28, v35;
	v29 =	vadd.s32 v29, v50  }
0x2e5: {  	v58 =	vld [tilespmem:$0x10670];
	v24 =	vadd.s32 v24, v63;
	v28 =	vadd.s32 v28, v36;
	v29 =	vadd.s32 v29, v51  }
0x2e6: {  	v59 =	vld [tilespmem:$0x106B0];
	v24 =	vadd.s32 v24, v54;
	v28 =	vadd.s32 v28, v37;
	v29 =	vadd.s32 v29, v52  }
0x2e7: {  	v60 =	vld [tilespmem:$0x106F0];
	v24 =	vadd.s32 v24, v55;
	v28 =	vadd.s32 v28, v38;
	v15 =	vadd.s32 v29, v15  }
0x2e8: {  	v61 =	vld [tilespmem:$0x10730];
	v28 =	vadd.s32 v28, v39;
	v15 =	vadd.s32 v15, v16;
	v16 =	vadd.s32 v24, v56  }
0x2e9: {  	v62 =	vadd.s32 v28, v40;
	v15 =	vadd.s32 v15, v17;
	v16 =	vadd.s32 v16, v57;
	v17 =	vld [tilespmem:$0x10770]  }
0x2ea: {  	v26 =	vadd.s32 v62, v41;
	v15 =	vadd.s32 v15, v18;
	v16 =	vadd.s32 v16, v58;
	v18 =	vld [tilespmem:$0x107B0]  }
0x2eb: {  	v26 =	vadd.s32 v26, v42;
	v15 =	vadd.s32 v15, v19;
	v16 =	vadd.s32 v16, v59;
	v19 =	vld [tilespmem:$0x107F0]  }
0x2ec: {  	v26 =	vadd.s32 v26, v43;
	v15 =	vadd.s32 v15, v20;
	v16 =	vadd.s32 v16, v60  }
0x2ed: {  	v20 =	vadd.s32 v26, v44;
	v15 =	vadd.s32 v15, v21;
	v63 =	vadd.s32 v16, v61  }
0x2ee: {  	[tilespmem:$0x10800] =	vst v14;
	v16 =	vadd.s32 v20, v45;
	v15 =	vadd.s32 v15, v22;
	v20 =	vadd.s32 v63, v17  }
0x2ef: {  	v17 =	vadd.s32 v15, v23;
	v15 =	vadd.s32 v20, v18;
	[tilespmem:$0x10810] =	vst v16  }
0x2f0: {  	[tilespmem:$0x10820] =	vst v17;
	v18 =	vadd.s32 v15, v19  }
0x2f1: {  	s15 =	simm.s32 $0x10880;
	[tilespmem:$0x10830] =	vst v18  }
0x2f2: {  	[spmem:s1] =	stream.linear.scatter [tilespmem:s15], [sflag:$0x3], $0x80, $0x38;
	[tilespmem:$0x11F40] =	vst v63  }
0x2f3: {  	_ =	swait.ge [sflag:s7], $0x80  }
0x2f4: {  	[sflag:s7] =	ssyncset.done $0x0  }
0x2f5: {  	s16 =	simm.s32 $0x10800;
	[sflag:s7] =	ssyncadd.s32 $0xFFFFFF80  }
0x2f6: {  	[spmem:s5] =	stream.linear.scatter [tilespmem:s16], [sflag:$0x3], $0x40, $0x38;
	[tilespmem:$0x11F40] =	vst v63  }
.Ltmp20:
0x2f7: {  	_ =	swait.ge [sflag:s7], $0x40;
	(pc) =	sbr.rel @p0 .LBB2_39-.Ltmp20, $3  }
0x2f8: {  	[sflag:s7] =	ssyncset.done $0x0  }
0x2f9: {  	[sflag:s7] =	ssyncadd.s32 $0xFFFFFFC0  }
0x2fa: {  	[bflag:$0x0] =	sbarrier.arrive $0xFFFF;
	_ =	sdelay $0x1  }
0x2fb: {  	s0 =	rddreg [dreg:$0x16];
	s6 =	simm.s32 $0x10900  }
0x2fc: {  	[tilespmem:s6], [sflag:$0x3] =	stream.linear.gather [spmem:s0], $0x80, $0x38;
	[tilespmem:$0x11F40] =	vst v63  }
0x2fd: {  	_ =	swait.ge [sflag:s7], $0x80  }
0x2fe: {  	[sflag:s7] =	ssyncset.done $0x0  }
0x2ff: {  	s12 =	simm.s32 $0x10980;
	s11 =	rddreg [dreg:$0x17];
	[sflag:s7] =	ssyncadd.s32 $0xFFFFFF80  }
0x300: {  	[tilespmem:s12], [sflag:$0x3] =	stream.linear.gather [spmem:s11], $0x40, $0x38;
	[tilespmem:$0x11F40] =	vst v63  }
0x301: {  	_ =	swait.ge [sflag:s7], $0x40  }
0x302: {  	[sflag:s7] =	ssyncset.done $0x0  }
0x303: {  	[sflag:s7] =	ssyncadd.s32 $0xFFFFFFC0  }
0x304: {  	s3 =	simm.s32 $0x11D00;
	s13 =	rddreg [dreg:$0x3]  }
0x305: {  	[tilespmem:s3], [sflag:$0x3] =	stream.linear.gather [hbm4b:s13+s2], $0x180, $0x38;
	[tilespmem:$0x11F40] =	vst v63  }
0x306: {  	_ =	swait.ge [sflag:s7], $0x180  }
0x307: {  	[sflag:s7] =	ssyncset.done $0x0  }
0x308: {  	[sflag:s7] =	ssyncadd.s32 $0xFFFFFE80  }
0x309: {  	v15 =	vld [tilespmem:$0x10980]  }
0x30a: {  	v19 =	vld [tilespmem:$0x10A00]  }
0x30b: {  	v20 =	vld [tilespmem:$0x10A80]  }
0x30c: {  	v21 =	vld [tilespmem:$0x10990]  }
0x30d: {  	v22 =	vld [tilespmem:$0x10A10]  }
0x30e: {  	v23 =	vld [tilespmem:$0x10A90]  }
0x30f: {  	v24 =	vld [tilespmem:$0x109A0]  }
0x310: {  	v25 =	vld [tilespmem:$0x10A20]  }
0x311: {  	v26 =	vld [tilespmem:$0x10AA0]  }
0x312: {  	v27 =	vld [tilespmem:$0x109B0]  }
0x313: {  	v28 =	vld [tilespmem:$0x10A30]  }
0x314: {  	v15 =	vadd.s32 v14, v15;
	v14 =	vld [tilespmem:$0x10AB0]  }
0x315: {  	v16 =	vadd.s32 v16, v21;
	vm13 =	vgt.s32 v15, $0x0  }
0x316: {  	v17 =	vadd.s32 v17, v24;
	v19 =	vsel vm13, v19, v20;
	vm13 =	vgt.s32 v16, $0x0  }
0x317: {  	v18 =	vadd.s32 v18, v27;
	v42 =	vsel vm13, v22, v23;
	vm13 =	vgt.s32 v17, $0x0;
	(xrf0) =	vmax.scan.msk.f32 $0xffff, v19  }
0x318: {  	v43 =	vsel vm13, v25, v26;
	vm13 =	vgt.s32 v18, $0x0;
	(xrf0) =	vmax.scan.msk.f32 $0xffff, v42  }
0x319: {  	v14 =	vsel vm13, v28, v14;
	(xrf0) =	vmax.scan.msk.f32 $0xffff, v43  }
0x31a: {  	(xrf0) =	vmax.scan.msk.f32 $0xffff, v14;
	_ =	sdelay $0x2  }
0x31b: {  	v44, _, _ =	vpop (xrf0)  }
0x31c: {  	(v2sf) =	vpush v44, $0xF;
	v45, _, _ =	vpop (xrf0)  }
0x31d: {  	(v2sf) =	vpush v45, $0xF;
	v46, _, _ =	vpop (xrf0)  }
0x31e: {  	(v2sf) =	vpush v46, $0xF;
	v47, _, _ =	vpop (xrf0)  }
0x31f: {  	(v2sf) =	vpush v47, $0xF;
	_ =	sdelay $0xb  }
0x320: {  	s9 =	spop (v2sf)  }
0x321: {  	s10 =	spop (v2sf)  }
0x322: {  	s11 =	spop (v2sf)  }
0x323: {  	s12 =	spop (v2sf)  }
0x324: {  	s9 =	smax.f32 s9, s10;
	s14 =	smax.f32 s11, s12  }
0x325: {  	s9 =	smax.f32 s9, s14  }
0x326: {  	vm13 =	veq.f32 v19, s9  }
0x327: {  	v48 =	vnsel vm13, $0x80100000, v9;
	vm13 =	veq.f32 v42, s9  }
0x328: {  	(xrf0) =	vmin.scan.msk.u32 $0xffff, v48;
	v49 =	vnsel vm13, $0x80100000, v5;
	vm13 =	veq.f32 v43, s9  }
0x329: {  	(xrf0) =	vmin.scan.msk.u32 $0xffff, v49;
	v50 =	vnsel vm13, $0x80100000, v7;
	vm13 =	veq.f32 v14, s9  }
0x32a: {  	(xrf0) =	vmin.scan.msk.u32 $0xffff, v50;
	v51 =	vnsel vm13, $0x80100000, v8  }
0x32b: {  	(xrf0) =	vmin.scan.msk.u32 $0xffff, v51;
	_ =	sdelay $0x2  }
0x32c: {  	v52, _, _ =	vpop (xrf0)  }
0x32d: {  	(v2sf) =	vpush v52, $0xF;
	v53, _, _ =	vpop (xrf0)  }
0x32e: {  	(v2sf) =	vpush v53, $0xF;
	v54, _, _ =	vpop (xrf0)  }
0x32f: {  	(v2sf) =	vpush v54, $0xF;
	v55, _, _ =	vpop (xrf0)  }
0x330: {  	(v2sf) =	vpush v55, $0xF;
	_ =	sdelay $0xb  }
0x331: {  	s15 =	spop (v2sf)  }
0x332: {  	s16 =	spop (v2sf)  }
0x333: {  	s17 =	spop (v2sf)  }
0x334: {  	s12 =	sxor.u32 $0x80000000, s15;
	s19 =	spop (v2sf)  }
0x335: {  	s10 =	sxor.u32 $0x80000000, s16;
	s11 =	sxor.u32 $0x80000000, s17;
	s9 =	sxor.u32 $0x80000000, s19  }
0x336: {  	p1 =	slt.s32 s12, s10;
	p2 =	slt.s32 s11, s9  }
0x337: {  	s10 =	smov.u32 @p1 s12;
	s9 =	smov.u32 @p2 s11  }
0x338: {  	p1 =	slt.s32 s10, s9  }
0x339: {  	s9 =	smov.u32 @p1 s10  }
0x33a: {  	v56 =	vmov s9  }
0x33b: {  	vm13 =	veq.s32 v56, v2  }
0x33c: {  	v19 =	vsel vm13, $0xFF61B1E6, v19;
	vm13 =	veq.s32 v56, v10  }
0x33d: {  	v20 =	vsel vm13, $0xFF61B1E6, v42;
	vm13 =	veq.s32 v56, v11;
	(xrf0) =	vmax.scan.msk.f32 $0xffff, v19  }
0x33e: {  	v21 =	vsel vm13, $0xFF61B1E6, v43;
	vm13 =	veq.s32 v56, v12;
	(xrf0) =	vmax.scan.msk.f32 $0xffff, v20  }
0x33f: {  	v22 =	vsel vm13, $0xFF61B1E6, v14;
	(xrf0) =	vmax.scan.msk.f32 $0xffff, v21  }
0x340: {  	(xrf0) =	vmax.scan.msk.f32 $0xffff, v22;
	_ =	sdelay $0x2  }
0x341: {  	v14, _, _ =	vpop (xrf0)  }
0x342: {  	(v2sf) =	vpush v14, $0xF;
	v14, _, _ =	vpop (xrf0)  }
0x343: {  	(v2sf) =	vpush v14, $0xF;
	v14, _, _ =	vpop (xrf0)  }
0x344: {  	(v2sf) =	vpush v14, $0xF;
	v14, _, _ =	vpop (xrf0)  }
0x345: {  	(v2sf) =	vpush v14, $0xF;
	_ =	sdelay $0xb  }
0x346: {  	s20 =	spop (v2sf)  }
0x347: {  	s21 =	spop (v2sf)  }
0x348: {  	s25 =	spop (v2sf)  }
0x349: {  	s13 =	spop (v2sf)  }
0x34a: {  	s10 =	smax.f32 s20, s21;
	s26 =	smax.f32 s25, s13  }
0x34b: {  	s10 =	smax.f32 s10, s26  }
0x34c: {  	vm13 =	veq.f32 v19, s10  }
0x34d: {  	v14 =	vnsel vm13, $0x80100000, v9;
	vm13 =	veq.f32 v20, s10  }
0x34e: {  	(xrf0) =	vmin.scan.msk.u32 $0xffff, v14;
	v14 =	vnsel vm13, $0x80100000, v5;
	vm13 =	veq.f32 v21, s10  }
0x34f: {  	(xrf0) =	vmin.scan.msk.u32 $0xffff, v14;
	v14 =	vnsel vm13, $0x80100000, v7;
	vm13 =	veq.f32 v22, s10  }
0x350: {  	(xrf0) =	vmin.scan.msk.u32 $0xffff, v14;
	v14 =	vnsel vm13, $0x80100000, v8  }
0x351: {  	(xrf0) =	vmin.scan.msk.u32 $0xffff, v14;
	_ =	sdelay $0x2  }
0x352: {  	v14, _, _ =	vpop (xrf0)  }
0x353: {  	(v2sf) =	vpush v14, $0xF;
	v14, _, _ =	vpop (xrf0)  }
0x354: {  	(v2sf) =	vpush v14, $0xF;
	v14, _, _ =	vpop (xrf0)  }
0x355: {  	(v2sf) =	vpush v14, $0xF;
	v14, _, _ =	vpop (xrf0)  }
0x356: {  	(v2sf) =	vpush v14, $0xF;
	_ =	sdelay $0xb  }
0x357: {  	s0 =	spop (v2sf)  }
0x358: {  	s3 =	spop (v2sf)  }
0x359: {  	s6 =	spop (v2sf)  }
0x35a: {  	s10 =	sxor.u32 $0x80000000, s0;
	s7 =	spop (v2sf)  }
0x35b: {  	s11 =	sxor.u32 $0x80000000, s3;
	s12 =	sxor.u32 $0x80000000, s6;
	s13 =	sxor.u32 $0x80000000, s7  }
0x35c: {  	p1 =	slt.s32 s10, s11;
	p2 =	slt.s32 s12, s13  }
0x35d: {  	s11 =	smov.u32 @p1 s10;
	s13 =	smov.u32 @p2 s12  }
0x35e: {  	p1 =	slt.s32 s11, s13  }
0x35f: {  	s13 =	smov.u32 @p1 s11  }
0x360: {  	v14 =	vmov s13  }
0x361: {  	vm13 =	veq.s32 v14, v2  }
0x362: {  	v19 =	vsel vm13, $0xFF61B1E6, v19;
	vm13 =	veq.s32 v14, v10  }
0x363: {  	v20 =	vsel vm13, $0xFF61B1E6, v20;
	vm13 =	veq.s32 v14, v11;
	(xrf0) =	vmax.scan.msk.f32 $0xffff, v19  }
0x364: {  	v21 =	vsel vm13, $0xFF61B1E6, v21;
	vm13 =	veq.s32 v14, v12;
	(xrf0) =	vmax.scan.msk.f32 $0xffff, v20  }
0x365: {  	v22 =	vsel vm13, $0xFF61B1E6, v22;
	(xrf0) =	vmax.scan.msk.f32 $0xffff, v21  }
0x366: {  	(xrf0) =	vmax.scan.msk.f32 $0xffff, v22;
	_ =	sdelay $0x2  }
0x367: {  	v57, _, _ =	vpop (xrf0)  }
0x368: {  	(v2sf) =	vpush v57, $0xF;
	v58, _, _ =	vpop (xrf0)  }
0x369: {  	(v2sf) =	vpush v58, $0xF;
	v59, _, _ =	vpop (xrf0)  }
0x36a: {  	(v2sf) =	vpush v59, $0xF;
	v60, _, _ =	vpop (xrf0)  }
0x36b: {  	(v2sf) =	vpush v60, $0xF;
	_ =	sdelay $0xb  }
0x36c: {  	s11 =	spop (v2sf)  }
0x36d: {  	s12 =	spop (v2sf)  }
0x36e: {  	s13 =	spop (v2sf)  }
0x36f: {  	s14 =	spop (v2sf)  }
0x370: {  	s10 =	smax.f32 s11, s12;
	s15 =	smax.f32 s13, s14  }
0x371: {  	s10 =	smax.f32 s10, s15  }
0x372: {  	vm13 =	veq.f32 v19, s10  }
0x373: {  	v61 =	vnsel vm13, $0x80100000, v9;
	vm13 =	veq.f32 v20, s10  }
0x374: {  	(xrf0) =	vmin.scan.msk.u32 $0xffff, v61;
	v62 =	vnsel vm13, $0x80100000, v5;
	vm13 =	veq.f32 v21, s10  }
0x375: {  	(xrf0) =	vmin.scan.msk.u32 $0xffff, v62;
	v63 =	vnsel vm13, $0x80100000, v7;
	vm13 =	veq.f32 v22, s10  }
0x376: {  	(xrf0) =	vmin.scan.msk.u32 $0xffff, v63;
	v24 =	vnsel vm13, $0x80100000, v8  }
0x377: {  	(xrf0) =	vmin.scan.msk.u32 $0xffff, v24;
	_ =	sdelay $0x2  }
0x378: {  	v25, _, _ =	vpop (xrf0)  }
0x379: {  	(v2sf) =	vpush v25, $0xF;
	v26, _, _ =	vpop (xrf0)  }
0x37a: {  	(v2sf) =	vpush v26, $0xF;
	v27, _, _ =	vpop (xrf0)  }
0x37b: {  	(v2sf) =	vpush v27, $0xF;
	v28, _, _ =	vpop (xrf0)  }
0x37c: {  	(v2sf) =	vpush v28, $0xF;
	_ =	sdelay $0xb  }
0x37d: {  	s16 =	spop (v2sf)  }
0x37e: {  	s17 =	spop (v2sf)  }
0x37f: {  	s19 =	spop (v2sf)  }
0x380: {  	s13 =	sxor.u32 $0x80000000, s16;
	s20 =	spop (v2sf)  }
0x381: {  	s11 =	sxor.u32 $0x80000000, s17;
	s12 =	sxor.u32 $0x80000000, s19;
	s10 =	sxor.u32 $0x80000000, s20  }
0x382: {  	p1 =	slt.s32 s13, s11;
	p2 =	slt.s32 s12, s10  }
0x383: {  	s11 =	smov.u32 @p1 s13;
	s10 =	smov.u32 @p2 s12  }
0x384: {  	p1 =	slt.s32 s11, s10  }
0x385: {  	s10 =	smov.u32 @p1 s11  }
0x386: {  	[tilespmem:$0x11C80] =	vst v15;
	v15 =	vmov s10  }
0x387: {  	vm13 =	veq.s32 v15, v2  }
0x388: {  	v29 =	vsel vm13, $0xFF61B1E6, v19;
	vm13 =	veq.s32 v15, v10  }
0x389: {  	v30 =	vsel vm13, $0xFF61B1E6, v20;
	(xrf0) =	vmax.scan.msk.f32 $0xffff, v29  }
0x38a: {  	vm13 =	veq.s32 v15, v11;
	(xrf0) =	vmax.scan.msk.f32 $0xffff, v30  }
0x38b: {  	v31 =	vsel vm13, $0xFF61B1E6, v21;
	vm13 =	veq.s32 v15, v12  }
0x38c: {  	v15 =	vsel vm13, $0xFF61B1E6, v22;
	(xrf0) =	vmax.scan.msk.f32 $0xffff, v31  }
0x38d: {  	(xrf0) =	vmax.scan.msk.f32 $0xffff, v15  }
0x38e: {  	[tilespmem:$0x11C90] =	vst v16  }
0x38f: {  	[tilespmem:$0x11CA0] =	vst v17;
	v32, _, _ =	vpop (xrf0)  }
0x390: {  	[tilespmem:$0x11CB0] =	vst v18;
	(v2sf) =	vpush v32, $0xF;
	v33, _, _ =	vpop (xrf0)  }
0x391: {  	(v2sf) =	vpush v33, $0xF  }
0x392: {  	v19, _, _ =	vpop (xrf0)  }
0x393: {  	(v2sf) =	vpush v19, $0xF;
	v34, _, _ =	vpop (xrf0)  }
0x394: {  	(v2sf) =	vpush v34, $0xF;
	_ =	sdelay $0xb  }
0x395: {  	s21 =	spop (v2sf)  }
0x396: {  	s25 =	spop (v2sf)  }
0x397: {  	s26 =	spop (v2sf)  }
0x398: {  	s14 =	spop (v2sf)  }
0x399: {  	s11 =	smax.f32 s21, s25;
	s0 =	smax.f32 s26, s14  }
0x39a: {  	s11 =	smax.f32 s11, s0  }
0x39b: {  	vm13 =	veq.f32 v29, s11  }
0x39c: {  	v35 =	vnsel vm13, $0x80100000, v9;
	vm13 =	veq.f32 v30, s11  }
0x39d: {  	(xrf0) =	vmin.scan.msk.u32 $0xffff, v35;
	v36 =	vnsel vm13, $0x80100000, v5;
	vm13 =	veq.f32 v31, s11  }
0x39e: {  	(xrf0) =	vmin.scan.msk.u32 $0xffff, v36;
	v37 =	vnsel vm13, $0x80100000, v7;
	vm13 =	veq.f32 v15, s11  }
0x39f: {  	(xrf0) =	vmin.scan.msk.u32 $0xffff, v37;
	v38 =	vnsel vm13, $0x80100000, v8  }
0x3a0: {  	(xrf0) =	vmin.scan.msk.u32 $0xffff, v38;
	_ =	sdelay $0x2  }
0x3a1: {  	v39, _, _ =	vpop (xrf0)  }
0x3a2: {  	(v2sf) =	vpush v39, $0xF;
	v40, _, _ =	vpop (xrf0)  }
0x3a3: {  	(v2sf) =	vpush v40, $0xF;
	v41, _, _ =	vpop (xrf0)  }
0x3a4: {  	(v2sf) =	vpush v41, $0xF;
	v42, _, _ =	vpop (xrf0)  }
0x3a5: {  	(v2sf) =	vpush v42, $0xF;
	_ =	sdelay $0xb  }
0x3a6: {  	s3 =	spop (v2sf)  }
0x3a7: {  	s6 =	spop (v2sf)  }
0x3a8: {  	s7 =	spop (v2sf)  }
0x3a9: {  	s14 =	sxor.u32 $0x80000000, s3;
	s15 =	spop (v2sf)  }
0x3aa: {  	s12 =	sxor.u32 $0x80000000, s6;
	s13 =	sxor.u32 $0x80000000, s7;
	s11 =	sxor.u32 $0x80000000, s15  }
0x3ab: {  	p1 =	slt.s32 s14, s12;
	p2 =	slt.s32 s13, s11  }
0x3ac: {  	s12 =	smov.u32 @p1 s14;
	s11 =	smov.u32 @p2 s13  }
0x3ad: {  	p1 =	slt.s32 s12, s11  }
0x3ae: {  	s11 =	smov.u32 @p1 s12  }
0x3af: {  	v43 =	vmov s11  }
0x3b0: {  	vm13 =	veq.s32 v43, v2  }
0x3b1: {  	v16 =	vsel vm13, $0xFF61B1E6, v29;
	vm13 =	veq.s32 v43, v10  }
0x3b2: {  	v17 =	vsel vm13, $0xFF61B1E6, v30;
	vm13 =	veq.s32 v43, v11;
	(xrf0) =	vmax.scan.msk.f32 $0xffff, v16  }
0x3b3: {  	v18 =	vsel vm13, $0xFF61B1E6, v31;
	vm13 =	veq.s32 v43, v12;
	(xrf0) =	vmax.scan.msk.f32 $0xffff, v17  }
0x3b4: {  	v15 =	vsel vm13, $0xFF61B1E6, v15;
	(xrf0) =	vmax.scan.msk.f32 $0xffff, v18  }
0x3b5: {  	(xrf0) =	vmax.scan.msk.f32 $0xffff, v15;
	_ =	sdelay $0x2  }
0x3b6: {  	v44, _, _ =	vpop (xrf0)  }
0x3b7: {  	(v2sf) =	vpush v44, $0xF;
	v45, _, _ =	vpop (xrf0)  }
0x3b8: {  	(v2sf) =	vpush v45, $0xF;
	v46, _, _ =	vpop (xrf0)  }
0x3b9: {  	(v2sf) =	vpush v46, $0xF;
	v47, _, _ =	vpop (xrf0)  }
0x3ba: {  	(v2sf) =	vpush v47, $0xF;
	_ =	sdelay $0xb  }
0x3bb: {  	s16 =	spop (v2sf)  }
0x3bc: {  	s17 =	spop (v2sf)  }
0x3bd: {  	s19 =	spop (v2sf)  }
0x3be: {  	s15 =	spop (v2sf)  }
0x3bf: {  	s12 =	smax.f32 s16, s17;
	s20 =	smax.f32 s19, s15  }
0x3c0: {  	s12 =	smax.f32 s12, s20  }
0x3c1: {  	vm13 =	veq.f32 v16, s12  }
0x3c2: {  	v48 =	vnsel vm13, $0x80100000, v9;
	vm13 =	veq.f32 v17, s12  }
0x3c3: {  	(xrf0) =	vmin.scan.msk.u32 $0xffff, v48;
	v49 =	vnsel vm13, $0x80100000, v5;
	vm13 =	veq.f32 v18, s12  }
0x3c4: {  	(xrf0) =	vmin.scan.msk.u32 $0xffff, v49;
	v50 =	vnsel vm13, $0x80100000, v7;
	vm13 =	veq.f32 v15, s12  }
0x3c5: {  	(xrf0) =	vmin.scan.msk.u32 $0xffff, v50;
	v51 =	vnsel vm13, $0x80100000, v8  }
0x3c6: {  	(xrf0) =	vmin.scan.msk.u32 $0xffff, v51;
	_ =	sdelay $0x2  }
0x3c7: {  	v52, _, _ =	vpop (xrf0)  }
0x3c8: {  	(v2sf) =	vpush v52, $0xF;
	v53, _, _ =	vpop (xrf0)  }
0x3c9: {  	(v2sf) =	vpush v53, $0xF;
	v54, _, _ =	vpop (xrf0)  }
0x3ca: {  	(v2sf) =	vpush v54, $0xF;
	v55, _, _ =	vpop (xrf0)  }
0x3cb: {  	(v2sf) =	vpush v55, $0xF;
	_ =	sdelay $0xb  }
0x3cc: {  	s21 =	spop (v2sf)  }
0x3cd: {  	s25 =	spop (v2sf)  }
0x3ce: {  	s26 =	spop (v2sf)  }
0x3cf: {  	s15 =	sxor.u32 $0x80000000, s21;
	s0 =	spop (v2sf)  }
0x3d0: {  	s13 =	sxor.u32 $0x80000000, s25;
	s14 =	sxor.u32 $0x80000000, s26;
	s12 =	sxor.u32 $0x80000000, s0  }
0x3d1: {  	p1 =	slt.s32 s15, s13;
	p2 =	slt.s32 s14, s12  }
0x3d2: {  	s13 =	smov.u32 @p1 s15;
	s12 =	smov.u32 @p2 s14  }
0x3d3: {  	p1 =	slt.s32 s13, s12  }
0x3d4: {  	s12 =	smov.u32 @p1 s13  }
0x3d5: {  	v56 =	vmov s12  }
0x3d6: {  	vm13 =	veq.s32 v56, v2  }
0x3d7: {  	v16 =	vsel vm13, $0xFF61B1E6, v16;
	vm13 =	veq.s32 v56, v10  }
0x3d8: {  	v17 =	vsel vm13, $0xFF61B1E6, v17;
	vm13 =	veq.s32 v56, v11;
	(xrf0) =	vmax.scan.msk.f32 $0xffff, v16  }
0x3d9: {  	v18 =	vsel vm13, $0xFF61B1E6, v18;
	vm13 =	veq.s32 v56, v12;
	(xrf0) =	vmax.scan.msk.f32 $0xffff, v17  }
0x3da: {  	v15 =	vsel vm13, $0xFF61B1E6, v15;
	(xrf0) =	vmax.scan.msk.f32 $0xffff, v18  }
0x3db: {  	(xrf0) =	vmax.scan.msk.f32 $0xffff, v15;
	_ =	sdelay $0x2  }
0x3dc: {  	v57, _, _ =	vpop (xrf0)  }
0x3dd: {  	(v2sf) =	vpush v57, $0xF;
	v58, _, _ =	vpop (xrf0)  }
0x3de: {  	(v2sf) =	vpush v58, $0xF;
	v59, _, _ =	vpop (xrf0)  }
0x3df: {  	(v2sf) =	vpush v59, $0xF;
	v60, _, _ =	vpop (xrf0)  }
0x3e0: {  	(v2sf) =	vpush v60, $0xF;
	_ =	sdelay $0xb  }
0x3e1: {  	s3 =	spop (v2sf)  }
0x3e2: {  	s6 =	spop (v2sf)  }
0x3e3: {  	s7 =	spop (v2sf)  }
0x3e4: {  	s16 =	spop (v2sf)  }
0x3e5: {  	s13 =	smax.f32 s3, s6;
	s15 =	smax.f32 s7, s16  }
0x3e6: {  	s13 =	smax.f32 s13, s15  }
0x3e7: {  	vm13 =	veq.f32 v16, s13  }
0x3e8: {  	v61 =	vnsel vm13, $0x80100000, v9;
	vm13 =	veq.f32 v17, s13  }
0x3e9: {  	(xrf0) =	vmin.scan.msk.u32 $0xffff, v61;
	v62 =	vnsel vm13, $0x80100000, v5;
	vm13 =	veq.f32 v18, s13  }
0x3ea: {  	(xrf0) =	vmin.scan.msk.u32 $0xffff, v62;
	v63 =	vnsel vm13, $0x80100000, v7;
	vm13 =	veq.f32 v15, s13  }
0x3eb: {  	(xrf0) =	vmin.scan.msk.u32 $0xffff, v63;
	v21 =	vnsel vm13, $0x80100000, v8  }
0x3ec: {  	(xrf0) =	vmin.scan.msk.u32 $0xffff, v21;
	_ =	sdelay $0x2  }
0x3ed: {  	v22, _, _ =	vpop (xrf0)  }
0x3ee: {  	(v2sf) =	vpush v22, $0xF;
	v23, _, _ =	vpop (xrf0)  }
0x3ef: {  	(v2sf) =	vpush v23, $0xF;
	v24, _, _ =	vpop (xrf0)  }
0x3f0: {  	(v2sf) =	vpush v24, $0xF;
	v25, _, _ =	vpop (xrf0)  }
0x3f1: {  	(v2sf) =	vpush v25, $0xF;
	_ =	sdelay $0xb  }
0x3f2: {  	s16 =	spop (v2sf)  }
0x3f3: {  	s17 =	spop (v2sf)  }
0x3f4: {  	s19 =	spop (v2sf)  }
0x3f5: {  	s16 =	sxor.u32 $0x80000000, s16;
	s20 =	spop (v2sf)  }
0x3f6: {  	s14 =	sxor.u32 $0x80000000, s17;
	s15 =	sxor.u32 $0x80000000, s19;
	s13 =	sxor.u32 $0x80000000, s20  }
0x3f7: {  	p1 =	slt.s32 s16, s14;
	p2 =	slt.s32 s15, s13  }
0x3f8: {  	s14 =	smov.u32 @p1 s16;
	s13 =	smov.u32 @p2 s15  }
0x3f9: {  	p1 =	slt.s32 s14, s13  }
0x3fa: {  	s13 =	smov.u32 @p1 s14  }
0x3fb: {  	v26 =	vmov s13  }
0x3fc: {  	vm13 =	veq.s32 v26, v2  }
0x3fd: {  	v16 =	vsel vm13, $0xFF61B1E6, v16;
	vm13 =	veq.s32 v26, v10  }
0x3fe: {  	v17 =	vsel vm13, $0xFF61B1E6, v17;
	vm13 =	veq.s32 v26, v11;
	(xrf0) =	vmax.scan.msk.f32 $0xffff, v16  }
0x3ff: {  	v18 =	vsel vm13, $0xFF61B1E6, v18;
	vm13 =	veq.s32 v26, v12;
	(xrf0) =	vmax.scan.msk.f32 $0xffff, v17  }
0x400: {  	v15 =	vsel vm13, $0xFF61B1E6, v15;
	(xrf0) =	vmax.scan.msk.f32 $0xffff, v18  }
0x401: {  	(xrf0) =	vmax.scan.msk.f32 $0xffff, v15;
	_ =	sdelay $0x2  }
0x402: {  	v27, _, _ =	vpop (xrf0)  }
0x403: {  	(v2sf) =	vpush v27, $0xF;
	v28, _, _ =	vpop (xrf0)  }
0x404: {  	(v2sf) =	vpush v28, $0xF;
	v29, _, _ =	vpop (xrf0)  }
0x405: {  	(v2sf) =	vpush v29, $0xF;
	v30, _, _ =	vpop (xrf0)  }
0x406: {  	(v2sf) =	vpush v30, $0xF;
	_ =	sdelay $0xb  }
0x407: {  	s21 =	spop (v2sf)  }
0x408: {  	s25 =	spop (v2sf)  }
0x409: {  	s26 =	spop (v2sf)  }
0x40a: {  	s17 =	spop (v2sf)  }
0x40b: {  	s14 =	smax.f32 s21, s25;
	s0 =	smax.f32 s26, s17  }
0x40c: {  	s14 =	smax.f32 s14, s0  }
0x40d: {  	vm13 =	veq.f32 v16, s14  }
0x40e: {  	v31 =	vnsel vm13, $0x80100000, v9;
	vm13 =	veq.f32 v17, s14  }
0x40f: {  	(xrf0) =	vmin.scan.msk.u32 $0xffff, v31;
	v32 =	vnsel vm13, $0x80100000, v5;
	vm13 =	veq.f32 v18, s14  }
0x410: {  	(xrf0) =	vmin.scan.msk.u32 $0xffff, v32;
	v33 =	vnsel vm13, $0x80100000, v7;
	vm13 =	veq.f32 v15, s14  }
0x411: {  	(xrf0) =	vmin.scan.msk.u32 $0xffff, v33;
	v34 =	vnsel vm13, $0x80100000, v8  }
0x412: {  	(xrf0) =	vmin.scan.msk.u32 $0xffff, v34;
	_ =	sdelay $0x2  }
0x413: {  	v35, _, _ =	vpop (xrf0)  }
0x414: {  	(v2sf) =	vpush v35, $0xF;
	v36, _, _ =	vpop (xrf0)  }
0x415: {  	(v2sf) =	vpush v36, $0xF;
	v37, _, _ =	vpop (xrf0)  }
0x416: {  	(v2sf) =	vpush v37, $0xF;
	v38, _, _ =	vpop (xrf0)  }
0x417: {  	(v2sf) =	vpush v38, $0xF;
	_ =	sdelay $0xb  }
0x418: {  	s3 =	spop (v2sf)  }
0x419: {  	s6 =	spop (v2sf)  }
0x41a: {  	s7 =	spop (v2sf)  }
0x41b: {  	s17 =	sxor.u32 $0x80000000, s3;
	s19 =	spop (v2sf)  }
0x41c: {  	s15 =	sxor.u32 $0x80000000, s6;
	s16 =	sxor.u32 $0x80000000, s7;
	s14 =	sxor.u32 $0x80000000, s19  }
0x41d: {  	p1 =	slt.s32 s17, s15;
	p2 =	slt.s32 s16, s14  }
0x41e: {  	s15 =	smov.u32 @p1 s17;
	s14 =	smov.u32 @p2 s16  }
0x41f: {  	p1 =	slt.s32 s15, s14  }
0x420: {  	s14 =	smov.u32 @p1 s15  }
0x421: {  	v39 =	vmov s14  }
0x422: {  	vm13 =	veq.s32 v39, v2  }
0x423: {  	v16 =	vsel vm13, $0xFF61B1E6, v16;
	vm13 =	veq.s32 v39, v10  }
0x424: {  	v17 =	vsel vm13, $0xFF61B1E6, v17;
	vm13 =	veq.s32 v39, v11;
	(xrf0) =	vmax.scan.msk.f32 $0xffff, v16  }
0x425: {  	v18 =	vsel vm13, $0xFF61B1E6, v18;
	vm13 =	veq.s32 v39, v12;
	(xrf0) =	vmax.scan.msk.f32 $0xffff, v17  }
0x426: {  	v15 =	vsel vm13, $0xFF61B1E6, v15;
	(xrf0) =	vmax.scan.msk.f32 $0xffff, v18  }
0x427: {  	(xrf0) =	vmax.scan.msk.f32 $0xffff, v15;
	_ =	sdelay $0x2  }
0x428: {  	v40, _, _ =	vpop (xrf0)  }
0x429: {  	(v2sf) =	vpush v40, $0xF;
	v41, _, _ =	vpop (xrf0)  }
0x42a: {  	(v2sf) =	vpush v41, $0xF;
	v42, _, _ =	vpop (xrf0)  }
0x42b: {  	(v2sf) =	vpush v42, $0xF;
	v43, _, _ =	vpop (xrf0)  }
0x42c: {  	(v2sf) =	vpush v43, $0xF;
	_ =	sdelay $0xb  }
0x42d: {  	s20 =	spop (v2sf)  }
0x42e: {  	s21 =	spop (v2sf)  }
0x42f: {  	s25 =	spop (v2sf)  }
0x430: {  	s19 =	spop (v2sf)  }
0x431: {  	s15 =	smax.f32 s20, s21;
	s26 =	smax.f32 s25, s19  }
0x432: {  	s15 =	smax.f32 s15, s26  }
0x433: {  	vm13 =	veq.f32 v16, s15  }
0x434: {  	v44 =	vnsel vm13, $0x80100000, v9;
	vm13 =	veq.f32 v17, s15  }
0x435: {  	(xrf0) =	vmin.scan.msk.u32 $0xffff, v44;
	v45 =	vnsel vm13, $0x80100000, v5;
	vm13 =	veq.f32 v18, s15  }
0x436: {  	(xrf0) =	vmin.scan.msk.u32 $0xffff, v45;
	v46 =	vnsel vm13, $0x80100000, v7;
	vm13 =	veq.f32 v15, s15  }
0x437: {  	(xrf0) =	vmin.scan.msk.u32 $0xffff, v46;
	v47 =	vnsel vm13, $0x80100000, v8  }
0x438: {  	(xrf0) =	vmin.scan.msk.u32 $0xffff, v47;
	_ =	sdelay $0x2  }
0x439: {  	v48, _, _ =	vpop (xrf0)  }
0x43a: {  	(v2sf) =	vpush v48, $0xF;
	v49, _, _ =	vpop (xrf0)  }
0x43b: {  	(v2sf) =	vpush v49, $0xF;
	v50, _, _ =	vpop (xrf0)  }
0x43c: {  	(v2sf) =	vpush v50, $0xF;
	v51, _, _ =	vpop (xrf0)  }
0x43d: {  	(v2sf) =	vpush v51, $0xF;
	_ =	sdelay $0xb  }
0x43e: {  	s0 =	spop (v2sf)  }
0x43f: {  	s3 =	spop (v2sf)  }
0x440: {  	s6 =	spop (v2sf)  }
0x441: {  	s19 =	sxor.u32 $0x80000000, s0;
	s7 =	spop (v2sf)  }
0x442: {  	s16 =	sxor.u32 $0x80000000, s3;
	s17 =	sxor.u32 $0x80000000, s6;
	s15 =	sxor.u32 $0x80000000, s7  }
0x443: {  	p1 =	slt.s32 s19, s16;
	p2 =	slt.s32 s17, s15  }
0x444: {  	s16 =	smov.u32 @p1 s19;
	s15 =	smov.u32 @p2 s17  }
0x445: {  	p1 =	slt.s32 s16, s15  }
0x446: {  	s15 =	smov.u32 @p1 s16  }
0x447: {  	v52 =	vmov s15  }
0x448: {  	vm13 =	veq.s32 v52, v2  }
0x449: {  	v16 =	vsel vm13, $0xFF61B1E6, v16;
	vm13 =	veq.s32 v52, v10  }
0x44a: {  	v17 =	vsel vm13, $0xFF61B1E6, v17;
	vm13 =	veq.s32 v52, v11;
	(xrf0) =	vmax.scan.msk.f32 $0xffff, v16  }
0x44b: {  	v18 =	vsel vm13, $0xFF61B1E6, v18;
	vm13 =	veq.s32 v52, v12;
	(xrf0) =	vmax.scan.msk.f32 $0xffff, v17  }
0x44c: {  	v15 =	vsel vm13, $0xFF61B1E6, v15;
	(xrf0) =	vmax.scan.msk.f32 $0xffff, v18  }
0x44d: {  	(xrf0) =	vmax.scan.msk.f32 $0xffff, v15;
	_ =	sdelay $0x2  }
0x44e: {  	v53, _, _ =	vpop (xrf0)  }
0x44f: {  	(v2sf) =	vpush v53, $0xF;
	v54, _, _ =	vpop (xrf0)  }
0x450: {  	(v2sf) =	vpush v54, $0xF;
	v55, _, _ =	vpop (xrf0)  }
0x451: {  	(v2sf) =	vpush v55, $0xF;
	v56, _, _ =	vpop (xrf0)  }
0x452: {  	(v2sf) =	vpush v56, $0xF;
	_ =	sdelay $0xb  }
0x453: {  	s19 =	spop (v2sf)  }
0x454: {  	s21 =	spop (v2sf)  }
0x455: {  	s25 =	spop (v2sf)  }
0x456: {  	s20 =	spop (v2sf)  }
0x457: {  	s16 =	smax.f32 s19, s21;
	s26 =	smax.f32 s25, s20  }
0x458: {  	s16 =	smax.f32 s16, s26  }
0x459: {  	vm13 =	veq.f32 v16, s16  }
0x45a: {  	v57 =	vnsel vm13, $0x80100000, v9;
	vm13 =	veq.f32 v17, s16  }
0x45b: {  	(xrf0) =	vmin.scan.msk.u32 $0xffff, v57;
	v58 =	vnsel vm13, $0x80100000, v5;
	vm13 =	veq.f32 v18, s16  }
0x45c: {  	(xrf0) =	vmin.scan.msk.u32 $0xffff, v58;
	v59 =	vnsel vm13, $0x80100000, v7;
	vm13 =	veq.f32 v15, s16  }
0x45d: {  	(xrf0) =	vmin.scan.msk.u32 $0xffff, v59;
	v60 =	vnsel vm13, $0x80100000, v8  }
0x45e: {  	(xrf0) =	vmin.scan.msk.u32 $0xffff, v60;
	_ =	sdelay $0x2  }
0x45f: {  	v61, _, _ =	vpop (xrf0)  }
0x460: {  	(v2sf) =	vpush v61, $0xF;
	v62, _, _ =	vpop (xrf0)  }
0x461: {  	(v2sf) =	vpush v62, $0xF;
	v63, _, _ =	vpop (xrf0)  }
0x462: {  	(v2sf) =	vpush v63, $0xF;
	v21, _, _ =	vpop (xrf0)  }
0x463: {  	(v2sf) =	vpush v21, $0xF;
	_ =	sdelay $0xb  }
0x464: {  	s0 =	spop (v2sf)  }
0x465: {  	s3 =	spop (v2sf)  }
0x466: {  	s6 =	spop (v2sf)  }
0x467: {  	s20 =	sxor.u32 $0x80000000, s0;
	s7 =	spop (v2sf)  }
0x468: {  	s17 =	sxor.u32 $0x80000000, s3;
	s19 =	sxor.u32 $0x80000000, s6;
	s16 =	sxor.u32 $0x80000000, s7  }
0x469: {  	p1 =	slt.s32 s20, s17;
	p2 =	slt.s32 s19, s16  }
0x46a: {  	s17 =	smov.u32 @p1 s20;
	s16 =	smov.u32 @p2 s19  }
0x46b: {  	p1 =	slt.s32 s17, s16  }
0x46c: {  	s16 =	smov.u32 @p1 s17  }
0x46d: {  	v22 =	vmov s16  }
0x46e: {  	vm13 =	veq.s32 v22, v2  }
0x46f: {  	v16 =	vsel vm13, $0xFF61B1E6, v16;
	vm13 =	veq.s32 v22, v10  }
0x470: {  	v17 =	vsel vm13, $0xFF61B1E6, v17;
	vm13 =	veq.s32 v22, v11;
	(xrf0) =	vmax.scan.msk.f32 $0xffff, v16  }
0x471: {  	v18 =	vsel vm13, $0xFF61B1E6, v18;
	vm13 =	veq.s32 v22, v12;
	(xrf0) =	vmax.scan.msk.f32 $0xffff, v17  }
0x472: {  	v15 =	vsel vm13, $0xFF61B1E6, v15;
	(xrf0) =	vmax.scan.msk.f32 $0xffff, v18  }
0x473: {  	(xrf0) =	vmax.scan.msk.f32 $0xffff, v15;
	_ =	sdelay $0x2  }
0x474: {  	v23, _, _ =	vpop (xrf0)  }
0x475: {  	(v2sf) =	vpush v23, $0xF;
	v24, _, _ =	vpop (xrf0)  }
0x476: {  	(v2sf) =	vpush v24, $0xF;
	v25, _, _ =	vpop (xrf0)  }
0x477: {  	(v2sf) =	vpush v25, $0xF;
	v26, _, _ =	vpop (xrf0)  }
0x478: {  	(v2sf) =	vpush v26, $0xF;
	_ =	sdelay $0xb  }
0x479: {  	s19 =	spop (v2sf)  }
0x47a: {  	s20 =	spop (v2sf)  }
0x47b: {  	s25 =	spop (v2sf)  }
0x47c: {  	s21 =	spop (v2sf)  }
0x47d: {  	s17 =	smax.f32 s19, s20;
	s26 =	smax.f32 s25, s21  }
0x47e: {  	s17 =	smax.f32 s17, s26  }
0x47f: {  	vm13 =	veq.f32 v16, s17  }
0x480: {  	v27 =	vnsel vm13, $0x80100000, v9;
	vm13 =	veq.f32 v17, s17  }
0x481: {  	(xrf0) =	vmin.scan.msk.u32 $0xffff, v27;
	v28 =	vnsel vm13, $0x80100000, v5;
	vm13 =	veq.f32 v18, s17  }
0x482: {  	(xrf0) =	vmin.scan.msk.u32 $0xffff, v28;
	v29 =	vnsel vm13, $0x80100000, v7;
	vm13 =	veq.f32 v15, s17  }
0x483: {  	(xrf0) =	vmin.scan.msk.u32 $0xffff, v29;
	v30 =	vnsel vm13, $0x80100000, v8  }
0x484: {  	(xrf0) =	vmin.scan.msk.u32 $0xffff, v30;
	_ =	sdelay $0x2  }
0x485: {  	v31, _, _ =	vpop (xrf0)  }
0x486: {  	(v2sf) =	vpush v31, $0xF;
	v32, _, _ =	vpop (xrf0)  }
0x487: {  	(v2sf) =	vpush v32, $0xF;
	v33, _, _ =	vpop (xrf0)  }
0x488: {  	(v2sf) =	vpush v33, $0xF;
	v34, _, _ =	vpop (xrf0)  }
0x489: {  	(v2sf) =	vpush v34, $0xF;
	_ =	sdelay $0xb  }
0x48a: {  	s0 =	spop (v2sf)  }
0x48b: {  	s3 =	spop (v2sf)  }
0x48c: {  	s6 =	spop (v2sf)  }
0x48d: {  	s21 =	sxor.u32 $0x80000000, s0;
	s7 =	spop (v2sf)  }
0x48e: {  	s19 =	sxor.u32 $0x80000000, s3;
	s20 =	sxor.u32 $0x80000000, s6;
	s17 =	sxor.u32 $0x80000000, s7  }
0x48f: {  	p1 =	slt.s32 s21, s19;
	p2 =	slt.s32 s20, s17  }
0x490: {  	s19 =	smov.u32 @p1 s21;
	s17 =	smov.u32 @p2 s20  }
0x491: {  	p1 =	slt.s32 s19, s17  }
0x492: {  	s17 =	smov.u32 @p1 s19  }
0x493: {  	v35 =	vmov s17  }
0x494: {  	vm13 =	veq.s32 v35, v2  }
0x495: {  	v16 =	vsel vm13, $0xFF61B1E6, v16;
	vm13 =	veq.s32 v35, v10  }
0x496: {  	v17 =	vsel vm13, $0xFF61B1E6, v17;
	vm13 =	veq.s32 v35, v11;
	(xrf0) =	vmax.scan.msk.f32 $0xffff, v16  }
0x497: {  	v18 =	vsel vm13, $0xFF61B1E6, v18;
	vm13 =	veq.s32 v35, v12;
	(xrf0) =	vmax.scan.msk.f32 $0xffff, v17  }
0x498: {  	v15 =	vsel vm13, $0xFF61B1E6, v15;
	(xrf0) =	vmax.scan.msk.f32 $0xffff, v18  }
0x499: {  	(xrf0) =	vmax.scan.msk.f32 $0xffff, v15;
	_ =	sdelay $0x2  }
0x49a: {  	v36, _, _ =	vpop (xrf0)  }
0x49b: {  	(v2sf) =	vpush v36, $0xF;
	v37, _, _ =	vpop (xrf0)  }
0x49c: {  	(v2sf) =	vpush v37, $0xF;
	v38, _, _ =	vpop (xrf0)  }
0x49d: {  	(v2sf) =	vpush v38, $0xF;
	v39, _, _ =	vpop (xrf0)  }
0x49e: {  	(v2sf) =	vpush v39, $0xF;
	_ =	sdelay $0xb  }
0x49f: {  	s20 =	spop (v2sf)  }
0x4a0: {  	s21 =	spop (v2sf)  }
0x4a1: {  	s25 =	spop (v2sf)  }
0x4a2: {  	s26 =	spop (v2sf)  }
0x4a3: {  	s19 =	smax.f32 s20, s21;
	s0 =	smax.f32 s25, s26  }
0x4a4: {  	s19 =	smax.f32 s19, s0  }
0x4a5: {  	vm13 =	veq.f32 v16, s19  }
0x4a6: {  	v40 =	vnsel vm13, $0x80100000, v9;
	vm13 =	veq.f32 v17, s19  }
0x4a7: {  	(xrf0) =	vmin.scan.msk.u32 $0xffff, v40;
	v41 =	vnsel vm13, $0x80100000, v5;
	vm13 =	veq.f32 v18, s19  }
0x4a8: {  	(xrf0) =	vmin.scan.msk.u32 $0xffff, v41;
	v42 =	vnsel vm13, $0x80100000, v7;
	vm13 =	veq.f32 v15, s19  }
0x4a9: {  	(xrf0) =	vmin.scan.msk.u32 $0xffff, v42;
	v43 =	vnsel vm13, $0x80100000, v8  }
0x4aa: {  	(xrf0) =	vmin.scan.msk.u32 $0xffff, v43;
	_ =	sdelay $0x2  }
0x4ab: {  	v44, _, _ =	vpop (xrf0)  }
0x4ac: {  	(v2sf) =	vpush v44, $0xF;
	v45, _, _ =	vpop (xrf0)  }
0x4ad: {  	(v2sf) =	vpush v45, $0xF;
	v46, _, _ =	vpop (xrf0)  }
0x4ae: {  	(v2sf) =	vpush v46, $0xF;
	v47, _, _ =	vpop (xrf0)  }
0x4af: {  	(v2sf) =	vpush v47, $0xF;
	_ =	sdelay $0xb  }
0x4b0: {  	s3 =	spop (v2sf)  }
0x4b1: {  	s6 =	spop (v2sf)  }
0x4b2: {  	s7 =	spop (v2sf)  }
0x4b3: {  	s26 =	sxor.u32 $0x80000000, s3;
	s25 =	spop (v2sf)  }
0x4b4: {  	s20 =	sxor.u32 $0x80000000, s6;
	s21 =	sxor.u32 $0x80000000, s7;
	s19 =	sxor.u32 $0x80000000, s25  }
0x4b5: {  	p1 =	slt.s32 s26, s20;
	p2 =	slt.s32 s21, s19  }
0x4b6: {  	s20 =	smov.u32 @p1 s26;
	s19 =	smov.u32 @p2 s21  }
0x4b7: {  	p1 =	slt.s32 s20, s19  }
0x4b8: {  	s19 =	smov.u32 @p1 s20  }
0x4b9: {  	v48 =	vmov s19  }
0x4ba: {  	vm13 =	veq.s32 v48, v2  }
0x4bb: {  	v16 =	vsel vm13, $0xFF61B1E6, v16;
	vm13 =	veq.s32 v48, v10  }
0x4bc: {  	v17 =	vsel vm13, $0xFF61B1E6, v17;
	vm13 =	veq.s32 v48, v11;
	(xrf0) =	vmax.scan.msk.f32 $0xffff, v16  }
0x4bd: {  	v18 =	vsel vm13, $0xFF61B1E6, v18;
	vm13 =	veq.s32 v48, v12;
	(xrf0) =	vmax.scan.msk.f32 $0xffff, v17  }
0x4be: {  	v15 =	vsel vm13, $0xFF61B1E6, v15;
	(xrf0) =	vmax.scan.msk.f32 $0xffff, v18  }
0x4bf: {  	(xrf0) =	vmax.scan.msk.f32 $0xffff, v15;
	_ =	sdelay $0x2  }
0x4c0: {  	v49, _, _ =	vpop (xrf0)  }
0x4c1: {  	(v2sf) =	vpush v49, $0xF;
	v50, _, _ =	vpop (xrf0)  }
0x4c2: {  	(v2sf) =	vpush v50, $0xF;
	v51, _, _ =	vpop (xrf0)  }
0x4c3: {  	(v2sf) =	vpush v51, $0xF;
	v52, _, _ =	vpop (xrf0)  }
0x4c4: {  	(v2sf) =	vpush v52, $0xF;
	_ =	sdelay $0xb  }
0x4c5: {  	s26 =	spop (v2sf)  }
0x4c6: {  	s0 =	spop (v2sf)  }
0x4c7: {  	s7 =	smov.u32 s5;
	s3 =	spop (v2sf)  }
0x4c8: {  	s5 =	smov.u32 s1;
	s1 =	smov.u32 s28;
	s28 =	spop (v2sf)  }
0x4c9: {  	s20 =	smax.f32 s26, s0;
	s6 =	smax.f32 s3, s28  }
0x4ca: {  	s20 =	smax.f32 s20, s6  }
0x4cb: {  	vm13 =	veq.f32 v16, s20  }
0x4cc: {  	v53 =	vnsel vm13, $0x80100000, v9;
	vm13 =	veq.f32 v17, s20  }
0x4cd: {  	(xrf0) =	vmin.scan.msk.u32 $0xffff, v53;
	v54 =	vnsel vm13, $0x80100000, v5;
	vm13 =	veq.f32 v18, s20  }
0x4ce: {  	(xrf0) =	vmin.scan.msk.u32 $0xffff, v54;
	v55 =	vnsel vm13, $0x80100000, v7;
	vm13 =	veq.f32 v15, s20  }
0x4cf: {  	(xrf0) =	vmin.scan.msk.u32 $0xffff, v55;
	v56 =	vnsel vm13, $0x80100000, v8  }
0x4d0: {  	(xrf0) =	vmin.scan.msk.u32 $0xffff, v56;
	_ =	sdelay $0x2  }
0x4d1: {  	v57, _, _ =	vpop (xrf0)  }
0x4d2: {  	(v2sf) =	vpush v57, $0xF;
	v58, _, _ =	vpop (xrf0)  }
0x4d3: {  	(v2sf) =	vpush v58, $0xF;
	v59, _, _ =	vpop (xrf0)  }
0x4d4: {  	(v2sf) =	vpush v59, $0xF;
	v60, _, _ =	vpop (xrf0)  }
0x4d5: {  	(v2sf) =	vpush v60, $0xF;
	_ =	sdelay $0xb  }
0x4d6: {  	s25 =	spop (v2sf)  }
0x4d7: {  	s26 =	spop (v2sf)  }
0x4d8: {  	s0 =	spop (v2sf)  }
0x4d9: {  	s28 =	sxor.u32 $0x80000000, s25;
	s3 =	spop (v2sf)  }
0x4da: {  	s21 =	sxor.u32 $0x80000000, s26;
	s26 =	sxor.u32 $0x80000000, s0;
	s20 =	sxor.u32 $0x80000000, s3  }
0x4db: {  	p1 =	slt.s32 s28, s21;
	p2 =	slt.s32 s26, s20  }
0x4dc: {  	s21 =	smov.u32 @p1 s28;
	s20 =	smov.u32 @p2 s26  }
0x4dd: {  	p1 =	slt.s32 s21, s20  }
0x4de: {  	s20 =	smov.u32 @p1 s21  }
0x4df: {  	v61 =	vmov s20  }
0x4e0: {  	vm13 =	veq.s32 v61, v2  }
0x4e1: {  	v16 =	vsel vm13, $0xFF61B1E6, v16;
	vm13 =	veq.s32 v61, v10  }
0x4e2: {  	v17 =	vsel vm13, $0xFF61B1E6, v17;
	vm13 =	veq.s32 v61, v11;
	(xrf0) =	vmax.scan.msk.f32 $0xffff, v16  }
0x4e3: {  	v18 =	vsel vm13, $0xFF61B1E6, v18;
	vm13 =	veq.s32 v61, v12;
	(xrf0) =	vmax.scan.msk.f32 $0xffff, v17  }
0x4e4: {  	v15 =	vsel vm13, $0xFF61B1E6, v15;
	(xrf0) =	vmax.scan.msk.f32 $0xffff, v18  }
0x4e5: {  	(xrf0) =	vmax.scan.msk.f32 $0xffff, v15;
	_ =	sdelay $0x2  }
0x4e6: {  	v62, _, _ =	vpop (xrf0)  }
0x4e7: {  	(v2sf) =	vpush v62, $0xF;
	v63, _, _ =	vpop (xrf0)  }
0x4e8: {  	(v2sf) =	vpush v63, $0xF;
	v21, _, _ =	vpop (xrf0)  }
0x4e9: {  	(v2sf) =	vpush v21, $0xF;
	v22, _, _ =	vpop (xrf0)  }
0x4ea: {  	(v2sf) =	vpush v22, $0xF;
	_ =	sdelay $0xb  }
0x4eb: {  	s6 =	spop (v2sf)  }
0x4ec: {  	s25 =	spop (v2sf)  }
0x4ed: {  	s28 =	spop (v2sf)  }
0x4ee: {  	s31 =	smov.u32 s8;
	s0 =	spop (v2sf)  }
0x4ef: {  	s8 =	smov.u32 s22;
	s21 =	smax.f32 s6, s25;
	s22 =	smax.f32 s28, s0  }
0x4f0: {  	s21 =	smax.f32 s21, s22  }
0x4f1: {  	vm13 =	veq.f32 v16, s21  }
0x4f2: {  	v23 =	vnsel vm13, $0x80100000, v9;
	vm13 =	veq.f32 v17, s21  }
0x4f3: {  	(xrf0) =	vmin.scan.msk.u32 $0xffff, v23;
	v24 =	vnsel vm13, $0x80100000, v5;
	vm13 =	veq.f32 v18, s21  }
0x4f4: {  	(xrf0) =	vmin.scan.msk.u32 $0xffff, v24;
	v25 =	vnsel vm13, $0x80100000, v7;
	vm13 =	veq.f32 v15, s21  }
0x4f5: {  	(xrf0) =	vmin.scan.msk.u32 $0xffff, v25;
	v26 =	vnsel vm13, $0x80100000, v8  }
0x4f6: {  	(xrf0) =	vmin.scan.msk.u32 $0xffff, v26;
	_ =	sdelay $0x2  }
0x4f7: {  	v27, _, _ =	vpop (xrf0)  }
0x4f8: {  	(v2sf) =	vpush v27, $0xF;
	v28, _, _ =	vpop (xrf0)  }
0x4f9: {  	(v2sf) =	vpush v28, $0xF;
	v29, _, _ =	vpop (xrf0)  }
0x4fa: {  	(v2sf) =	vpush v29, $0xF;
	v30, _, _ =	vpop (xrf0)  }
0x4fb: {  	(v2sf) =	vpush v30, $0xF;
	_ =	sdelay $0xb  }
0x4fc: {  	s3 =	spop (v2sf)  }
0x4fd: {  	s6 =	spop (v2sf)  }
0x4fe: {  	s25 =	spop (v2sf)  }
0x4ff: {  	s28 =	sxor.u32 $0x80000000, s3;
	s0 =	spop (v2sf)  }
0x500: {  	s22 =	sxor.u32 $0x80000000, s6;
	s26 =	sxor.u32 $0x80000000, s25;
	s21 =	sxor.u32 $0x80000000, s0  }
0x501: {  	p1 =	slt.s32 s28, s22;
	p2 =	slt.s32 s26, s21  }
0x502: {  	s22 =	smov.u32 @p1 s28;
	s21 =	smov.u32 @p2 s26  }
0x503: {  	p1 =	slt.s32 s22, s21  }
0x504: {  	s21 =	smov.u32 @p1 s22  }
0x505: {  	v31 =	vmov s21  }
0x506: {  	vm13 =	veq.s32 v31, v2  }
0x507: {  	v16 =	vsel vm13, $0xFF61B1E6, v16;
	vm13 =	veq.s32 v31, v10  }
0x508: {  	v17 =	vsel vm13, $0xFF61B1E6, v17;
	vm13 =	veq.s32 v31, v11;
	(xrf0) =	vmax.scan.msk.f32 $0xffff, v16  }
0x509: {  	v18 =	vsel vm13, $0xFF61B1E6, v18;
	vm13 =	veq.s32 v31, v12;
	(xrf0) =	vmax.scan.msk.f32 $0xffff, v17  }
0x50a: {  	v15 =	vsel vm13, $0xFF61B1E6, v15;
	(xrf0) =	vmax.scan.msk.f32 $0xffff, v18  }
0x50b: {  	(xrf0) =	vmax.scan.msk.f32 $0xffff, v15;
	_ =	sdelay $0x2  }
0x50c: {  	v32, _, _ =	vpop (xrf0)  }
0x50d: {  	(v2sf) =	vpush v32, $0xF;
	v33, _, _ =	vpop (xrf0)  }
0x50e: {  	(v2sf) =	vpush v33, $0xF;
	v34, _, _ =	vpop (xrf0)  }
0x50f: {  	(v2sf) =	vpush v34, $0xF;
	v35, _, _ =	vpop (xrf0)  }
0x510: {  	(v2sf) =	vpush v35, $0xF;
	_ =	sdelay $0xb  }
0x511: {  	s3 =	spop (v2sf)  }
0x512: {  	s6 =	spop (v2sf)  }
0x513: {  	s28 =	spop (v2sf)  }
0x514: {  	s25 =	spop (v2sf)  }
0x515: {  	s22 =	smax.f32 s3, s6;
	s0 =	smax.f32 s28, s25  }
0x516: {  	s0 =	smax.f32 s22, s0  }
0x517: {  	vm13 =	veq.f32 v16, s0  }
0x518: {  	v36 =	vnsel vm13, $0x80100000, v9;
	vm13 =	veq.f32 v17, s0  }
0x519: {  	(xrf0) =	vmin.scan.msk.u32 $0xffff, v36;
	v37 =	vnsel vm13, $0x80100000, v5;
	vm13 =	veq.f32 v18, s0  }
0x51a: {  	(xrf0) =	vmin.scan.msk.u32 $0xffff, v37;
	v38 =	vnsel vm13, $0x80100000, v7;
	vm13 =	veq.f32 v15, s0  }
0x51b: {  	(xrf0) =	vmin.scan.msk.u32 $0xffff, v38;
	v39 =	vnsel vm13, $0x80100000, v8  }
0x51c: {  	(xrf0) =	vmin.scan.msk.u32 $0xffff, v39;
	_ =	sdelay $0x2  }
0x51d: {  	v40, _, _ =	vpop (xrf0)  }
0x51e: {  	(v2sf) =	vpush v40, $0xF;
	v41, _, _ =	vpop (xrf0)  }
0x51f: {  	(v2sf) =	vpush v41, $0xF;
	v42, _, _ =	vpop (xrf0)  }
0x520: {  	(v2sf) =	vpush v42, $0xF;
	v43, _, _ =	vpop (xrf0)  }
0x521: {  	(v2sf) =	vpush v43, $0xF;
	_ =	sdelay $0xb  }
0x522: {  	s26 =	spop (v2sf)  }
0x523: {  	s3 =	spop (v2sf)  }
0x524: {  	s6 =	spop (v2sf)  }
0x525: {  	s0 =	sxor.u32 $0x80000000, s26;
	s28 =	spop (v2sf)  }
0x526: {  	s22 =	sxor.u32 $0x80000000, s3;
	s25 =	sxor.u32 $0x80000000, s6;
	s26 =	sxor.u32 $0x80000000, s28  }
0x527: {  	p1 =	slt.s32 s0, s22;
	p2 =	slt.s32 s25, s26  }
0x528: {  	s22 =	smov.u32 @p1 s0;
	s26 =	smov.u32 @p2 s25  }
0x529: {  	p1 =	slt.s32 s22, s26  }
0x52a: {  	s26 =	smov.u32 @p1 s22  }
0x52b: {  	v44 =	vmov s26  }
0x52c: {  	vm13 =	veq.s32 v44, v2  }
0x52d: {  	v16 =	vsel vm13, $0xFF61B1E6, v16;
	vm13 =	veq.s32 v44, v10  }
0x52e: {  	v17 =	vsel vm13, $0xFF61B1E6, v17;
	vm13 =	veq.s32 v44, v11;
	(xrf0) =	vmax.scan.msk.f32 $0xffff, v16  }
0x52f: {  	v18 =	vsel vm13, $0xFF61B1E6, v18;
	vm13 =	veq.s32 v44, v12;
	(xrf0) =	vmax.scan.msk.f32 $0xffff, v17  }
0x530: {  	v15 =	vsel vm13, $0xFF61B1E6, v15;
	(xrf0) =	vmax.scan.msk.f32 $0xffff, v18  }
0x531: {  	(xrf0) =	vmax.scan.msk.f32 $0xffff, v15;
	_ =	sdelay $0x2  }
0x532: {  	v45, _, _ =	vpop (xrf0)  }
0x533: {  	(v2sf) =	vpush v45, $0xF;
	v46, _, _ =	vpop (xrf0)  }
0x534: {  	(v2sf) =	vpush v46, $0xF;
	v47, _, _ =	vpop (xrf0)  }
0x535: {  	(v2sf) =	vpush v47, $0xF;
	v48, _, _ =	vpop (xrf0)  }
0x536: {  	(v2sf) =	vpush v48, $0xF;
	_ =	sdelay $0xb  }
0x537: {  	s22 =	spop (v2sf)  }
0x538: {  	s25 =	spop (v2sf)  }
0x539: {  	s3 =	spop (v2sf)  }
0x53a: {  	s28 =	spop (v2sf)  }
0x53b: {  	s0 =	smax.f32 s22, s25;
	s6 =	smax.f32 s3, s28  }
0x53c: {  	s0 =	smax.f32 s0, s6  }
0x53d: {  	vm13 =	veq.f32 v16, s0  }
0x53e: {  	v49 =	vnsel vm13, $0x80100000, v9;
	vm13 =	veq.f32 v17, s0  }
0x53f: {  	(xrf0) =	vmin.scan.msk.u32 $0xffff, v49;
	v50 =	vnsel vm13, $0x80100000, v5;
	vm13 =	veq.f32 v18, s0  }
0x540: {  	(xrf0) =	vmin.scan.msk.u32 $0xffff, v50;
	v51 =	vnsel vm13, $0x80100000, v7;
	vm13 =	veq.f32 v15, s0  }
0x541: {  	(xrf0) =	vmin.scan.msk.u32 $0xffff, v51;
	v52 =	vnsel vm13, $0x80100000, v8  }
0x542: {  	(xrf0) =	vmin.scan.msk.u32 $0xffff, v52;
	_ =	sdelay $0x2  }
0x543: {  	v53, _, _ =	vpop (xrf0)  }
0x544: {  	(v2sf) =	vpush v53, $0xF;
	v54, _, _ =	vpop (xrf0)  }
0x545: {  	(v2sf) =	vpush v54, $0xF;
	v55, _, _ =	vpop (xrf0)  }
0x546: {  	(v2sf) =	vpush v55, $0xF;
	v56, _, _ =	vpop (xrf0)  }
0x547: {  	(v2sf) =	vpush v56, $0xF;
	_ =	sdelay $0xb  }
0x548: {  	s25 =	spop (v2sf)  }
0x549: {  	s3 =	spop (v2sf)  }
0x54a: {  	s6 =	spop (v2sf)  }
0x54b: {  	s0 =	sxor.u32 $0x80000000, s25;
	s28 =	spop (v2sf)  }
0x54c: {  	s22 =	sxor.u32 $0x80000000, s3;
	s25 =	sxor.u32 $0x80000000, s6;
	s28 =	sxor.u32 $0x80000000, s28  }
0x54d: {  	p1 =	slt.s32 s0, s22;
	p2 =	slt.s32 s25, s28  }
0x54e: {  	s22 =	smov.u32 @p1 s0;
	s28 =	smov.u32 @p2 s25  }
0x54f: {  	p1 =	slt.s32 s22, s28  }
0x550: {  	s28 =	smov.u32 @p1 s22  }
0x551: {  	v57 =	vmov s28  }
0x552: {  	vm13 =	veq.s32 v57, v2  }
0x553: {  	v16 =	vsel vm13, $0xFF61B1E6, v16;
	vm13 =	veq.s32 v57, v10  }
0x554: {  	v17 =	vsel vm13, $0xFF61B1E6, v17;
	vm13 =	veq.s32 v57, v11;
	(xrf0) =	vmax.scan.msk.f32 $0xffff, v16  }
0x555: {  	v18 =	vsel vm13, $0xFF61B1E6, v18;
	vm13 =	veq.s32 v57, v12;
	(xrf0) =	vmax.scan.msk.f32 $0xffff, v17  }
0x556: {  	v15 =	vsel vm13, $0xFF61B1E6, v15;
	(xrf0) =	vmax.scan.msk.f32 $0xffff, v18  }
0x557: {  	(xrf0) =	vmax.scan.msk.f32 $0xffff, v15;
	_ =	sdelay $0x2  }
0x558: {  	v58, _, _ =	vpop (xrf0)  }
0x559: {  	(v2sf) =	vpush v58, $0xF;
	v59, _, _ =	vpop (xrf0)  }
0x55a: {  	(v2sf) =	vpush v59, $0xF;
	v60, _, _ =	vpop (xrf0)  }
0x55b: {  	(v2sf) =	vpush v60, $0xF;
	v61, _, _ =	vpop (xrf0)  }
0x55c: {  	(v2sf) =	vpush v61, $0xF;
	_ =	sdelay $0xb  }
0x55d: {  	s22 =	spop (v2sf)  }
0x55e: {  	s25 =	spop (v2sf)  }
0x55f: {  	s3 =	spop (v2sf)  }
0x560: {  	s6 =	spop (v2sf)  }
0x561: {  	s0 =	smax.f32 s22, s25;
	s3 =	smax.f32 s3, s6  }
0x562: {  	s0 =	smax.f32 s0, s3  }
0x563: {  	vm13 =	veq.f32 v16, s0  }
0x564: {  	v16 =	vnsel vm13, $0x80100000, v9;
	vm13 =	veq.f32 v17, s0  }
0x565: {  	(xrf0) =	vmin.scan.msk.u32 $0xffff, v16;
	v62 =	vnsel vm13, $0x80100000, v5;
	vm13 =	veq.f32 v18, s0  }
0x566: {  	vm14 =	veq.f32 v15, s0;
	(xrf0) =	vmin.scan.msk.u32 $0xffff, v62;
	v15 =	vnsel vm13, $0x80100000, v7  }
0x567: {  	(xrf0) =	vmin.scan.msk.u32 $0xffff, v15;
	v15 =	vnsel vm14, $0x80100000, v8  }
0x568: {  	(xrf0) =	vmin.scan.msk.u32 $0xffff, v15;
	_ =	sdelay $0x2  }
0x569: {  	v15, _, _ =	vpop (xrf0)  }
0x56a: {  	v16, _, _ =	vpop (xrf0);
	(v2sf) =	vpush v15, $0xF  }
0x56b: {  	v15, _, _ =	vpop (xrf0);
	(v2sf) =	vpush v16, $0xF  }
0x56c: {  	(v2sf) =	vpush v15, $0xF;
	v15, _, _ =	vpop (xrf0)  }
0x56d: {  	(v2sf) =	vpush v15, $0xF;
	_ =	sdelay $0x5  }
0x56e: {  	vm13 =	veq.s32 v2, $0x0  }
0x56f: {  	v14 =	vsel vm13, s9, v14  }
0x570: {  	v14 =	vsel vm0, s10, v14  }
0x571: {  	v14 =	vnsel vm1, s11, v14  }
0x572: {  	v14 =	vnsel vm2, s12, v14  }
0x573: {  	v14 =	vnsel vm3, s13, v14  }
0x574: {  	v14 =	vnsel vm4, s14, v14;
	s10 =	spop (v2sf)  }
0x575: {  	v14 =	vnsel vm5, s15, v14;
	s11 =	spop (v2sf)  }
0x576: {  	v14 =	vnsel vm6, s16, v14;
	s12 =	spop (v2sf)  }
0x577: {  	v14 =	vnsel vm7, s17, v14;
	s0 =	sxor.u32 $0x80000000, s10;
	s13 =	spop (v2sf)  }
0x578: {  	v14 =	vnsel vm8, s19, v14;
	s3 =	sxor.u32 $0x80000000, s11;
	s9 =	sxor.u32 $0x80000000, s12;
	s10 =	sxor.u32 $0x80000000, s13  }
0x579: {  	v14 =	vnsel vm9, s20, v14;
	p1 =	slt.s32 s0, s3;
	p2 =	slt.s32 s9, s10  }
0x57a: {  	v14 =	vnsel vm10, s21, v14;
	s3 =	smov.u32 @p1 s0;
	s10 =	smov.u32 @p2 s9  }
0x57b: {  	v14 =	vnsel vm11, s26, v14;
	p1 =	slt.s32 s3, s10  }
0x57c: {  	vm13 =	veq.s32 v2, $0xF;
	v14 =	vnsel vm12, s28, v14;
	s10 =	smov.u32 @p1 s3  }
0x57d: {  	v14 =	vsel vm13, s10, v14;
	_ =	sdelay $0x3  }
0x57e: {  	s14 =	simm.s32 $0x11C80  }
0x57f: {  	v15 =	vld.idx.msk [tilespmem:v14+s14+$0x0], $0xffff;
	_ =	sdelay $0x4  }
0x580: {  	vm13 =	vgt.s32 v15, $0x1  }
0x581: {  	v15 =	vnsel vm13, $0x1, v15;
	_ =	sdelay $0x3  }
0x582: {  	s15 =	simm.s32 $0x11D00  }
0x583: {  	v15 =	vld.idx.msk [tilespmem:v15+s15+$0x0], $0xffff;
	[tilespmem:$0x10B00] =	vst v13  }
0x584: {  	[tilespmem:$0x10B80] =	vst v1  }
0x585: {  	[tilespmem:$0x10B10] =	vst v13  }
0x586: {  	[tilespmem:$0x10B90] =	vst v1  }
0x587: {  	[tilespmem:$0x10B20] =	vst v13  }
0x588: {  	[tilespmem:$0x10BA0] =	vst v1  }
0x589: {  	[tilespmem:$0x10B30] =	vst v13  }
0x58a: {  	s16 =	simm.s32 $0x10B00;
	[tilespmem:$0x10BB0] =	vst v1  }
0x58b: {  	s3 =	simm.s32 $0x10B80;
	[tilespmem:v14+s16+$0x0] =	vst.idx.msk $0xffff, v2  }
0x58c: {  	[tilespmem:v14+s3+$0x0] =	vst.idx.msk $0xffff, v15  }
0x58d: {  	v15 =	vld [tilespmem:$0x10880];
	_ =	sdelay $0x7  }
0x58e: {  	v63 =	vld.idx.msk [tilespmem:v15+s16+$0x0], $0xffff;
	_ =	sdelay $0x4  }
0x58f: {  	vm13 =	vgt.s32 v63, $0x0  }
0x590: {  	v20 =	vnsel vm13, $0x0, v63  }
0x591: {  	vm13 =	vgt.s32 v63, $0xFFFFFFFF;
	v21 =	vshll.u32 v20, $0x8  }
0x592: {  	v15 =	vld.idx.msk [tilespmem:v15+s3+$0x0], $0xffff;
	v16 =	vor.u32 v2, v21;
	_ =	sdelay $0x3  }
0x593: {  	s10 =	simm.s32 $0x10C80  }
0x594: {  	[tilespmem:v16+s10+$0x0] =	vst.idx.msk vm13, v15  }
0x595: {  	v15 =	vld [tilespmem:$0x10890];
	_ =	sdelay $0x7  }
0x596: {  	v16 =	vld.idx.msk [tilespmem:v15+s16+$0x0], $0xffff;
	_ =	sdelay $0x4  }
0x597: {  	vm13 =	vgt.s32 v16, $0x0  }
0x598: {  	v22 =	vnsel vm13, $0x0, v16  }
0x599: {  	vm13 =	vgt.s32 v16, $0xFFFFFFFF;
	v23 =	vshll.u32 v22, $0x8  }
0x59a: {  	v15 =	vld.idx.msk [tilespmem:v15+s3+$0x0], $0xffff;
	v16 =	vor.u32 v10, v23;
	_ =	sdelay $0x4  }
0x59b: {  	[tilespmem:v16+s10+$0x0] =	vst.idx.msk vm13, v15  }
0x59c: {  	v15 =	vld [tilespmem:$0x108A0];
	_ =	sdelay $0x7  }
0x59d: {  	v16 =	vld.idx.msk [tilespmem:v15+s16+$0x0], $0xffff;
	_ =	sdelay $0x4  }
0x59e: {  	vm13 =	vgt.s32 v16, $0x0  }
0x59f: {  	v24 =	vnsel vm13, $0x0, v16  }
0x5a0: {  	vm13 =	vgt.s32 v16, $0xFFFFFFFF;
	v25 =	vshll.u32 v24, $0x8  }
0x5a1: {  	v15 =	vld.idx.msk [tilespmem:v15+s3+$0x0], $0xffff;
	v16 =	vor.u32 v11, v25;
	_ =	sdelay $0x4  }
0x5a2: {  	[tilespmem:v16+s10+$0x0] =	vst.idx.msk vm13, v15  }
0x5a3: {  	v15 =	vld [tilespmem:$0x108B0];
	_ =	sdelay $0x7  }
0x5a4: {  	v16 =	vld.idx.msk [tilespmem:v15+s16+$0x0], $0xffff;
	_ =	sdelay $0x4  }
0x5a5: {  	vm13 =	vgt.s32 v16, $0x0  }
0x5a6: {  	v26 =	vnsel vm13, $0x0, v16  }
0x5a7: {  	vm13 =	vgt.s32 v16, $0xFFFFFFFF;
	v27 =	vshll.u32 v26, $0x8  }
0x5a8: {  	v15 =	vld.idx.msk [tilespmem:v15+s3+$0x0], $0xffff;
	v16 =	vor.u32 v12, v27;
	_ =	sdelay $0x4  }
0x5a9: {  	[tilespmem:v16+s10+$0x0] =	vst.idx.msk vm13, v15  }
0x5aa: {  	v15 =	vld [tilespmem:$0x108C0];
	_ =	sdelay $0x7  }
0x5ab: {  	v16 =	vld.idx.msk [tilespmem:v15+s16+$0x0], $0xffff;
	_ =	sdelay $0x4  }
0x5ac: {  	vm13 =	vgt.s32 v16, $0x0  }
0x5ad: {  	v28 =	vnsel vm13, $0x0, v16  }
0x5ae: {  	v30 =	vor.u32 $0x40, v2;
	vm13 =	vgt.s32 v16, $0xFFFFFFFF;
	v29 =	vshll.u32 v28, $0x8  }
0x5af: {  	v15 =	vld.idx.msk [tilespmem:v15+s3+$0x0], $0xffff;
	v16 =	vor.u32 v30, v29;
	_ =	sdelay $0x4  }
0x5b0: {  	[tilespmem:v16+s10+$0x0] =	vst.idx.msk vm13, v15  }
0x5b1: {  	v15 =	vld [tilespmem:$0x108D0];
	_ =	sdelay $0x7  }
0x5b2: {  	v16 =	vld.idx.msk [tilespmem:v15+s16+$0x0], $0xffff;
	_ =	sdelay $0x4  }
0x5b3: {  	vm13 =	vgt.s32 v16, $0x0  }
0x5b4: {  	v31 =	vnsel vm13, $0x0, v16  }
0x5b5: {  	v33 =	vor.u32 $0x50, v2;
	vm13 =	vgt.s32 v16, $0xFFFFFFFF;
	v32 =	vshll.u32 v31, $0x8  }
0x5b6: {  	v15 =	vld.idx.msk [tilespmem:v15+s3+$0x0], $0xffff;
	v16 =	vor.u32 v33, v32;
	_ =	sdelay $0x4  }
0x5b7: {  	[tilespmem:v16+s10+$0x0] =	vst.idx.msk vm13, v15  }
0x5b8: {  	v15 =	vld [tilespmem:$0x108E0];
	_ =	sdelay $0x7  }
0x5b9: {  	v16 =	vld.idx.msk [tilespmem:v15+s16+$0x0], $0xffff;
	_ =	sdelay $0x4  }
0x5ba: {  	vm13 =	vgt.s32 v16, $0x0  }
0x5bb: {  	v34 =	vnsel vm13, $0x0, v16  }
0x5bc: {  	v36 =	vor.u32 $0x60, v2;
	vm13 =	vgt.s32 v16, $0xFFFFFFFF;
	v35 =	vshll.u32 v34, $0x8  }
0x5bd: {  	v15 =	vld.idx.msk [tilespmem:v15+s3+$0x0], $0xffff;
	v16 =	vor.u32 v36, v35;
	_ =	sdelay $0x4  }
0x5be: {  	[tilespmem:v16+s10+$0x0] =	vst.idx.msk vm13, v15  }
0x5bf: {  	v15 =	vld [tilespmem:$0x108F0];
	_ =	sdelay $0x7  }
0x5c0: {  	v16 =	vld.idx.msk [tilespmem:v15+s16+$0x0], $0xffff;
	_ =	sdelay $0x4  }
0x5c1: {  	vm13 =	vgt.s32 v16, $0x0  }
0x5c2: {  	v37 =	vnsel vm13, $0x0, v16  }
0x5c3: {  	v39 =	vor.u32 $0x70, v2;
	vm13 =	vgt.s32 v16, $0xFFFFFFFF;
	v38 =	vshll.u32 v37, $0x8  }
0x5c4: {  	v15 =	vld.idx.msk [tilespmem:v15+s3+$0x0], $0xffff;
	v16 =	vor.u32 v39, v38;
	_ =	sdelay $0x4  }
0x5c5: {  	[tilespmem:v16+s10+$0x0] =	vst.idx.msk vm13, v15  }
0x5c6: {  	v15 =	vld [tilespmem:$0x10900];
	_ =	sdelay $0x7  }
0x5c7: {  	v16 =	vld.idx.msk [tilespmem:v15+s16+$0x0], $0xffff;
	_ =	sdelay $0x4  }
0x5c8: {  	vm13 =	vgt.s32 v16, $0x0  }
0x5c9: {  	v40 =	vnsel vm13, $0x0, v16  }
0x5ca: {  	v42 =	vor.u32 $0x80, v2;
	vm13 =	vgt.s32 v16, $0xFFFFFFFF;
	v41 =	vshll.u32 v40, $0x8  }
0x5cb: {  	v15 =	vld.idx.msk [tilespmem:v15+s3+$0x0], $0xffff;
	v16 =	vor.u32 v42, v41;
	_ =	sdelay $0x4  }
0x5cc: {  	[tilespmem:v16+s10+$0x0] =	vst.idx.msk vm13, v15  }
0x5cd: {  	v15 =	vld [tilespmem:$0x10910];
	_ =	sdelay $0x7  }
0x5ce: {  	v16 =	vld.idx.msk [tilespmem:v15+s16+$0x0], $0xffff;
	_ =	sdelay $0x4  }
0x5cf: {  	vm13 =	vgt.s32 v16, $0x0  }
0x5d0: {  	v43 =	vnsel vm13, $0x0, v16  }
0x5d1: {  	v45 =	vor.u32 $0x90, v2;
	vm13 =	vgt.s32 v16, $0xFFFFFFFF;
	v44 =	vshll.u32 v43, $0x8  }
0x5d2: {  	v15 =	vld.idx.msk [tilespmem:v15+s3+$0x0], $0xffff;
	v16 =	vor.u32 v45, v44;
	_ =	sdelay $0x4  }
0x5d3: {  	[tilespmem:v16+s10+$0x0] =	vst.idx.msk vm13, v15  }
0x5d4: {  	v15 =	vld [tilespmem:$0x10920];
	_ =	sdelay $0x7  }
0x5d5: {  	v16 =	vld.idx.msk [tilespmem:v15+s16+$0x0], $0xffff;
	_ =	sdelay $0x4  }
0x5d6: {  	vm13 =	vgt.s32 v16, $0x0  }
0x5d7: {  	v46 =	vnsel vm13, $0x0, v16  }
0x5d8: {  	v48 =	vor.u32 $0xA0, v2;
	vm13 =	vgt.s32 v16, $0xFFFFFFFF;
	v47 =	vshll.u32 v46, $0x8  }
0x5d9: {  	v15 =	vld.idx.msk [tilespmem:v15+s3+$0x0], $0xffff;
	v16 =	vor.u32 v48, v47;
	_ =	sdelay $0x4  }
0x5da: {  	[tilespmem:v16+s10+$0x0] =	vst.idx.msk vm13, v15  }
0x5db: {  	v15 =	vld [tilespmem:$0x10930];
	_ =	sdelay $0x7  }
0x5dc: {  	v16 =	vld.idx.msk [tilespmem:v15+s16+$0x0], $0xffff;
	_ =	sdelay $0x4  }
0x5dd: {  	vm13 =	vgt.s32 v16, $0x0  }
0x5de: {  	v49 =	vnsel vm13, $0x0, v16  }
0x5df: {  	v51 =	vor.u32 $0xB0, v2;
	vm13 =	vgt.s32 v16, $0xFFFFFFFF;
	v50 =	vshll.u32 v49, $0x8  }
0x5e0: {  	v15 =	vld.idx.msk [tilespmem:v15+s3+$0x0], $0xffff;
	v16 =	vor.u32 v51, v50;
	_ =	sdelay $0x4  }
0x5e1: {  	[tilespmem:v16+s10+$0x0] =	vst.idx.msk vm13, v15  }
0x5e2: {  	v15 =	vld [tilespmem:$0x10940];
	_ =	sdelay $0x7  }
0x5e3: {  	v16 =	vld.idx.msk [tilespmem:v15+s16+$0x0], $0xffff;
	_ =	sdelay $0x4  }
0x5e4: {  	vm13 =	vgt.s32 v16, $0x0  }
0x5e5: {  	v52 =	vnsel vm13, $0x0, v16  }
0x5e6: {  	v54 =	vor.u32 $0xC0, v2;
	vm13 =	vgt.s32 v16, $0xFFFFFFFF;
	v53 =	vshll.u32 v52, $0x8  }
0x5e7: {  	v15 =	vld.idx.msk [tilespmem:v15+s3+$0x0], $0xffff;
	v16 =	vor.u32 v54, v53;
	_ =	sdelay $0x4  }
0x5e8: {  	[tilespmem:v16+s10+$0x0] =	vst.idx.msk vm13, v15  }
0x5e9: {  	v15 =	vld [tilespmem:$0x10950];
	_ =	sdelay $0x7  }
0x5ea: {  	v16 =	vld.idx.msk [tilespmem:v15+s16+$0x0], $0xffff;
	_ =	sdelay $0x4  }
0x5eb: {  	vm13 =	vgt.s32 v16, $0x0  }
0x5ec: {  	v55 =	vnsel vm13, $0x0, v16  }
0x5ed: {  	v57 =	vor.u32 $0xD0, v2;
	vm13 =	vgt.s32 v16, $0xFFFFFFFF;
	v56 =	vshll.u32 v55, $0x8  }
0x5ee: {  	v15 =	vld.idx.msk [tilespmem:v15+s3+$0x0], $0xffff;
	v16 =	vor.u32 v57, v56;
	_ =	sdelay $0x4  }
0x5ef: {  	[tilespmem:v16+s10+$0x0] =	vst.idx.msk vm13, v15  }
0x5f0: {  	v15 =	vld [tilespmem:$0x10960];
	_ =	sdelay $0x7  }
0x5f1: {  	v16 =	vld.idx.msk [tilespmem:v15+s16+$0x0], $0xffff;
	_ =	sdelay $0x4  }
0x5f2: {  	vm13 =	vgt.s32 v16, $0x0  }
0x5f3: {  	v58 =	vnsel vm13, $0x0, v16  }
0x5f4: {  	v60 =	vor.u32 $0xE0, v2;
	vm13 =	vgt.s32 v16, $0xFFFFFFFF;
	v59 =	vshll.u32 v58, $0x8  }
0x5f5: {  	v15 =	vld.idx.msk [tilespmem:v15+s3+$0x0], $0xffff;
	v16 =	vor.u32 v60, v59;
	_ =	sdelay $0x4  }
0x5f6: {  	[tilespmem:v16+s10+$0x0] =	vst.idx.msk vm13, v15  }
0x5f7: {  	v15 =	vld [tilespmem:$0x10970];
	_ =	sdelay $0x7  }
0x5f8: {  	v16 =	vld.idx.msk [tilespmem:v15+s16+$0x0], $0xffff;
	_ =	sdelay $0x4  }
0x5f9: {  	vm13 =	vgt.s32 v16, $0x0  }
0x5fa: {  	v61 =	vnsel vm13, $0x0, v16  }
0x5fb: {  	v63 =	vor.u32 $0xF0, v2;
	vm13 =	vgt.s32 v16, $0xFFFFFFFF;
	v62 =	vshll.u32 v61, $0x8  }
0x5fc: {  	s22 =	smov.u32 s8;
	s8 =	smov.u32 s31;
	s31 =	rddreg [dreg:$0x12];
	v15 =	vld.idx.msk [tilespmem:v15+s3+$0x0], $0xffff;
	v16 =	vor.u32 v63, v62  }
0x5fd: {  	s17 =	rddreg [dreg:$0x6]  }
0x5fe: {  	s19 =	rddreg [dreg:$0x7]  }
0x5ff: {  	s20 =	rddreg [dreg:$0x8]  }
0x600: {  	s21 =	rddreg [dreg:$0x9];
	s28 =	smov.u32 s1  }
0x601: {  	s1 =	smov.u32 s5;
	s5 =	smov.u32 s7;
	s7 =	simm.s32 $0x3;
	[tilespmem:v16+s10+$0x0] =	vst.idx.msk vm13, v15  }
0x602: {  	s12 =	rddreg [dreg:$0x13];
	s13 =	simm.s32 $0x80;
	s14 =	simm.s32 $0x400;
	[tilespmem:$0x10C00] =	vst v14  }
0x603: {  	[hbm4b:s12+s13] =	stream.strided.scatter [tilespmem:s10], [sflag:$0x3], $0x1000, s14, s13, $0x38;
	[tilespmem:$0x11F40] =	vst v63  }
0x604: {  	s26 =	rddreg [dreg:$0x15];
	_ =	swait.ge [sflag:s7], $0x1000  }
0x605: {  	s16 =	simm.s32 $0x10C00;
	[sflag:s7] =	ssyncset.done $0x0  }
.Ltmp21:
0x606: {  	s15 =	rddreg [dreg:$0x14];
	[sflag:s7] =	ssyncadd.s32 $0xFFFFF000;
	(pc) =	sbr.rel .LBB2_39-.Ltmp21, $4  }
0x607: {  	[hbm4b:s15+s2] =	stream.linear.scatter [tilespmem:s16], [sflag:$0x3], $0x80, $0x38;
	[tilespmem:$0x11F40] =	vst v63  }
0x608: {  	_ =	swait.ge [sflag:s7], $0x80  }
0x609: {  	[sflag:s7] =	ssyncset.done $0x0  }
0x60a: {  	s25 =	simm.s32 $0x10A80;
	s6 =	simm.s32 $0x10A00;
	[sflag:s7] =	ssyncadd.s32 $0xFFFFFF80  }
.LBB2_40:
0x60b: {  	_ =	sfence.sel $0x180000  }
0x60c: {  	[bflag:$0x0] =	sbarrier.arrive $0xFFFF  }
0x60d: {  	_ =	strace $0x90000047  }
0x60e: {  	s0 =	stileid.u32;
	[bflag:$0x2] =	sbarrier.arrive $0xFFFF  }
0x60f: {  	p0 =	sne.s32 s0, $0x0;
	s0 =	rddreg [dreg:$0x5]  }
0x610: {  	s0 =	sadd.s32 @!p0 $0x100000, s0  }
0x611: {  	[sflag:s0] =	ssyncadd.tile.s32 @!p0 $0x1;
	_ =	shalt  }
.Lfunc_end2:
_tile_overlayer_lowered:
.L_overlay_start_2:
0x612: {  	(tag) =	ssettag $0x2  }
0x613: {  	s0 =	rddreg [dreg:$0x0];
	s2 =	stileid.u32  }
0x614: {  	s1 =	rddreg [dreg:$0x1];
	p0 =	sne.s32 s2, $0x0  }
0x615: {  	s3 =	rddreg [dreg:$0x2];
	[bflag:$0x3] =	sbarrier.arrive $0xFFFF;
	s2 =	simm.s32 @!p0 $0x1C03  }
0x616: {  	[timem:s3], [sflag:s2] =	dma.local @!p0 [hbm:s0], s1  }
0x617: {  	s0 =	simm.s32 @!p0 $0x3  }
0x618: {  	_ =	swait.ge @!p0 [sflag:s0], s1  }
0x619: {  	s1 =	ssub.s32 @!p0 $0x0, s1;
	[sflag:s0] =	ssyncset.done @!p0 $0x0  }
0x61a: {  	[sflag:s0] =	ssyncadd.s32 @!p0 s1  }
0x61b: {  	[bflag:$0x3] =	sbarrier.arrive $0xFFFF  }
0x61c: {  	_ =	shalt  }

</sc_bundles>
